<compile_context>
chip_gen: v7x
topology: tpu7x:2x2x1
jax: 0.10.2.dev20260603
libtpu: 0.0.44.dev20260713+nightly
codegen_flags: <defaults>
</compile_context>

<pallas_src>
import functools

import jax
import jax.numpy as jnp
from jax.experimental import pallas as pl
from jax.experimental.pallas import tpu as pltpu
from jax.experimental.pallas import tpu_sc as plsc

_NUM_TASKS = 4
_HIDDEN = 768
_EPS = 1e-12
_LANES = 16

_NC = 2
_NS = 16
_NW = _NC * _NS
_CHUNK = 64
_NBUF = 2


def _ln_table_body(ww_ref, wp_ref, wt_ref, g_ref, b_ref, out_ref):
    s = ww_ref[...] + wp_ref[...] + wt_ref[...]
    mean = jnp.mean(s, axis=-1, keepdims=True)
    var = jnp.mean(jnp.square(s - mean), axis=-1, keepdims=True)
    out_ref[...] = ((s - mean) * jax.lax.rsqrt(var + _EPS) * g_ref[...]
                    + b_ref[...])


def _make_sc_lookup(n):
    rows_per_w = n // _NW
    n_chunks = rows_per_w // _CHUNK
    n_rounds = n_chunks // _NBUF
    mesh = plsc.VectorSubcoreMesh(core_axis_name="c", subcore_axis_name="s")

    @functools.partial(
        pl.kernel,
        out_type=jax.ShapeDtypeStruct((n, _HIDDEN), jnp.float32),
        mesh=mesh,
        scratch_types=[
            pltpu.VMEM((rows_per_w,), jnp.int32),
            pltpu.VMEM((_NUM_TASKS, _HIDDEN), jnp.float32),
            [pltpu.VMEM((_CHUNK, _HIDDEN), jnp.float32)] * _NBUF,
            [pltpu.SemaphoreType.DMA] * _NBUF,
        ],
    )
    def sc_lookup(comb_hbm, ids_hbm, out_hbm, idx_v, tab_v, bufs, ssems):
        wid = jax.lax.axis_index("s") * _NC + jax.lax.axis_index("c")
        base = wid * rows_per_w
        pltpu.sync_copy(ids_hbm.at[wid], idx_v)
        pltpu.sync_copy(comb_hbm, tab_v)

        def fill(buf, j):
            svals = []
            for g in range(_CHUNK // _LANES):
                ids16 = idx_v[pl.ds(j * _CHUNK + g * _LANES, _LANES)]
                f16 = ids16.astype(jnp.float32)
                svals.extend(f16[ii] for ii in range(_LANES))

            def col(cg, _):
                sl = pl.ds(cg * _LANES, _LANES)
                t0 = tab_v[0, sl]
                t1 = tab_v[1, sl]
                t2 = tab_v[2, sl]
                t3 = tab_v[3, sl]
                c1 = t1 * 3.0 - t0 * (11.0 / 6.0) - t2 * 1.5 + t3 * (1.0 / 3.0)
                c2 = t0 - t1 * 2.5 + t2 * 2.0 - t3 * 0.5
                c3 = (t1 - t2) * 0.5 + (t3 - t0) * (1.0 / 6.0)
                for r in range(_CHUNK):
                    s = svals[r]
                    buf[r, sl] = t0 + s * (c1 + s * (c2 + s * c3))
                return 0
            jax.lax.fori_loop(0, _HIDDEN // _LANES, col, 0)

        def round_(r, _):
            for b in range(_NBUF):
                j = r * _NBUF + b
                @pl.when(r > 0)
                def _():
                    pltpu.make_async_copy(
                        bufs[b],
                        out_hbm.at[pl.ds(base + (j - _NBUF) * _CHUNK, _CHUNK)],
                        ssems[b]).wait()
                fill(bufs[b], j)
                pltpu.async_copy(
                    bufs[b], out_hbm.at[pl.ds(base + j * _CHUNK, _CHUNK)],
                    ssems[b])
            return 0

        jax.lax.fori_loop(0, n_rounds, round_, 0)
        for b in range(_NBUF):
            j = (n_rounds - 1) * _NBUF + b
            pltpu.make_async_copy(
                bufs[b], out_hbm.at[pl.ds(base + j * _CHUNK, _CHUNK)],
                ssems[b]).wait()

    return sc_lookup


def kernel(input_ids, W_word, W_pos, W_tok, gamma, beta):
    batch, l = input_ids.shape
    n = batch * l
    g2 = gamma.reshape(1, _HIDDEN)
    b2 = beta.reshape(1, _HIDDEN)

    comb = pl.pallas_call(
        _ln_table_body,
        out_shape=jax.ShapeDtypeStruct((_NUM_TASKS, _HIDDEN), jnp.float32),
    )(W_word, W_pos, W_tok, g2, b2)

    rows_per_w = n // _NW
    ids2 = input_ids.reshape(_NW, rows_per_w).astype(jnp.int32)
    out = _make_sc_lookup(n)(comb, ids2)
    return out.reshape(batch, l, _HIDDEN)

# --- scband reference (transcript-rebuilt; emitter-appended) ---
"""Pipeline reference for scband-task-embeddings-50491635531955 (READ-ONLY COPY).

The authoritative reference and input builder live on the scoring server;
editing this copy changes nothing except your own understanding.
"""

import jax, jax.numpy as jnp
import numpy as np

NUM_TASKS = 4  # reconstruction_inputs + reconstruction_queries + tf_idf + token_replace
HIDDEN = 768
EPS = 1e-12
BATCH = 16384
L = 4


def setup_inputs(seed: int = 0) -> dict:
    key = jax.random.key(seed)
    k_ids, k_w, k_p, k_t = jax.random.split(key, 4)
    input_ids = jax.random.randint(k_ids, (BATCH, L), 0, NUM_TASKS, dtype=jnp.int64 if jax.config.jax_enable_x64 else jnp.int32)
    W_word = jax.random.normal(k_w, (NUM_TASKS, HIDDEN), dtype=jnp.float32) * 0.02
    W_pos = jax.random.normal(k_p, (NUM_TASKS, HIDDEN), dtype=jnp.float32) * 0.02
    W_tok = jax.random.normal(k_t, (NUM_TASKS, HIDDEN), dtype=jnp.float32) * 0.02
    gamma = jnp.ones((HIDDEN,), dtype=jnp.float32)
    beta = jnp.zeros((HIDDEN,), dtype=jnp.float32)
    return {"input_ids": input_ids, "W_word": W_word, "W_pos": W_pos, "W_tok": W_tok, "gamma": gamma, "beta": beta}


def _layer_norm(x, gamma, beta, eps):
    mean = jnp.mean(x, axis=-1, keepdims=True)
    var = jnp.mean(jnp.square(x - mean), axis=-1, keepdims=True)
    return (x - mean) / jnp.sqrt(var + eps) * gamma + beta


def reference(input_ids, W_word, W_pos, W_tok, gamma, beta):
    # word + token_type embeddings (gathers into tiny tables)
    inputs_embeds = jnp.take(W_word, input_ids, axis=0)
    token_type_embeddings = jnp.take(W_tok, input_ids, axis=0)
    embeddings = inputs_embeds + token_type_embeddings
    # position_embedding_type == 'absolute' -> indexed by input_ids in this module
    position_embeddings = jnp.take(W_pos, input_ids, axis=0)
    embeddings = embeddings + position_embeddings
    embeddings = _layer_norm(embeddings, gamma, beta, EPS)
    # dropout is identity in eval mode
    return embeddings

if __name__ == "__main__":
    import jax
    _d = setup_inputs()
    print(jax.jit(kernel)(*tuple(_d.values())))

</pallas_src>

<mosaic_0001>
#map = affine_map<(d0, d1) -> (0, 0)>
module attributes {stable_mosaic.version = 14 : i64} {
  func.func @sc_lookup(%arg0: i32, %arg1: i32, %arg2: memref<4x768xf32, #tpu.memory_space<hbm>>, %arg3: memref<32x2048xi32, #tpu.memory_space<hbm>>, %arg4: memref<65536x768xf32, #tpu.memory_space<hbm>>, %arg5: memref<2048xi32, #tpu.memory_space<vmem>>, %arg6: memref<4x768xf32, #tpu.memory_space<vmem>>, %arg7: memref<64x768xf32, #tpu.memory_space<vmem>>, %arg8: memref<64x768xf32, #tpu.memory_space<vmem>>, %arg9: memref<!tpu.dma_semaphore, #tpu.memory_space<semaphore_mem>>, %arg10: memref<!tpu.dma_semaphore, #tpu.memory_space<semaphore_mem>>) attributes {dimension_semantics = [#tpu.dimension_semantics<core_parallel>, #tpu.dimension_semantics<subcore_parallel>], iteration_bounds = array<i64: 2, 16>, scalar_prefetch = 0 : i64, scratch_operands = 6 : i64, tpu.core_type = #tpu.core_type<sc_vector_subcore>, window_params = [{transform_indices = #map}, {transform_indices = #map}, {transform_indices = #map}]} {
    %mul3A = arith.constant 2 : i32
    %mul3A_0 = arith.muli %arg1, %mul3A : i32
    %add3A = arith.addi %mul3A_0, %arg0 : i32
    %mul3A_1 = arith.constant 2048 : i32
    %mul3A_2 = arith.muli %add3A, %mul3A_1 : i32
    "tpu.region"() ({
      %run_scoped3A = tpu.sem_alloc : memref<!tpu.dma_semaphore, #tpu.memory_space<semaphore_mem>>
      %dma_start3A = arith.constant 0 : i32
      %dma_start3A_20 = tpu.memref_slice %arg3[%add3A, %dma_start3A] : memref<32x2048xi32, #tpu.memory_space<hbm>> -> memref<1x2048xi32, #tpu.memory_space<hbm>>
      %dma_start3A_21 = tpu.memref_squeeze %dma_start3A_20 : memref<1x2048xi32, #tpu.memory_space<hbm>> -> memref<2048xi32, #tpu.memory_space<hbm>>
      %dma_start3A_22 = arith.constant 0 : i32
      %dma_start3A_23 = tpu.memref_slice %arg3[%add3A, %dma_start3A_22] : memref<32x2048xi32, #tpu.memory_space<hbm>> -> memref<1x2048xi32, #tpu.memory_space<hbm>>
      %dma_start3A_24 = tpu.memref_squeeze %dma_start3A_23 : memref<1x2048xi32, #tpu.memory_space<hbm>> -> memref<2048xi32, #tpu.memory_space<hbm>>
      tpu.enqueue_dma source(%dma_start3A_24 : memref<2048xi32, #tpu.memory_space<hbm>>) target(%arg5 : memref<2048xi32, #tpu.memory_space<vmem>>) target_semaphore(%run_scoped3A : memref<!tpu.dma_semaphore, #tpu.memory_space<semaphore_mem>>)
      %dma_wait3A_25 = arith.constant 0 : i32
      %dma_wait3A_26 = tpu.memref_slice %arg3[%add3A, %dma_wait3A_25] : memref<32x2048xi32, #tpu.memory_space<hbm>> -> memref<1x2048xi32, #tpu.memory_space<hbm>>
      %dma_wait3A_27 = tpu.memref_squeeze %dma_wait3A_26 : memref<1x2048xi32, #tpu.memory_space<hbm>> -> memref<2048xi32, #tpu.memory_space<hbm>>
      %dma_wait3A_28 = arith.constant 0 : i32
      %dma_wait3A_29 = tpu.memref_slice %arg3[%add3A, %dma_wait3A_28] : memref<32x2048xi32, #tpu.memory_space<hbm>> -> memref<1x2048xi32, #tpu.memory_space<hbm>>
      %dma_wait3A_30 = tpu.memref_squeeze %dma_wait3A_29 : memref<1x2048xi32, #tpu.memory_space<hbm>> -> memref<2048xi32, #tpu.memory_space<hbm>>
      tpu.wait_dma2 semaphore(%run_scoped3A : memref<!tpu.dma_semaphore, #tpu.memory_space<semaphore_mem>>) src(%dma_wait3A_30 : memref<2048xi32, #tpu.memory_space<hbm>>) dst(%arg5 : memref<2048xi32, #tpu.memory_space<vmem>>)
      tpu.yield
    }) : () -> ()
    "tpu.region"() ({
      %run_scoped3A = tpu.sem_alloc : memref<!tpu.dma_semaphore, #tpu.memory_space<semaphore_mem>>
      tpu.enqueue_dma source(%arg2 : memref<4x768xf32, #tpu.memory_space<hbm>>) target(%arg6 : memref<4x768xf32, #tpu.memory_space<vmem>>) target_semaphore(%run_scoped3A : memref<!tpu.dma_semaphore, #tpu.memory_space<semaphore_mem>>)
      tpu.wait_dma2 semaphore(%run_scoped3A : memref<!tpu.dma_semaphore, #tpu.memory_space<semaphore_mem>>) src(%arg2 : memref<4x768xf32, #tpu.memory_space<hbm>>) dst(%arg6 : memref<4x768xf32, #tpu.memory_space<vmem>>)
      tpu.yield
    }) : () -> ()
    %scan3A = arith.constant 0 : i32
    %scan3A_3 = arith.constant 0 : i32
    %scan3A_4 = arith.constant 16 : i32
    %scan3A_5 = arith.addi %scan3A_3, %scan3A_4 : i32
    %scan3A_6 = arith.constant 1 : i32
    %scan3A_7 = scf.for %scan3A_20 = %scan3A_3 to %scan3A_5 step %scan3A_6 iter_args(%scan3A_21 = %scan3A) -> (i32)  : i32 {
      %mul3A_22 = arith.constant 2 : i32
      %mul3A_23 = arith.muli %scan3A_20, %mul3A_22 : i32
      %add3A_24 = arith.constant 0 : i32
      %add3A_25 = arith.addi %mul3A_23, %add3A_24 : i32
      %gt3A = arith.constant 0 : i32
      %gt3A_26 = arith.cmpi sgt, %scan3A_20, %gt3A : i32
      %convert_element_type3A = arith.extui %gt3A_26 : i1 to i32
      %cond3A = arith.constant 0 : i32
      %cond3A_27 = arith.cmpi ne, %convert_element_type3A, %cond3A : i32
      scf.if %cond3A_27 {
        %sub3A = arith.constant 2 : i32
        %sub3A_382 = arith.subi %add3A_25, %sub3A : i32
        %mul3A_383 = arith.constant 64 : i32
        %mul3A_384 = arith.muli %sub3A_382, %mul3A_383 : i32
        %add3A_385 = arith.addi %mul3A_2, %mul3A_384 : i32
        %dma_wait3A_386 = arith.constant 0 : i32
        %dma_wait3A_387 = tpu.memref_slice %arg4[%add3A_385, %dma_wait3A_386] : memref<65536x768xf32, #tpu.memory_space<hbm>> -> memref<64x768xf32, #tpu.memory_space<hbm>>
        %dma_wait3A_388 = arith.constant 0 : i32
        %dma_wait3A_389 = tpu.memref_slice %arg4[%add3A_385, %dma_wait3A_388] : memref<65536x768xf32, #tpu.memory_space<hbm>> -> memref<64x768xf32, #tpu.memory_space<hbm>>
        tpu.wait_dma2 semaphore(%arg9 : memref<!tpu.dma_semaphore, #tpu.memory_space<semaphore_mem>>) src(%arg7 : memref<64x768xf32, #tpu.memory_space<vmem>>) dst(%dma_wait3A_389 : memref<64x768xf32, #tpu.memory_space<hbm>>)
      } else {
      }
      %mul3A_28 = arith.constant 64 : i32
      %mul3A_29 = arith.muli %add3A_25, %mul3A_28 : i32
      %add3A_30 = arith.constant 0 : i32
      %add3A_31 = arith.addi %mul3A_29, %add3A_30 : i32
      %get3A = arith.index_cast %add3A_31 : i32 to index
      %get3A_32 = tpu.vector_load %arg5[%get3A] {strides = array<i32>} : memref<2048xi32, #tpu.memory_space<vmem>>, vector<16xi32>,
      %get3A_33 = vector.shape_cast %get3A_32 : vector<16xi32> to vector<16xi32>
      %convert_element_type3A_34 = arith.sitofp %get3A_33 : vector<16xi32> to vector<16xf32>
      %slice3A = vector.extract_strided_slice %convert_element_type3A_34 {offsets = [0], sizes = [1], strides = [1]} : vector<16xf32> to vector<1xf32>
      %squeeze3A = vector.extract %slice3A[0] : f32 from vector<1xf32>
      %slice3A_35 = vector.extract_strided_slice %convert_element_type3A_34 {offsets = [1], sizes = [1], strides = [1]} : vector<16xf32> to vector<1xf32>
      %squeeze3A_36 = vector.extract %slice3A_35[0] : f32 from vector<1xf32>
      %slice3A_37 = vector.extract_strided_slice %convert_element_type3A_34 {offsets = [2], sizes = [1], strides = [1]} : vector<16xf32> to vector<1xf32>
      %squeeze3A_38 = vector.extract %slice3A_37[0] : f32 from vector<1xf32>
      %slice3A_39 = vector.extract_strided_slice %convert_element_type3A_34 {offsets = [3], sizes = [1], strides = [1]} : vector<16xf32> to vector<1xf32>
      %squeeze3A_40 = vector.extract %slice3A_39[0] : f32 from vector<1xf32>
      %slice3A_41 = vector.extract_strided_slice %convert_element_type3A_34 {offsets = [4], sizes = [1], strides = [1]} : vector<16xf32> to vector<1xf32>
      %squeeze3A_42 = vector.extract %slice3A_41[0] : f32 from vector<1xf32>
      %slice3A_43 = vector.extract_strided_slice %convert_element_type3A_34 {offsets = [5], sizes = [1], strides = [1]} : vector<16xf32> to vector<1xf32>
      %squeeze3A_44 = vector.extract %slice3A_43[0] : f32 from vector<1xf32>
      %slice3A_45 = vector.extract_strided_slice %convert_element_type3A_34 {offsets = [6], sizes = [1], strides = [1]} : vector<16xf32> to vector<1xf32>
      %squeeze3A_46 = vector.extract %slice3A_45[0] : f32 from vector<1xf32>
      %slice3A_47 = vector.extract_strided_slice %convert_element_type3A_34 {offsets = [7], sizes = [1], strides = [1]} : vector<16xf32> to vector<1xf32>
      %squeeze3A_48 = vector.extract %slice3A_47[0] : f32 from vector<1xf32>
      %slice3A_49 = vector.extract_strided_slice %convert_element_type3A_34 {offsets = [8], sizes = [1], strides = [1]} : vector<16xf32> to vector<1xf32>
      %squeeze3A_50 = vector.extract %slice3A_49[0] : f32 from vector<1xf32>
      %slice3A_51 = vector.extract_strided_slice %convert_element_type3A_34 {offsets = [9], sizes = [1], strides = [1]} : vector<16xf32> to vector<1xf32>
      %squeeze3A_52 = vector.extract %slice3A_51[0] : f32 from vector<1xf32>
      %slice3A_53 = vector.extract_strided_slice %convert_element_type3A_34 {offsets = [10], sizes = [1], strides = [1]} : vector<16xf32> to vector<1xf32>
      %squeeze3A_54 = vector.extract %slice3A_53[0] : f32 from vector<1xf32>
      %slice3A_55 = vector.extract_strided_slice %convert_element_type3A_34 {offsets = [11], sizes = [1], strides = [1]} : vector<16xf32> to vector<1xf32>
      %squeeze3A_56 = vector.extract %slice3A_55[0] : f32 from vector<1xf32>
      %slice3A_57 = vector.extract_strided_slice %convert_element_type3A_34 {offsets = [12], sizes = [1], strides = [1]} : vector<16xf32> to vector<1xf32>
      %squeeze3A_58 = vector.extract %slice3A_57[0] : f32 from vector<1xf32>
      %slice3A_59 = vector.extract_strided_slice %convert_element_type3A_34 {offsets = [13], sizes = [1], strides = [1]} : vector<16xf32> to vector<1xf32>
      %squeeze3A_60 = vector.extract %slice3A_59[0] : f32 from vector<1xf32>
      %slice3A_61 = vector.extract_strided_slice %convert_element_type3A_34 {offsets = [14], sizes = [1], strides = [1]} : vector<16xf32> to vector<1xf32>
      %squeeze3A_62 = vector.extract %slice3A_61[0] : f32 from vector<1xf32>
      %slice3A_63 = vector.extract_strided_slice %convert_element_type3A_34 {offsets = [15], sizes = [1], strides = [1]} : vector<16xf32> to vector<1xf32>
      %squeeze3A_64 = vector.extract %slice3A_63[0] : f32 from vector<1xf32>
      %mul3A_65 = arith.constant 64 : i32
      %mul3A_66 = arith.muli %add3A_25, %mul3A_65 : i32
      %add3A_67 = arith.constant 16 : i32
      %add3A_68 = arith.addi %mul3A_66, %add3A_67 : i32
      %get3A_69 = arith.index_cast %add3A_68 : i32 to index
      %get3A_70 = tpu.vector_load %arg5[%get3A_69] {strides = array<i32>} : memref<2048xi32, #tpu.memory_space<vmem>>, vector<16xi32>,
      %get3A_71 = vector.shape_cast %get3A_70 : vector<16xi32> to vector<16xi32>
      %convert_element_type3A_72 = arith.sitofp %get3A_71 : vector<16xi32> to vector<16xf32>
      %slice3A_73 = vector.extract_strided_slice %convert_element_type3A_72 {offsets = [0], sizes = [1], strides = [1]} : vector<16xf32> to vector<1xf32>
      %squeeze3A_74 = vector.extract %slice3A_73[0] : f32 from vector<1xf32>
      %slice3A_75 = vector.extract_strided_slice %convert_element_type3A_72 {offsets = [1], sizes = [1], strides = [1]} : vector<16xf32> to vector<1xf32>
      %squeeze3A_76 = vector.extract %slice3A_75[0] : f32 from vector<1xf32>
      %slice3A_77 = vector.extract_strided_slice %convert_element_type3A_72 {offsets = [2], sizes = [1], strides = [1]} : vector<16xf32> to vector<1xf32>
      %squeeze3A_78 = vector.extract %slice3A_77[0] : f32 from vector<1xf32>
      %slice3A_79 = vector.extract_strided_slice %convert_element_type3A_72 {offsets = [3], sizes = [1], strides = [1]} : vector<16xf32> to vector<1xf32>
      %squeeze3A_80 = vector.extract %slice3A_79[0] : f32 from vector<1xf32>
      %slice3A_81 = vector.extract_strided_slice %convert_element_type3A_72 {offsets = [4], sizes = [1], strides = [1]} : vector<16xf32> to vector<1xf32>
      %squeeze3A_82 = vector.extract %slice3A_81[0] : f32 from vector<1xf32>
      %slice3A_83 = vector.extract_strided_slice %convert_element_type3A_72 {offsets = [5], sizes = [1], strides = [1]} : vector<16xf32> to vector<1xf32>
      %squeeze3A_84 = vector.extract %slice3A_83[0] : f32 from vector<1xf32>
      %slice3A_85 = vector.extract_strided_slice %convert_element_type3A_72 {offsets = [6], sizes = [1], strides = [1]} : vector<16xf32> to vector<1xf32>
      %squeeze3A_86 = vector.extract %slice3A_85[0] : f32 from vector<1xf32>
      %slice3A_87 = vector.extract_strided_slice %convert_element_type3A_72 {offsets = [7], sizes = [1], strides = [1]} : vector<16xf32> to vector<1xf32>
      %squeeze3A_88 = vector.extract %slice3A_87[0] : f32 from vector<1xf32>
      %slice3A_89 = vector.extract_strided_slice %convert_element_type3A_72 {offsets = [8], sizes = [1], strides = [1]} : vector<16xf32> to vector<1xf32>
      %squeeze3A_90 = vector.extract %slice3A_89[0] : f32 from vector<1xf32>
      %slice3A_91 = vector.extract_strided_slice %convert_element_type3A_72 {offsets = [9], sizes = [1], strides = [1]} : vector<16xf32> to vector<1xf32>
      %squeeze3A_92 = vector.extract %slice3A_91[0] : f32 from vector<1xf32>
      %slice3A_93 = vector.extract_strided_slice %convert_element_type3A_72 {offsets = [10], sizes = [1], strides = [1]} : vector<16xf32> to vector<1xf32>
      %squeeze3A_94 = vector.extract %slice3A_93[0] : f32 from vector<1xf32>
      %slice3A_95 = vector.extract_strided_slice %convert_element_type3A_72 {offsets = [11], sizes = [1], strides = [1]} : vector<16xf32> to vector<1xf32>
      %squeeze3A_96 = vector.extract %slice3A_95[0] : f32 from vector<1xf32>
      %slice3A_97 = vector.extract_strided_slice %convert_element_type3A_72 {offsets = [12], sizes = [1], strides = [1]} : vector<16xf32> to vector<1xf32>
      %squeeze3A_98 = vector.extract %slice3A_97[0] : f32 from vector<1xf32>
      %slice3A_99 = vector.extract_strided_slice %convert_element_type3A_72 {offsets = [13], sizes = [1], strides = [1]} : vector<16xf32> to vector<1xf32>
      %squeeze3A_100 = vector.extract %slice3A_99[0] : f32 from vector<1xf32>
      %slice3A_101 = vector.extract_strided_slice %convert_element_type3A_72 {offsets = [14], sizes = [1], strides = [1]} : vector<16xf32> to vector<1xf32>
      %squeeze3A_102 = vector.extract %slice3A_101[0] : f32 from vector<1xf32>
      %slice3A_103 = vector.extract_strided_slice %convert_element_type3A_72 {offsets = [15], sizes = [1], strides = [1]} : vector<16xf32> to vector<1xf32>
      %squeeze3A_104 = vector.extract %slice3A_103[0] : f32 from vector<1xf32>
      %mul3A_105 = arith.constant 64 : i32
      %mul3A_106 = arith.muli %add3A_25, %mul3A_105 : i32
      %add3A_107 = arith.constant 32 : i32
      %add3A_108 = arith.addi %mul3A_106, %add3A_107 : i32
      %get3A_109 = arith.index_cast %add3A_108 : i32 to index
      %get3A_110 = tpu.vector_load %arg5[%get3A_109] {strides = array<i32>} : memref<2048xi32, #tpu.memory_space<vmem>>, vector<16xi32>,
      %get3A_111 = vector.shape_cast %get3A_110 : vector<16xi32> to vector<16xi32>
      %convert_element_type3A_112 = arith.sitofp %get3A_111 : vector<16xi32> to vector<16xf32>
      %slice3A_113 = vector.extract_strided_slice %convert_element_type3A_112 {offsets = [0], sizes = [1], strides = [1]} : vector<16xf32> to vector<1xf32>
      %squeeze3A_114 = vector.extract %slice3A_113[0] : f32 from vector<1xf32>
      %slice3A_115 = vector.extract_strided_slice %convert_element_type3A_112 {offsets = [1], sizes = [1], strides = [1]} : vector<16xf32> to vector<1xf32>
      %squeeze3A_116 = vector.extract %slice3A_115[0] : f32 from vector<1xf32>
      %slice3A_117 = vector.extract_strided_slice %convert_element_type3A_112 {offsets = [2], sizes = [1], strides = [1]} : vector<16xf32> to vector<1xf32>
      %squeeze3A_118 = vector.extract %slice3A_117[0] : f32 from vector<1xf32>
      %slice3A_119 = vector.extract_strided_slice %convert_element_type3A_112 {offsets = [3], sizes = [1], strides = [1]} : vector<16xf32> to vector<1xf32>
      %squeeze3A_120 = vector.extract %slice3A_119[0] : f32 from vector<1xf32>
      %slice3A_121 = vector.extract_strided_slice %convert_element_type3A_112 {offsets = [4], sizes = [1], strides = [1]} : vector<16xf32> to vector<1xf32>
      %squeeze3A_122 = vector.extract %slice3A_121[0] : f32 from vector<1xf32>
      %slice3A_123 = vector.extract_strided_slice %convert_element_type3A_112 {offsets = [5], sizes = [1], strides = [1]} : vector<16xf32> to vector<1xf32>
      %squeeze3A_124 = vector.extract %slice3A_123[0] : f32 from vector<1xf32>
      %slice3A_125 = vector.extract_strided_slice %convert_element_type3A_112 {offsets = [6], sizes = [1], strides = [1]} : vector<16xf32> to vector<1xf32>
      %squeeze3A_126 = vector.extract %slice3A_125[0] : f32 from vector<1xf32>
      %slice3A_127 = vector.extract_strided_slice %convert_element_type3A_112 {offsets = [7], sizes = [1], strides = [1]} : vector<16xf32> to vector<1xf32>
      %squeeze3A_128 = vector.extract %slice3A_127[0] : f32 from vector<1xf32>
      %slice3A_129 = vector.extract_strided_slice %convert_element_type3A_112 {offsets = [8], sizes = [1], strides = [1]} : vector<16xf32> to vector<1xf32>
      %squeeze3A_130 = vector.extract %slice3A_129[0] : f32 from vector<1xf32>
      %slice3A_131 = vector.extract_strided_slice %convert_element_type3A_112 {offsets = [9], sizes = [1], strides = [1]} : vector<16xf32> to vector<1xf32>
      %squeeze3A_132 = vector.extract %slice3A_131[0] : f32 from vector<1xf32>
      %slice3A_133 = vector.extract_strided_slice %convert_element_type3A_112 {offsets = [10], sizes = [1], strides = [1]} : vector<16xf32> to vector<1xf32>
      %squeeze3A_134 = vector.extract %slice3A_133[0] : f32 from vector<1xf32>
      %slice3A_135 = vector.extract_strided_slice %convert_element_type3A_112 {offsets = [11], sizes = [1], strides = [1]} : vector<16xf32> to vector<1xf32>
      %squeeze3A_136 = vector.extract %slice3A_135[0] : f32 from vector<1xf32>
      %slice3A_137 = vector.extract_strided_slice %convert_element_type3A_112 {offsets = [12], sizes = [1], strides = [1]} : vector<16xf32> to vector<1xf32>
      %squeeze3A_138 = vector.extract %slice3A_137[0] : f32 from vector<1xf32>
      %slice3A_139 = vector.extract_strided_slice %convert_element_type3A_112 {offsets = [13], sizes = [1], strides = [1]} : vector<16xf32> to vector<1xf32>
      %squeeze3A_140 = vector.extract %slice3A_139[0] : f32 from vector<1xf32>
      %slice3A_141 = vector.extract_strided_slice %convert_element_type3A_112 {offsets = [14], sizes = [1], strides = [1]} : vector<16xf32> to vector<1xf32>
      %squeeze3A_142 = vector.extract %slice3A_141[0] : f32 from vector<1xf32>
      %slice3A_143 = vector.extract_strided_slice %convert_element_type3A_112 {offsets = [15], sizes = [1], strides = [1]} : vector<16xf32> to vector<1xf32>
      %squeeze3A_144 = vector.extract %slice3A_143[0] : f32 from vector<1xf32>
      %mul3A_145 = arith.constant 64 : i32
      %mul3A_146 = arith.muli %add3A_25, %mul3A_145 : i32
      %add3A_147 = arith.constant 48 : i32
      %add3A_148 = arith.addi %mul3A_146, %add3A_147 : i32
      %get3A_149 = arith.index_cast %add3A_148 : i32 to index
      %get3A_150 = tpu.vector_load %arg5[%get3A_149] {strides = array<i32>} : memref<2048xi32, #tpu.memory_space<vmem>>, vector<16xi32>,
      %get3A_151 = vector.shape_cast %get3A_150 : vector<16xi32> to vector<16xi32>
      %convert_element_type3A_152 = arith.sitofp %get3A_151 : vector<16xi32> to vector<16xf32>
      %slice3A_153 = vector.extract_strided_slice %convert_element_type3A_152 {offsets = [0], sizes = [1], strides = [1]} : vector<16xf32> to vector<1xf32>
      %squeeze3A_154 = vector.extract %slice3A_153[0] : f32 from vector<1xf32>
      %slice3A_155 = vector.extract_strided_slice %convert_element_type3A_152 {offsets = [1], sizes = [1], strides = [1]} : vector<16xf32> to vector<1xf32>
      %squeeze3A_156 = vector.extract %slice3A_155[0] : f32 from vector<1xf32>
      %slice3A_157 = vector.extract_strided_slice %convert_element_type3A_152 {offsets = [2], sizes = [1], strides = [1]} : vector<16xf32> to vector<1xf32>
      %squeeze3A_158 = vector.extract %slice3A_157[0] : f32 from vector<1xf32>
      %slice3A_159 = vector.extract_strided_slice %convert_element_type3A_152 {offsets = [3], sizes = [1], strides = [1]} : vector<16xf32> to vector<1xf32>
      %squeeze3A_160 = vector.extract %slice3A_159[0] : f32 from vector<1xf32>
      %slice3A_161 = vector.extract_strided_slice %convert_element_type3A_152 {offsets = [4], sizes = [1], strides = [1]} : vector<16xf32> to vector<1xf32>
      %squeeze3A_162 = vector.extract %slice3A_161[0] : f32 from vector<1xf32>
      %slice3A_163 = vector.extract_strided_slice %convert_element_type3A_152 {offsets = [5], sizes = [1], strides = [1]} : vector<16xf32> to vector<1xf32>
      %squeeze3A_164 = vector.extract %slice3A_163[0] : f32 from vector<1xf32>
      %slice3A_165 = vector.extract_strided_slice %convert_element_type3A_152 {offsets = [6], sizes = [1], strides = [1]} : vector<16xf32> to vector<1xf32>
      %squeeze3A_166 = vector.extract %slice3A_165[0] : f32 from vector<1xf32>
      %slice3A_167 = vector.extract_strided_slice %convert_element_type3A_152 {offsets = [7], sizes = [1], strides = [1]} : vector<16xf32> to vector<1xf32>
      %squeeze3A_168 = vector.extract %slice3A_167[0] : f32 from vector<1xf32>
      %slice3A_169 = vector.extract_strided_slice %convert_element_type3A_152 {offsets = [8], sizes = [1], strides = [1]} : vector<16xf32> to vector<1xf32>
      %squeeze3A_170 = vector.extract %slice3A_169[0] : f32 from vector<1xf32>
      %slice3A_171 = vector.extract_strided_slice %convert_element_type3A_152 {offsets = [9], sizes = [1], strides = [1]} : vector<16xf32> to vector<1xf32>
      %squeeze3A_172 = vector.extract %slice3A_171[0] : f32 from vector<1xf32>
      %slice3A_173 = vector.extract_strided_slice %convert_element_type3A_152 {offsets = [10], sizes = [1], strides = [1]} : vector<16xf32> to vector<1xf32>
      %squeeze3A_174 = vector.extract %slice3A_173[0] : f32 from vector<1xf32>
      %slice3A_175 = vector.extract_strided_slice %convert_element_type3A_152 {offsets = [11], sizes = [1], strides = [1]} : vector<16xf32> to vector<1xf32>
      %squeeze3A_176 = vector.extract %slice3A_175[0] : f32 from vector<1xf32>
      %slice3A_177 = vector.extract_strided_slice %convert_element_type3A_152 {offsets = [12], sizes = [1], strides = [1]} : vector<16xf32> to vector<1xf32>
      %squeeze3A_178 = vector.extract %slice3A_177[0] : f32 from vector<1xf32>
      %slice3A_179 = vector.extract_strided_slice %convert_element_type3A_152 {offsets = [13], sizes = [1], strides = [1]} : vector<16xf32> to vector<1xf32>
      %squeeze3A_180 = vector.extract %slice3A_179[0] : f32 from vector<1xf32>
      %slice3A_181 = vector.extract_strided_slice %convert_element_type3A_152 {offsets = [14], sizes = [1], strides = [1]} : vector<16xf32> to vector<1xf32>
      %squeeze3A_182 = vector.extract %slice3A_181[0] : f32 from vector<1xf32>
      %slice3A_183 = vector.extract_strided_slice %convert_element_type3A_152 {offsets = [15], sizes = [1], strides = [1]} : vector<16xf32> to vector<1xf32>
      %squeeze3A_184 = vector.extract %slice3A_183[0] : f32 from vector<1xf32>
      %scan3A_185 = arith.constant 0 : i32
      %scan3A_186 = arith.constant 0 : i32
      %scan3A_187 = arith.constant 48 : i32
      %scan3A_188 = arith.addi %scan3A_186, %scan3A_187 : i32
      %scan3A_189 = arith.constant 1 : i32
      %scan3A_190 = scf.for %scan3A_382 = %scan3A_186 to %scan3A_188 step %scan3A_189 iter_args(%scan3A_383 = %scan3A_185) -> (i32)  : i32 {
        %mul3A_384 = arith.constant 16 : i32
        %mul3A_385 = arith.muli %scan3A_382, %mul3A_384 : i32
        %get3A_386 = arith.constant 0 : i32
        %get3A_387 = arith.index_cast %get3A_386 : i32 to index
        %get3A_388 = arith.index_cast %mul3A_385 : i32 to index
        %get3A_389 = tpu.vector_load %arg6[%get3A_387, %get3A_388] {strides = array<i32>} : memref<4x768xf32, #tpu.memory_space<vmem>>, vector<1x16xf32>,
        %get3A_390 = vector.shape_cast %get3A_389 : vector<1x16xf32> to vector<16xf32>
        %get3A_391 = arith.constant 1 : i32
        %get3A_392 = arith.index_cast %get3A_391 : i32 to index
        %get3A_393 = arith.index_cast %mul3A_385 : i32 to index
        %get3A_394 = tpu.vector_load %arg6[%get3A_392, %get3A_393] {strides = array<i32>} : memref<4x768xf32, #tpu.memory_space<vmem>>, vector<1x16xf32>,
        %get3A_395 = vector.shape_cast %get3A_394 : vector<1x16xf32> to vector<16xf32>
        %get3A_396 = arith.constant 2 : i32
        %get3A_397 = arith.index_cast %get3A_396 : i32 to index
        %get3A_398 = arith.index_cast %mul3A_385 : i32 to index
        %get3A_399 = tpu.vector_load %arg6[%get3A_397, %get3A_398] {strides = array<i32>} : memref<4x768xf32, #tpu.memory_space<vmem>>, vector<1x16xf32>,
        %get3A_400 = vector.shape_cast %get3A_399 : vector<1x16xf32> to vector<16xf32>
        %get3A_401 = arith.constant 3 : i32
        %get3A_402 = arith.index_cast %get3A_401 : i32 to index
        %get3A_403 = arith.index_cast %mul3A_385 : i32 to index
        %get3A_404 = tpu.vector_load %arg6[%get3A_402, %get3A_403] {strides = array<i32>} : memref<4x768xf32, #tpu.memory_space<vmem>>, vector<1x16xf32>,
        %get3A_405 = vector.shape_cast %get3A_404 : vector<1x16xf32> to vector<16xf32>
        %mul3A_406 = arith.constant 3.000000e+00 : f32
        %mul3A_407 = vector.broadcast %mul3A_406 : f32 to vector<16xf32>
        %mul3A_408 = arith.mulf %get3A_395, %mul3A_407 : vector<16xf32>
        %mul3A_409 = arith.constant 1.83333337 : f32
        %mul3A_410 = vector.broadcast %mul3A_409 : f32 to vector<16xf32>
        %mul3A_411 = arith.mulf %get3A_390, %mul3A_410 : vector<16xf32>
        %sub3A = arith.subf %mul3A_408, %mul3A_411 : vector<16xf32>
        %mul3A_412 = arith.constant 1.500000e+00 : f32
        %mul3A_413 = vector.broadcast %mul3A_412 : f32 to vector<16xf32>
        %mul3A_414 = arith.mulf %get3A_400, %mul3A_413 : vector<16xf32>
        %sub3A_415 = arith.subf %sub3A, %mul3A_414 : vector<16xf32>
        %mul3A_416 = arith.constant 0.333333343 : f32
        %mul3A_417 = vector.broadcast %mul3A_416 : f32 to vector<16xf32>
        %mul3A_418 = arith.mulf %get3A_405, %mul3A_417 : vector<16xf32>
        %add3A_419 = arith.addf %sub3A_415, %mul3A_418 : vector<16xf32>
        %mul3A_420 = arith.constant 2.500000e+00 : f32
        %mul3A_421 = vector.broadcast %mul3A_420 : f32 to vector<16xf32>
        %mul3A_422 = arith.mulf %get3A_395, %mul3A_421 : vector<16xf32>
        %sub3A_423 = arith.subf %get3A_390, %mul3A_422 : vector<16xf32>
        %mul3A_424 = arith.constant 2.000000e+00 : f32
        %mul3A_425 = vector.broadcast %mul3A_424 : f32 to vector<16xf32>
        %mul3A_426 = arith.mulf %get3A_400, %mul3A_425 : vector<16xf32>
        %add3A_427 = arith.addf %sub3A_423, %mul3A_426 : vector<16xf32>
        %mul3A_428 = arith.constant 5.000000e-01 : f32
        %mul3A_429 = vector.broadcast %mul3A_428 : f32 to vector<16xf32>
        %mul3A_430 = arith.mulf %get3A_405, %mul3A_429 : vector<16xf32>
        %sub3A_431 = arith.subf %add3A_427, %mul3A_430 : vector<16xf32>
        %sub3A_432 = arith.subf %get3A_395, %get3A_400 : vector<16xf32>
        %mul3A_433 = arith.constant 5.000000e-01 : f32
        %mul3A_434 = vector.broadcast %mul3A_433 : f32 to vector<16xf32>
        %mul3A_435 = arith.mulf %sub3A_432, %mul3A_434 : vector<16xf32>
        %sub3A_436 = arith.subf %get3A_405, %get3A_390 : vector<16xf32>
        %mul3A_437 = arith.constant 0.166666672 : f32
        %mul3A_438 = vector.broadcast %mul3A_437 : f32 to vector<16xf32>
        %mul3A_439 = arith.mulf %sub3A_436, %mul3A_438 : vector<16xf32>
        %add3A_440 = arith.addf %mul3A_435, %mul3A_439 : vector<16xf32>
        %mul3A_441 = vector.broadcast %squeeze3A : f32 to vector<16xf32>
        %mul3A_442 = arith.mulf %mul3A_441, %add3A_440 : vector<16xf32>
        %add3A_443 = arith.addf %sub3A_431, %mul3A_442 : vector<16xf32>
        %mul3A_444 = vector.broadcast %squeeze3A : f32 to vector<16xf32>
        %mul3A_445 = arith.mulf %mul3A_444, %add3A_443 : vector<16xf32>
        %add3A_446 = arith.addf %add3A_419, %mul3A_445 : vector<16xf32>
        %mul3A_447 = vector.broadcast %squeeze3A : f32 to vector<16xf32>
        %mul3A_448 = arith.mulf %mul3A_447, %add3A_446 : vector<16xf32>
        %add3A_449 = arith.addf %get3A_390, %mul3A_448 : vector<16xf32>
        %swap3A = arith.constant 0 : i32
        %swap3A_450 = arith.index_cast %swap3A : i32 to index
        %swap3A_451 = arith.index_cast %mul3A_385 : i32 to index
        %swap3A_452 = tpu.vector_load %arg7[%swap3A_450, %swap3A_451] {strides = array<i32>} : memref<64x768xf32, #tpu.memory_space<vmem>>, vector<1x16xf32>,
        %swap3A_453 = vector.shape_cast %swap3A_452 : vector<1x16xf32> to vector<16xf32>
        %swap3A_454 = vector.shape_cast %add3A_449 : vector<16xf32> to vector<1x16xf32>
        tpu.vector_store %arg7[%swap3A_450, %swap3A_451], %swap3A_454 {strides = array<i32>} : memref<64x768xf32, #tpu.memory_space<vmem>>, vector<1x16xf32>,
        %mul3A_455 = vector.broadcast %squeeze3A_36 : f32 to vector<16xf32>
        %mul3A_456 = arith.mulf %mul3A_455, %add3A_440 : vector<16xf32>
        %add3A_457 = arith.addf %sub3A_431, %mul3A_456 : vector<16xf32>
        %mul3A_458 = vector.broadcast %squeeze3A_36 : f32 to vector<16xf32>
        %mul3A_459 = arith.mulf %mul3A_458, %add3A_457 : vector<16xf32>
        %add3A_460 = arith.addf %add3A_419, %mul3A_459 : vector<16xf32>
        %mul3A_461 = vector.broadcast %squeeze3A_36 : f32 to vector<16xf32>
        %mul3A_462 = arith.mulf %mul3A_461, %add3A_460 : vector<16xf32>
        %add3A_463 = arith.addf %get3A_390, %mul3A_462 : vector<16xf32>
        %swap3A_464 = arith.constant 1 : i32
        %swap3A_465 = arith.index_cast %swap3A_464 : i32 to index
        %swap3A_466 = arith.index_cast %mul3A_385 : i32 to index
        %swap3A_467 = tpu.vector_load %arg7[%swap3A_465, %swap3A_466] {strides = array<i32>} : memref<64x768xf32, #tpu.memory_space<vmem>>, vector<1x16xf32>,
        %swap3A_468 = vector.shape_cast %swap3A_467 : vector<1x16xf32> to vector<16xf32>
        %swap3A_469 = vector.shape_cast %add3A_463 : vector<16xf32> to vector<1x16xf32>
        tpu.vector_store %arg7[%swap3A_465, %swap3A_466], %swap3A_469 {strides = array<i32>} : memref<64x768xf32, #tpu.memory_space<vmem>>, vector<1x16xf32>,
        %mul3A_470 = vector.broadcast %squeeze3A_38 : f32 to vector<16xf32>
        %mul3A_471 = arith.mulf %mul3A_470, %add3A_440 : vector<16xf32>
        %add3A_472 = arith.addf %sub3A_431, %mul3A_471 : vector<16xf32>
        %mul3A_473 = vector.broadcast %squeeze3A_38 : f32 to vector<16xf32>
        %mul3A_474 = arith.mulf %mul3A_473, %add3A_472 : vector<16xf32>
        %add3A_475 = arith.addf %add3A_419, %mul3A_474 : vector<16xf32>
        %mul3A_476 = vector.broadcast %squeeze3A_38 : f32 to vector<16xf32>
        %mul3A_477 = arith.mulf %mul3A_476, %add3A_475 : vector<16xf32>
        %add3A_478 = arith.addf %get3A_390, %mul3A_477 : vector<16xf32>
        %swap3A_479 = arith.constant 2 : i32
        %swap3A_480 = arith.index_cast %swap3A_479 : i32 to index
        %swap3A_481 = arith.index_cast %mul3A_385 : i32 to index
        %swap3A_482 = tpu.vector_load %arg7[%swap3A_480, %swap3A_481] {strides = array<i32>} : memref<64x768xf32, #tpu.memory_space<vmem>>, vector<1x16xf32>,
        %swap3A_483 = vector.shape_cast %swap3A_482 : vector<1x16xf32> to vector<16xf32>
        %swap3A_484 = vector.shape_cast %add3A_478 : vector<16xf32> to vector<1x16xf32>
        tpu.vector_store %arg7[%swap3A_480, %swap3A_481], %swap3A_484 {strides = array<i32>} : memref<64x768xf32, #tpu.memory_space<vmem>>, vector<1x16xf32>,
        %mul3A_485 = vector.broadcast %squeeze3A_40 : f32 to vector<16xf32>
        %mul3A_486 = arith.mulf %mul3A_485, %add3A_440 : vector<16xf32>
        %add3A_487 = arith.addf %sub3A_431, %mul3A_486 : vector<16xf32>
        %mul3A_488 = vector.broadcast %squeeze3A_40 : f32 to vector<16xf32>
        %mul3A_489 = arith.mulf %mul3A_488, %add3A_487 : vector<16xf32>
        %add3A_490 = arith.addf %add3A_419, %mul3A_489 : vector<16xf32>
        %mul3A_491 = vector.broadcast %squeeze3A_40 : f32 to vector<16xf32>
        %mul3A_492 = arith.mulf %mul3A_491, %add3A_490 : vector<16xf32>
        %add3A_493 = arith.addf %get3A_390, %mul3A_492 : vector<16xf32>
        %swap3A_494 = arith.constant 3 : i32
        %swap3A_495 = arith.index_cast %swap3A_494 : i32 to index
        %swap3A_496 = arith.index_cast %mul3A_385 : i32 to index
        %swap3A_497 = tpu.vector_load %arg7[%swap3A_495, %swap3A_496] {strides = array<i32>} : memref<64x768xf32, #tpu.memory_space<vmem>>, vector<1x16xf32>,
        %swap3A_498 = vector.shape_cast %swap3A_497 : vector<1x16xf32> to vector<16xf32>
        %swap3A_499 = vector.shape_cast %add3A_493 : vector<16xf32> to vector<1x16xf32>
        tpu.vector_store %arg7[%swap3A_495, %swap3A_496], %swap3A_499 {strides = array<i32>} : memref<64x768xf32, #tpu.memory_space<vmem>>, vector<1x16xf32>,
        %mul3A_500 = vector.broadcast %squeeze3A_42 : f32 to vector<16xf32>
        %mul3A_501 = arith.mulf %mul3A_500, %add3A_440 : vector<16xf32>
        %add3A_502 = arith.addf %sub3A_431, %mul3A_501 : vector<16xf32>
        %mul3A_503 = vector.broadcast %squeeze3A_42 : f32 to vector<16xf32>
        %mul3A_504 = arith.mulf %mul3A_503, %add3A_502 : vector<16xf32>
        %add3A_505 = arith.addf %add3A_419, %mul3A_504 : vector<16xf32>
        %mul3A_506 = vector.broadcast %squeeze3A_42 : f32 to vector<16xf32>
        %mul3A_507 = arith.mulf %mul3A_506, %add3A_505 : vector<16xf32>
        %add3A_508 = arith.addf %get3A_390, %mul3A_507 : vector<16xf32>
        %swap3A_509 = arith.constant 4 : i32
        %swap3A_510 = arith.index_cast %swap3A_509 : i32 to index
        %swap3A_511 = arith.index_cast %mul3A_385 : i32 to index
        %swap3A_512 = tpu.vector_load %arg7[%swap3A_510, %swap3A_511] {strides = array<i32>} : memref<64x768xf32, #tpu.memory_space<vmem>>, vector<1x16xf32>,
        %swap3A_513 = vector.shape_cast %swap3A_512 : vector<1x16xf32> to vector<16xf32>
        %swap3A_514 = vector.shape_cast %add3A_508 : vector<16xf32> to vector<1x16xf32>
        tpu.vector_store %arg7[%swap3A_510, %swap3A_511], %swap3A_514 {strides = array<i32>} : memref<64x768xf32, #tpu.memory_space<vmem>>, vector<1x16xf32>,
        %mul3A_515 = vector.broadcast %squeeze3A_44 : f32 to vector<16xf32>
        %mul3A_516 = arith.mulf %mul3A_515, %add3A_440 : vector<16xf32>
        %add3A_517 = arith.addf %sub3A_431, %mul3A_516 : vector<16xf32>
        %mul3A_518 = vector.broadcast %squeeze3A_44 : f32 to vector<16xf32>
        %mul3A_519 = arith.mulf %mul3A_518, %add3A_517 : vector<16xf32>
        %add3A_520 = arith.addf %add3A_419, %mul3A_519 : vector<16xf32>
        %mul3A_521 = vector.broadcast %squeeze3A_44 : f32 to vector<16xf32>
        %mul3A_522 = arith.mulf %mul3A_521, %add3A_520 : vector<16xf32>
        %add3A_523 = arith.addf %get3A_390, %mul3A_522 : vector<16xf32>
        %swap3A_524 = arith.constant 5 : i32
        %swap3A_525 = arith.index_cast %swap3A_524 : i32 to index
        %swap3A_526 = arith.index_cast %mul3A_385 : i32 to index
        %swap3A_527 = tpu.vector_load %arg7[%swap3A_525, %swap3A_526] {strides = array<i32>} : memref<64x768xf32, #tpu.memory_space<vmem>>, vector<1x16xf32>,
        %swap3A_528 = vector.shape_cast %swap3A_527 : vector<1x16xf32> to vector<16xf32>
        %swap3A_529 = vector.shape_cast %add3A_523 : vector<16xf32> to vector<1x16xf32>
        tpu.vector_store %arg7[%swap3A_525, %swap3A_526], %swap3A_529 {strides = array<i32>} : memref<64x768xf32, #tpu.memory_space<vmem>>, vector<1x16xf32>,
        %mul3A_530 = vector.broadcast %squeeze3A_46 : f32 to vector<16xf32>
        %mul3A_531 = arith.mulf %mul3A_530, %add3A_440 : vector<16xf32>
        %add3A_532 = arith.addf %sub3A_431, %mul3A_531 : vector<16xf32>
        %mul3A_533 = vector.broadcast %squeeze3A_46 : f32 to vector<16xf32>
        %mul3A_534 = arith.mulf %mul3A_533, %add3A_532 : vector<16xf32>
        %add3A_535 = arith.addf %add3A_419, %mul3A_534 : vector<16xf32>
        %mul3A_536 = vector.broadcast %squeeze3A_46 : f32 to vector<16xf32>
        %mul3A_537 = arith.mulf %mul3A_536, %add3A_535 : vector<16xf32>
        %add3A_538 = arith.addf %get3A_390, %mul3A_537 : vector<16xf32>
        %swap3A_539 = arith.constant 6 : i32
        %swap3A_540 = arith.index_cast %swap3A_539 : i32 to index
        %swap3A_541 = arith.index_cast %mul3A_385 : i32 to index
        %swap3A_542 = tpu.vector_load %arg7[%swap3A_540, %swap3A_541] {strides = array<i32>} : memref<64x768xf32, #tpu.memory_space<vmem>>, vector<1x16xf32>,
        %swap3A_543 = vector.shape_cast %swap3A_542 : vector<1x16xf32> to vector<16xf32>
        %swap3A_544 = vector.shape_cast %add3A_538 : vector<16xf32> to vector<1x16xf32>
        tpu.vector_store %arg7[%swap3A_540, %swap3A_541], %swap3A_544 {strides = array<i32>} : memref<64x768xf32, #tpu.memory_space<vmem>>, vector<1x16xf32>,
        %mul3A_545 = vector.broadcast %squeeze3A_48 : f32 to vector<16xf32>
        %mul3A_546 = arith.mulf %mul3A_545, %add3A_440 : vector<16xf32>
        %add3A_547 = arith.addf %sub3A_431, %mul3A_546 : vector<16xf32>
        %mul3A_548 = vector.broadcast %squeeze3A_48 : f32 to vector<16xf32>
        %mul3A_549 = arith.mulf %mul3A_548, %add3A_547 : vector<16xf32>
        %add3A_550 = arith.addf %add3A_419, %mul3A_549 : vector<16xf32>
        %mul3A_551 = vector.broadcast %squeeze3A_48 : f32 to vector<16xf32>
        %mul3A_552 = arith.mulf %mul3A_551, %add3A_550 : vector<16xf32>
        %add3A_553 = arith.addf %get3A_390, %mul3A_552 : vector<16xf32>
        %swap3A_554 = arith.constant 7 : i32
        %swap3A_555 = arith.index_cast %swap3A_554 : i32 to index
        %swap3A_556 = arith.index_cast %mul3A_385 : i32 to index
        %swap3A_557 = tpu.vector_load %arg7[%swap3A_555, %swap3A_556] {strides = array<i32>} : memref<64x768xf32, #tpu.memory_space<vmem>>, vector<1x16xf32>,
        %swap3A_558 = vector.shape_cast %swap3A_557 : vector<1x16xf32> to vector<16xf32>
        %swap3A_559 = vector.shape_cast %add3A_553 : vector<16xf32> to vector<1x16xf32>
        tpu.vector_store %arg7[%swap3A_555, %swap3A_556], %swap3A_559 {strides = array<i32>} : memref<64x768xf32, #tpu.memory_space<vmem>>, vector<1x16xf32>,
        %mul3A_560 = vector.broadcast %squeeze3A_50 : f32 to vector<16xf32>
        %mul3A_561 = arith.mulf %mul3A_560, %add3A_440 : vector<16xf32>
        %add3A_562 = arith.addf %sub3A_431, %mul3A_561 : vector<16xf32>
        %mul3A_563 = vector.broadcast %squeeze3A_50 : f32 to vector<16xf32>
        %mul3A_564 = arith.mulf %mul3A_563, %add3A_562 : vector<16xf32>
        %add3A_565 = arith.addf %add3A_419, %mul3A_564 : vector<16xf32>
        %mul3A_566 = vector.broadcast %squeeze3A_50 : f32 to vector<16xf32>
        %mul3A_567 = arith.mulf %mul3A_566, %add3A_565 : vector<16xf32>
        %add3A_568 = arith.addf %get3A_390, %mul3A_567 : vector<16xf32>
        %swap3A_569 = arith.constant 8 : i32
        %swap3A_570 = arith.index_cast %swap3A_569 : i32 to index
        %swap3A_571 = arith.index_cast %mul3A_385 : i32 to index
        %swap3A_572 = tpu.vector_load %arg7[%swap3A_570, %swap3A_571] {strides = array<i32>} : memref<64x768xf32, #tpu.memory_space<vmem>>, vector<1x16xf32>,
        %swap3A_573 = vector.shape_cast %swap3A_572 : vector<1x16xf32> to vector<16xf32>
        %swap3A_574 = vector.shape_cast %add3A_568 : vector<16xf32> to vector<1x16xf32>
        tpu.vector_store %arg7[%swap3A_570, %swap3A_571], %swap3A_574 {strides = array<i32>} : memref<64x768xf32, #tpu.memory_space<vmem>>, vector<1x16xf32>,
        %mul3A_575 = vector.broadcast %squeeze3A_52 : f32 to vector<16xf32>
        %mul3A_576 = arith.mulf %mul3A_575, %add3A_440 : vector<16xf32>
        %add3A_577 = arith.addf %sub3A_431, %mul3A_576 : vector<16xf32>
        %mul3A_578 = vector.broadcast %squeeze3A_52 : f32 to vector<16xf32>
        %mul3A_579 = arith.mulf %mul3A_578, %add3A_577 : vector<16xf32>
        %add3A_580 = arith.addf %add3A_419, %mul3A_579 : vector<16xf32>
        %mul3A_581 = vector.broadcast %squeeze3A_52 : f32 to vector<16xf32>
        %mul3A_582 = arith.mulf %mul3A_581, %add3A_580 : vector<16xf32>
        %add3A_583 = arith.addf %get3A_390, %mul3A_582 : vector<16xf32>
        %swap3A_584 = arith.constant 9 : i32
        %swap3A_585 = arith.index_cast %swap3A_584 : i32 to index
        %swap3A_586 = arith.index_cast %mul3A_385 : i32 to index
        %swap3A_587 = tpu.vector_load %arg7[%swap3A_585, %swap3A_586] {strides = array<i32>} : memref<64x768xf32, #tpu.memory_space<vmem>>, vector<1x16xf32>,
        %swap3A_588 = vector.shape_cast %swap3A_587 : vector<1x16xf32> to vector<16xf32>
        %swap3A_589 = vector.shape_cast %add3A_583 : vector<16xf32> to vector<1x16xf32>
        tpu.vector_store %arg7[%swap3A_585, %swap3A_586], %swap3A_589 {strides = array<i32>} : memref<64x768xf32, #tpu.memory_space<vmem>>, vector<1x16xf32>,
        %mul3A_590 = vector.broadcast %squeeze3A_54 : f32 to vector<16xf32>
        %mul3A_591 = arith.mulf %mul3A_590, %add3A_440 : vector<16xf32>
        %add3A_592 = arith.addf %sub3A_431, %mul3A_591 : vector<16xf32>
        %mul3A_593 = vector.broadcast %squeeze3A_54 : f32 to vector<16xf32>
        %mul3A_594 = arith.mulf %mul3A_593, %add3A_592 : vector<16xf32>
        %add3A_595 = arith.addf %add3A_419, %mul3A_594 : vector<16xf32>
        %mul3A_596 = vector.broadcast %squeeze3A_54 : f32 to vector<16xf32>
        %mul3A_597 = arith.mulf %mul3A_596, %add3A_595 : vector<16xf32>
        %add3A_598 = arith.addf %get3A_390, %mul3A_597 : vector<16xf32>
        %swap3A_599 = arith.constant 10 : i32
        %swap3A_600 = arith.index_cast %swap3A_599 : i32 to index
        %swap3A_601 = arith.index_cast %mul3A_385 : i32 to index
        %swap3A_602 = tpu.vector_load %arg7[%swap3A_600, %swap3A_601] {strides = array<i32>} : memref<64x768xf32, #tpu.memory_space<vmem>>, vector<1x16xf32>,
        %swap3A_603 = vector.shape_cast %swap3A_602 : vector<1x16xf32> to vector<16xf32>
        %swap3A_604 = vector.shape_cast %add3A_598 : vector<16xf32> to vector<1x16xf32>
        tpu.vector_store %arg7[%swap3A_600, %swap3A_601], %swap3A_604 {strides = array<i32>} : memref<64x768xf32, #tpu.memory_space<vmem>>, vector<1x16xf32>,
        %mul3A_605 = vector.broadcast %squeeze3A_56 : f32 to vector<16xf32>
        %mul3A_606 = arith.mulf %mul3A_605, %add3A_440 : vector<16xf32>
        %add3A_607 = arith.addf %sub3A_431, %mul3A_606 : vector<16xf32>
        %mul3A_608 = vector.broadcast %squeeze3A_56 : f32 to vector<16xf32>
        %mul3A_609 = arith.mulf %mul3A_608, %add3A_607 : vector<16xf32>
        %add3A_610 = arith.addf %add3A_419, %mul3A_609 : vector<16xf32>
        %mul3A_611 = vector.broadcast %squeeze3A_56 : f32 to vector<16xf32>
        %mul3A_612 = arith.mulf %mul3A_611, %add3A_610 : vector<16xf32>
        %add3A_613 = arith.addf %get3A_390, %mul3A_612 : vector<16xf32>
        %swap3A_614 = arith.constant 11 : i32
        %swap3A_615 = arith.index_cast %swap3A_614 : i32 to index
        %swap3A_616 = arith.index_cast %mul3A_385 : i32 to index
        %swap3A_617 = tpu.vector_load %arg7[%swap3A_615, %swap3A_616] {strides = array<i32>} : memref<64x768xf32, #tpu.memory_space<vmem>>, vector<1x16xf32>,
        %swap3A_618 = vector.shape_cast %swap3A_617 : vector<1x16xf32> to vector<16xf32>
        %swap3A_619 = vector.shape_cast %add3A_613 : vector<16xf32> to vector<1x16xf32>
        tpu.vector_store %arg7[%swap3A_615, %swap3A_616], %swap3A_619 {strides = array<i32>} : memref<64x768xf32, #tpu.memory_space<vmem>>, vector<1x16xf32>,
        %mul3A_620 = vector.broadcast %squeeze3A_58 : f32 to vector<16xf32>
        %mul3A_621 = arith.mulf %mul3A_620, %add3A_440 : vector<16xf32>
        %add3A_622 = arith.addf %sub3A_431, %mul3A_621 : vector<16xf32>
        %mul3A_623 = vector.broadcast %squeeze3A_58 : f32 to vector<16xf32>
        %mul3A_624 = arith.mulf %mul3A_623, %add3A_622 : vector<16xf32>
        %add3A_625 = arith.addf %add3A_419, %mul3A_624 : vector<16xf32>
        %mul3A_626 = vector.broadcast %squeeze3A_58 : f32 to vector<16xf32>
        %mul3A_627 = arith.mulf %mul3A_626, %add3A_625 : vector<16xf32>
        %add3A_628 = arith.addf %get3A_390, %mul3A_627 : vector<16xf32>
        %swap3A_629 = arith.constant 12 : i32
        %swap3A_630 = arith.index_cast %swap3A_629 : i32 to index
        %swap3A_631 = arith.index_cast %mul3A_385 : i32 to index
        %swap3A_632 = tpu.vector_load %arg7[%swap3A_630, %swap3A_631] {strides = array<i32>} : memref<64x768xf32, #tpu.memory_space<vmem>>, vector<1x16xf32>,
        %swap3A_633 = vector.shape_cast %swap3A_632 : vector<1x16xf32> to vector<16xf32>
        %swap3A_634 = vector.shape_cast %add3A_628 : vector<16xf32> to vector<1x16xf32>
        tpu.vector_store %arg7[%swap3A_630, %swap3A_631], %swap3A_634 {strides = array<i32>} : memref<64x768xf32, #tpu.memory_space<vmem>>, vector<1x16xf32>,
        %mul3A_635 = vector.broadcast %squeeze3A_60 : f32 to vector<16xf32>
        %mul3A_636 = arith.mulf %mul3A_635, %add3A_440 : vector<16xf32>
        %add3A_637 = arith.addf %sub3A_431, %mul3A_636 : vector<16xf32>
        %mul3A_638 = vector.broadcast %squeeze3A_60 : f32 to vector<16xf32>
        %mul3A_639 = arith.mulf %mul3A_638, %add3A_637 : vector<16xf32>
        %add3A_640 = arith.addf %add3A_419, %mul3A_639 : vector<16xf32>
        %mul3A_641 = vector.broadcast %squeeze3A_60 : f32 to vector<16xf32>
        %mul3A_642 = arith.mulf %mul3A_641, %add3A_640 : vector<16xf32>
        %add3A_643 = arith.addf %get3A_390, %mul3A_642 : vector<16xf32>
        %swap3A_644 = arith.constant 13 : i32
        %swap3A_645 = arith.index_cast %swap3A_644 : i32 to index
        %swap3A_646 = arith.index_cast %mul3A_385 : i32 to index
        %swap3A_647 = tpu.vector_load %arg7[%swap3A_645, %swap3A_646] {strides = array<i32>} : memref<64x768xf32, #tpu.memory_space<vmem>>, vector<1x16xf32>,
        %swap3A_648 = vector.shape_cast %swap3A_647 : vector<1x16xf32> to vector<16xf32>
        %swap3A_649 = vector.shape_cast %add3A_643 : vector<16xf32> to vector<1x16xf32>
        tpu.vector_store %arg7[%swap3A_645, %swap3A_646], %swap3A_649 {strides = array<i32>} : memref<64x768xf32, #tpu.memory_space<vmem>>, vector<1x16xf32>,
        %mul3A_650 = vector.broadcast %squeeze3A_62 : f32 to vector<16xf32>
        %mul3A_651 = arith.mulf %mul3A_650, %add3A_440 : vector<16xf32>
        %add3A_652 = arith.addf %sub3A_431, %mul3A_651 : vector<16xf32>
        %mul3A_653 = vector.broadcast %squeeze3A_62 : f32 to vector<16xf32>
        %mul3A_654 = arith.mulf %mul3A_653, %add3A_652 : vector<16xf32>
        %add3A_655 = arith.addf %add3A_419, %mul3A_654 : vector<16xf32>
        %mul3A_656 = vector.broadcast %squeeze3A_62 : f32 to vector<16xf32>
        %mul3A_657 = arith.mulf %mul3A_656, %add3A_655 : vector<16xf32>
        %add3A_658 = arith.addf %get3A_390, %mul3A_657 : vector<16xf32>
        %swap3A_659 = arith.constant 14 : i32
        %swap3A_660 = arith.index_cast %swap3A_659 : i32 to index
        %swap3A_661 = arith.index_cast %mul3A_385 : i32 to index
        %swap3A_662 = tpu.vector_load %arg7[%swap3A_660, %swap3A_661] {strides = array<i32>} : memref<64x768xf32, #tpu.memory_space<vmem>>, vector<1x16xf32>,
        %swap3A_663 = vector.shape_cast %swap3A_662 : vector<1x16xf32> to vector<16xf32>
        %swap3A_664 = vector.shape_cast %add3A_658 : vector<16xf32> to vector<1x16xf32>
        tpu.vector_store %arg7[%swap3A_660, %swap3A_661], %swap3A_664 {strides = array<i32>} : memref<64x768xf32, #tpu.memory_space<vmem>>, vector<1x16xf32>,
        %mul3A_665 = vector.broadcast %squeeze3A_64 : f32 to vector<16xf32>
        %mul3A_666 = arith.mulf %mul3A_665, %add3A_440 : vector<16xf32>
        %add3A_667 = arith.addf %sub3A_431, %mul3A_666 : vector<16xf32>
        %mul3A_668 = vector.broadcast %squeeze3A_64 : f32 to vector<16xf32>
        %mul3A_669 = arith.mulf %mul3A_668, %add3A_667 : vector<16xf32>
        %add3A_670 = arith.addf %add3A_419, %mul3A_669 : vector<16xf32>
        %mul3A_671 = vector.broadcast %squeeze3A_64 : f32 to vector<16xf32>
        %mul3A_672 = arith.mulf %mul3A_671, %add3A_670 : vector<16xf32>
        %add3A_673 = arith.addf %get3A_390, %mul3A_672 : vector<16xf32>
        %swap3A_674 = arith.constant 15 : i32
        %swap3A_675 = arith.index_cast %swap3A_674 : i32 to index
        %swap3A_676 = arith.index_cast %mul3A_385 : i32 to index
        %swap3A_677 = tpu.vector_load %arg7[%swap3A_675, %swap3A_676] {strides = array<i32>} : memref<64x768xf32, #tpu.memory_space<vmem>>, vector<1x16xf32>,
        %swap3A_678 = vector.shape_cast %swap3A_677 : vector<1x16xf32> to vector<16xf32>
        %swap3A_679 = vector.shape_cast %add3A_673 : vector<16xf32> to vector<1x16xf32>
        tpu.vector_store %arg7[%swap3A_675, %swap3A_676], %swap3A_679 {strides = array<i32>} : memref<64x768xf32, #tpu.memory_space<vmem>>, vector<1x16xf32>,
        %mul3A_680 = vector.broadcast %squeeze3A_74 : f32 to vector<16xf32>
        %mul3A_681 = arith.mulf %mul3A_680, %add3A_440 : vector<16xf32>
        %add3A_682 = arith.addf %sub3A_431, %mul3A_681 : vector<16xf32>
        %mul3A_683 = vector.broadcast %squeeze3A_74 : f32 to vector<16xf32>
        %mul3A_684 = arith.mulf %mul3A_683, %add3A_682 : vector<16xf32>
        %add3A_685 = arith.addf %add3A_419, %mul3A_684 : vector<16xf32>
        %mul3A_686 = vector.broadcast %squeeze3A_74 : f32 to vector<16xf32>
        %mul3A_687 = arith.mulf %mul3A_686, %add3A_685 : vector<16xf32>
        %add3A_688 = arith.addf %get3A_390, %mul3A_687 : vector<16xf32>
        %swap3A_689 = arith.constant 16 : i32
        %swap3A_690 = arith.index_cast %swap3A_689 : i32 to index
        %swap3A_691 = arith.index_cast %mul3A_385 : i32 to index
        %swap3A_692 = tpu.vector_load %arg7[%swap3A_690, %swap3A_691] {strides = array<i32>} : memref<64x768xf32, #tpu.memory_space<vmem>>, vector<1x16xf32>,
        %swap3A_693 = vector.shape_cast %swap3A_692 : vector<1x16xf32> to vector<16xf32>
        %swap3A_694 = vector.shape_cast %add3A_688 : vector<16xf32> to vector<1x16xf32>
        tpu.vector_store %arg7[%swap3A_690, %swap3A_691], %swap3A_694 {strides = array<i32>} : memref<64x768xf32, #tpu.memory_space<vmem>>, vector<1x16xf32>,
        %mul3A_695 = vector.broadcast %squeeze3A_76 : f32 to vector<16xf32>
        %mul3A_696 = arith.mulf %mul3A_695, %add3A_440 : vector<16xf32>
        %add3A_697 = arith.addf %sub3A_431, %mul3A_696 : vector<16xf32>
        %mul3A_698 = vector.broadcast %squeeze3A_76 : f32 to vector<16xf32>
        %mul3A_699 = arith.mulf %mul3A_698, %add3A_697 : vector<16xf32>
        %add3A_700 = arith.addf %add3A_419, %mul3A_699 : vector<16xf32>
        %mul3A_701 = vector.broadcast %squeeze3A_76 : f32 to vector<16xf32>
        %mul3A_702 = arith.mulf %mul3A_701, %add3A_700 : vector<16xf32>
        %add3A_703 = arith.addf %get3A_390, %mul3A_702 : vector<16xf32>
        %swap3A_704 = arith.constant 17 : i32
        %swap3A_705 = arith.index_cast %swap3A_704 : i32 to index
        %swap3A_706 = arith.index_cast %mul3A_385 : i32 to index
        %swap3A_707 = tpu.vector_load %arg7[%swap3A_705, %swap3A_706] {strides = array<i32>} : memref<64x768xf32, #tpu.memory_space<vmem>>, vector<1x16xf32>,
        %swap3A_708 = vector.shape_cast %swap3A_707 : vector<1x16xf32> to vector<16xf32>
        %swap3A_709 = vector.shape_cast %add3A_703 : vector<16xf32> to vector<1x16xf32>
        tpu.vector_store %arg7[%swap3A_705, %swap3A_706], %swap3A_709 {strides = array<i32>} : memref<64x768xf32, #tpu.memory_space<vmem>>, vector<1x16xf32>,
        %mul3A_710 = vector.broadcast %squeeze3A_78 : f32 to vector<16xf32>
        %mul3A_711 = arith.mulf %mul3A_710, %add3A_440 : vector<16xf32>
        %add3A_712 = arith.addf %sub3A_431, %mul3A_711 : vector<16xf32>
        %mul3A_713 = vector.broadcast %squeeze3A_78 : f32 to vector<16xf32>
        %mul3A_714 = arith.mulf %mul3A_713, %add3A_712 : vector<16xf32>
        %add3A_715 = arith.addf %add3A_419, %mul3A_714 : vector<16xf32>
        %mul3A_716 = vector.broadcast %squeeze3A_78 : f32 to vector<16xf32>
        %mul3A_717 = arith.mulf %mul3A_716, %add3A_715 : vector<16xf32>
        %add3A_718 = arith.addf %get3A_390, %mul3A_717 : vector<16xf32>
        %swap3A_719 = arith.constant 18 : i32
        %swap3A_720 = arith.index_cast %swap3A_719 : i32 to index
        %swap3A_721 = arith.index_cast %mul3A_385 : i32 to index
        %swap3A_722 = tpu.vector_load %arg7[%swap3A_720, %swap3A_721] {strides = array<i32>} : memref<64x768xf32, #tpu.memory_space<vmem>>, vector<1x16xf32>,
        %swap3A_723 = vector.shape_cast %swap3A_722 : vector<1x16xf32> to vector<16xf32>
        %swap3A_724 = vector.shape_cast %add3A_718 : vector<16xf32> to vector<1x16xf32>
        tpu.vector_store %arg7[%swap3A_720, %swap3A_721], %swap3A_724 {strides = array<i32>} : memref<64x768xf32, #tpu.memory_space<vmem>>, vector<1x16xf32>,
        %mul3A_725 = vector.broadcast %squeeze3A_80 : f32 to vector<16xf32>
        %mul3A_726 = arith.mulf %mul3A_725, %add3A_440 : vector<16xf32>
        %add3A_727 = arith.addf %sub3A_431, %mul3A_726 : vector<16xf32>
        %mul3A_728 = vector.broadcast %squeeze3A_80 : f32 to vector<16xf32>
        %mul3A_729 = arith.mulf %mul3A_728, %add3A_727 : vector<16xf32>
        %add3A_730 = arith.addf %add3A_419, %mul3A_729 : vector<16xf32>
        %mul3A_731 = vector.broadcast %squeeze3A_80 : f32 to vector<16xf32>
        %mul3A_732 = arith.mulf %mul3A_731, %add3A_730 : vector<16xf32>
        %add3A_733 = arith.addf %get3A_390, %mul3A_732 : vector<16xf32>
        %swap3A_734 = arith.constant 19 : i32
        %swap3A_735 = arith.index_cast %swap3A_734 : i32 to index
        %swap3A_736 = arith.index_cast %mul3A_385 : i32 to index
        %swap3A_737 = tpu.vector_load %arg7[%swap3A_735, %swap3A_736] {strides = array<i32>} : memref<64x768xf32, #tpu.memory_space<vmem>>, vector<1x16xf32>,
        %swap3A_738 = vector.shape_cast %swap3A_737 : vector<1x16xf32> to vector<16xf32>
        %swap3A_739 = vector.shape_cast %add3A_733 : vector<16xf32> to vector<1x16xf32>
        tpu.vector_store %arg7[%swap3A_735, %swap3A_736], %swap3A_739 {strides = array<i32>} : memref<64x768xf32, #tpu.memory_space<vmem>>, vector<1x16xf32>,
        %mul3A_740 = vector.broadcast %squeeze3A_82 : f32 to vector<16xf32>
        %mul3A_741 = arith.mulf %mul3A_740, %add3A_440 : vector<16xf32>
        %add3A_742 = arith.addf %sub3A_431, %mul3A_741 : vector<16xf32>
        %mul3A_743 = vector.broadcast %squeeze3A_82 : f32 to vector<16xf32>
        %mul3A_744 = arith.mulf %mul3A_743, %add3A_742 : vector<16xf32>
        %add3A_745 = arith.addf %add3A_419, %mul3A_744 : vector<16xf32>
        %mul3A_746 = vector.broadcast %squeeze3A_82 : f32 to vector<16xf32>
        %mul3A_747 = arith.mulf %mul3A_746, %add3A_745 : vector<16xf32>
        %add3A_748 = arith.addf %get3A_390, %mul3A_747 : vector<16xf32>
        %swap3A_749 = arith.constant 20 : i32
        %swap3A_750 = arith.index_cast %swap3A_749 : i32 to index
        %swap3A_751 = arith.index_cast %mul3A_385 : i32 to index
        %swap3A_752 = tpu.vector_load %arg7[%swap3A_750, %swap3A_751] {strides = array<i32>} : memref<64x768xf32, #tpu.memory_space<vmem>>, vector<1x16xf32>,
        %swap3A_753 = vector.shape_cast %swap3A_752 : vector<1x16xf32> to vector<16xf32>
        %swap3A_754 = vector.shape_cast %add3A_748 : vector<16xf32> to vector<1x16xf32>
        tpu.vector_store %arg7[%swap3A_750, %swap3A_751], %swap3A_754 {strides = array<i32>} : memref<64x768xf32, #tpu.memory_space<vmem>>, vector<1x16xf32>,
        %mul3A_755 = vector.broadcast %squeeze3A_84 : f32 to vector<16xf32>
        %mul3A_756 = arith.mulf %mul3A_755, %add3A_440 : vector<16xf32>
        %add3A_757 = arith.addf %sub3A_431, %mul3A_756 : vector<16xf32>
        %mul3A_758 = vector.broadcast %squeeze3A_84 : f32 to vector<16xf32>
        %mul3A_759 = arith.mulf %mul3A_758, %add3A_757 : vector<16xf32>
        %add3A_760 = arith.addf %add3A_419, %mul3A_759 : vector<16xf32>
        %mul3A_761 = vector.broadcast %squeeze3A_84 : f32 to vector<16xf32>
        %mul3A_762 = arith.mulf %mul3A_761, %add3A_760 : vector<16xf32>
        %add3A_763 = arith.addf %get3A_390, %mul3A_762 : vector<16xf32>
        %swap3A_764 = arith.constant 21 : i32
        %swap3A_765 = arith.index_cast %swap3A_764 : i32 to index
        %swap3A_766 = arith.index_cast %mul3A_385 : i32 to index
        %swap3A_767 = tpu.vector_load %arg7[%swap3A_765, %swap3A_766] {strides = array<i32>} : memref<64x768xf32, #tpu.memory_space<vmem>>, vector<1x16xf32>,
        %swap3A_768 = vector.shape_cast %swap3A_767 : vector<1x16xf32> to vector<16xf32>
        %swap3A_769 = vector.shape_cast %add3A_763 : vector<16xf32> to vector<1x16xf32>
        tpu.vector_store %arg7[%swap3A_765, %swap3A_766], %swap3A_769 {strides = array<i32>} : memref<64x768xf32, #tpu.memory_space<vmem>>, vector<1x16xf32>,
        %mul3A_770 = vector.broadcast %squeeze3A_86 : f32 to vector<16xf32>
        %mul3A_771 = arith.mulf %mul3A_770, %add3A_440 : vector<16xf32>
        %add3A_772 = arith.addf %sub3A_431, %mul3A_771 : vector<16xf32>
        %mul3A_773 = vector.broadcast %squeeze3A_86 : f32 to vector<16xf32>
        %mul3A_774 = arith.mulf %mul3A_773, %add3A_772 : vector<16xf32>
        %add3A_775 = arith.addf %add3A_419, %mul3A_774 : vector<16xf32>
        %mul3A_776 = vector.broadcast %squeeze3A_86 : f32 to vector<16xf32>
        %mul3A_777 = arith.mulf %mul3A_776, %add3A_775 : vector<16xf32>
        %add3A_778 = arith.addf %get3A_390, %mul3A_777 : vector<16xf32>
        %swap3A_779 = arith.constant 22 : i32
        %swap3A_780 = arith.index_cast %swap3A_779 : i32 to index
        %swap3A_781 = arith.index_cast %mul3A_385 : i32 to index
        %swap3A_782 = tpu.vector_load %arg7[%swap3A_780, %swap3A_781] {strides = array<i32>} : memref<64x768xf32, #tpu.memory_space<vmem>>, vector<1x16xf32>,
        %swap3A_783 = vector.shape_cast %swap3A_782 : vector<1x16xf32> to vector<16xf32>
        %swap3A_784 = vector.shape_cast %add3A_778 : vector<16xf32> to vector<1x16xf32>
        tpu.vector_store %arg7[%swap3A_780, %swap3A_781], %swap3A_784 {strides = array<i32>} : memref<64x768xf32, #tpu.memory_space<vmem>>, vector<1x16xf32>,
        %mul3A_785 = vector.broadcast %squeeze3A_88 : f32 to vector<16xf32>
        %mul3A_786 = arith.mulf %mul3A_785, %add3A_440 : vector<16xf32>
        %add3A_787 = arith.addf %sub3A_431, %mul3A_786 : vector<16xf32>
        %mul3A_788 = vector.broadcast %squeeze3A_88 : f32 to vector<16xf32>
        %mul3A_789 = arith.mulf %mul3A_788, %add3A_787 : vector<16xf32>
        %add3A_790 = arith.addf %add3A_419, %mul3A_789 : vector<16xf32>
        %mul3A_791 = vector.broadcast %squeeze3A_88 : f32 to vector<16xf32>
        %mul3A_792 = arith.mulf %mul3A_791, %add3A_790 : vector<16xf32>
        %add3A_793 = arith.addf %get3A_390, %mul3A_792 : vector<16xf32>
        %swap3A_794 = arith.constant 23 : i32
        %swap3A_795 = arith.index_cast %swap3A_794 : i32 to index
        %swap3A_796 = arith.index_cast %mul3A_385 : i32 to index
        %swap3A_797 = tpu.vector_load %arg7[%swap3A_795, %swap3A_796] {strides = array<i32>} : memref<64x768xf32, #tpu.memory_space<vmem>>, vector<1x16xf32>,
        %swap3A_798 = vector.shape_cast %swap3A_797 : vector<1x16xf32> to vector<16xf32>
        %swap3A_799 = vector.shape_cast %add3A_793 : vector<16xf32> to vector<1x16xf32>
        tpu.vector_store %arg7[%swap3A_795, %swap3A_796], %swap3A_799 {strides = array<i32>} : memref<64x768xf32, #tpu.memory_space<vmem>>, vector<1x16xf32>,
        %mul3A_800 = vector.broadcast %squeeze3A_90 : f32 to vector<16xf32>
        %mul3A_801 = arith.mulf %mul3A_800, %add3A_440 : vector<16xf32>
        %add3A_802 = arith.addf %sub3A_431, %mul3A_801 : vector<16xf32>
        %mul3A_803 = vector.broadcast %squeeze3A_90 : f32 to vector<16xf32>
        %mul3A_804 = arith.mulf %mul3A_803, %add3A_802 : vector<16xf32>
        %add3A_805 = arith.addf %add3A_419, %mul3A_804 : vector<16xf32>
        %mul3A_806 = vector.broadcast %squeeze3A_90 : f32 to vector<16xf32>
        %mul3A_807 = arith.mulf %mul3A_806, %add3A_805 : vector<16xf32>
        %add3A_808 = arith.addf %get3A_390, %mul3A_807 : vector<16xf32>
        %swap3A_809 = arith.constant 24 : i32
        %swap3A_810 = arith.index_cast %swap3A_809 : i32 to index
        %swap3A_811 = arith.index_cast %mul3A_385 : i32 to index
        %swap3A_812 = tpu.vector_load %arg7[%swap3A_810, %swap3A_811] {strides = array<i32>} : memref<64x768xf32, #tpu.memory_space<vmem>>, vector<1x16xf32>,
        %swap3A_813 = vector.shape_cast %swap3A_812 : vector<1x16xf32> to vector<16xf32>
        %swap3A_814 = vector.shape_cast %add3A_808 : vector<16xf32> to vector<1x16xf32>
        tpu.vector_store %arg7[%swap3A_810, %swap3A_811], %swap3A_814 {strides = array<i32>} : memref<64x768xf32, #tpu.memory_space<vmem>>, vector<1x16xf32>,
        %mul3A_815 = vector.broadcast %squeeze3A_92 : f32 to vector<16xf32>
        %mul3A_816 = arith.mulf %mul3A_815, %add3A_440 : vector<16xf32>
        %add3A_817 = arith.addf %sub3A_431, %mul3A_816 : vector<16xf32>
        %mul3A_818 = vector.broadcast %squeeze3A_92 : f32 to vector<16xf32>
        %mul3A_819 = arith.mulf %mul3A_818, %add3A_817 : vector<16xf32>
        %add3A_820 = arith.addf %add3A_419, %mul3A_819 : vector<16xf32>
        %mul3A_821 = vector.broadcast %squeeze3A_92 : f32 to vector<16xf32>
        %mul3A_822 = arith.mulf %mul3A_821, %add3A_820 : vector<16xf32>
        %add3A_823 = arith.addf %get3A_390, %mul3A_822 : vector<16xf32>
        %swap3A_824 = arith.constant 25 : i32
        %swap3A_825 = arith.index_cast %swap3A_824 : i32 to index
        %swap3A_826 = arith.index_cast %mul3A_385 : i32 to index
        %swap3A_827 = tpu.vector_load %arg7[%swap3A_825, %swap3A_826] {strides = array<i32>} : memref<64x768xf32, #tpu.memory_space<vmem>>, vector<1x16xf32>,
        %swap3A_828 = vector.shape_cast %swap3A_827 : vector<1x16xf32> to vector<16xf32>
        %swap3A_829 = vector.shape_cast %add3A_823 : vector<16xf32> to vector<1x16xf32>
        tpu.vector_store %arg7[%swap3A_825, %swap3A_826], %swap3A_829 {strides = array<i32>} : memref<64x768xf32, #tpu.memory_space<vmem>>, vector<1x16xf32>,
        %mul3A_830 = vector.broadcast %squeeze3A_94 : f32 to vector<16xf32>
        %mul3A_831 = arith.mulf %mul3A_830, %add3A_440 : vector<16xf32>
        %add3A_832 = arith.addf %sub3A_431, %mul3A_831 : vector<16xf32>
        %mul3A_833 = vector.broadcast %squeeze3A_94 : f32 to vector<16xf32>
        %mul3A_834 = arith.mulf %mul3A_833, %add3A_832 : vector<16xf32>
        %add3A_835 = arith.addf %add3A_419, %mul3A_834 : vector<16xf32>
        %mul3A_836 = vector.broadcast %squeeze3A_94 : f32 to vector<16xf32>
        %mul3A_837 = arith.mulf %mul3A_836, %add3A_835 : vector<16xf32>
        %add3A_838 = arith.addf %get3A_390, %mul3A_837 : vector<16xf32>
        %swap3A_839 = arith.constant 26 : i32
        %swap3A_840 = arith.index_cast %swap3A_839 : i32 to index
        %swap3A_841 = arith.index_cast %mul3A_385 : i32 to index
        %swap3A_842 = tpu.vector_load %arg7[%swap3A_840, %swap3A_841] {strides = array<i32>} : memref<64x768xf32, #tpu.memory_space<vmem>>, vector<1x16xf32>,
        %swap3A_843 = vector.shape_cast %swap3A_842 : vector<1x16xf32> to vector<16xf32>
        %swap3A_844 = vector.shape_cast %add3A_838 : vector<16xf32> to vector<1x16xf32>
        tpu.vector_store %arg7[%swap3A_840, %swap3A_841], %swap3A_844 {strides = array<i32>} : memref<64x768xf32, #tpu.memory_space<vmem>>, vector<1x16xf32>,
        %mul3A_845 = vector.broadcast %squeeze3A_96 : f32 to vector<16xf32>
        %mul3A_846 = arith.mulf %mul3A_845, %add3A_440 : vector<16xf32>
        %add3A_847 = arith.addf %sub3A_431, %mul3A_846 : vector<16xf32>
        %mul3A_848 = vector.broadcast %squeeze3A_96 : f32 to vector<16xf32>
        %mul3A_849 = arith.mulf %mul3A_848, %add3A_847 : vector<16xf32>
        %add3A_850 = arith.addf %add3A_419, %mul3A_849 : vector<16xf32>
        %mul3A_851 = vector.broadcast %squeeze3A_96 : f32 to vector<16xf32>
        %mul3A_852 = arith.mulf %mul3A_851, %add3A_850 : vector<16xf32>
        %add3A_853 = arith.addf %get3A_390, %mul3A_852 : vector<16xf32>
        %swap3A_854 = arith.constant 27 : i32
        %swap3A_855 = arith.index_cast %swap3A_854 : i32 to index
        %swap3A_856 = arith.index_cast %mul3A_385 : i32 to index
        %swap3A_857 = tpu.vector_load %arg7[%swap3A_855, %swap3A_856] {strides = array<i32>} : memref<64x768xf32, #tpu.memory_space<vmem>>, vector<1x16xf32>,
        %swap3A_858 = vector.shape_cast %swap3A_857 : vector<1x16xf32> to vector<16xf32>
        %swap3A_859 = vector.shape_cast %add3A_853 : vector<16xf32> to vector<1x16xf32>
        tpu.vector_store %arg7[%swap3A_855, %swap3A_856], %swap3A_859 {strides = array<i32>} : memref<64x768xf32, #tpu.memory_space<vmem>>, vector<1x16xf32>,
        %mul3A_860 = vector.broadcast %squeeze3A_98 : f32 to vector<16xf32>
        %mul3A_861 = arith.mulf %mul3A_860, %add3A_440 : vector<16xf32>
        %add3A_862 = arith.addf %sub3A_431, %mul3A_861 : vector<16xf32>
        %mul3A_863 = vector.broadcast %squeeze3A_98 : f32 to vector<16xf32>
        %mul3A_864 = arith.mulf %mul3A_863, %add3A_862 : vector<16xf32>
        %add3A_865 = arith.addf %add3A_419, %mul3A_864 : vector<16xf32>
        %mul3A_866 = vector.broadcast %squeeze3A_98 : f32 to vector<16xf32>
        %mul3A_867 = arith.mulf %mul3A_866, %add3A_865 : vector<16xf32>
        %add3A_868 = arith.addf %get3A_390, %mul3A_867 : vector<16xf32>
        %swap3A_869 = arith.constant 28 : i32
        %swap3A_870 = arith.index_cast %swap3A_869 : i32 to index
        %swap3A_871 = arith.index_cast %mul3A_385 : i32 to index
        %swap3A_872 = tpu.vector_load %arg7[%swap3A_870, %swap3A_871] {strides = array<i32>} : memref<64x768xf32, #tpu.memory_space<vmem>>, vector<1x16xf32>,
        %swap3A_873 = vector.shape_cast %swap3A_872 : vector<1x16xf32> to vector<16xf32>
        %swap3A_874 = vector.shape_cast %add3A_868 : vector<16xf32> to vector<1x16xf32>
        tpu.vector_store %arg7[%swap3A_870, %swap3A_871], %swap3A_874 {strides = array<i32>} : memref<64x768xf32, #tpu.memory_space<vmem>>, vector<1x16xf32>,
        %mul3A_875 = vector.broadcast %squeeze3A_100 : f32 to vector<16xf32>
        %mul3A_876 = arith.mulf %mul3A_875, %add3A_440 : vector<16xf32>
        %add3A_877 = arith.addf %sub3A_431, %mul3A_876 : vector<16xf32>
        %mul3A_878 = vector.broadcast %squeeze3A_100 : f32 to vector<16xf32>
        %mul3A_879 = arith.mulf %mul3A_878, %add3A_877 : vector<16xf32>
        %add3A_880 = arith.addf %add3A_419, %mul3A_879 : vector<16xf32>
        %mul3A_881 = vector.broadcast %squeeze3A_100 : f32 to vector<16xf32>
        %mul3A_882 = arith.mulf %mul3A_881, %add3A_880 : vector<16xf32>
        %add3A_883 = arith.addf %get3A_390, %mul3A_882 : vector<16xf32>
        %swap3A_884 = arith.constant 29 : i32
        %swap3A_885 = arith.index_cast %swap3A_884 : i32 to index
        %swap3A_886 = arith.index_cast %mul3A_385 : i32 to index
        %swap3A_887 = tpu.vector_load %arg7[%swap3A_885, %swap3A_886] {strides = array<i32>} : memref<64x768xf32, #tpu.memory_space<vmem>>, vector<1x16xf32>,
        %swap3A_888 = vector.shape_cast %swap3A_887 : vector<1x16xf32> to vector<16xf32>
        %swap3A_889 = vector.shape_cast %add3A_883 : vector<16xf32> to vector<1x16xf32>
        tpu.vector_store %arg7[%swap3A_885, %swap3A_886], %swap3A_889 {strides = array<i32>} : memref<64x768xf32, #tpu.memory_space<vmem>>, vector<1x16xf32>,
        %mul3A_890 = vector.broadcast %squeeze3A_102 : f32 to vector<16xf32>
        %mul3A_891 = arith.mulf %mul3A_890, %add3A_440 : vector<16xf32>
        %add3A_892 = arith.addf %sub3A_431, %mul3A_891 : vector<16xf32>
        %mul3A_893 = vector.broadcast %squeeze3A_102 : f32 to vector<16xf32>
        %mul3A_894 = arith.mulf %mul3A_893, %add3A_892 : vector<16xf32>
        %add3A_895 = arith.addf %add3A_419, %mul3A_894 : vector<16xf32>
        %mul3A_896 = vector.broadcast %squeeze3A_102 : f32 to vector<16xf32>
        %mul3A_897 = arith.mulf %mul3A_896, %add3A_895 : vector<16xf32>
        %add3A_898 = arith.addf %get3A_390, %mul3A_897 : vector<16xf32>
        %swap3A_899 = arith.constant 30 : i32
        %swap3A_900 = arith.index_cast %swap3A_899 : i32 to index
        %swap3A_901 = arith.index_cast %mul3A_385 : i32 to index
        %swap3A_902 = tpu.vector_load %arg7[%swap3A_900, %swap3A_901] {strides = array<i32>} : memref<64x768xf32, #tpu.memory_space<vmem>>, vector<1x16xf32>,
        %swap3A_903 = vector.shape_cast %swap3A_902 : vector<1x16xf32> to vector<16xf32>
        %swap3A_904 = vector.shape_cast %add3A_898 : vector<16xf32> to vector<1x16xf32>
        tpu.vector_store %arg7[%swap3A_900, %swap3A_901], %swap3A_904 {strides = array<i32>} : memref<64x768xf32, #tpu.memory_space<vmem>>, vector<1x16xf32>,
        %mul3A_905 = vector.broadcast %squeeze3A_104 : f32 to vector<16xf32>
        %mul3A_906 = arith.mulf %mul3A_905, %add3A_440 : vector<16xf32>
        %add3A_907 = arith.addf %sub3A_431, %mul3A_906 : vector<16xf32>
        %mul3A_908 = vector.broadcast %squeeze3A_104 : f32 to vector<16xf32>
        %mul3A_909 = arith.mulf %mul3A_908, %add3A_907 : vector<16xf32>
        %add3A_910 = arith.addf %add3A_419, %mul3A_909 : vector<16xf32>
        %mul3A_911 = vector.broadcast %squeeze3A_104 : f32 to vector<16xf32>
        %mul3A_912 = arith.mulf %mul3A_911, %add3A_910 : vector<16xf32>
        %add3A_913 = arith.addf %get3A_390, %mul3A_912 : vector<16xf32>
        %swap3A_914 = arith.constant 31 : i32
        %swap3A_915 = arith.index_cast %swap3A_914 : i32 to index
        %swap3A_916 = arith.index_cast %mul3A_385 : i32 to index
        %swap3A_917 = tpu.vector_load %arg7[%swap3A_915, %swap3A_916] {strides = array<i32>} : memref<64x768xf32, #tpu.memory_space<vmem>>, vector<1x16xf32>,
        %swap3A_918 = vector.shape_cast %swap3A_917 : vector<1x16xf32> to vector<16xf32>
        %swap3A_919 = vector.shape_cast %add3A_913 : vector<16xf32> to vector<1x16xf32>
        tpu.vector_store %arg7[%swap3A_915, %swap3A_916], %swap3A_919 {strides = array<i32>} : memref<64x768xf32, #tpu.memory_space<vmem>>, vector<1x16xf32>,
        %mul3A_920 = vector.broadcast %squeeze3A_114 : f32 to vector<16xf32>
        %mul3A_921 = arith.mulf %mul3A_920, %add3A_440 : vector<16xf32>
        %add3A_922 = arith.addf %sub3A_431, %mul3A_921 : vector<16xf32>
        %mul3A_923 = vector.broadcast %squeeze3A_114 : f32 to vector<16xf32>
        %mul3A_924 = arith.mulf %mul3A_923, %add3A_922 : vector<16xf32>
        %add3A_925 = arith.addf %add3A_419, %mul3A_924 : vector<16xf32>
        %mul3A_926 = vector.broadcast %squeeze3A_114 : f32 to vector<16xf32>
        %mul3A_927 = arith.mulf %mul3A_926, %add3A_925 : vector<16xf32>
        %add3A_928 = arith.addf %get3A_390, %mul3A_927 : vector<16xf32>
        %swap3A_929 = arith.constant 32 : i32
        %swap3A_930 = arith.index_cast %swap3A_929 : i32 to index
        %swap3A_931 = arith.index_cast %mul3A_385 : i32 to index
        %swap3A_932 = tpu.vector_load %arg7[%swap3A_930, %swap3A_931] {strides = array<i32>} : memref<64x768xf32, #tpu.memory_space<vmem>>, vector<1x16xf32>,
        %swap3A_933 = vector.shape_cast %swap3A_932 : vector<1x16xf32> to vector<16xf32>
        %swap3A_934 = vector.shape_cast %add3A_928 : vector<16xf32> to vector<1x16xf32>
        tpu.vector_store %arg7[%swap3A_930, %swap3A_931], %swap3A_934 {strides = array<i32>} : memref<64x768xf32, #tpu.memory_space<vmem>>, vector<1x16xf32>,
        %mul3A_935 = vector.broadcast %squeeze3A_116 : f32 to vector<16xf32>
        %mul3A_936 = arith.mulf %mul3A_935, %add3A_440 : vector<16xf32>
        %add3A_937 = arith.addf %sub3A_431, %mul3A_936 : vector<16xf32>
        %mul3A_938 = vector.broadcast %squeeze3A_116 : f32 to vector<16xf32>
        %mul3A_939 = arith.mulf %mul3A_938, %add3A_937 : vector<16xf32>
        %add3A_940 = arith.addf %add3A_419, %mul3A_939 : vector<16xf32>
        %mul3A_941 = vector.broadcast %squeeze3A_116 : f32 to vector<16xf32>
        %mul3A_942 = arith.mulf %mul3A_941, %add3A_940 : vector<16xf32>
        %add3A_943 = arith.addf %get3A_390, %mul3A_942 : vector<16xf32>
        %swap3A_944 = arith.constant 33 : i32
        %swap3A_945 = arith.index_cast %swap3A_944 : i32 to index
        %swap3A_946 = arith.index_cast %mul3A_385 : i32 to index
        %swap3A_947 = tpu.vector_load %arg7[%swap3A_945, %swap3A_946] {strides = array<i32>} : memref<64x768xf32, #tpu.memory_space<vmem>>, vector<1x16xf32>,
        %swap3A_948 = vector.shape_cast %swap3A_947 : vector<1x16xf32> to vector<16xf32>
        %swap3A_949 = vector.shape_cast %add3A_943 : vector<16xf32> to vector<1x16xf32>
        tpu.vector_store %arg7[%swap3A_945, %swap3A_946], %swap3A_949 {strides = array<i32>} : memref<64x768xf32, #tpu.memory_space<vmem>>, vector<1x16xf32>,
        %mul3A_950 = vector.broadcast %squeeze3A_118 : f32 to vector<16xf32>
        %mul3A_951 = arith.mulf %mul3A_950, %add3A_440 : vector<16xf32>
        %add3A_952 = arith.addf %sub3A_431, %mul3A_951 : vector<16xf32>
        %mul3A_953 = vector.broadcast %squeeze3A_118 : f32 to vector<16xf32>
        %mul3A_954 = arith.mulf %mul3A_953, %add3A_952 : vector<16xf32>
        %add3A_955 = arith.addf %add3A_419, %mul3A_954 : vector<16xf32>
        %mul3A_956 = vector.broadcast %squeeze3A_118 : f32 to vector<16xf32>
        %mul3A_957 = arith.mulf %mul3A_956, %add3A_955 : vector<16xf32>
        %add3A_958 = arith.addf %get3A_390, %mul3A_957 : vector<16xf32>
        %swap3A_959 = arith.constant 34 : i32
        %swap3A_960 = arith.index_cast %swap3A_959 : i32 to index
        %swap3A_961 = arith.index_cast %mul3A_385 : i32 to index
        %swap3A_962 = tpu.vector_load %arg7[%swap3A_960, %swap3A_961] {strides = array<i32>} : memref<64x768xf32, #tpu.memory_space<vmem>>, vector<1x16xf32>,
        %swap3A_963 = vector.shape_cast %swap3A_962 : vector<1x16xf32> to vector<16xf32>
        %swap3A_964 = vector.shape_cast %add3A_958 : vector<16xf32> to vector<1x16xf32>
        tpu.vector_store %arg7[%swap3A_960, %swap3A_961], %swap3A_964 {strides = array<i32>} : memref<64x768xf32, #tpu.memory_space<vmem>>, vector<1x16xf32>,
        %mul3A_965 = vector.broadcast %squeeze3A_120 : f32 to vector<16xf32>
        %mul3A_966 = arith.mulf %mul3A_965, %add3A_440 : vector<16xf32>
        %add3A_967 = arith.addf %sub3A_431, %mul3A_966 : vector<16xf32>
        %mul3A_968 = vector.broadcast %squeeze3A_120 : f32 to vector<16xf32>
        %mul3A_969 = arith.mulf %mul3A_968, %add3A_967 : vector<16xf32>
        %add3A_970 = arith.addf %add3A_419, %mul3A_969 : vector<16xf32>
        %mul3A_971 = vector.broadcast %squeeze3A_120 : f32 to vector<16xf32>
        %mul3A_972 = arith.mulf %mul3A_971, %add3A_970 : vector<16xf32>
        %add3A_973 = arith.addf %get3A_390, %mul3A_972 : vector<16xf32>
        %swap3A_974 = arith.constant 35 : i32
        %swap3A_975 = arith.index_cast %swap3A_974 : i32 to index
        %swap3A_976 = arith.index_cast %mul3A_385 : i32 to index
        %swap3A_977 = tpu.vector_load %arg7[%swap3A_975, %swap3A_976] {strides = array<i32>} : memref<64x768xf32, #tpu.memory_space<vmem>>, vector<1x16xf32>,
        %swap3A_978 = vector.shape_cast %swap3A_977 : vector<1x16xf32> to vector<16xf32>
        %swap3A_979 = vector.shape_cast %add3A_973 : vector<16xf32> to vector<1x16xf32>
        tpu.vector_store %arg7[%swap3A_975, %swap3A_976], %swap3A_979 {strides = array<i32>} : memref<64x768xf32, #tpu.memory_space<vmem>>, vector<1x16xf32>,
        %mul3A_980 = vector.broadcast %squeeze3A_122 : f32 to vector<16xf32>
        %mul3A_981 = arith.mulf %mul3A_980, %add3A_440 : vector<16xf32>
        %add3A_982 = arith.addf %sub3A_431, %mul3A_981 : vector<16xf32>
        %mul3A_983 = vector.broadcast %squeeze3A_122 : f32 to vector<16xf32>
        %mul3A_984 = arith.mulf %mul3A_983, %add3A_982 : vector<16xf32>
        %add3A_985 = arith.addf %add3A_419, %mul3A_984 : vector<16xf32>
        %mul3A_986 = vector.broadcast %squeeze3A_122 : f32 to vector<16xf32>
        %mul3A_987 = arith.mulf %mul3A_986, %add3A_985 : vector<16xf32>
        %add3A_988 = arith.addf %get3A_390, %mul3A_987 : vector<16xf32>
        %swap3A_989 = arith.constant 36 : i32
        %swap3A_990 = arith.index_cast %swap3A_989 : i32 to index
        %swap3A_991 = arith.index_cast %mul3A_385 : i32 to index
        %swap3A_992 = tpu.vector_load %arg7[%swap3A_990, %swap3A_991] {strides = array<i32>} : memref<64x768xf32, #tpu.memory_space<vmem>>, vector<1x16xf32>,
        %swap3A_993 = vector.shape_cast %swap3A_992 : vector<1x16xf32> to vector<16xf32>
        %swap3A_994 = vector.shape_cast %add3A_988 : vector<16xf32> to vector<1x16xf32>
        tpu.vector_store %arg7[%swap3A_990, %swap3A_991], %swap3A_994 {strides = array<i32>} : memref<64x768xf32, #tpu.memory_space<vmem>>, vector<1x16xf32>,
        %mul3A_995 = vector.broadcast %squeeze3A_124 : f32 to vector<16xf32>
        %mul3A_996 = arith.mulf %mul3A_995, %add3A_440 : vector<16xf32>
        %add3A_997 = arith.addf %sub3A_431, %mul3A_996 : vector<16xf32>
        %mul3A_998 = vector.broadcast %squeeze3A_124 : f32 to vector<16xf32>
        %mul3A_999 = arith.mulf %mul3A_998, %add3A_997 : vector<16xf32>
        %add3A_1000 = arith.addf %add3A_419, %mul3A_999 : vector<16xf32>
        %mul3A_1001 = vector.broadcast %squeeze3A_124 : f32 to vector<16xf32>
        %mul3A_1002 = arith.mulf %mul3A_1001, %add3A_1000 : vector<16xf32>
        %add3A_1003 = arith.addf %get3A_390, %mul3A_1002 : vector<16xf32>
        %swap3A_1004 = arith.constant 37 : i32
        %swap3A_1005 = arith.index_cast %swap3A_1004 : i32 to index
        %swap3A_1006 = arith.index_cast %mul3A_385 : i32 to index
        %swap3A_1007 = tpu.vector_load %arg7[%swap3A_1005, %swap3A_1006] {strides = array<i32>} : memref<64x768xf32, #tpu.memory_space<vmem>>, vector<1x16xf32>,
        %swap3A_1008 = vector.shape_cast %swap3A_1007 : vector<1x16xf32> to vector<16xf32>
        %swap3A_1009 = vector.shape_cast %add3A_1003 : vector<16xf32> to vector<1x16xf32>
        tpu.vector_store %arg7[%swap3A_1005, %swap3A_1006], %swap3A_1009 {strides = array<i32>} : memref<64x768xf32, #tpu.memory_space<vmem>>, vector<1x16xf32>,
        %mul3A_1010 = vector.broadcast %squeeze3A_126 : f32 to vector<16xf32>
        %mul3A_1011 = arith.mulf %mul3A_1010, %add3A_440 : vector<16xf32>
        %add3A_1012 = arith.addf %sub3A_431, %mul3A_1011 : vector<16xf32>
        %mul3A_1013 = vector.broadcast %squeeze3A_126 : f32 to vector<16xf32>
        %mul3A_1014 = arith.mulf %mul3A_1013, %add3A_1012 : vector<16xf32>
        %add3A_1015 = arith.addf %add3A_419, %mul3A_1014 : vector<16xf32>
        %mul3A_1016 = vector.broadcast %squeeze3A_126 : f32 to vector<16xf32>
        %mul3A_1017 = arith.mulf %mul3A_1016, %add3A_1015 : vector<16xf32>
        %add3A_1018 = arith.addf %get3A_390, %mul3A_1017 : vector<16xf32>
        %swap3A_1019 = arith.constant 38 : i32
        %swap3A_1020 = arith.index_cast %swap3A_1019 : i32 to index
        %swap3A_1021 = arith.index_cast %mul3A_385 : i32 to index
        %swap3A_1022 = tpu.vector_load %arg7[%swap3A_1020, %swap3A_1021] {strides = array<i32>} : memref<64x768xf32, #tpu.memory_space<vmem>>, vector<1x16xf32>,
        %swap3A_1023 = vector.shape_cast %swap3A_1022 : vector<1x16xf32> to vector<16xf32>
        %swap3A_1024 = vector.shape_cast %add3A_1018 : vector<16xf32> to vector<1x16xf32>
        tpu.vector_store %arg7[%swap3A_1020, %swap3A_1021], %swap3A_1024 {strides = array<i32>} : memref<64x768xf32, #tpu.memory_space<vmem>>, vector<1x16xf32>,
        %mul3A_1025 = vector.broadcast %squeeze3A_128 : f32 to vector<16xf32>
        %mul3A_1026 = arith.mulf %mul3A_1025, %add3A_440 : vector<16xf32>
        %add3A_1027 = arith.addf %sub3A_431, %mul3A_1026 : vector<16xf32>
        %mul3A_1028 = vector.broadcast %squeeze3A_128 : f32 to vector<16xf32>
        %mul3A_1029 = arith.mulf %mul3A_1028, %add3A_1027 : vector<16xf32>
        %add3A_1030 = arith.addf %add3A_419, %mul3A_1029 : vector<16xf32>
        %mul3A_1031 = vector.broadcast %squeeze3A_128 : f32 to vector<16xf32>
        %mul3A_1032 = arith.mulf %mul3A_1031, %add3A_1030 : vector<16xf32>
        %add3A_1033 = arith.addf %get3A_390, %mul3A_1032 : vector<16xf32>
        %swap3A_1034 = arith.constant 39 : i32
        %swap3A_1035 = arith.index_cast %swap3A_1034 : i32 to index
        %swap3A_1036 = arith.index_cast %mul3A_385 : i32 to index
        %swap3A_1037 = tpu.vector_load %arg7[%swap3A_1035, %swap3A_1036] {strides = array<i32>} : memref<64x768xf32, #tpu.memory_space<vmem>>, vector<1x16xf32>,
        %swap3A_1038 = vector.shape_cast %swap3A_1037 : vector<1x16xf32> to vector<16xf32>
        %swap3A_1039 = vector.shape_cast %add3A_1033 : vector<16xf32> to vector<1x16xf32>
        tpu.vector_store %arg7[%swap3A_1035, %swap3A_1036], %swap3A_1039 {strides = array<i32>} : memref<64x768xf32, #tpu.memory_space<vmem>>, vector<1x16xf32>,
        %mul3A_1040 = vector.broadcast %squeeze3A_130 : f32 to vector<16xf32>
        %mul3A_1041 = arith.mulf %mul3A_1040, %add3A_440 : vector<16xf32>
        %add3A_1042 = arith.addf %sub3A_431, %mul3A_1041 : vector<16xf32>
        %mul3A_1043 = vector.broadcast %squeeze3A_130 : f32 to vector<16xf32>
        %mul3A_1044 = arith.mulf %mul3A_1043, %add3A_1042 : vector<16xf32>
        %add3A_1045 = arith.addf %add3A_419, %mul3A_1044 : vector<16xf32>
        %mul3A_1046 = vector.broadcast %squeeze3A_130 : f32 to vector<16xf32>
        %mul3A_1047 = arith.mulf %mul3A_1046, %add3A_1045 : vector<16xf32>
        %add3A_1048 = arith.addf %get3A_390, %mul3A_1047 : vector<16xf32>
        %swap3A_1049 = arith.constant 40 : i32
        %swap3A_1050 = arith.index_cast %swap3A_1049 : i32 to index
        %swap3A_1051 = arith.index_cast %mul3A_385 : i32 to index
        %swap3A_1052 = tpu.vector_load %arg7[%swap3A_1050, %swap3A_1051] {strides = array<i32>} : memref<64x768xf32, #tpu.memory_space<vmem>>, vector<1x16xf32>,
        %swap3A_1053 = vector.shape_cast %swap3A_1052 : vector<1x16xf32> to vector<16xf32>
        %swap3A_1054 = vector.shape_cast %add3A_1048 : vector<16xf32> to vector<1x16xf32>
        tpu.vector_store %arg7[%swap3A_1050, %swap3A_1051], %swap3A_1054 {strides = array<i32>} : memref<64x768xf32, #tpu.memory_space<vmem>>, vector<1x16xf32>,
        %mul3A_1055 = vector.broadcast %squeeze3A_132 : f32 to vector<16xf32>
        %mul3A_1056 = arith.mulf %mul3A_1055, %add3A_440 : vector<16xf32>
        %add3A_1057 = arith.addf %sub3A_431, %mul3A_1056 : vector<16xf32>
        %mul3A_1058 = vector.broadcast %squeeze3A_132 : f32 to vector<16xf32>
        %mul3A_1059 = arith.mulf %mul3A_1058, %add3A_1057 : vector<16xf32>
        %add3A_1060 = arith.addf %add3A_419, %mul3A_1059 : vector<16xf32>
        %mul3A_1061 = vector.broadcast %squeeze3A_132 : f32 to vector<16xf32>
        %mul3A_1062 = arith.mulf %mul3A_1061, %add3A_1060 : vector<16xf32>
        %add3A_1063 = arith.addf %get3A_390, %mul3A_1062 : vector<16xf32>
        %swap3A_1064 = arith.constant 41 : i32
        %swap3A_1065 = arith.index_cast %swap3A_1064 : i32 to index
        %swap3A_1066 = arith.index_cast %mul3A_385 : i32 to index
        %swap3A_1067 = tpu.vector_load %arg7[%swap3A_1065, %swap3A_1066] {strides = array<i32>} : memref<64x768xf32, #tpu.memory_space<vmem>>, vector<1x16xf32>,
        %swap3A_1068 = vector.shape_cast %swap3A_1067 : vector<1x16xf32> to vector<16xf32>
        %swap3A_1069 = vector.shape_cast %add3A_1063 : vector<16xf32> to vector<1x16xf32>
        tpu.vector_store %arg7[%swap3A_1065, %swap3A_1066], %swap3A_1069 {strides = array<i32>} : memref<64x768xf32, #tpu.memory_space<vmem>>, vector<1x16xf32>,
        %mul3A_1070 = vector.broadcast %squeeze3A_134 : f32 to vector<16xf32>
        %mul3A_1071 = arith.mulf %mul3A_1070, %add3A_440 : vector<16xf32>
        %add3A_1072 = arith.addf %sub3A_431, %mul3A_1071 : vector<16xf32>
        %mul3A_1073 = vector.broadcast %squeeze3A_134 : f32 to vector<16xf32>
        %mul3A_1074 = arith.mulf %mul3A_1073, %add3A_1072 : vector<16xf32>
        %add3A_1075 = arith.addf %add3A_419, %mul3A_1074 : vector<16xf32>
        %mul3A_1076 = vector.broadcast %squeeze3A_134 : f32 to vector<16xf32>
        %mul3A_1077 = arith.mulf %mul3A_1076, %add3A_1075 : vector<16xf32>
        %add3A_1078 = arith.addf %get3A_390, %mul3A_1077 : vector<16xf32>
        %swap3A_1079 = arith.constant 42 : i32
        %swap3A_1080 = arith.index_cast %swap3A_1079 : i32 to index
        %swap3A_1081 = arith.index_cast %mul3A_385 : i32 to index
        %swap3A_1082 = tpu.vector_load %arg7[%swap3A_1080, %swap3A_1081] {strides = array<i32>} : memref<64x768xf32, #tpu.memory_space<vmem>>, vector<1x16xf32>,
        %swap3A_1083 = vector.shape_cast %swap3A_1082 : vector<1x16xf32> to vector<16xf32>
        %swap3A_1084 = vector.shape_cast %add3A_1078 : vector<16xf32> to vector<1x16xf32>
        tpu.vector_store %arg7[%swap3A_1080, %swap3A_1081], %swap3A_1084 {strides = array<i32>} : memref<64x768xf32, #tpu.memory_space<vmem>>, vector<1x16xf32>,
        %mul3A_1085 = vector.broadcast %squeeze3A_136 : f32 to vector<16xf32>
        %mul3A_1086 = arith.mulf %mul3A_1085, %add3A_440 : vector<16xf32>
        %add3A_1087 = arith.addf %sub3A_431, %mul3A_1086 : vector<16xf32>
        %mul3A_1088 = vector.broadcast %squeeze3A_136 : f32 to vector<16xf32>
        %mul3A_1089 = arith.mulf %mul3A_1088, %add3A_1087 : vector<16xf32>
        %add3A_1090 = arith.addf %add3A_419, %mul3A_1089 : vector<16xf32>
        %mul3A_1091 = vector.broadcast %squeeze3A_136 : f32 to vector<16xf32>
        %mul3A_1092 = arith.mulf %mul3A_1091, %add3A_1090 : vector<16xf32>
        %add3A_1093 = arith.addf %get3A_390, %mul3A_1092 : vector<16xf32>
        %swap3A_1094 = arith.constant 43 : i32
        %swap3A_1095 = arith.index_cast %swap3A_1094 : i32 to index
        %swap3A_1096 = arith.index_cast %mul3A_385 : i32 to index
        %swap3A_1097 = tpu.vector_load %arg7[%swap3A_1095, %swap3A_1096] {strides = array<i32>} : memref<64x768xf32, #tpu.memory_space<vmem>>, vector<1x16xf32>,
        %swap3A_1098 = vector.shape_cast %swap3A_1097 : vector<1x16xf32> to vector<16xf32>
        %swap3A_1099 = vector.shape_cast %add3A_1093 : vector<16xf32> to vector<1x16xf32>
        tpu.vector_store %arg7[%swap3A_1095, %swap3A_1096], %swap3A_1099 {strides = array<i32>} : memref<64x768xf32, #tpu.memory_space<vmem>>, vector<1x16xf32>,
        %mul3A_1100 = vector.broadcast %squeeze3A_138 : f32 to vector<16xf32>
        %mul3A_1101 = arith.mulf %mul3A_1100, %add3A_440 : vector<16xf32>
        %add3A_1102 = arith.addf %sub3A_431, %mul3A_1101 : vector<16xf32>
        %mul3A_1103 = vector.broadcast %squeeze3A_138 : f32 to vector<16xf32>
        %mul3A_1104 = arith.mulf %mul3A_1103, %add3A_1102 : vector<16xf32>
        %add3A_1105 = arith.addf %add3A_419, %mul3A_1104 : vector<16xf32>
        %mul3A_1106 = vector.broadcast %squeeze3A_138 : f32 to vector<16xf32>
        %mul3A_1107 = arith.mulf %mul3A_1106, %add3A_1105 : vector<16xf32>
        %add3A_1108 = arith.addf %get3A_390, %mul3A_1107 : vector<16xf32>
        %swap3A_1109 = arith.constant 44 : i32
        %swap3A_1110 = arith.index_cast %swap3A_1109 : i32 to index
        %swap3A_1111 = arith.index_cast %mul3A_385 : i32 to index
        %swap3A_1112 = tpu.vector_load %arg7[%swap3A_1110, %swap3A_1111] {strides = array<i32>} : memref<64x768xf32, #tpu.memory_space<vmem>>, vector<1x16xf32>,
        %swap3A_1113 = vector.shape_cast %swap3A_1112 : vector<1x16xf32> to vector<16xf32>
        %swap3A_1114 = vector.shape_cast %add3A_1108 : vector<16xf32> to vector<1x16xf32>
        tpu.vector_store %arg7[%swap3A_1110, %swap3A_1111], %swap3A_1114 {strides = array<i32>} : memref<64x768xf32, #tpu.memory_space<vmem>>, vector<1x16xf32>,
        %mul3A_1115 = vector.broadcast %squeeze3A_140 : f32 to vector<16xf32>
        %mul3A_1116 = arith.mulf %mul3A_1115, %add3A_440 : vector<16xf32>
        %add3A_1117 = arith.addf %sub3A_431, %mul3A_1116 : vector<16xf32>
        %mul3A_1118 = vector.broadcast %squeeze3A_140 : f32 to vector<16xf32>
        %mul3A_1119 = arith.mulf %mul3A_1118, %add3A_1117 : vector<16xf32>
        %add3A_1120 = arith.addf %add3A_419, %mul3A_1119 : vector<16xf32>
        %mul3A_1121 = vector.broadcast %squeeze3A_140 : f32 to vector<16xf32>
        %mul3A_1122 = arith.mulf %mul3A_1121, %add3A_1120 : vector<16xf32>
        %add3A_1123 = arith.addf %get3A_390, %mul3A_1122 : vector<16xf32>
        %swap3A_1124 = arith.constant 45 : i32
        %swap3A_1125 = arith.index_cast %swap3A_1124 : i32 to index
        %swap3A_1126 = arith.index_cast %mul3A_385 : i32 to index
        %swap3A_1127 = tpu.vector_load %arg7[%swap3A_1125, %swap3A_1126] {strides = array<i32>} : memref<64x768xf32, #tpu.memory_space<vmem>>, vector<1x16xf32>,
        %swap3A_1128 = vector.shape_cast %swap3A_1127 : vector<1x16xf32> to vector<16xf32>
        %swap3A_1129 = vector.shape_cast %add3A_1123 : vector<16xf32> to vector<1x16xf32>
        tpu.vector_store %arg7[%swap3A_1125, %swap3A_1126], %swap3A_1129 {strides = array<i32>} : memref<64x768xf32, #tpu.memory_space<vmem>>, vector<1x16xf32>,
        %mul3A_1130 = vector.broadcast %squeeze3A_142 : f32 to vector<16xf32>
        %mul3A_1131 = arith.mulf %mul3A_1130, %add3A_440 : vector<16xf32>
        %add3A_1132 = arith.addf %sub3A_431, %mul3A_1131 : vector<16xf32>
        %mul3A_1133 = vector.broadcast %squeeze3A_142 : f32 to vector<16xf32>
        %mul3A_1134 = arith.mulf %mul3A_1133, %add3A_1132 : vector<16xf32>
        %add3A_1135 = arith.addf %add3A_419, %mul3A_1134 : vector<16xf32>
        %mul3A_1136 = vector.broadcast %squeeze3A_142 : f32 to vector<16xf32>
        %mul3A_1137 = arith.mulf %mul3A_1136, %add3A_1135 : vector<16xf32>
        %add3A_1138 = arith.addf %get3A_390, %mul3A_1137 : vector<16xf32>
        %swap3A_1139 = arith.constant 46 : i32
        %swap3A_1140 = arith.index_cast %swap3A_1139 : i32 to index
        %swap3A_1141 = arith.index_cast %mul3A_385 : i32 to index
        %swap3A_1142 = tpu.vector_load %arg7[%swap3A_1140, %swap3A_1141] {strides = array<i32>} : memref<64x768xf32, #tpu.memory_space<vmem>>, vector<1x16xf32>,
        %swap3A_1143 = vector.shape_cast %swap3A_1142 : vector<1x16xf32> to vector<16xf32>
        %swap3A_1144 = vector.shape_cast %add3A_1138 : vector<16xf32> to vector<1x16xf32>
        tpu.vector_store %arg7[%swap3A_1140, %swap3A_1141], %swap3A_1144 {strides = array<i32>} : memref<64x768xf32, #tpu.memory_space<vmem>>, vector<1x16xf32>,
        %mul3A_1145 = vector.broadcast %squeeze3A_144 : f32 to vector<16xf32>
        %mul3A_1146 = arith.mulf %mul3A_1145, %add3A_440 : vector<16xf32>
        %add3A_1147 = arith.addf %sub3A_431, %mul3A_1146 : vector<16xf32>
        %mul3A_1148 = vector.broadcast %squeeze3A_144 : f32 to vector<16xf32>
        %mul3A_1149 = arith.mulf %mul3A_1148, %add3A_1147 : vector<16xf32>
        %add3A_1150 = arith.addf %add3A_419, %mul3A_1149 : vector<16xf32>
        %mul3A_1151 = vector.broadcast %squeeze3A_144 : f32 to vector<16xf32>
        %mul3A_1152 = arith.mulf %mul3A_1151, %add3A_1150 : vector<16xf32>
        %add3A_1153 = arith.addf %get3A_390, %mul3A_1152 : vector<16xf32>
        %swap3A_1154 = arith.constant 47 : i32
        %swap3A_1155 = arith.index_cast %swap3A_1154 : i32 to index
        %swap3A_1156 = arith.index_cast %mul3A_385 : i32 to index
        %swap3A_1157 = tpu.vector_load %arg7[%swap3A_1155, %swap3A_1156] {strides = array<i32>} : memref<64x768xf32, #tpu.memory_space<vmem>>, vector<1x16xf32>,
        %swap3A_1158 = vector.shape_cast %swap3A_1157 : vector<1x16xf32> to vector<16xf32>
        %swap3A_1159 = vector.shape_cast %add3A_1153 : vector<16xf32> to vector<1x16xf32>
        tpu.vector_store %arg7[%swap3A_1155, %swap3A_1156], %swap3A_1159 {strides = array<i32>} : memref<64x768xf32, #tpu.memory_space<vmem>>, vector<1x16xf32>,
        %mul3A_1160 = vector.broadcast %squeeze3A_154 : f32 to vector<16xf32>
        %mul3A_1161 = arith.mulf %mul3A_1160, %add3A_440 : vector<16xf32>
        %add3A_1162 = arith.addf %sub3A_431, %mul3A_1161 : vector<16xf32>
        %mul3A_1163 = vector.broadcast %squeeze3A_154 : f32 to vector<16xf32>
        %mul3A_1164 = arith.mulf %mul3A_1163, %add3A_1162 : vector<16xf32>
        %add3A_1165 = arith.addf %add3A_419, %mul3A_1164 : vector<16xf32>
        %mul3A_1166 = vector.broadcast %squeeze3A_154 : f32 to vector<16xf32>
        %mul3A_1167 = arith.mulf %mul3A_1166, %add3A_1165 : vector<16xf32>
        %add3A_1168 = arith.addf %get3A_390, %mul3A_1167 : vector<16xf32>
        %swap3A_1169 = arith.constant 48 : i32
        %swap3A_1170 = arith.index_cast %swap3A_1169 : i32 to index
        %swap3A_1171 = arith.index_cast %mul3A_385 : i32 to index
        %swap3A_1172 = tpu.vector_load %arg7[%swap3A_1170, %swap3A_1171] {strides = array<i32>} : memref<64x768xf32, #tpu.memory_space<vmem>>, vector<1x16xf32>,
        %swap3A_1173 = vector.shape_cast %swap3A_1172 : vector<1x16xf32> to vector<16xf32>
        %swap3A_1174 = vector.shape_cast %add3A_1168 : vector<16xf32> to vector<1x16xf32>
        tpu.vector_store %arg7[%swap3A_1170, %swap3A_1171], %swap3A_1174 {strides = array<i32>} : memref<64x768xf32, #tpu.memory_space<vmem>>, vector<1x16xf32>,
        %mul3A_1175 = vector.broadcast %squeeze3A_156 : f32 to vector<16xf32>
        %mul3A_1176 = arith.mulf %mul3A_1175, %add3A_440 : vector<16xf32>
        %add3A_1177 = arith.addf %sub3A_431, %mul3A_1176 : vector<16xf32>
        %mul3A_1178 = vector.broadcast %squeeze3A_156 : f32 to vector<16xf32>
        %mul3A_1179 = arith.mulf %mul3A_1178, %add3A_1177 : vector<16xf32>
        %add3A_1180 = arith.addf %add3A_419, %mul3A_1179 : vector<16xf32>
        %mul3A_1181 = vector.broadcast %squeeze3A_156 : f32 to vector<16xf32>
        %mul3A_1182 = arith.mulf %mul3A_1181, %add3A_1180 : vector<16xf32>
        %add3A_1183 = arith.addf %get3A_390, %mul3A_1182 : vector<16xf32>
        %swap3A_1184 = arith.constant 49 : i32
        %swap3A_1185 = arith.index_cast %swap3A_1184 : i32 to index
        %swap3A_1186 = arith.index_cast %mul3A_385 : i32 to index
        %swap3A_1187 = tpu.vector_load %arg7[%swap3A_1185, %swap3A_1186] {strides = array<i32>} : memref<64x768xf32, #tpu.memory_space<vmem>>, vector<1x16xf32>,
        %swap3A_1188 = vector.shape_cast %swap3A_1187 : vector<1x16xf32> to vector<16xf32>
        %swap3A_1189 = vector.shape_cast %add3A_1183 : vector<16xf32> to vector<1x16xf32>
        tpu.vector_store %arg7[%swap3A_1185, %swap3A_1186], %swap3A_1189 {strides = array<i32>} : memref<64x768xf32, #tpu.memory_space<vmem>>, vector<1x16xf32>,
        %mul3A_1190 = vector.broadcast %squeeze3A_158 : f32 to vector<16xf32>
        %mul3A_1191 = arith.mulf %mul3A_1190, %add3A_440 : vector<16xf32>
        %add3A_1192 = arith.addf %sub3A_431, %mul3A_1191 : vector<16xf32>
        %mul3A_1193 = vector.broadcast %squeeze3A_158 : f32 to vector<16xf32>
        %mul3A_1194 = arith.mulf %mul3A_1193, %add3A_1192 : vector<16xf32>
        %add3A_1195 = arith.addf %add3A_419, %mul3A_1194 : vector<16xf32>
        %mul3A_1196 = vector.broadcast %squeeze3A_158 : f32 to vector<16xf32>
        %mul3A_1197 = arith.mulf %mul3A_1196, %add3A_1195 : vector<16xf32>
        %add3A_1198 = arith.addf %get3A_390, %mul3A_1197 : vector<16xf32>
        %swap3A_1199 = arith.constant 50 : i32
        %swap3A_1200 = arith.index_cast %swap3A_1199 : i32 to index
        %swap3A_1201 = arith.index_cast %mul3A_385 : i32 to index
        %swap3A_1202 = tpu.vector_load %arg7[%swap3A_1200, %swap3A_1201] {strides = array<i32>} : memref<64x768xf32, #tpu.memory_space<vmem>>, vector<1x16xf32>,
        %swap3A_1203 = vector.shape_cast %swap3A_1202 : vector<1x16xf32> to vector<16xf32>
        %swap3A_1204 = vector.shape_cast %add3A_1198 : vector<16xf32> to vector<1x16xf32>
        tpu.vector_store %arg7[%swap3A_1200, %swap3A_1201], %swap3A_1204 {strides = array<i32>} : memref<64x768xf32, #tpu.memory_space<vmem>>, vector<1x16xf32>,
        %mul3A_1205 = vector.broadcast %squeeze3A_160 : f32 to vector<16xf32>
        %mul3A_1206 = arith.mulf %mul3A_1205, %add3A_440 : vector<16xf32>
        %add3A_1207 = arith.addf %sub3A_431, %mul3A_1206 : vector<16xf32>
        %mul3A_1208 = vector.broadcast %squeeze3A_160 : f32 to vector<16xf32>
        %mul3A_1209 = arith.mulf %mul3A_1208, %add3A_1207 : vector<16xf32>
        %add3A_1210 = arith.addf %add3A_419, %mul3A_1209 : vector<16xf32>
        %mul3A_1211 = vector.broadcast %squeeze3A_160 : f32 to vector<16xf32>
        %mul3A_1212 = arith.mulf %mul3A_1211, %add3A_1210 : vector<16xf32>
        %add3A_1213 = arith.addf %get3A_390, %mul3A_1212 : vector<16xf32>
        %swap3A_1214 = arith.constant 51 : i32
        %swap3A_1215 = arith.index_cast %swap3A_1214 : i32 to index
        %swap3A_1216 = arith.index_cast %mul3A_385 : i32 to index
        %swap3A_1217 = tpu.vector_load %arg7[%swap3A_1215, %swap3A_1216] {strides = array<i32>} : memref<64x768xf32, #tpu.memory_space<vmem>>, vector<1x16xf32>,
        %swap3A_1218 = vector.shape_cast %swap3A_1217 : vector<1x16xf32> to vector<16xf32>
        %swap3A_1219 = vector.shape_cast %add3A_1213 : vector<16xf32> to vector<1x16xf32>
        tpu.vector_store %arg7[%swap3A_1215, %swap3A_1216], %swap3A_1219 {strides = array<i32>} : memref<64x768xf32, #tpu.memory_space<vmem>>, vector<1x16xf32>,
        %mul3A_1220 = vector.broadcast %squeeze3A_162 : f32 to vector<16xf32>
        %mul3A_1221 = arith.mulf %mul3A_1220, %add3A_440 : vector<16xf32>
        %add3A_1222 = arith.addf %sub3A_431, %mul3A_1221 : vector<16xf32>
        %mul3A_1223 = vector.broadcast %squeeze3A_162 : f32 to vector<16xf32>
        %mul3A_1224 = arith.mulf %mul3A_1223, %add3A_1222 : vector<16xf32>
        %add3A_1225 = arith.addf %add3A_419, %mul3A_1224 : vector<16xf32>
        %mul3A_1226 = vector.broadcast %squeeze3A_162 : f32 to vector<16xf32>
        %mul3A_1227 = arith.mulf %mul3A_1226, %add3A_1225 : vector<16xf32>
        %add3A_1228 = arith.addf %get3A_390, %mul3A_1227 : vector<16xf32>
        %swap3A_1229 = arith.constant 52 : i32
        %swap3A_1230 = arith.index_cast %swap3A_1229 : i32 to index
        %swap3A_1231 = arith.index_cast %mul3A_385 : i32 to index
        %swap3A_1232 = tpu.vector_load %arg7[%swap3A_1230, %swap3A_1231] {strides = array<i32>} : memref<64x768xf32, #tpu.memory_space<vmem>>, vector<1x16xf32>,
        %swap3A_1233 = vector.shape_cast %swap3A_1232 : vector<1x16xf32> to vector<16xf32>
        %swap3A_1234 = vector.shape_cast %add3A_1228 : vector<16xf32> to vector<1x16xf32>
        tpu.vector_store %arg7[%swap3A_1230, %swap3A_1231], %swap3A_1234 {strides = array<i32>} : memref<64x768xf32, #tpu.memory_space<vmem>>, vector<1x16xf32>,
        %mul3A_1235 = vector.broadcast %squeeze3A_164 : f32 to vector<16xf32>
        %mul3A_1236 = arith.mulf %mul3A_1235, %add3A_440 : vector<16xf32>
        %add3A_1237 = arith.addf %sub3A_431, %mul3A_1236 : vector<16xf32>
        %mul3A_1238 = vector.broadcast %squeeze3A_164 : f32 to vector<16xf32>
        %mul3A_1239 = arith.mulf %mul3A_1238, %add3A_1237 : vector<16xf32>
        %add3A_1240 = arith.addf %add3A_419, %mul3A_1239 : vector<16xf32>
        %mul3A_1241 = vector.broadcast %squeeze3A_164 : f32 to vector<16xf32>
        %mul3A_1242 = arith.mulf %mul3A_1241, %add3A_1240 : vector<16xf32>
        %add3A_1243 = arith.addf %get3A_390, %mul3A_1242 : vector<16xf32>
        %swap3A_1244 = arith.constant 53 : i32
        %swap3A_1245 = arith.index_cast %swap3A_1244 : i32 to index
        %swap3A_1246 = arith.index_cast %mul3A_385 : i32 to index
        %swap3A_1247 = tpu.vector_load %arg7[%swap3A_1245, %swap3A_1246] {strides = array<i32>} : memref<64x768xf32, #tpu.memory_space<vmem>>, vector<1x16xf32>,
        %swap3A_1248 = vector.shape_cast %swap3A_1247 : vector<1x16xf32> to vector<16xf32>
        %swap3A_1249 = vector.shape_cast %add3A_1243 : vector<16xf32> to vector<1x16xf32>
        tpu.vector_store %arg7[%swap3A_1245, %swap3A_1246], %swap3A_1249 {strides = array<i32>} : memref<64x768xf32, #tpu.memory_space<vmem>>, vector<1x16xf32>,
        %mul3A_1250 = vector.broadcast %squeeze3A_166 : f32 to vector<16xf32>
        %mul3A_1251 = arith.mulf %mul3A_1250, %add3A_440 : vector<16xf32>
        %add3A_1252 = arith.addf %sub3A_431, %mul3A_1251 : vector<16xf32>
        %mul3A_1253 = vector.broadcast %squeeze3A_166 : f32 to vector<16xf32>
        %mul3A_1254 = arith.mulf %mul3A_1253, %add3A_1252 : vector<16xf32>
        %add3A_1255 = arith.addf %add3A_419, %mul3A_1254 : vector<16xf32>
        %mul3A_1256 = vector.broadcast %squeeze3A_166 : f32 to vector<16xf32>
        %mul3A_1257 = arith.mulf %mul3A_1256, %add3A_1255 : vector<16xf32>
        %add3A_1258 = arith.addf %get3A_390, %mul3A_1257 : vector<16xf32>
        %swap3A_1259 = arith.constant 54 : i32
        %swap3A_1260 = arith.index_cast %swap3A_1259 : i32 to index
        %swap3A_1261 = arith.index_cast %mul3A_385 : i32 to index
        %swap3A_1262 = tpu.vector_load %arg7[%swap3A_1260, %swap3A_1261] {strides = array<i32>} : memref<64x768xf32, #tpu.memory_space<vmem>>, vector<1x16xf32>,
        %swap3A_1263 = vector.shape_cast %swap3A_1262 : vector<1x16xf32> to vector<16xf32>
        %swap3A_1264 = vector.shape_cast %add3A_1258 : vector<16xf32> to vector<1x16xf32>
        tpu.vector_store %arg7[%swap3A_1260, %swap3A_1261], %swap3A_1264 {strides = array<i32>} : memref<64x768xf32, #tpu.memory_space<vmem>>, vector<1x16xf32>,
        %mul3A_1265 = vector.broadcast %squeeze3A_168 : f32 to vector<16xf32>
        %mul3A_1266 = arith.mulf %mul3A_1265, %add3A_440 : vector<16xf32>
        %add3A_1267 = arith.addf %sub3A_431, %mul3A_1266 : vector<16xf32>
        %mul3A_1268 = vector.broadcast %squeeze3A_168 : f32 to vector<16xf32>
        %mul3A_1269 = arith.mulf %mul3A_1268, %add3A_1267 : vector<16xf32>
        %add3A_1270 = arith.addf %add3A_419, %mul3A_1269 : vector<16xf32>
        %mul3A_1271 = vector.broadcast %squeeze3A_168 : f32 to vector<16xf32>
        %mul3A_1272 = arith.mulf %mul3A_1271, %add3A_1270 : vector<16xf32>
        %add3A_1273 = arith.addf %get3A_390, %mul3A_1272 : vector<16xf32>
        %swap3A_1274 = arith.constant 55 : i32
        %swap3A_1275 = arith.index_cast %swap3A_1274 : i32 to index
        %swap3A_1276 = arith.index_cast %mul3A_385 : i32 to index
        %swap3A_1277 = tpu.vector_load %arg7[%swap3A_1275, %swap3A_1276] {strides = array<i32>} : memref<64x768xf32, #tpu.memory_space<vmem>>, vector<1x16xf32>,
        %swap3A_1278 = vector.shape_cast %swap3A_1277 : vector<1x16xf32> to vector<16xf32>
        %swap3A_1279 = vector.shape_cast %add3A_1273 : vector<16xf32> to vector<1x16xf32>
        tpu.vector_store %arg7[%swap3A_1275, %swap3A_1276], %swap3A_1279 {strides = array<i32>} : memref<64x768xf32, #tpu.memory_space<vmem>>, vector<1x16xf32>,
        %mul3A_1280 = vector.broadcast %squeeze3A_170 : f32 to vector<16xf32>
        %mul3A_1281 = arith.mulf %mul3A_1280, %add3A_440 : vector<16xf32>
        %add3A_1282 = arith.addf %sub3A_431, %mul3A_1281 : vector<16xf32>
        %mul3A_1283 = vector.broadcast %squeeze3A_170 : f32 to vector<16xf32>
        %mul3A_1284 = arith.mulf %mul3A_1283, %add3A_1282 : vector<16xf32>
        %add3A_1285 = arith.addf %add3A_419, %mul3A_1284 : vector<16xf32>
        %mul3A_1286 = vector.broadcast %squeeze3A_170 : f32 to vector<16xf32>
        %mul3A_1287 = arith.mulf %mul3A_1286, %add3A_1285 : vector<16xf32>
        %add3A_1288 = arith.addf %get3A_390, %mul3A_1287 : vector<16xf32>
        %swap3A_1289 = arith.constant 56 : i32
        %swap3A_1290 = arith.index_cast %swap3A_1289 : i32 to index
        %swap3A_1291 = arith.index_cast %mul3A_385 : i32 to index
        %swap3A_1292 = tpu.vector_load %arg7[%swap3A_1290, %swap3A_1291] {strides = array<i32>} : memref<64x768xf32, #tpu.memory_space<vmem>>, vector<1x16xf32>,
        %swap3A_1293 = vector.shape_cast %swap3A_1292 : vector<1x16xf32> to vector<16xf32>
        %swap3A_1294 = vector.shape_cast %add3A_1288 : vector<16xf32> to vector<1x16xf32>
        tpu.vector_store %arg7[%swap3A_1290, %swap3A_1291], %swap3A_1294 {strides = array<i32>} : memref<64x768xf32, #tpu.memory_space<vmem>>, vector<1x16xf32>,
        %mul3A_1295 = vector.broadcast %squeeze3A_172 : f32 to vector<16xf32>
        %mul3A_1296 = arith.mulf %mul3A_1295, %add3A_440 : vector<16xf32>
        %add3A_1297 = arith.addf %sub3A_431, %mul3A_1296 : vector<16xf32>
        %mul3A_1298 = vector.broadcast %squeeze3A_172 : f32 to vector<16xf32>
        %mul3A_1299 = arith.mulf %mul3A_1298, %add3A_1297 : vector<16xf32>
        %add3A_1300 = arith.addf %add3A_419, %mul3A_1299 : vector<16xf32>
        %mul3A_1301 = vector.broadcast %squeeze3A_172 : f32 to vector<16xf32>
        %mul3A_1302 = arith.mulf %mul3A_1301, %add3A_1300 : vector<16xf32>
        %add3A_1303 = arith.addf %get3A_390, %mul3A_1302 : vector<16xf32>
        %swap3A_1304 = arith.constant 57 : i32
        %swap3A_1305 = arith.index_cast %swap3A_1304 : i32 to index
        %swap3A_1306 = arith.index_cast %mul3A_385 : i32 to index
        %swap3A_1307 = tpu.vector_load %arg7[%swap3A_1305, %swap3A_1306] {strides = array<i32>} : memref<64x768xf32, #tpu.memory_space<vmem>>, vector<1x16xf32>,
        %swap3A_1308 = vector.shape_cast %swap3A_1307 : vector<1x16xf32> to vector<16xf32>
        %swap3A_1309 = vector.shape_cast %add3A_1303 : vector<16xf32> to vector<1x16xf32>
        tpu.vector_store %arg7[%swap3A_1305, %swap3A_1306], %swap3A_1309 {strides = array<i32>} : memref<64x768xf32, #tpu.memory_space<vmem>>, vector<1x16xf32>,
        %mul3A_1310 = vector.broadcast %squeeze3A_174 : f32 to vector<16xf32>
        %mul3A_1311 = arith.mulf %mul3A_1310, %add3A_440 : vector<16xf32>
        %add3A_1312 = arith.addf %sub3A_431, %mul3A_1311 : vector<16xf32>
        %mul3A_1313 = vector.broadcast %squeeze3A_174 : f32 to vector<16xf32>
        %mul3A_1314 = arith.mulf %mul3A_1313, %add3A_1312 : vector<16xf32>
        %add3A_1315 = arith.addf %add3A_419, %mul3A_1314 : vector<16xf32>
        %mul3A_1316 = vector.broadcast %squeeze3A_174 : f32 to vector<16xf32>
        %mul3A_1317 = arith.mulf %mul3A_1316, %add3A_1315 : vector<16xf32>
        %add3A_1318 = arith.addf %get3A_390, %mul3A_1317 : vector<16xf32>
        %swap3A_1319 = arith.constant 58 : i32
        %swap3A_1320 = arith.index_cast %swap3A_1319 : i32 to index
        %swap3A_1321 = arith.index_cast %mul3A_385 : i32 to index
        %swap3A_1322 = tpu.vector_load %arg7[%swap3A_1320, %swap3A_1321] {strides = array<i32>} : memref<64x768xf32, #tpu.memory_space<vmem>>, vector<1x16xf32>,
        %swap3A_1323 = vector.shape_cast %swap3A_1322 : vector<1x16xf32> to vector<16xf32>
        %swap3A_1324 = vector.shape_cast %add3A_1318 : vector<16xf32> to vector<1x16xf32>
        tpu.vector_store %arg7[%swap3A_1320, %swap3A_1321], %swap3A_1324 {strides = array<i32>} : memref<64x768xf32, #tpu.memory_space<vmem>>, vector<1x16xf32>,
        %mul3A_1325 = vector.broadcast %squeeze3A_176 : f32 to vector<16xf32>
        %mul3A_1326 = arith.mulf %mul3A_1325, %add3A_440 : vector<16xf32>
        %add3A_1327 = arith.addf %sub3A_431, %mul3A_1326 : vector<16xf32>
        %mul3A_1328 = vector.broadcast %squeeze3A_176 : f32 to vector<16xf32>
        %mul3A_1329 = arith.mulf %mul3A_1328, %add3A_1327 : vector<16xf32>
        %add3A_1330 = arith.addf %add3A_419, %mul3A_1329 : vector<16xf32>
        %mul3A_1331 = vector.broadcast %squeeze3A_176 : f32 to vector<16xf32>
        %mul3A_1332 = arith.mulf %mul3A_1331, %add3A_1330 : vector<16xf32>
        %add3A_1333 = arith.addf %get3A_390, %mul3A_1332 : vector<16xf32>
        %swap3A_1334 = arith.constant 59 : i32
        %swap3A_1335 = arith.index_cast %swap3A_1334 : i32 to index
        %swap3A_1336 = arith.index_cast %mul3A_385 : i32 to index
        %swap3A_1337 = tpu.vector_load %arg7[%swap3A_1335, %swap3A_1336] {strides = array<i32>} : memref<64x768xf32, #tpu.memory_space<vmem>>, vector<1x16xf32>,
        %swap3A_1338 = vector.shape_cast %swap3A_1337 : vector<1x16xf32> to vector<16xf32>
        %swap3A_1339 = vector.shape_cast %add3A_1333 : vector<16xf32> to vector<1x16xf32>
        tpu.vector_store %arg7[%swap3A_1335, %swap3A_1336], %swap3A_1339 {strides = array<i32>} : memref<64x768xf32, #tpu.memory_space<vmem>>, vector<1x16xf32>,
        %mul3A_1340 = vector.broadcast %squeeze3A_178 : f32 to vector<16xf32>
        %mul3A_1341 = arith.mulf %mul3A_1340, %add3A_440 : vector<16xf32>
        %add3A_1342 = arith.addf %sub3A_431, %mul3A_1341 : vector<16xf32>
        %mul3A_1343 = vector.broadcast %squeeze3A_178 : f32 to vector<16xf32>
        %mul3A_1344 = arith.mulf %mul3A_1343, %add3A_1342 : vector<16xf32>
        %add3A_1345 = arith.addf %add3A_419, %mul3A_1344 : vector<16xf32>
        %mul3A_1346 = vector.broadcast %squeeze3A_178 : f32 to vector<16xf32>
        %mul3A_1347 = arith.mulf %mul3A_1346, %add3A_1345 : vector<16xf32>
        %add3A_1348 = arith.addf %get3A_390, %mul3A_1347 : vector<16xf32>
        %swap3A_1349 = arith.constant 60 : i32
        %swap3A_1350 = arith.index_cast %swap3A_1349 : i32 to index
        %swap3A_1351 = arith.index_cast %mul3A_385 : i32 to index
        %swap3A_1352 = tpu.vector_load %arg7[%swap3A_1350, %swap3A_1351] {strides = array<i32>} : memref<64x768xf32, #tpu.memory_space<vmem>>, vector<1x16xf32>,
        %swap3A_1353 = vector.shape_cast %swap3A_1352 : vector<1x16xf32> to vector<16xf32>
        %swap3A_1354 = vector.shape_cast %add3A_1348 : vector<16xf32> to vector<1x16xf32>
        tpu.vector_store %arg7[%swap3A_1350, %swap3A_1351], %swap3A_1354 {strides = array<i32>} : memref<64x768xf32, #tpu.memory_space<vmem>>, vector<1x16xf32>,
        %mul3A_1355 = vector.broadcast %squeeze3A_180 : f32 to vector<16xf32>
        %mul3A_1356 = arith.mulf %mul3A_1355, %add3A_440 : vector<16xf32>
        %add3A_1357 = arith.addf %sub3A_431, %mul3A_1356 : vector<16xf32>
        %mul3A_1358 = vector.broadcast %squeeze3A_180 : f32 to vector<16xf32>
        %mul3A_1359 = arith.mulf %mul3A_1358, %add3A_1357 : vector<16xf32>
        %add3A_1360 = arith.addf %add3A_419, %mul3A_1359 : vector<16xf32>
        %mul3A_1361 = vector.broadcast %squeeze3A_180 : f32 to vector<16xf32>
        %mul3A_1362 = arith.mulf %mul3A_1361, %add3A_1360 : vector<16xf32>
        %add3A_1363 = arith.addf %get3A_390, %mul3A_1362 : vector<16xf32>
        %swap3A_1364 = arith.constant 61 : i32
        %swap3A_1365 = arith.index_cast %swap3A_1364 : i32 to index
        %swap3A_1366 = arith.index_cast %mul3A_385 : i32 to index
        %swap3A_1367 = tpu.vector_load %arg7[%swap3A_1365, %swap3A_1366] {strides = array<i32>} : memref<64x768xf32, #tpu.memory_space<vmem>>, vector<1x16xf32>,
        %swap3A_1368 = vector.shape_cast %swap3A_1367 : vector<1x16xf32> to vector<16xf32>
        %swap3A_1369 = vector.shape_cast %add3A_1363 : vector<16xf32> to vector<1x16xf32>
        tpu.vector_store %arg7[%swap3A_1365, %swap3A_1366], %swap3A_1369 {strides = array<i32>} : memref<64x768xf32, #tpu.memory_space<vmem>>, vector<1x16xf32>,
        %mul3A_1370 = vector.broadcast %squeeze3A_182 : f32 to vector<16xf32>
        %mul3A_1371 = arith.mulf %mul3A_1370, %add3A_440 : vector<16xf32>
        %add3A_1372 = arith.addf %sub3A_431, %mul3A_1371 : vector<16xf32>
        %mul3A_1373 = vector.broadcast %squeeze3A_182 : f32 to vector<16xf32>
        %mul3A_1374 = arith.mulf %mul3A_1373, %add3A_1372 : vector<16xf32>
        %add3A_1375 = arith.addf %add3A_419, %mul3A_1374 : vector<16xf32>
        %mul3A_1376 = vector.broadcast %squeeze3A_182 : f32 to vector<16xf32>
        %mul3A_1377 = arith.mulf %mul3A_1376, %add3A_1375 : vector<16xf32>
        %add3A_1378 = arith.addf %get3A_390, %mul3A_1377 : vector<16xf32>
        %swap3A_1379 = arith.constant 62 : i32
        %swap3A_1380 = arith.index_cast %swap3A_1379 : i32 to index
        %swap3A_1381 = arith.index_cast %mul3A_385 : i32 to index
        %swap3A_1382 = tpu.vector_load %arg7[%swap3A_1380, %swap3A_1381] {strides = array<i32>} : memref<64x768xf32, #tpu.memory_space<vmem>>, vector<1x16xf32>,
        %swap3A_1383 = vector.shape_cast %swap3A_1382 : vector<1x16xf32> to vector<16xf32>
        %swap3A_1384 = vector.shape_cast %add3A_1378 : vector<16xf32> to vector<1x16xf32>
        tpu.vector_store %arg7[%swap3A_1380, %swap3A_1381], %swap3A_1384 {strides = array<i32>} : memref<64x768xf32, #tpu.memory_space<vmem>>, vector<1x16xf32>,
        %mul3A_1385 = vector.broadcast %squeeze3A_184 : f32 to vector<16xf32>
        %mul3A_1386 = arith.mulf %mul3A_1385, %add3A_440 : vector<16xf32>
        %add3A_1387 = arith.addf %sub3A_431, %mul3A_1386 : vector<16xf32>
        %mul3A_1388 = vector.broadcast %squeeze3A_184 : f32 to vector<16xf32>
        %mul3A_1389 = arith.mulf %mul3A_1388, %add3A_1387 : vector<16xf32>
        %add3A_1390 = arith.addf %add3A_419, %mul3A_1389 : vector<16xf32>
        %mul3A_1391 = vector.broadcast %squeeze3A_184 : f32 to vector<16xf32>
        %mul3A_1392 = arith.mulf %mul3A_1391, %add3A_1390 : vector<16xf32>
        %add3A_1393 = arith.addf %get3A_390, %mul3A_1392 : vector<16xf32>
        %swap3A_1394 = arith.constant 63 : i32
        %swap3A_1395 = arith.index_cast %swap3A_1394 : i32 to index
        %swap3A_1396 = arith.index_cast %mul3A_385 : i32 to index
        %swap3A_1397 = tpu.vector_load %arg7[%swap3A_1395, %swap3A_1396] {strides = array<i32>} : memref<64x768xf32, #tpu.memory_space<vmem>>, vector<1x16xf32>,
        %swap3A_1398 = vector.shape_cast %swap3A_1397 : vector<1x16xf32> to vector<16xf32>
        %swap3A_1399 = vector.shape_cast %add3A_1393 : vector<16xf32> to vector<1x16xf32>
        tpu.vector_store %arg7[%swap3A_1395, %swap3A_1396], %swap3A_1399 {strides = array<i32>} : memref<64x768xf32, #tpu.memory_space<vmem>>, vector<1x16xf32>,
        %scan3A_1400 = arith.constant 0 : i32
        scf.yield %scan3A_1400 : i32
      }
      %scan3A_191 = arith.constant 48 : i32
      %mul3A_192 = arith.constant 64 : i32
      %mul3A_193 = arith.muli %add3A_25, %mul3A_192 : i32
      %add3A_194 = arith.addi %mul3A_2, %mul3A_193 : i32
      %dma_start3A = arith.constant 0 : i32
      %dma_start3A_195 = tpu.memref_slice %arg4[%add3A_194, %dma_start3A] : memref<65536x768xf32, #tpu.memory_space<hbm>> -> memref<64x768xf32, #tpu.memory_space<hbm>>
      %dma_start3A_196 = arith.constant 0 : i32
      %dma_start3A_197 = tpu.memref_slice %arg4[%add3A_194, %dma_start3A_196] : memref<65536x768xf32, #tpu.memory_space<hbm>> -> memref<64x768xf32, #tpu.memory_space<hbm>>
      tpu.enqueue_dma source(%arg7 : memref<64x768xf32, #tpu.memory_space<vmem>>) target(%dma_start3A_197 : memref<64x768xf32, #tpu.memory_space<hbm>>) target_semaphore(%arg9 : memref<!tpu.dma_semaphore, #tpu.memory_space<semaphore_mem>>)
      %mul3A_198 = arith.constant 2 : i32
      %mul3A_199 = arith.muli %scan3A_20, %mul3A_198 : i32
      %add3A_200 = arith.constant 1 : i32
      %add3A_201 = arith.addi %mul3A_199, %add3A_200 : i32
      %gt3A_202 = arith.constant 0 : i32
      %gt3A_203 = arith.cmpi sgt, %scan3A_20, %gt3A_202 : i32
      %convert_element_type3A_204 = arith.extui %gt3A_203 : i1 to i32
      %cond3A_205 = arith.constant 0 : i32
      %cond3A_206 = arith.cmpi ne, %convert_element_type3A_204, %cond3A_205 : i32
      scf.if %cond3A_206 {
        %sub3A = arith.constant 2 : i32
        %sub3A_382 = arith.subi %add3A_201, %sub3A : i32
        %mul3A_383 = arith.constant 64 : i32
        %mul3A_384 = arith.muli %sub3A_382, %mul3A_383 : i32
        %add3A_385 = arith.addi %mul3A_2, %mul3A_384 : i32
        %dma_wait3A_386 = arith.constant 0 : i32
        %dma_wait3A_387 = tpu.memref_slice %arg4[%add3A_385, %dma_wait3A_386] : memref<65536x768xf32, #tpu.memory_space<hbm>> -> memref<64x768xf32, #tpu.memory_space<hbm>>
        %dma_wait3A_388 = arith.constant 0 : i32
        %dma_wait3A_389 = tpu.memref_slice %arg4[%add3A_385, %dma_wait3A_388] : memref<65536x768xf32, #tpu.memory_space<hbm>> -> memref<64x768xf32, #tpu.memory_space<hbm>>
        tpu.wait_dma2 semaphore(%arg10 : memref<!tpu.dma_semaphore, #tpu.memory_space<semaphore_mem>>) src(%arg8 : memref<64x768xf32, #tpu.memory_space<vmem>>) dst(%dma_wait3A_389 : memref<64x768xf32, #tpu.memory_space<hbm>>)
      } else {
      }
      %mul3A_207 = arith.constant 64 : i32
      %mul3A_208 = arith.muli %add3A_201, %mul3A_207 : i32
      %add3A_209 = arith.constant 0 : i32
      %add3A_210 = arith.addi %mul3A_208, %add3A_209 : i32
      %get3A_211 = arith.index_cast %add3A_210 : i32 to index
      %get3A_212 = tpu.vector_load %arg5[%get3A_211] {strides = array<i32>} : memref<2048xi32, #tpu.memory_space<vmem>>, vector<16xi32>,
      %get3A_213 = vector.shape_cast %get3A_212 : vector<16xi32> to vector<16xi32>
      %convert_element_type3A_214 = arith.sitofp %get3A_213 : vector<16xi32> to vector<16xf32>
      %slice3A_215 = vector.extract_strided_slice %convert_element_type3A_214 {offsets = [0], sizes = [1], strides = [1]} : vector<16xf32> to vector<1xf32>
      %squeeze3A_216 = vector.extract %slice3A_215[0] : f32 from vector<1xf32>
      %slice3A_217 = vector.extract_strided_slice %convert_element_type3A_214 {offsets = [1], sizes = [1], strides = [1]} : vector<16xf32> to vector<1xf32>
      %squeeze3A_218 = vector.extract %slice3A_217[0] : f32 from vector<1xf32>
      %slice3A_219 = vector.extract_strided_slice %convert_element_type3A_214 {offsets = [2], sizes = [1], strides = [1]} : vector<16xf32> to vector<1xf32>
      %squeeze3A_220 = vector.extract %slice3A_219[0] : f32 from vector<1xf32>
      %slice3A_221 = vector.extract_strided_slice %convert_element_type3A_214 {offsets = [3], sizes = [1], strides = [1]} : vector<16xf32> to vector<1xf32>
      %squeeze3A_222 = vector.extract %slice3A_221[0] : f32 from vector<1xf32>
      %slice3A_223 = vector.extract_strided_slice %convert_element_type3A_214 {offsets = [4], sizes = [1], strides = [1]} : vector<16xf32> to vector<1xf32>
      %squeeze3A_224 = vector.extract %slice3A_223[0] : f32 from vector<1xf32>
      %slice3A_225 = vector.extract_strided_slice %convert_element_type3A_214 {offsets = [5], sizes = [1], strides = [1]} : vector<16xf32> to vector<1xf32>
      %squeeze3A_226 = vector.extract %slice3A_225[0] : f32 from vector<1xf32>
      %slice3A_227 = vector.extract_strided_slice %convert_element_type3A_214 {offsets = [6], sizes = [1], strides = [1]} : vector<16xf32> to vector<1xf32>
      %squeeze3A_228 = vector.extract %slice3A_227[0] : f32 from vector<1xf32>
      %slice3A_229 = vector.extract_strided_slice %convert_element_type3A_214 {offsets = [7], sizes = [1], strides = [1]} : vector<16xf32> to vector<1xf32>
      %squeeze3A_230 = vector.extract %slice3A_229[0] : f32 from vector<1xf32>
      %slice3A_231 = vector.extract_strided_slice %convert_element_type3A_214 {offsets = [8], sizes = [1], strides = [1]} : vector<16xf32> to vector<1xf32>
      %squeeze3A_232 = vector.extract %slice3A_231[0] : f32 from vector<1xf32>
      %slice3A_233 = vector.extract_strided_slice %convert_element_type3A_214 {offsets = [9], sizes = [1], strides = [1]} : vector<16xf32> to vector<1xf32>
      %squeeze3A_234 = vector.extract %slice3A_233[0] : f32 from vector<1xf32>
      %slice3A_235 = vector.extract_strided_slice %convert_element_type3A_214 {offsets = [10], sizes = [1], strides = [1]} : vector<16xf32> to vector<1xf32>
      %squeeze3A_236 = vector.extract %slice3A_235[0] : f32 from vector<1xf32>
      %slice3A_237 = vector.extract_strided_slice %convert_element_type3A_214 {offsets = [11], sizes = [1], strides = [1]} : vector<16xf32> to vector<1xf32>
      %squeeze3A_238 = vector.extract %slice3A_237[0] : f32 from vector<1xf32>
      %slice3A_239 = vector.extract_strided_slice %convert_element_type3A_214 {offsets = [12], sizes = [1], strides = [1]} : vector<16xf32> to vector<1xf32>
      %squeeze3A_240 = vector.extract %slice3A_239[0] : f32 from vector<1xf32>
      %slice3A_241 = vector.extract_strided_slice %convert_element_type3A_214 {offsets = [13], sizes = [1], strides = [1]} : vector<16xf32> to vector<1xf32>
      %squeeze3A_242 = vector.extract %slice3A_241[0] : f32 from vector<1xf32>
      %slice3A_243 = vector.extract_strided_slice %convert_element_type3A_214 {offsets = [14], sizes = [1], strides = [1]} : vector<16xf32> to vector<1xf32>
      %squeeze3A_244 = vector.extract %slice3A_243[0] : f32 from vector<1xf32>
      %slice3A_245 = vector.extract_strided_slice %convert_element_type3A_214 {offsets = [15], sizes = [1], strides = [1]} : vector<16xf32> to vector<1xf32>
      %squeeze3A_246 = vector.extract %slice3A_245[0] : f32 from vector<1xf32>
      %mul3A_247 = arith.constant 64 : i32
      %mul3A_248 = arith.muli %add3A_201, %mul3A_247 : i32
      %add3A_249 = arith.constant 16 : i32
      %add3A_250 = arith.addi %mul3A_248, %add3A_249 : i32
      %get3A_251 = arith.index_cast %add3A_250 : i32 to index
      %get3A_252 = tpu.vector_load %arg5[%get3A_251] {strides = array<i32>} : memref<2048xi32, #tpu.memory_space<vmem>>, vector<16xi32>,
      %get3A_253 = vector.shape_cast %get3A_252 : vector<16xi32> to vector<16xi32>
      %convert_element_type3A_254 = arith.sitofp %get3A_253 : vector<16xi32> to vector<16xf32>
      %slice3A_255 = vector.extract_strided_slice %convert_element_type3A_254 {offsets = [0], sizes = [1], strides = [1]} : vector<16xf32> to vector<1xf32>
      %squeeze3A_256 = vector.extract %slice3A_255[0] : f32 from vector<1xf32>
      %slice3A_257 = vector.extract_strided_slice %convert_element_type3A_254 {offsets = [1], sizes = [1], strides = [1]} : vector<16xf32> to vector<1xf32>
      %squeeze3A_258 = vector.extract %slice3A_257[0] : f32 from vector<1xf32>
      %slice3A_259 = vector.extract_strided_slice %convert_element_type3A_254 {offsets = [2], sizes = [1], strides = [1]} : vector<16xf32> to vector<1xf32>
      %squeeze3A_260 = vector.extract %slice3A_259[0] : f32 from vector<1xf32>
      %slice3A_261 = vector.extract_strided_slice %convert_element_type3A_254 {offsets = [3], sizes = [1], strides = [1]} : vector<16xf32> to vector<1xf32>
      %squeeze3A_262 = vector.extract %slice3A_261[0] : f32 from vector<1xf32>
      %slice3A_263 = vector.extract_strided_slice %convert_element_type3A_254 {offsets = [4], sizes = [1], strides = [1]} : vector<16xf32> to vector<1xf32>
      %squeeze3A_264 = vector.extract %slice3A_263[0] : f32 from vector<1xf32>
      %slice3A_265 = vector.extract_strided_slice %convert_element_type3A_254 {offsets = [5], sizes = [1], strides = [1]} : vector<16xf32> to vector<1xf32>
      %squeeze3A_266 = vector.extract %slice3A_265[0] : f32 from vector<1xf32>
      %slice3A_267 = vector.extract_strided_slice %convert_element_type3A_254 {offsets = [6], sizes = [1], strides = [1]} : vector<16xf32> to vector<1xf32>
      %squeeze3A_268 = vector.extract %slice3A_267[0] : f32 from vector<1xf32>
      %slice3A_269 = vector.extract_strided_slice %convert_element_type3A_254 {offsets = [7], sizes = [1], strides = [1]} : vector<16xf32> to vector<1xf32>
      %squeeze3A_270 = vector.extract %slice3A_269[0] : f32 from vector<1xf32>
      %slice3A_271 = vector.extract_strided_slice %convert_element_type3A_254 {offsets = [8], sizes = [1], strides = [1]} : vector<16xf32> to vector<1xf32>
      %squeeze3A_272 = vector.extract %slice3A_271[0] : f32 from vector<1xf32>
      %slice3A_273 = vector.extract_strided_slice %convert_element_type3A_254 {offsets = [9], sizes = [1], strides = [1]} : vector<16xf32> to vector<1xf32>
      %squeeze3A_274 = vector.extract %slice3A_273[0] : f32 from vector<1xf32>
      %slice3A_275 = vector.extract_strided_slice %convert_element_type3A_254 {offsets = [10], sizes = [1], strides = [1]} : vector<16xf32> to vector<1xf32>
      %squeeze3A_276 = vector.extract %slice3A_275[0] : f32 from vector<1xf32>
      %slice3A_277 = vector.extract_strided_slice %convert_element_type3A_254 {offsets = [11], sizes = [1], strides = [1]} : vector<16xf32> to vector<1xf32>
      %squeeze3A_278 = vector.extract %slice3A_277[0] : f32 from vector<1xf32>
      %slice3A_279 = vector.extract_strided_slice %convert_element_type3A_254 {offsets = [12], sizes = [1], strides = [1]} : vector<16xf32> to vector<1xf32>
      %squeeze3A_280 = vector.extract %slice3A_279[0] : f32 from vector<1xf32>
      %slice3A_281 = vector.extract_strided_slice %convert_element_type3A_254 {offsets = [13], sizes = [1], strides = [1]} : vector<16xf32> to vector<1xf32>
      %squeeze3A_282 = vector.extract %slice3A_281[0] : f32 from vector<1xf32>
      %slice3A_283 = vector.extract_strided_slice %convert_element_type3A_254 {offsets = [14], sizes = [1], strides = [1]} : vector<16xf32> to vector<1xf32>
      %squeeze3A_284 = vector.extract %slice3A_283[0] : f32 from vector<1xf32>
      %slice3A_285 = vector.extract_strided_slice %convert_element_type3A_254 {offsets = [15], sizes = [1], strides = [1]} : vector<16xf32> to vector<1xf32>
      %squeeze3A_286 = vector.extract %slice3A_285[0] : f32 from vector<1xf32>
      %mul3A_287 = arith.constant 64 : i32
      %mul3A_288 = arith.muli %add3A_201, %mul3A_287 : i32
      %add3A_289 = arith.constant 32 : i32
      %add3A_290 = arith.addi %mul3A_288, %add3A_289 : i32
      %get3A_291 = arith.index_cast %add3A_290 : i32 to index
      %get3A_292 = tpu.vector_load %arg5[%get3A_291] {strides = array<i32>} : memref<2048xi32, #tpu.memory_space<vmem>>, vector<16xi32>,
      %get3A_293 = vector.shape_cast %get3A_292 : vector<16xi32> to vector<16xi32>
      %convert_element_type3A_294 = arith.sitofp %get3A_293 : vector<16xi32> to vector<16xf32>
      %slice3A_295 = vector.extract_strided_slice %convert_element_type3A_294 {offsets = [0], sizes = [1], strides = [1]} : vector<16xf32> to vector<1xf32>
      %squeeze3A_296 = vector.extract %slice3A_295[0] : f32 from vector<1xf32>
      %slice3A_297 = vector.extract_strided_slice %convert_element_type3A_294 {offsets = [1], sizes = [1], strides = [1]} : vector<16xf32> to vector<1xf32>
      %squeeze3A_298 = vector.extract %slice3A_297[0] : f32 from vector<1xf32>
      %slice3A_299 = vector.extract_strided_slice %convert_element_type3A_294 {offsets = [2], sizes = [1], strides = [1]} : vector<16xf32> to vector<1xf32>
      %squeeze3A_300 = vector.extract %slice3A_299[0] : f32 from vector<1xf32>
      %slice3A_301 = vector.extract_strided_slice %convert_element_type3A_294 {offsets = [3], sizes = [1], strides = [1]} : vector<16xf32> to vector<1xf32>
      %squeeze3A_302 = vector.extract %slice3A_301[0] : f32 from vector<1xf32>
      %slice3A_303 = vector.extract_strided_slice %convert_element_type3A_294 {offsets = [4], sizes = [1], strides = [1]} : vector<16xf32> to vector<1xf32>
      %squeeze3A_304 = vector.extract %slice3A_303[0] : f32 from vector<1xf32>
      %slice3A_305 = vector.extract_strided_slice %convert_element_type3A_294 {offsets = [5], sizes = [1], strides = [1]} : vector<16xf32> to vector<1xf32>
      %squeeze3A_306 = vector.extract %slice3A_305[0] : f32 from vector<1xf32>
      %slice3A_307 = vector.extract_strided_slice %convert_element_type3A_294 {offsets = [6], sizes = [1], strides = [1]} : vector<16xf32> to vector<1xf32>
      %squeeze3A_308 = vector.extract %slice3A_307[0] : f32 from vector<1xf32>
      %slice3A_309 = vector.extract_strided_slice %convert_element_type3A_294 {offsets = [7], sizes = [1], strides = [1]} : vector<16xf32> to vector<1xf32>
      %squeeze3A_310 = vector.extract %slice3A_309[0] : f32 from vector<1xf32>
      %slice3A_311 = vector.extract_strided_slice %convert_element_type3A_294 {offsets = [8], sizes = [1], strides = [1]} : vector<16xf32> to vector<1xf32>
      %squeeze3A_312 = vector.extract %slice3A_311[0] : f32 from vector<1xf32>
      %slice3A_313 = vector.extract_strided_slice %convert_element_type3A_294 {offsets = [9], sizes = [1], strides = [1]} : vector<16xf32> to vector<1xf32>
      %squeeze3A_314 = vector.extract %slice3A_313[0] : f32 from vector<1xf32>
      %slice3A_315 = vector.extract_strided_slice %convert_element_type3A_294 {offsets = [10], sizes = [1], strides = [1]} : vector<16xf32> to vector<1xf32>
      %squeeze3A_316 = vector.extract %slice3A_315[0] : f32 from vector<1xf32>
      %slice3A_317 = vector.extract_strided_slice %convert_element_type3A_294 {offsets = [11], sizes = [1], strides = [1]} : vector<16xf32> to vector<1xf32>
      %squeeze3A_318 = vector.extract %slice3A_317[0] : f32 from vector<1xf32>
      %slice3A_319 = vector.extract_strided_slice %convert_element_type3A_294 {offsets = [12], sizes = [1], strides = [1]} : vector<16xf32> to vector<1xf32>
      %squeeze3A_320 = vector.extract %slice3A_319[0] : f32 from vector<1xf32>
      %slice3A_321 = vector.extract_strided_slice %convert_element_type3A_294 {offsets = [13], sizes = [1], strides = [1]} : vector<16xf32> to vector<1xf32>
      %squeeze3A_322 = vector.extract %slice3A_321[0] : f32 from vector<1xf32>
      %slice3A_323 = vector.extract_strided_slice %convert_element_type3A_294 {offsets = [14], sizes = [1], strides = [1]} : vector<16xf32> to vector<1xf32>
      %squeeze3A_324 = vector.extract %slice3A_323[0] : f32 from vector<1xf32>
      %slice3A_325 = vector.extract_strided_slice %convert_element_type3A_294 {offsets = [15], sizes = [1], strides = [1]} : vector<16xf32> to vector<1xf32>
      %squeeze3A_326 = vector.extract %slice3A_325[0] : f32 from vector<1xf32>
      %mul3A_327 = arith.constant 64 : i32
      %mul3A_328 = arith.muli %add3A_201, %mul3A_327 : i32
      %add3A_329 = arith.constant 48 : i32
      %add3A_330 = arith.addi %mul3A_328, %add3A_329 : i32
      %get3A_331 = arith.index_cast %add3A_330 : i32 to index
      %get3A_332 = tpu.vector_load %arg5[%get3A_331] {strides = array<i32>} : memref<2048xi32, #tpu.memory_space<vmem>>, vector<16xi32>,
      %get3A_333 = vector.shape_cast %get3A_332 : vector<16xi32> to vector<16xi32>
      %convert_element_type3A_334 = arith.sitofp %get3A_333 : vector<16xi32> to vector<16xf32>
      %slice3A_335 = vector.extract_strided_slice %convert_element_type3A_334 {offsets = [0], sizes = [1], strides = [1]} : vector<16xf32> to vector<1xf32>
      %squeeze3A_336 = vector.extract %slice3A_335[0] : f32 from vector<1xf32>
      %slice3A_337 = vector.extract_strided_slice %convert_element_type3A_334 {offsets = [1], sizes = [1], strides = [1]} : vector<16xf32> to vector<1xf32>
      %squeeze3A_338 = vector.extract %slice3A_337[0] : f32 from vector<1xf32>
      %slice3A_339 = vector.extract_strided_slice %convert_element_type3A_334 {offsets = [2], sizes = [1], strides = [1]} : vector<16xf32> to vector<1xf32>
      %squeeze3A_340 = vector.extract %slice3A_339[0] : f32 from vector<1xf32>
      %slice3A_341 = vector.extract_strided_slice %convert_element_type3A_334 {offsets = [3], sizes = [1], strides = [1]} : vector<16xf32> to vector<1xf32>
      %squeeze3A_342 = vector.extract %slice3A_341[0] : f32 from vector<1xf32>
      %slice3A_343 = vector.extract_strided_slice %convert_element_type3A_334 {offsets = [4], sizes = [1], strides = [1]} : vector<16xf32> to vector<1xf32>
      %squeeze3A_344 = vector.extract %slice3A_343[0] : f32 from vector<1xf32>
      %slice3A_345 = vector.extract_strided_slice %convert_element_type3A_334 {offsets = [5], sizes = [1], strides = [1]} : vector<16xf32> to vector<1xf32>
      %squeeze3A_346 = vector.extract %slice3A_345[0] : f32 from vector<1xf32>
      %slice3A_347 = vector.extract_strided_slice %convert_element_type3A_334 {offsets = [6], sizes = [1], strides = [1]} : vector<16xf32> to vector<1xf32>
      %squeeze3A_348 = vector.extract %slice3A_347[0] : f32 from vector<1xf32>
      %slice3A_349 = vector.extract_strided_slice %convert_element_type3A_334 {offsets = [7], sizes = [1], strides = [1]} : vector<16xf32> to vector<1xf32>
      %squeeze3A_350 = vector.extract %slice3A_349[0] : f32 from vector<1xf32>
      %slice3A_351 = vector.extract_strided_slice %convert_element_type3A_334 {offsets = [8], sizes = [1], strides = [1]} : vector<16xf32> to vector<1xf32>
      %squeeze3A_352 = vector.extract %slice3A_351[0] : f32 from vector<1xf32>
      %slice3A_353 = vector.extract_strided_slice %convert_element_type3A_334 {offsets = [9], sizes = [1], strides = [1]} : vector<16xf32> to vector<1xf32>
      %squeeze3A_354 = vector.extract %slice3A_353[0] : f32 from vector<1xf32>
      %slice3A_355 = vector.extract_strided_slice %convert_element_type3A_334 {offsets = [10], sizes = [1], strides = [1]} : vector<16xf32> to vector<1xf32>
      %squeeze3A_356 = vector.extract %slice3A_355[0] : f32 from vector<1xf32>
      %slice3A_357 = vector.extract_strided_slice %convert_element_type3A_334 {offsets = [11], sizes = [1], strides = [1]} : vector<16xf32> to vector<1xf32>
      %squeeze3A_358 = vector.extract %slice3A_357[0] : f32 from vector<1xf32>
      %slice3A_359 = vector.extract_strided_slice %convert_element_type3A_334 {offsets = [12], sizes = [1], strides = [1]} : vector<16xf32> to vector<1xf32>
      %squeeze3A_360 = vector.extract %slice3A_359[0] : f32 from vector<1xf32>
      %slice3A_361 = vector.extract_strided_slice %convert_element_type3A_334 {offsets = [13], sizes = [1], strides = [1]} : vector<16xf32> to vector<1xf32>
      %squeeze3A_362 = vector.extract %slice3A_361[0] : f32 from vector<1xf32>
      %slice3A_363 = vector.extract_strided_slice %convert_element_type3A_334 {offsets = [14], sizes = [1], strides = [1]} : vector<16xf32> to vector<1xf32>
      %squeeze3A_364 = vector.extract %slice3A_363[0] : f32 from vector<1xf32>
      %slice3A_365 = vector.extract_strided_slice %convert_element_type3A_334 {offsets = [15], sizes = [1], strides = [1]} : vector<16xf32> to vector<1xf32>
      %squeeze3A_366 = vector.extract %slice3A_365[0] : f32 from vector<1xf32>
      %scan3A_367 = arith.constant 0 : i32
      %scan3A_368 = arith.constant 0 : i32
      %scan3A_369 = arith.constant 48 : i32
      %scan3A_370 = arith.addi %scan3A_368, %scan3A_369 : i32
      %scan3A_371 = arith.constant 1 : i32
      %scan3A_372 = scf.for %scan3A_382 = %scan3A_368 to %scan3A_370 step %scan3A_371 iter_args(%scan3A_383 = %scan3A_367) -> (i32)  : i32 {
        %mul3A_384 = arith.constant 16 : i32
        %mul3A_385 = arith.muli %scan3A_382, %mul3A_384 : i32
        %get3A_386 = arith.constant 0 : i32
        %get3A_387 = arith.index_cast %get3A_386 : i32 to index
        %get3A_388 = arith.index_cast %mul3A_385 : i32 to index
        %get3A_389 = tpu.vector_load %arg6[%get3A_387, %get3A_388] {strides = array<i32>} : memref<4x768xf32, #tpu.memory_space<vmem>>, vector<1x16xf32>,
        %get3A_390 = vector.shape_cast %get3A_389 : vector<1x16xf32> to vector<16xf32>
        %get3A_391 = arith.constant 1 : i32
        %get3A_392 = arith.index_cast %get3A_391 : i32 to index
        %get3A_393 = arith.index_cast %mul3A_385 : i32 to index
        %get3A_394 = tpu.vector_load %arg6[%get3A_392, %get3A_393] {strides = array<i32>} : memref<4x768xf32, #tpu.memory_space<vmem>>, vector<1x16xf32>,
        %get3A_395 = vector.shape_cast %get3A_394 : vector<1x16xf32> to vector<16xf32>
        %get3A_396 = arith.constant 2 : i32
        %get3A_397 = arith.index_cast %get3A_396 : i32 to index
        %get3A_398 = arith.index_cast %mul3A_385 : i32 to index
        %get3A_399 = tpu.vector_load %arg6[%get3A_397, %get3A_398] {strides = array<i32>} : memref<4x768xf32, #tpu.memory_space<vmem>>, vector<1x16xf32>,
        %get3A_400 = vector.shape_cast %get3A_399 : vector<1x16xf32> to vector<16xf32>
        %get3A_401 = arith.constant 3 : i32
        %get3A_402 = arith.index_cast %get3A_401 : i32 to index
        %get3A_403 = arith.index_cast %mul3A_385 : i32 to index
        %get3A_404 = tpu.vector_load %arg6[%get3A_402, %get3A_403] {strides = array<i32>} : memref<4x768xf32, #tpu.memory_space<vmem>>, vector<1x16xf32>,
        %get3A_405 = vector.shape_cast %get3A_404 : vector<1x16xf32> to vector<16xf32>
        %mul3A_406 = arith.constant 3.000000e+00 : f32
        %mul3A_407 = vector.broadcast %mul3A_406 : f32 to vector<16xf32>
        %mul3A_408 = arith.mulf %get3A_395, %mul3A_407 : vector<16xf32>
        %mul3A_409 = arith.constant 1.83333337 : f32
        %mul3A_410 = vector.broadcast %mul3A_409 : f32 to vector<16xf32>
        %mul3A_411 = arith.mulf %get3A_390, %mul3A_410 : vector<16xf32>
        %sub3A = arith.subf %mul3A_408, %mul3A_411 : vector<16xf32>
        %mul3A_412 = arith.constant 1.500000e+00 : f32
        %mul3A_413 = vector.broadcast %mul3A_412 : f32 to vector<16xf32>
        %mul3A_414 = arith.mulf %get3A_400, %mul3A_413 : vector<16xf32>
        %sub3A_415 = arith.subf %sub3A, %mul3A_414 : vector<16xf32>
        %mul3A_416 = arith.constant 0.333333343 : f32
        %mul3A_417 = vector.broadcast %mul3A_416 : f32 to vector<16xf32>
        %mul3A_418 = arith.mulf %get3A_405, %mul3A_417 : vector<16xf32>
        %add3A_419 = arith.addf %sub3A_415, %mul3A_418 : vector<16xf32>
        %mul3A_420 = arith.constant 2.500000e+00 : f32
        %mul3A_421 = vector.broadcast %mul3A_420 : f32 to vector<16xf32>
        %mul3A_422 = arith.mulf %get3A_395, %mul3A_421 : vector<16xf32>
        %sub3A_423 = arith.subf %get3A_390, %mul3A_422 : vector<16xf32>
        %mul3A_424 = arith.constant 2.000000e+00 : f32
        %mul3A_425 = vector.broadcast %mul3A_424 : f32 to vector<16xf32>
        %mul3A_426 = arith.mulf %get3A_400, %mul3A_425 : vector<16xf32>
        %add3A_427 = arith.addf %sub3A_423, %mul3A_426 : vector<16xf32>
        %mul3A_428 = arith.constant 5.000000e-01 : f32
        %mul3A_429 = vector.broadcast %mul3A_428 : f32 to vector<16xf32>
        %mul3A_430 = arith.mulf %get3A_405, %mul3A_429 : vector<16xf32>
        %sub3A_431 = arith.subf %add3A_427, %mul3A_430 : vector<16xf32>
        %sub3A_432 = arith.subf %get3A_395, %get3A_400 : vector<16xf32>
        %mul3A_433 = arith.constant 5.000000e-01 : f32
        %mul3A_434 = vector.broadcast %mul3A_433 : f32 to vector<16xf32>
        %mul3A_435 = arith.mulf %sub3A_432, %mul3A_434 : vector<16xf32>
        %sub3A_436 = arith.subf %get3A_405, %get3A_390 : vector<16xf32>
        %mul3A_437 = arith.constant 0.166666672 : f32
        %mul3A_438 = vector.broadcast %mul3A_437 : f32 to vector<16xf32>
        %mul3A_439 = arith.mulf %sub3A_436, %mul3A_438 : vector<16xf32>
        %add3A_440 = arith.addf %mul3A_435, %mul3A_439 : vector<16xf32>
        %mul3A_441 = vector.broadcast %squeeze3A_216 : f32 to vector<16xf32>
        %mul3A_442 = arith.mulf %mul3A_441, %add3A_440 : vector<16xf32>
        %add3A_443 = arith.addf %sub3A_431, %mul3A_442 : vector<16xf32>
        %mul3A_444 = vector.broadcast %squeeze3A_216 : f32 to vector<16xf32>
        %mul3A_445 = arith.mulf %mul3A_444, %add3A_443 : vector<16xf32>
        %add3A_446 = arith.addf %add3A_419, %mul3A_445 : vector<16xf32>
        %mul3A_447 = vector.broadcast %squeeze3A_216 : f32 to vector<16xf32>
        %mul3A_448 = arith.mulf %mul3A_447, %add3A_446 : vector<16xf32>
        %add3A_449 = arith.addf %get3A_390, %mul3A_448 : vector<16xf32>
        %swap3A = arith.constant 0 : i32
        %swap3A_450 = arith.index_cast %swap3A : i32 to index
        %swap3A_451 = arith.index_cast %mul3A_385 : i32 to index
        %swap3A_452 = tpu.vector_load %arg8[%swap3A_450, %swap3A_451] {strides = array<i32>} : memref<64x768xf32, #tpu.memory_space<vmem>>, vector<1x16xf32>,
        %swap3A_453 = vector.shape_cast %swap3A_452 : vector<1x16xf32> to vector<16xf32>
        %swap3A_454 = vector.shape_cast %add3A_449 : vector<16xf32> to vector<1x16xf32>
        tpu.vector_store %arg8[%swap3A_450, %swap3A_451], %swap3A_454 {strides = array<i32>} : memref<64x768xf32, #tpu.memory_space<vmem>>, vector<1x16xf32>,
        %mul3A_455 = vector.broadcast %squeeze3A_218 : f32 to vector<16xf32>
        %mul3A_456 = arith.mulf %mul3A_455, %add3A_440 : vector<16xf32>
        %add3A_457 = arith.addf %sub3A_431, %mul3A_456 : vector<16xf32>
        %mul3A_458 = vector.broadcast %squeeze3A_218 : f32 to vector<16xf32>
        %mul3A_459 = arith.mulf %mul3A_458, %add3A_457 : vector<16xf32>
        %add3A_460 = arith.addf %add3A_419, %mul3A_459 : vector<16xf32>
        %mul3A_461 = vector.broadcast %squeeze3A_218 : f32 to vector<16xf32>
        %mul3A_462 = arith.mulf %mul3A_461, %add3A_460 : vector<16xf32>
        %add3A_463 = arith.addf %get3A_390, %mul3A_462 : vector<16xf32>
        %swap3A_464 = arith.constant 1 : i32
        %swap3A_465 = arith.index_cast %swap3A_464 : i32 to index
        %swap3A_466 = arith.index_cast %mul3A_385 : i32 to index
        %swap3A_467 = tpu.vector_load %arg8[%swap3A_465, %swap3A_466] {strides = array<i32>} : memref<64x768xf32, #tpu.memory_space<vmem>>, vector<1x16xf32>,
        %swap3A_468 = vector.shape_cast %swap3A_467 : vector<1x16xf32> to vector<16xf32>
        %swap3A_469 = vector.shape_cast %add3A_463 : vector<16xf32> to vector<1x16xf32>
        tpu.vector_store %arg8[%swap3A_465, %swap3A_466], %swap3A_469 {strides = array<i32>} : memref<64x768xf32, #tpu.memory_space<vmem>>, vector<1x16xf32>,
        %mul3A_470 = vector.broadcast %squeeze3A_220 : f32 to vector<16xf32>
        %mul3A_471 = arith.mulf %mul3A_470, %add3A_440 : vector<16xf32>
        %add3A_472 = arith.addf %sub3A_431, %mul3A_471 : vector<16xf32>
        %mul3A_473 = vector.broadcast %squeeze3A_220 : f32 to vector<16xf32>
        %mul3A_474 = arith.mulf %mul3A_473, %add3A_472 : vector<16xf32>
        %add3A_475 = arith.addf %add3A_419, %mul3A_474 : vector<16xf32>
        %mul3A_476 = vector.broadcast %squeeze3A_220 : f32 to vector<16xf32>
        %mul3A_477 = arith.mulf %mul3A_476, %add3A_475 : vector<16xf32>
        %add3A_478 = arith.addf %get3A_390, %mul3A_477 : vector<16xf32>
        %swap3A_479 = arith.constant 2 : i32
        %swap3A_480 = arith.index_cast %swap3A_479 : i32 to index
        %swap3A_481 = arith.index_cast %mul3A_385 : i32 to index
        %swap3A_482 = tpu.vector_load %arg8[%swap3A_480, %swap3A_481] {strides = array<i32>} : memref<64x768xf32, #tpu.memory_space<vmem>>, vector<1x16xf32>,
        %swap3A_483 = vector.shape_cast %swap3A_482 : vector<1x16xf32> to vector<16xf32>
        %swap3A_484 = vector.shape_cast %add3A_478 : vector<16xf32> to vector<1x16xf32>
        tpu.vector_store %arg8[%swap3A_480, %swap3A_481], %swap3A_484 {strides = array<i32>} : memref<64x768xf32, #tpu.memory_space<vmem>>, vector<1x16xf32>,
        %mul3A_485 = vector.broadcast %squeeze3A_222 : f32 to vector<16xf32>
        %mul3A_486 = arith.mulf %mul3A_485, %add3A_440 : vector<16xf32>
        %add3A_487 = arith.addf %sub3A_431, %mul3A_486 : vector<16xf32>
        %mul3A_488 = vector.broadcast %squeeze3A_222 : f32 to vector<16xf32>
        %mul3A_489 = arith.mulf %mul3A_488, %add3A_487 : vector<16xf32>
        %add3A_490 = arith.addf %add3A_419, %mul3A_489 : vector<16xf32>
        %mul3A_491 = vector.broadcast %squeeze3A_222 : f32 to vector<16xf32>
        %mul3A_492 = arith.mulf %mul3A_491, %add3A_490 : vector<16xf32>
        %add3A_493 = arith.addf %get3A_390, %mul3A_492 : vector<16xf32>
        %swap3A_494 = arith.constant 3 : i32
        %swap3A_495 = arith.index_cast %swap3A_494 : i32 to index
        %swap3A_496 = arith.index_cast %mul3A_385 : i32 to index
        %swap3A_497 = tpu.vector_load %arg8[%swap3A_495, %swap3A_496] {strides = array<i32>} : memref<64x768xf32, #tpu.memory_space<vmem>>, vector<1x16xf32>,
        %swap3A_498 = vector.shape_cast %swap3A_497 : vector<1x16xf32> to vector<16xf32>
        %swap3A_499 = vector.shape_cast %add3A_493 : vector<16xf32> to vector<1x16xf32>
        tpu.vector_store %arg8[%swap3A_495, %swap3A_496], %swap3A_499 {strides = array<i32>} : memref<64x768xf32, #tpu.memory_space<vmem>>, vector<1x16xf32>,
        %mul3A_500 = vector.broadcast %squeeze3A_224 : f32 to vector<16xf32>
        %mul3A_501 = arith.mulf %mul3A_500, %add3A_440 : vector<16xf32>
        %add3A_502 = arith.addf %sub3A_431, %mul3A_501 : vector<16xf32>
        %mul3A_503 = vector.broadcast %squeeze3A_224 : f32 to vector<16xf32>
        %mul3A_504 = arith.mulf %mul3A_503, %add3A_502 : vector<16xf32>
        %add3A_505 = arith.addf %add3A_419, %mul3A_504 : vector<16xf32>
        %mul3A_506 = vector.broadcast %squeeze3A_224 : f32 to vector<16xf32>
        %mul3A_507 = arith.mulf %mul3A_506, %add3A_505 : vector<16xf32>
        %add3A_508 = arith.addf %get3A_390, %mul3A_507 : vector<16xf32>
        %swap3A_509 = arith.constant 4 : i32
        %swap3A_510 = arith.index_cast %swap3A_509 : i32 to index
        %swap3A_511 = arith.index_cast %mul3A_385 : i32 to index
        %swap3A_512 = tpu.vector_load %arg8[%swap3A_510, %swap3A_511] {strides = array<i32>} : memref<64x768xf32, #tpu.memory_space<vmem>>, vector<1x16xf32>,
        %swap3A_513 = vector.shape_cast %swap3A_512 : vector<1x16xf32> to vector<16xf32>
        %swap3A_514 = vector.shape_cast %add3A_508 : vector<16xf32> to vector<1x16xf32>
        tpu.vector_store %arg8[%swap3A_510, %swap3A_511], %swap3A_514 {strides = array<i32>} : memref<64x768xf32, #tpu.memory_space<vmem>>, vector<1x16xf32>,
        %mul3A_515 = vector.broadcast %squeeze3A_226 : f32 to vector<16xf32>
        %mul3A_516 = arith.mulf %mul3A_515, %add3A_440 : vector<16xf32>
        %add3A_517 = arith.addf %sub3A_431, %mul3A_516 : vector<16xf32>
        %mul3A_518 = vector.broadcast %squeeze3A_226 : f32 to vector<16xf32>
        %mul3A_519 = arith.mulf %mul3A_518, %add3A_517 : vector<16xf32>
        %add3A_520 = arith.addf %add3A_419, %mul3A_519 : vector<16xf32>
        %mul3A_521 = vector.broadcast %squeeze3A_226 : f32 to vector<16xf32>
        %mul3A_522 = arith.mulf %mul3A_521, %add3A_520 : vector<16xf32>
        %add3A_523 = arith.addf %get3A_390, %mul3A_522 : vector<16xf32>
        %swap3A_524 = arith.constant 5 : i32
        %swap3A_525 = arith.index_cast %swap3A_524 : i32 to index
        %swap3A_526 = arith.index_cast %mul3A_385 : i32 to index
        %swap3A_527 = tpu.vector_load %arg8[%swap3A_525, %swap3A_526] {strides = array<i32>} : memref<64x768xf32, #tpu.memory_space<vmem>>, vector<1x16xf32>,
        %swap3A_528 = vector.shape_cast %swap3A_527 : vector<1x16xf32> to vector<16xf32>
        %swap3A_529 = vector.shape_cast %add3A_523 : vector<16xf32> to vector<1x16xf32>
        tpu.vector_store %arg8[%swap3A_525, %swap3A_526], %swap3A_529 {strides = array<i32>} : memref<64x768xf32, #tpu.memory_space<vmem>>, vector<1x16xf32>,
        %mul3A_530 = vector.broadcast %squeeze3A_228 : f32 to vector<16xf32>
        %mul3A_531 = arith.mulf %mul3A_530, %add3A_440 : vector<16xf32>
        %add3A_532 = arith.addf %sub3A_431, %mul3A_531 : vector<16xf32>
        %mul3A_533 = vector.broadcast %squeeze3A_228 : f32 to vector<16xf32>
        %mul3A_534 = arith.mulf %mul3A_533, %add3A_532 : vector<16xf32>
        %add3A_535 = arith.addf %add3A_419, %mul3A_534 : vector<16xf32>
        %mul3A_536 = vector.broadcast %squeeze3A_228 : f32 to vector<16xf32>
        %mul3A_537 = arith.mulf %mul3A_536, %add3A_535 : vector<16xf32>
        %add3A_538 = arith.addf %get3A_390, %mul3A_537 : vector<16xf32>
        %swap3A_539 = arith.constant 6 : i32
        %swap3A_540 = arith.index_cast %swap3A_539 : i32 to index
        %swap3A_541 = arith.index_cast %mul3A_385 : i32 to index
        %swap3A_542 = tpu.vector_load %arg8[%swap3A_540, %swap3A_541] {strides = array<i32>} : memref<64x768xf32, #tpu.memory_space<vmem>>, vector<1x16xf32>,
        %swap3A_543 = vector.shape_cast %swap3A_542 : vector<1x16xf32> to vector<16xf32>
        %swap3A_544 = vector.shape_cast %add3A_538 : vector<16xf32> to vector<1x16xf32>
        tpu.vector_store %arg8[%swap3A_540, %swap3A_541], %swap3A_544 {strides = array<i32>} : memref<64x768xf32, #tpu.memory_space<vmem>>, vector<1x16xf32>,
        %mul3A_545 = vector.broadcast %squeeze3A_230 : f32 to vector<16xf32>
        %mul3A_546 = arith.mulf %mul3A_545, %add3A_440 : vector<16xf32>
        %add3A_547 = arith.addf %sub3A_431, %mul3A_546 : vector<16xf32>
        %mul3A_548 = vector.broadcast %squeeze3A_230 : f32 to vector<16xf32>
        %mul3A_549 = arith.mulf %mul3A_548, %add3A_547 : vector<16xf32>
        %add3A_550 = arith.addf %add3A_419, %mul3A_549 : vector<16xf32>
        %mul3A_551 = vector.broadcast %squeeze3A_230 : f32 to vector<16xf32>
        %mul3A_552 = arith.mulf %mul3A_551, %add3A_550 : vector<16xf32>
        %add3A_553 = arith.addf %get3A_390, %mul3A_552 : vector<16xf32>
        %swap3A_554 = arith.constant 7 : i32
        %swap3A_555 = arith.index_cast %swap3A_554 : i32 to index
        %swap3A_556 = arith.index_cast %mul3A_385 : i32 to index
        %swap3A_557 = tpu.vector_load %arg8[%swap3A_555, %swap3A_556] {strides = array<i32>} : memref<64x768xf32, #tpu.memory_space<vmem>>, vector<1x16xf32>,
        %swap3A_558 = vector.shape_cast %swap3A_557 : vector<1x16xf32> to vector<16xf32>
        %swap3A_559 = vector.shape_cast %add3A_553 : vector<16xf32> to vector<1x16xf32>
        tpu.vector_store %arg8[%swap3A_555, %swap3A_556], %swap3A_559 {strides = array<i32>} : memref<64x768xf32, #tpu.memory_space<vmem>>, vector<1x16xf32>,
        %mul3A_560 = vector.broadcast %squeeze3A_232 : f32 to vector<16xf32>
        %mul3A_561 = arith.mulf %mul3A_560, %add3A_440 : vector<16xf32>
        %add3A_562 = arith.addf %sub3A_431, %mul3A_561 : vector<16xf32>
        %mul3A_563 = vector.broadcast %squeeze3A_232 : f32 to vector<16xf32>
        %mul3A_564 = arith.mulf %mul3A_563, %add3A_562 : vector<16xf32>
        %add3A_565 = arith.addf %add3A_419, %mul3A_564 : vector<16xf32>
        %mul3A_566 = vector.broadcast %squeeze3A_232 : f32 to vector<16xf32>
        %mul3A_567 = arith.mulf %mul3A_566, %add3A_565 : vector<16xf32>
        %add3A_568 = arith.addf %get3A_390, %mul3A_567 : vector<16xf32>
        %swap3A_569 = arith.constant 8 : i32
        %swap3A_570 = arith.index_cast %swap3A_569 : i32 to index
        %swap3A_571 = arith.index_cast %mul3A_385 : i32 to index
        %swap3A_572 = tpu.vector_load %arg8[%swap3A_570, %swap3A_571] {strides = array<i32>} : memref<64x768xf32, #tpu.memory_space<vmem>>, vector<1x16xf32>,
        %swap3A_573 = vector.shape_cast %swap3A_572 : vector<1x16xf32> to vector<16xf32>
        %swap3A_574 = vector.shape_cast %add3A_568 : vector<16xf32> to vector<1x16xf32>
        tpu.vector_store %arg8[%swap3A_570, %swap3A_571], %swap3A_574 {strides = array<i32>} : memref<64x768xf32, #tpu.memory_space<vmem>>, vector<1x16xf32>,
        %mul3A_575 = vector.broadcast %squeeze3A_234 : f32 to vector<16xf32>
        %mul3A_576 = arith.mulf %mul3A_575, %add3A_440 : vector<16xf32>
        %add3A_577 = arith.addf %sub3A_431, %mul3A_576 : vector<16xf32>
        %mul3A_578 = vector.broadcast %squeeze3A_234 : f32 to vector<16xf32>
        %mul3A_579 = arith.mulf %mul3A_578, %add3A_577 : vector<16xf32>
        %add3A_580 = arith.addf %add3A_419, %mul3A_579 : vector<16xf32>
        %mul3A_581 = vector.broadcast %squeeze3A_234 : f32 to vector<16xf32>
        %mul3A_582 = arith.mulf %mul3A_581, %add3A_580 : vector<16xf32>
        %add3A_583 = arith.addf %get3A_390, %mul3A_582 : vector<16xf32>
        %swap3A_584 = arith.constant 9 : i32
        %swap3A_585 = arith.index_cast %swap3A_584 : i32 to index
        %swap3A_586 = arith.index_cast %mul3A_385 : i32 to index
        %swap3A_587 = tpu.vector_load %arg8[%swap3A_585, %swap3A_586] {strides = array<i32>} : memref<64x768xf32, #tpu.memory_space<vmem>>, vector<1x16xf32>,
        %swap3A_588 = vector.shape_cast %swap3A_587 : vector<1x16xf32> to vector<16xf32>
        %swap3A_589 = vector.shape_cast %add3A_583 : vector<16xf32> to vector<1x16xf32>
        tpu.vector_store %arg8[%swap3A_585, %swap3A_586], %swap3A_589 {strides = array<i32>} : memref<64x768xf32, #tpu.memory_space<vmem>>, vector<1x16xf32>,
        %mul3A_590 = vector.broadcast %squeeze3A_236 : f32 to vector<16xf32>
        %mul3A_591 = arith.mulf %mul3A_590, %add3A_440 : vector<16xf32>
        %add3A_592 = arith.addf %sub3A_431, %mul3A_591 : vector<16xf32>
        %mul3A_593 = vector.broadcast %squeeze3A_236 : f32 to vector<16xf32>
        %mul3A_594 = arith.mulf %mul3A_593, %add3A_592 : vector<16xf32>
        %add3A_595 = arith.addf %add3A_419, %mul3A_594 : vector<16xf32>
        %mul3A_596 = vector.broadcast %squeeze3A_236 : f32 to vector<16xf32>
        %mul3A_597 = arith.mulf %mul3A_596, %add3A_595 : vector<16xf32>
        %add3A_598 = arith.addf %get3A_390, %mul3A_597 : vector<16xf32>
        %swap3A_599 = arith.constant 10 : i32
        %swap3A_600 = arith.index_cast %swap3A_599 : i32 to index
        %swap3A_601 = arith.index_cast %mul3A_385 : i32 to index
        %swap3A_602 = tpu.vector_load %arg8[%swap3A_600, %swap3A_601] {strides = array<i32>} : memref<64x768xf32, #tpu.memory_space<vmem>>, vector<1x16xf32>,
        %swap3A_603 = vector.shape_cast %swap3A_602 : vector<1x16xf32> to vector<16xf32>
        %swap3A_604 = vector.shape_cast %add3A_598 : vector<16xf32> to vector<1x16xf32>
        tpu.vector_store %arg8[%swap3A_600, %swap3A_601], %swap3A_604 {strides = array<i32>} : memref<64x768xf32, #tpu.memory_space<vmem>>, vector<1x16xf32>,
        %mul3A_605 = vector.broadcast %squeeze3A_238 : f32 to vector<16xf32>
        %mul3A_606 = arith.mulf %mul3A_605, %add3A_440 : vector<16xf32>
        %add3A_607 = arith.addf %sub3A_431, %mul3A_606 : vector<16xf32>
        %mul3A_608 = vector.broadcast %squeeze3A_238 : f32 to vector<16xf32>
        %mul3A_609 = arith.mulf %mul3A_608, %add3A_607 : vector<16xf32>
        %add3A_610 = arith.addf %add3A_419, %mul3A_609 : vector<16xf32>
        %mul3A_611 = vector.broadcast %squeeze3A_238 : f32 to vector<16xf32>
        %mul3A_612 = arith.mulf %mul3A_611, %add3A_610 : vector<16xf32>
        %add3A_613 = arith.addf %get3A_390, %mul3A_612 : vector<16xf32>
        %swap3A_614 = arith.constant 11 : i32
        %swap3A_615 = arith.index_cast %swap3A_614 : i32 to index
        %swap3A_616 = arith.index_cast %mul3A_385 : i32 to index
        %swap3A_617 = tpu.vector_load %arg8[%swap3A_615, %swap3A_616] {strides = array<i32>} : memref<64x768xf32, #tpu.memory_space<vmem>>, vector<1x16xf32>,
        %swap3A_618 = vector.shape_cast %swap3A_617 : vector<1x16xf32> to vector<16xf32>
        %swap3A_619 = vector.shape_cast %add3A_613 : vector<16xf32> to vector<1x16xf32>
        tpu.vector_store %arg8[%swap3A_615, %swap3A_616], %swap3A_619 {strides = array<i32>} : memref<64x768xf32, #tpu.memory_space<vmem>>, vector<1x16xf32>,
        %mul3A_620 = vector.broadcast %squeeze3A_240 : f32 to vector<16xf32>
        %mul3A_621 = arith.mulf %mul3A_620, %add3A_440 : vector<16xf32>
        %add3A_622 = arith.addf %sub3A_431, %mul3A_621 : vector<16xf32>
        %mul3A_623 = vector.broadcast %squeeze3A_240 : f32 to vector<16xf32>
        %mul3A_624 = arith.mulf %mul3A_623, %add3A_622 : vector<16xf32>
        %add3A_625 = arith.addf %add3A_419, %mul3A_624 : vector<16xf32>
        %mul3A_626 = vector.broadcast %squeeze3A_240 : f32 to vector<16xf32>
        %mul3A_627 = arith.mulf %mul3A_626, %add3A_625 : vector<16xf32>
        %add3A_628 = arith.addf %get3A_390, %mul3A_627 : vector<16xf32>
        %swap3A_629 = arith.constant 12 : i32
        %swap3A_630 = arith.index_cast %swap3A_629 : i32 to index
        %swap3A_631 = arith.index_cast %mul3A_385 : i32 to index
        %swap3A_632 = tpu.vector_load %arg8[%swap3A_630, %swap3A_631] {strides = array<i32>} : memref<64x768xf32, #tpu.memory_space<vmem>>, vector<1x16xf32>,
        %swap3A_633 = vector.shape_cast %swap3A_632 : vector<1x16xf32> to vector<16xf32>
        %swap3A_634 = vector.shape_cast %add3A_628 : vector<16xf32> to vector<1x16xf32>
        tpu.vector_store %arg8[%swap3A_630, %swap3A_631], %swap3A_634 {strides = array<i32>} : memref<64x768xf32, #tpu.memory_space<vmem>>, vector<1x16xf32>,
        %mul3A_635 = vector.broadcast %squeeze3A_242 : f32 to vector<16xf32>
        %mul3A_636 = arith.mulf %mul3A_635, %add3A_440 : vector<16xf32>
        %add3A_637 = arith.addf %sub3A_431, %mul3A_636 : vector<16xf32>
        %mul3A_638 = vector.broadcast %squeeze3A_242 : f32 to vector<16xf32>
        %mul3A_639 = arith.mulf %mul3A_638, %add3A_637 : vector<16xf32>
        %add3A_640 = arith.addf %add3A_419, %mul3A_639 : vector<16xf32>
        %mul3A_641 = vector.broadcast %squeeze3A_242 : f32 to vector<16xf32>
        %mul3A_642 = arith.mulf %mul3A_641, %add3A_640 : vector<16xf32>
        %add3A_643 = arith.addf %get3A_390, %mul3A_642 : vector<16xf32>
        %swap3A_644 = arith.constant 13 : i32
        %swap3A_645 = arith.index_cast %swap3A_644 : i32 to index
        %swap3A_646 = arith.index_cast %mul3A_385 : i32 to index
        %swap3A_647 = tpu.vector_load %arg8[%swap3A_645, %swap3A_646] {strides = array<i32>} : memref<64x768xf32, #tpu.memory_space<vmem>>, vector<1x16xf32>,
        %swap3A_648 = vector.shape_cast %swap3A_647 : vector<1x16xf32> to vector<16xf32>
        %swap3A_649 = vector.shape_cast %add3A_643 : vector<16xf32> to vector<1x16xf32>
        tpu.vector_store %arg8[%swap3A_645, %swap3A_646], %swap3A_649 {strides = array<i32>} : memref<64x768xf32, #tpu.memory_space<vmem>>, vector<1x16xf32>,
        %mul3A_650 = vector.broadcast %squeeze3A_244 : f32 to vector<16xf32>
        %mul3A_651 = arith.mulf %mul3A_650, %add3A_440 : vector<16xf32>
        %add3A_652 = arith.addf %sub3A_431, %mul3A_651 : vector<16xf32>
        %mul3A_653 = vector.broadcast %squeeze3A_244 : f32 to vector<16xf32>
        %mul3A_654 = arith.mulf %mul3A_653, %add3A_652 : vector<16xf32>
        %add3A_655 = arith.addf %add3A_419, %mul3A_654 : vector<16xf32>
        %mul3A_656 = vector.broadcast %squeeze3A_244 : f32 to vector<16xf32>
        %mul3A_657 = arith.mulf %mul3A_656, %add3A_655 : vector<16xf32>
        %add3A_658 = arith.addf %get3A_390, %mul3A_657 : vector<16xf32>
        %swap3A_659 = arith.constant 14 : i32
        %swap3A_660 = arith.index_cast %swap3A_659 : i32 to index
        %swap3A_661 = arith.index_cast %mul3A_385 : i32 to index
        %swap3A_662 = tpu.vector_load %arg8[%swap3A_660, %swap3A_661] {strides = array<i32>} : memref<64x768xf32, #tpu.memory_space<vmem>>, vector<1x16xf32>,
        %swap3A_663 = vector.shape_cast %swap3A_662 : vector<1x16xf32> to vector<16xf32>
        %swap3A_664 = vector.shape_cast %add3A_658 : vector<16xf32> to vector<1x16xf32>
        tpu.vector_store %arg8[%swap3A_660, %swap3A_661], %swap3A_664 {strides = array<i32>} : memref<64x768xf32, #tpu.memory_space<vmem>>, vector<1x16xf32>,
        %mul3A_665 = vector.broadcast %squeeze3A_246 : f32 to vector<16xf32>
        %mul3A_666 = arith.mulf %mul3A_665, %add3A_440 : vector<16xf32>
        %add3A_667 = arith.addf %sub3A_431, %mul3A_666 : vector<16xf32>
        %mul3A_668 = vector.broadcast %squeeze3A_246 : f32 to vector<16xf32>
        %mul3A_669 = arith.mulf %mul3A_668, %add3A_667 : vector<16xf32>
        %add3A_670 = arith.addf %add3A_419, %mul3A_669 : vector<16xf32>
        %mul3A_671 = vector.broadcast %squeeze3A_246 : f32 to vector<16xf32>
        %mul3A_672 = arith.mulf %mul3A_671, %add3A_670 : vector<16xf32>
        %add3A_673 = arith.addf %get3A_390, %mul3A_672 : vector<16xf32>
        %swap3A_674 = arith.constant 15 : i32
        %swap3A_675 = arith.index_cast %swap3A_674 : i32 to index
        %swap3A_676 = arith.index_cast %mul3A_385 : i32 to index
        %swap3A_677 = tpu.vector_load %arg8[%swap3A_675, %swap3A_676] {strides = array<i32>} : memref<64x768xf32, #tpu.memory_space<vmem>>, vector<1x16xf32>,
        %swap3A_678 = vector.shape_cast %swap3A_677 : vector<1x16xf32> to vector<16xf32>
        %swap3A_679 = vector.shape_cast %add3A_673 : vector<16xf32> to vector<1x16xf32>
        tpu.vector_store %arg8[%swap3A_675, %swap3A_676], %swap3A_679 {strides = array<i32>} : memref<64x768xf32, #tpu.memory_space<vmem>>, vector<1x16xf32>,
        %mul3A_680 = vector.broadcast %squeeze3A_256 : f32 to vector<16xf32>
        %mul3A_681 = arith.mulf %mul3A_680, %add3A_440 : vector<16xf32>
        %add3A_682 = arith.addf %sub3A_431, %mul3A_681 : vector<16xf32>
        %mul3A_683 = vector.broadcast %squeeze3A_256 : f32 to vector<16xf32>
        %mul3A_684 = arith.mulf %mul3A_683, %add3A_682 : vector<16xf32>
        %add3A_685 = arith.addf %add3A_419, %mul3A_684 : vector<16xf32>
        %mul3A_686 = vector.broadcast %squeeze3A_256 : f32 to vector<16xf32>
        %mul3A_687 = arith.mulf %mul3A_686, %add3A_685 : vector<16xf32>
        %add3A_688 = arith.addf %get3A_390, %mul3A_687 : vector<16xf32>
        %swap3A_689 = arith.constant 16 : i32
        %swap3A_690 = arith.index_cast %swap3A_689 : i32 to index
        %swap3A_691 = arith.index_cast %mul3A_385 : i32 to index
        %swap3A_692 = tpu.vector_load %arg8[%swap3A_690, %swap3A_691] {strides = array<i32>} : memref<64x768xf32, #tpu.memory_space<vmem>>, vector<1x16xf32>,
        %swap3A_693 = vector.shape_cast %swap3A_692 : vector<1x16xf32> to vector<16xf32>
        %swap3A_694 = vector.shape_cast %add3A_688 : vector<16xf32> to vector<1x16xf32>
        tpu.vector_store %arg8[%swap3A_690, %swap3A_691], %swap3A_694 {strides = array<i32>} : memref<64x768xf32, #tpu.memory_space<vmem>>, vector<1x16xf32>,
        %mul3A_695 = vector.broadcast %squeeze3A_258 : f32 to vector<16xf32>
        %mul3A_696 = arith.mulf %mul3A_695, %add3A_440 : vector<16xf32>
        %add3A_697 = arith.addf %sub3A_431, %mul3A_696 : vector<16xf32>
        %mul3A_698 = vector.broadcast %squeeze3A_258 : f32 to vector<16xf32>
        %mul3A_699 = arith.mulf %mul3A_698, %add3A_697 : vector<16xf32>
        %add3A_700 = arith.addf %add3A_419, %mul3A_699 : vector<16xf32>
        %mul3A_701 = vector.broadcast %squeeze3A_258 : f32 to vector<16xf32>
        %mul3A_702 = arith.mulf %mul3A_701, %add3A_700 : vector<16xf32>
        %add3A_703 = arith.addf %get3A_390, %mul3A_702 : vector<16xf32>
        %swap3A_704 = arith.constant 17 : i32
        %swap3A_705 = arith.index_cast %swap3A_704 : i32 to index
        %swap3A_706 = arith.index_cast %mul3A_385 : i32 to index
        %swap3A_707 = tpu.vector_load %arg8[%swap3A_705, %swap3A_706] {strides = array<i32>} : memref<64x768xf32, #tpu.memory_space<vmem>>, vector<1x16xf32>,
        %swap3A_708 = vector.shape_cast %swap3A_707 : vector<1x16xf32> to vector<16xf32>
        %swap3A_709 = vector.shape_cast %add3A_703 : vector<16xf32> to vector<1x16xf32>
        tpu.vector_store %arg8[%swap3A_705, %swap3A_706], %swap3A_709 {strides = array<i32>} : memref<64x768xf32, #tpu.memory_space<vmem>>, vector<1x16xf32>,
        %mul3A_710 = vector.broadcast %squeeze3A_260 : f32 to vector<16xf32>
        %mul3A_711 = arith.mulf %mul3A_710, %add3A_440 : vector<16xf32>
        %add3A_712 = arith.addf %sub3A_431, %mul3A_711 : vector<16xf32>
        %mul3A_713 = vector.broadcast %squeeze3A_260 : f32 to vector<16xf32>
        %mul3A_714 = arith.mulf %mul3A_713, %add3A_712 : vector<16xf32>
        %add3A_715 = arith.addf %add3A_419, %mul3A_714 : vector<16xf32>
        %mul3A_716 = vector.broadcast %squeeze3A_260 : f32 to vector<16xf32>
        %mul3A_717 = arith.mulf %mul3A_716, %add3A_715 : vector<16xf32>
        %add3A_718 = arith.addf %get3A_390, %mul3A_717 : vector<16xf32>
        %swap3A_719 = arith.constant 18 : i32
        %swap3A_720 = arith.index_cast %swap3A_719 : i32 to index
        %swap3A_721 = arith.index_cast %mul3A_385 : i32 to index
        %swap3A_722 = tpu.vector_load %arg8[%swap3A_720, %swap3A_721] {strides = array<i32>} : memref<64x768xf32, #tpu.memory_space<vmem>>, vector<1x16xf32>,
        %swap3A_723 = vector.shape_cast %swap3A_722 : vector<1x16xf32> to vector<16xf32>
        %swap3A_724 = vector.shape_cast %add3A_718 : vector<16xf32> to vector<1x16xf32>
        tpu.vector_store %arg8[%swap3A_720, %swap3A_721], %swap3A_724 {strides = array<i32>} : memref<64x768xf32, #tpu.memory_space<vmem>>, vector<1x16xf32>,
        %mul3A_725 = vector.broadcast %squeeze3A_262 : f32 to vector<16xf32>
        %mul3A_726 = arith.mulf %mul3A_725, %add3A_440 : vector<16xf32>
        %add3A_727 = arith.addf %sub3A_431, %mul3A_726 : vector<16xf32>
        %mul3A_728 = vector.broadcast %squeeze3A_262 : f32 to vector<16xf32>
        %mul3A_729 = arith.mulf %mul3A_728, %add3A_727 : vector<16xf32>
        %add3A_730 = arith.addf %add3A_419, %mul3A_729 : vector<16xf32>
        %mul3A_731 = vector.broadcast %squeeze3A_262 : f32 to vector<16xf32>
        %mul3A_732 = arith.mulf %mul3A_731, %add3A_730 : vector<16xf32>
        %add3A_733 = arith.addf %get3A_390, %mul3A_732 : vector<16xf32>
        %swap3A_734 = arith.constant 19 : i32
        %swap3A_735 = arith.index_cast %swap3A_734 : i32 to index
        %swap3A_736 = arith.index_cast %mul3A_385 : i32 to index
        %swap3A_737 = tpu.vector_load %arg8[%swap3A_735, %swap3A_736] {strides = array<i32>} : memref<64x768xf32, #tpu.memory_space<vmem>>, vector<1x16xf32>,
        %swap3A_738 = vector.shape_cast %swap3A_737 : vector<1x16xf32> to vector<16xf32>
        %swap3A_739 = vector.shape_cast %add3A_733 : vector<16xf32> to vector<1x16xf32>
        tpu.vector_store %arg8[%swap3A_735, %swap3A_736], %swap3A_739 {strides = array<i32>} : memref<64x768xf32, #tpu.memory_space<vmem>>, vector<1x16xf32>,
        %mul3A_740 = vector.broadcast %squeeze3A_264 : f32 to vector<16xf32>
        %mul3A_741 = arith.mulf %mul3A_740, %add3A_440 : vector<16xf32>
        %add3A_742 = arith.addf %sub3A_431, %mul3A_741 : vector<16xf32>
        %mul3A_743 = vector.broadcast %squeeze3A_264 : f32 to vector<16xf32>
        %mul3A_744 = arith.mulf %mul3A_743, %add3A_742 : vector<16xf32>
        %add3A_745 = arith.addf %add3A_419, %mul3A_744 : vector<16xf32>
        %mul3A_746 = vector.broadcast %squeeze3A_264 : f32 to vector<16xf32>
        %mul3A_747 = arith.mulf %mul3A_746, %add3A_745 : vector<16xf32>
        %add3A_748 = arith.addf %get3A_390, %mul3A_747 : vector<16xf32>
        %swap3A_749 = arith.constant 20 : i32
        %swap3A_750 = arith.index_cast %swap3A_749 : i32 to index
        %swap3A_751 = arith.index_cast %mul3A_385 : i32 to index
        %swap3A_752 = tpu.vector_load %arg8[%swap3A_750, %swap3A_751] {strides = array<i32>} : memref<64x768xf32, #tpu.memory_space<vmem>>, vector<1x16xf32>,
        %swap3A_753 = vector.shape_cast %swap3A_752 : vector<1x16xf32> to vector<16xf32>
        %swap3A_754 = vector.shape_cast %add3A_748 : vector<16xf32> to vector<1x16xf32>
        tpu.vector_store %arg8[%swap3A_750, %swap3A_751], %swap3A_754 {strides = array<i32>} : memref<64x768xf32, #tpu.memory_space<vmem>>, vector<1x16xf32>,
        %mul3A_755 = vector.broadcast %squeeze3A_266 : f32 to vector<16xf32>
        %mul3A_756 = arith.mulf %mul3A_755, %add3A_440 : vector<16xf32>
        %add3A_757 = arith.addf %sub3A_431, %mul3A_756 : vector<16xf32>
        %mul3A_758 = vector.broadcast %squeeze3A_266 : f32 to vector<16xf32>
        %mul3A_759 = arith.mulf %mul3A_758, %add3A_757 : vector<16xf32>
        %add3A_760 = arith.addf %add3A_419, %mul3A_759 : vector<16xf32>
        %mul3A_761 = vector.broadcast %squeeze3A_266 : f32 to vector<16xf32>
        %mul3A_762 = arith.mulf %mul3A_761, %add3A_760 : vector<16xf32>
        %add3A_763 = arith.addf %get3A_390, %mul3A_762 : vector<16xf32>
        %swap3A_764 = arith.constant 21 : i32
        %swap3A_765 = arith.index_cast %swap3A_764 : i32 to index
        %swap3A_766 = arith.index_cast %mul3A_385 : i32 to index
        %swap3A_767 = tpu.vector_load %arg8[%swap3A_765, %swap3A_766] {strides = array<i32>} : memref<64x768xf32, #tpu.memory_space<vmem>>, vector<1x16xf32>,
        %swap3A_768 = vector.shape_cast %swap3A_767 : vector<1x16xf32> to vector<16xf32>
        %swap3A_769 = vector.shape_cast %add3A_763 : vector<16xf32> to vector<1x16xf32>
        tpu.vector_store %arg8[%swap3A_765, %swap3A_766], %swap3A_769 {strides = array<i32>} : memref<64x768xf32, #tpu.memory_space<vmem>>, vector<1x16xf32>,
        %mul3A_770 = vector.broadcast %squeeze3A_268 : f32 to vector<16xf32>
        %mul3A_771 = arith.mulf %mul3A_770, %add3A_440 : vector<16xf32>
        %add3A_772 = arith.addf %sub3A_431, %mul3A_771 : vector<16xf32>
        %mul3A_773 = vector.broadcast %squeeze3A_268 : f32 to vector<16xf32>
        %mul3A_774 = arith.mulf %mul3A_773, %add3A_772 : vector<16xf32>
        %add3A_775 = arith.addf %add3A_419, %mul3A_774 : vector<16xf32>
        %mul3A_776 = vector.broadcast %squeeze3A_268 : f32 to vector<16xf32>
        %mul3A_777 = arith.mulf %mul3A_776, %add3A_775 : vector<16xf32>
        %add3A_778 = arith.addf %get3A_390, %mul3A_777 : vector<16xf32>
        %swap3A_779 = arith.constant 22 : i32
        %swap3A_780 = arith.index_cast %swap3A_779 : i32 to index
        %swap3A_781 = arith.index_cast %mul3A_385 : i32 to index
        %swap3A_782 = tpu.vector_load %arg8[%swap3A_780, %swap3A_781] {strides = array<i32>} : memref<64x768xf32, #tpu.memory_space<vmem>>, vector<1x16xf32>,
        %swap3A_783 = vector.shape_cast %swap3A_782 : vector<1x16xf32> to vector<16xf32>
        %swap3A_784 = vector.shape_cast %add3A_778 : vector<16xf32> to vector<1x16xf32>
        tpu.vector_store %arg8[%swap3A_780, %swap3A_781], %swap3A_784 {strides = array<i32>} : memref<64x768xf32, #tpu.memory_space<vmem>>, vector<1x16xf32>,
        %mul3A_785 = vector.broadcast %squeeze3A_270 : f32 to vector<16xf32>
        %mul3A_786 = arith.mulf %mul3A_785, %add3A_440 : vector<16xf32>
        %add3A_787 = arith.addf %sub3A_431, %mul3A_786 : vector<16xf32>
        %mul3A_788 = vector.broadcast %squeeze3A_270 : f32 to vector<16xf32>
        %mul3A_789 = arith.mulf %mul3A_788, %add3A_787 : vector<16xf32>
        %add3A_790 = arith.addf %add3A_419, %mul3A_789 : vector<16xf32>
        %mul3A_791 = vector.broadcast %squeeze3A_270 : f32 to vector<16xf32>
        %mul3A_792 = arith.mulf %mul3A_791, %add3A_790 : vector<16xf32>
        %add3A_793 = arith.addf %get3A_390, %mul3A_792 : vector<16xf32>
        %swap3A_794 = arith.constant 23 : i32
        %swap3A_795 = arith.index_cast %swap3A_794 : i32 to index
        %swap3A_796 = arith.index_cast %mul3A_385 : i32 to index
        %swap3A_797 = tpu.vector_load %arg8[%swap3A_795, %swap3A_796] {strides = array<i32>} : memref<64x768xf32, #tpu.memory_space<vmem>>, vector<1x16xf32>,
        %swap3A_798 = vector.shape_cast %swap3A_797 : vector<1x16xf32> to vector<16xf32>
        %swap3A_799 = vector.shape_cast %add3A_793 : vector<16xf32> to vector<1x16xf32>
        tpu.vector_store %arg8[%swap3A_795, %swap3A_796], %swap3A_799 {strides = array<i32>} : memref<64x768xf32, #tpu.memory_space<vmem>>, vector<1x16xf32>,
        %mul3A_800 = vector.broadcast %squeeze3A_272 : f32 to vector<16xf32>
        %mul3A_801 = arith.mulf %mul3A_800, %add3A_440 : vector<16xf32>
        %add3A_802 = arith.addf %sub3A_431, %mul3A_801 : vector<16xf32>
        %mul3A_803 = vector.broadcast %squeeze3A_272 : f32 to vector<16xf32>
        %mul3A_804 = arith.mulf %mul3A_803, %add3A_802 : vector<16xf32>
        %add3A_805 = arith.addf %add3A_419, %mul3A_804 : vector<16xf32>
        %mul3A_806 = vector.broadcast %squeeze3A_272 : f32 to vector<16xf32>
        %mul3A_807 = arith.mulf %mul3A_806, %add3A_805 : vector<16xf32>
        %add3A_808 = arith.addf %get3A_390, %mul3A_807 : vector<16xf32>
        %swap3A_809 = arith.constant 24 : i32
        %swap3A_810 = arith.index_cast %swap3A_809 : i32 to index
        %swap3A_811 = arith.index_cast %mul3A_385 : i32 to index
        %swap3A_812 = tpu.vector_load %arg8[%swap3A_810, %swap3A_811] {strides = array<i32>} : memref<64x768xf32, #tpu.memory_space<vmem>>, vector<1x16xf32>,
        %swap3A_813 = vector.shape_cast %swap3A_812 : vector<1x16xf32> to vector<16xf32>
        %swap3A_814 = vector.shape_cast %add3A_808 : vector<16xf32> to vector<1x16xf32>
        tpu.vector_store %arg8[%swap3A_810, %swap3A_811], %swap3A_814 {strides = array<i32>} : memref<64x768xf32, #tpu.memory_space<vmem>>, vector<1x16xf32>,
        %mul3A_815 = vector.broadcast %squeeze3A_274 : f32 to vector<16xf32>
        %mul3A_816 = arith.mulf %mul3A_815, %add3A_440 : vector<16xf32>
        %add3A_817 = arith.addf %sub3A_431, %mul3A_816 : vector<16xf32>
        %mul3A_818 = vector.broadcast %squeeze3A_274 : f32 to vector<16xf32>
        %mul3A_819 = arith.mulf %mul3A_818, %add3A_817 : vector<16xf32>
        %add3A_820 = arith.addf %add3A_419, %mul3A_819 : vector<16xf32>
        %mul3A_821 = vector.broadcast %squeeze3A_274 : f32 to vector<16xf32>
        %mul3A_822 = arith.mulf %mul3A_821, %add3A_820 : vector<16xf32>
        %add3A_823 = arith.addf %get3A_390, %mul3A_822 : vector<16xf32>
        %swap3A_824 = arith.constant 25 : i32
        %swap3A_825 = arith.index_cast %swap3A_824 : i32 to index
        %swap3A_826 = arith.index_cast %mul3A_385 : i32 to index
        %swap3A_827 = tpu.vector_load %arg8[%swap3A_825, %swap3A_826] {strides = array<i32>} : memref<64x768xf32, #tpu.memory_space<vmem>>, vector<1x16xf32>,
        %swap3A_828 = vector.shape_cast %swap3A_827 : vector<1x16xf32> to vector<16xf32>
        %swap3A_829 = vector.shape_cast %add3A_823 : vector<16xf32> to vector<1x16xf32>
        tpu.vector_store %arg8[%swap3A_825, %swap3A_826], %swap3A_829 {strides = array<i32>} : memref<64x768xf32, #tpu.memory_space<vmem>>, vector<1x16xf32>,
        %mul3A_830 = vector.broadcast %squeeze3A_276 : f32 to vector<16xf32>
        %mul3A_831 = arith.mulf %mul3A_830, %add3A_440 : vector<16xf32>
        %add3A_832 = arith.addf %sub3A_431, %mul3A_831 : vector<16xf32>
        %mul3A_833 = vector.broadcast %squeeze3A_276 : f32 to vector<16xf32>
        %mul3A_834 = arith.mulf %mul3A_833, %add3A_832 : vector<16xf32>
        %add3A_835 = arith.addf %add3A_419, %mul3A_834 : vector<16xf32>
        %mul3A_836 = vector.broadcast %squeeze3A_276 : f32 to vector<16xf32>
        %mul3A_837 = arith.mulf %mul3A_836, %add3A_835 : vector<16xf32>
        %add3A_838 = arith.addf %get3A_390, %mul3A_837 : vector<16xf32>
        %swap3A_839 = arith.constant 26 : i32
        %swap3A_840 = arith.index_cast %swap3A_839 : i32 to index
        %swap3A_841 = arith.index_cast %mul3A_385 : i32 to index
        %swap3A_842 = tpu.vector_load %arg8[%swap3A_840, %swap3A_841] {strides = array<i32>} : memref<64x768xf32, #tpu.memory_space<vmem>>, vector<1x16xf32>,
        %swap3A_843 = vector.shape_cast %swap3A_842 : vector<1x16xf32> to vector<16xf32>
        %swap3A_844 = vector.shape_cast %add3A_838 : vector<16xf32> to vector<1x16xf32>
        tpu.vector_store %arg8[%swap3A_840, %swap3A_841], %swap3A_844 {strides = array<i32>} : memref<64x768xf32, #tpu.memory_space<vmem>>, vector<1x16xf32>,
        %mul3A_845 = vector.broadcast %squeeze3A_278 : f32 to vector<16xf32>
        %mul3A_846 = arith.mulf %mul3A_845, %add3A_440 : vector<16xf32>
        %add3A_847 = arith.addf %sub3A_431, %mul3A_846 : vector<16xf32>
        %mul3A_848 = vector.broadcast %squeeze3A_278 : f32 to vector<16xf32>
        %mul3A_849 = arith.mulf %mul3A_848, %add3A_847 : vector<16xf32>
        %add3A_850 = arith.addf %add3A_419, %mul3A_849 : vector<16xf32>
        %mul3A_851 = vector.broadcast %squeeze3A_278 : f32 to vector<16xf32>
        %mul3A_852 = arith.mulf %mul3A_851, %add3A_850 : vector<16xf32>
        %add3A_853 = arith.addf %get3A_390, %mul3A_852 : vector<16xf32>
        %swap3A_854 = arith.constant 27 : i32
        %swap3A_855 = arith.index_cast %swap3A_854 : i32 to index
        %swap3A_856 = arith.index_cast %mul3A_385 : i32 to index
        %swap3A_857 = tpu.vector_load %arg8[%swap3A_855, %swap3A_856] {strides = array<i32>} : memref<64x768xf32, #tpu.memory_space<vmem>>, vector<1x16xf32>,
        %swap3A_858 = vector.shape_cast %swap3A_857 : vector<1x16xf32> to vector<16xf32>
        %swap3A_859 = vector.shape_cast %add3A_853 : vector<16xf32> to vector<1x16xf32>
        tpu.vector_store %arg8[%swap3A_855, %swap3A_856], %swap3A_859 {strides = array<i32>} : memref<64x768xf32, #tpu.memory_space<vmem>>, vector<1x16xf32>,
        %mul3A_860 = vector.broadcast %squeeze3A_280 : f32 to vector<16xf32>
        %mul3A_861 = arith.mulf %mul3A_860, %add3A_440 : vector<16xf32>
        %add3A_862 = arith.addf %sub3A_431, %mul3A_861 : vector<16xf32>
        %mul3A_863 = vector.broadcast %squeeze3A_280 : f32 to vector<16xf32>
        %mul3A_864 = arith.mulf %mul3A_863, %add3A_862 : vector<16xf32>
        %add3A_865 = arith.addf %add3A_419, %mul3A_864 : vector<16xf32>
        %mul3A_866 = vector.broadcast %squeeze3A_280 : f32 to vector<16xf32>
        %mul3A_867 = arith.mulf %mul3A_866, %add3A_865 : vector<16xf32>
        %add3A_868 = arith.addf %get3A_390, %mul3A_867 : vector<16xf32>
        %swap3A_869 = arith.constant 28 : i32
        %swap3A_870 = arith.index_cast %swap3A_869 : i32 to index
        %swap3A_871 = arith.index_cast %mul3A_385 : i32 to index
        %swap3A_872 = tpu.vector_load %arg8[%swap3A_870, %swap3A_871] {strides = array<i32>} : memref<64x768xf32, #tpu.memory_space<vmem>>, vector<1x16xf32>,
        %swap3A_873 = vector.shape_cast %swap3A_872 : vector<1x16xf32> to vector<16xf32>
        %swap3A_874 = vector.shape_cast %add3A_868 : vector<16xf32> to vector<1x16xf32>
        tpu.vector_store %arg8[%swap3A_870, %swap3A_871], %swap3A_874 {strides = array<i32>} : memref<64x768xf32, #tpu.memory_space<vmem>>, vector<1x16xf32>,
        %mul3A_875 = vector.broadcast %squeeze3A_282 : f32 to vector<16xf32>
        %mul3A_876 = arith.mulf %mul3A_875, %add3A_440 : vector<16xf32>
        %add3A_877 = arith.addf %sub3A_431, %mul3A_876 : vector<16xf32>
        %mul3A_878 = vector.broadcast %squeeze3A_282 : f32 to vector<16xf32>
        %mul3A_879 = arith.mulf %mul3A_878, %add3A_877 : vector<16xf32>
        %add3A_880 = arith.addf %add3A_419, %mul3A_879 : vector<16xf32>
        %mul3A_881 = vector.broadcast %squeeze3A_282 : f32 to vector<16xf32>
        %mul3A_882 = arith.mulf %mul3A_881, %add3A_880 : vector<16xf32>
        %add3A_883 = arith.addf %get3A_390, %mul3A_882 : vector<16xf32>
        %swap3A_884 = arith.constant 29 : i32
        %swap3A_885 = arith.index_cast %swap3A_884 : i32 to index
        %swap3A_886 = arith.index_cast %mul3A_385 : i32 to index
        %swap3A_887 = tpu.vector_load %arg8[%swap3A_885, %swap3A_886] {strides = array<i32>} : memref<64x768xf32, #tpu.memory_space<vmem>>, vector<1x16xf32>,
        %swap3A_888 = vector.shape_cast %swap3A_887 : vector<1x16xf32> to vector<16xf32>
        %swap3A_889 = vector.shape_cast %add3A_883 : vector<16xf32> to vector<1x16xf32>
        tpu.vector_store %arg8[%swap3A_885, %swap3A_886], %swap3A_889 {strides = array<i32>} : memref<64x768xf32, #tpu.memory_space<vmem>>, vector<1x16xf32>,
        %mul3A_890 = vector.broadcast %squeeze3A_284 : f32 to vector<16xf32>
        %mul3A_891 = arith.mulf %mul3A_890, %add3A_440 : vector<16xf32>
        %add3A_892 = arith.addf %sub3A_431, %mul3A_891 : vector<16xf32>
        %mul3A_893 = vector.broadcast %squeeze3A_284 : f32 to vector<16xf32>
        %mul3A_894 = arith.mulf %mul3A_893, %add3A_892 : vector<16xf32>
        %add3A_895 = arith.addf %add3A_419, %mul3A_894 : vector<16xf32>
        %mul3A_896 = vector.broadcast %squeeze3A_284 : f32 to vector<16xf32>
        %mul3A_897 = arith.mulf %mul3A_896, %add3A_895 : vector<16xf32>
        %add3A_898 = arith.addf %get3A_390, %mul3A_897 : vector<16xf32>
        %swap3A_899 = arith.constant 30 : i32
        %swap3A_900 = arith.index_cast %swap3A_899 : i32 to index
        %swap3A_901 = arith.index_cast %mul3A_385 : i32 to index
        %swap3A_902 = tpu.vector_load %arg8[%swap3A_900, %swap3A_901] {strides = array<i32>} : memref<64x768xf32, #tpu.memory_space<vmem>>, vector<1x16xf32>,
        %swap3A_903 = vector.shape_cast %swap3A_902 : vector<1x16xf32> to vector<16xf32>
        %swap3A_904 = vector.shape_cast %add3A_898 : vector<16xf32> to vector<1x16xf32>
        tpu.vector_store %arg8[%swap3A_900, %swap3A_901], %swap3A_904 {strides = array<i32>} : memref<64x768xf32, #tpu.memory_space<vmem>>, vector<1x16xf32>,
        %mul3A_905 = vector.broadcast %squeeze3A_286 : f32 to vector<16xf32>
        %mul3A_906 = arith.mulf %mul3A_905, %add3A_440 : vector<16xf32>
        %add3A_907 = arith.addf %sub3A_431, %mul3A_906 : vector<16xf32>
        %mul3A_908 = vector.broadcast %squeeze3A_286 : f32 to vector<16xf32>
        %mul3A_909 = arith.mulf %mul3A_908, %add3A_907 : vector<16xf32>
        %add3A_910 = arith.addf %add3A_419, %mul3A_909 : vector<16xf32>
        %mul3A_911 = vector.broadcast %squeeze3A_286 : f32 to vector<16xf32>
        %mul3A_912 = arith.mulf %mul3A_911, %add3A_910 : vector<16xf32>
        %add3A_913 = arith.addf %get3A_390, %mul3A_912 : vector<16xf32>
        %swap3A_914 = arith.constant 31 : i32
        %swap3A_915 = arith.index_cast %swap3A_914 : i32 to index
        %swap3A_916 = arith.index_cast %mul3A_385 : i32 to index
        %swap3A_917 = tpu.vector_load %arg8[%swap3A_915, %swap3A_916] {strides = array<i32>} : memref<64x768xf32, #tpu.memory_space<vmem>>, vector<1x16xf32>,
        %swap3A_918 = vector.shape_cast %swap3A_917 : vector<1x16xf32> to vector<16xf32>
        %swap3A_919 = vector.shape_cast %add3A_913 : vector<16xf32> to vector<1x16xf32>
        tpu.vector_store %arg8[%swap3A_915, %swap3A_916], %swap3A_919 {strides = array<i32>} : memref<64x768xf32, #tpu.memory_space<vmem>>, vector<1x16xf32>,
        %mul3A_920 = vector.broadcast %squeeze3A_296 : f32 to vector<16xf32>
        %mul3A_921 = arith.mulf %mul3A_920, %add3A_440 : vector<16xf32>
        %add3A_922 = arith.addf %sub3A_431, %mul3A_921 : vector<16xf32>
        %mul3A_923 = vector.broadcast %squeeze3A_296 : f32 to vector<16xf32>
        %mul3A_924 = arith.mulf %mul3A_923, %add3A_922 : vector<16xf32>
        %add3A_925 = arith.addf %add3A_419, %mul3A_924 : vector<16xf32>
        %mul3A_926 = vector.broadcast %squeeze3A_296 : f32 to vector<16xf32>
        %mul3A_927 = arith.mulf %mul3A_926, %add3A_925 : vector<16xf32>
        %add3A_928 = arith.addf %get3A_390, %mul3A_927 : vector<16xf32>
        %swap3A_929 = arith.constant 32 : i32
        %swap3A_930 = arith.index_cast %swap3A_929 : i32 to index
        %swap3A_931 = arith.index_cast %mul3A_385 : i32 to index
        %swap3A_932 = tpu.vector_load %arg8[%swap3A_930, %swap3A_931] {strides = array<i32>} : memref<64x768xf32, #tpu.memory_space<vmem>>, vector<1x16xf32>,
        %swap3A_933 = vector.shape_cast %swap3A_932 : vector<1x16xf32> to vector<16xf32>
        %swap3A_934 = vector.shape_cast %add3A_928 : vector<16xf32> to vector<1x16xf32>
        tpu.vector_store %arg8[%swap3A_930, %swap3A_931], %swap3A_934 {strides = array<i32>} : memref<64x768xf32, #tpu.memory_space<vmem>>, vector<1x16xf32>,
        %mul3A_935 = vector.broadcast %squeeze3A_298 : f32 to vector<16xf32>
        %mul3A_936 = arith.mulf %mul3A_935, %add3A_440 : vector<16xf32>
        %add3A_937 = arith.addf %sub3A_431, %mul3A_936 : vector<16xf32>
        %mul3A_938 = vector.broadcast %squeeze3A_298 : f32 to vector<16xf32>
        %mul3A_939 = arith.mulf %mul3A_938, %add3A_937 : vector<16xf32>
        %add3A_940 = arith.addf %add3A_419, %mul3A_939 : vector<16xf32>
        %mul3A_941 = vector.broadcast %squeeze3A_298 : f32 to vector<16xf32>
        %mul3A_942 = arith.mulf %mul3A_941, %add3A_940 : vector<16xf32>
        %add3A_943 = arith.addf %get3A_390, %mul3A_942 : vector<16xf32>
        %swap3A_944 = arith.constant 33 : i32
        %swap3A_945 = arith.index_cast %swap3A_944 : i32 to index
        %swap3A_946 = arith.index_cast %mul3A_385 : i32 to index
        %swap3A_947 = tpu.vector_load %arg8[%swap3A_945, %swap3A_946] {strides = array<i32>} : memref<64x768xf32, #tpu.memory_space<vmem>>, vector<1x16xf32>,
        %swap3A_948 = vector.shape_cast %swap3A_947 : vector<1x16xf32> to vector<16xf32>
        %swap3A_949 = vector.shape_cast %add3A_943 : vector<16xf32> to vector<1x16xf32>
        tpu.vector_store %arg8[%swap3A_945, %swap3A_946], %swap3A_949 {strides = array<i32>} : memref<64x768xf32, #tpu.memory_space<vmem>>, vector<1x16xf32>,
        %mul3A_950 = vector.broadcast %squeeze3A_300 : f32 to vector<16xf32>
        %mul3A_951 = arith.mulf %mul3A_950, %add3A_440 : vector<16xf32>
        %add3A_952 = arith.addf %sub3A_431, %mul3A_951 : vector<16xf32>
        %mul3A_953 = vector.broadcast %squeeze3A_300 : f32 to vector<16xf32>
        %mul3A_954 = arith.mulf %mul3A_953, %add3A_952 : vector<16xf32>
        %add3A_955 = arith.addf %add3A_419, %mul3A_954 : vector<16xf32>
        %mul3A_956 = vector.broadcast %squeeze3A_300 : f32 to vector<16xf32>
        %mul3A_957 = arith.mulf %mul3A_956, %add3A_955 : vector<16xf32>
        %add3A_958 = arith.addf %get3A_390, %mul3A_957 : vector<16xf32>
        %swap3A_959 = arith.constant 34 : i32
        %swap3A_960 = arith.index_cast %swap3A_959 : i32 to index
        %swap3A_961 = arith.index_cast %mul3A_385 : i32 to index
        %swap3A_962 = tpu.vector_load %arg8[%swap3A_960, %swap3A_961] {strides = array<i32>} : memref<64x768xf32, #tpu.memory_space<vmem>>, vector<1x16xf32>,
        %swap3A_963 = vector.shape_cast %swap3A_962 : vector<1x16xf32> to vector<16xf32>
        %swap3A_964 = vector.shape_cast %add3A_958 : vector<16xf32> to vector<1x16xf32>
        tpu.vector_store %arg8[%swap3A_960, %swap3A_961], %swap3A_964 {strides = array<i32>} : memref<64x768xf32, #tpu.memory_space<vmem>>, vector<1x16xf32>,
        %mul3A_965 = vector.broadcast %squeeze3A_302 : f32 to vector<16xf32>
        %mul3A_966 = arith.mulf %mul3A_965, %add3A_440 : vector<16xf32>
        %add3A_967 = arith.addf %sub3A_431, %mul3A_966 : vector<16xf32>
        %mul3A_968 = vector.broadcast %squeeze3A_302 : f32 to vector<16xf32>
        %mul3A_969 = arith.mulf %mul3A_968, %add3A_967 : vector<16xf32>
        %add3A_970 = arith.addf %add3A_419, %mul3A_969 : vector<16xf32>
        %mul3A_971 = vector.broadcast %squeeze3A_302 : f32 to vector<16xf32>
        %mul3A_972 = arith.mulf %mul3A_971, %add3A_970 : vector<16xf32>
        %add3A_973 = arith.addf %get3A_390, %mul3A_972 : vector<16xf32>
        %swap3A_974 = arith.constant 35 : i32
        %swap3A_975 = arith.index_cast %swap3A_974 : i32 to index
        %swap3A_976 = arith.index_cast %mul3A_385 : i32 to index
        %swap3A_977 = tpu.vector_load %arg8[%swap3A_975, %swap3A_976] {strides = array<i32>} : memref<64x768xf32, #tpu.memory_space<vmem>>, vector<1x16xf32>,
        %swap3A_978 = vector.shape_cast %swap3A_977 : vector<1x16xf32> to vector<16xf32>
        %swap3A_979 = vector.shape_cast %add3A_973 : vector<16xf32> to vector<1x16xf32>
        tpu.vector_store %arg8[%swap3A_975, %swap3A_976], %swap3A_979 {strides = array<i32>} : memref<64x768xf32, #tpu.memory_space<vmem>>, vector<1x16xf32>,
        %mul3A_980 = vector.broadcast %squeeze3A_304 : f32 to vector<16xf32>
        %mul3A_981 = arith.mulf %mul3A_980, %add3A_440 : vector<16xf32>
        %add3A_982 = arith.addf %sub3A_431, %mul3A_981 : vector<16xf32>
        %mul3A_983 = vector.broadcast %squeeze3A_304 : f32 to vector<16xf32>
        %mul3A_984 = arith.mulf %mul3A_983, %add3A_982 : vector<16xf32>
        %add3A_985 = arith.addf %add3A_419, %mul3A_984 : vector<16xf32>
        %mul3A_986 = vector.broadcast %squeeze3A_304 : f32 to vector<16xf32>
        %mul3A_987 = arith.mulf %mul3A_986, %add3A_985 : vector<16xf32>
        %add3A_988 = arith.addf %get3A_390, %mul3A_987 : vector<16xf32>
        %swap3A_989 = arith.constant 36 : i32
        %swap3A_990 = arith.index_cast %swap3A_989 : i32 to index
        %swap3A_991 = arith.index_cast %mul3A_385 : i32 to index
        %swap3A_992 = tpu.vector_load %arg8[%swap3A_990, %swap3A_991] {strides = array<i32>} : memref<64x768xf32, #tpu.memory_space<vmem>>, vector<1x16xf32>,
        %swap3A_993 = vector.shape_cast %swap3A_992 : vector<1x16xf32> to vector<16xf32>
        %swap3A_994 = vector.shape_cast %add3A_988 : vector<16xf32> to vector<1x16xf32>
        tpu.vector_store %arg8[%swap3A_990, %swap3A_991], %swap3A_994 {strides = array<i32>} : memref<64x768xf32, #tpu.memory_space<vmem>>, vector<1x16xf32>,
        %mul3A_995 = vector.broadcast %squeeze3A_306 : f32 to vector<16xf32>
        %mul3A_996 = arith.mulf %mul3A_995, %add3A_440 : vector<16xf32>
        %add3A_997 = arith.addf %sub3A_431, %mul3A_996 : vector<16xf32>
        %mul3A_998 = vector.broadcast %squeeze3A_306 : f32 to vector<16xf32>
        %mul3A_999 = arith.mulf %mul3A_998, %add3A_997 : vector<16xf32>
        %add3A_1000 = arith.addf %add3A_419, %mul3A_999 : vector<16xf32>
        %mul3A_1001 = vector.broadcast %squeeze3A_306 : f32 to vector<16xf32>
        %mul3A_1002 = arith.mulf %mul3A_1001, %add3A_1000 : vector<16xf32>
        %add3A_1003 = arith.addf %get3A_390, %mul3A_1002 : vector<16xf32>
        %swap3A_1004 = arith.constant 37 : i32
        %swap3A_1005 = arith.index_cast %swap3A_1004 : i32 to index
        %swap3A_1006 = arith.index_cast %mul3A_385 : i32 to index
        %swap3A_1007 = tpu.vector_load %arg8[%swap3A_1005, %swap3A_1006] {strides = array<i32>} : memref<64x768xf32, #tpu.memory_space<vmem>>, vector<1x16xf32>,
        %swap3A_1008 = vector.shape_cast %swap3A_1007 : vector<1x16xf32> to vector<16xf32>
        %swap3A_1009 = vector.shape_cast %add3A_1003 : vector<16xf32> to vector<1x16xf32>
        tpu.vector_store %arg8[%swap3A_1005, %swap3A_1006], %swap3A_1009 {strides = array<i32>} : memref<64x768xf32, #tpu.memory_space<vmem>>, vector<1x16xf32>,
        %mul3A_1010 = vector.broadcast %squeeze3A_308 : f32 to vector<16xf32>
        %mul3A_1011 = arith.mulf %mul3A_1010, %add3A_440 : vector<16xf32>
        %add3A_1012 = arith.addf %sub3A_431, %mul3A_1011 : vector<16xf32>
        %mul3A_1013 = vector.broadcast %squeeze3A_308 : f32 to vector<16xf32>
        %mul3A_1014 = arith.mulf %mul3A_1013, %add3A_1012 : vector<16xf32>
        %add3A_1015 = arith.addf %add3A_419, %mul3A_1014 : vector<16xf32>
        %mul3A_1016 = vector.broadcast %squeeze3A_308 : f32 to vector<16xf32>
        %mul3A_1017 = arith.mulf %mul3A_1016, %add3A_1015 : vector<16xf32>
        %add3A_1018 = arith.addf %get3A_390, %mul3A_1017 : vector<16xf32>
        %swap3A_1019 = arith.constant 38 : i32
        %swap3A_1020 = arith.index_cast %swap3A_1019 : i32 to index
        %swap3A_1021 = arith.index_cast %mul3A_385 : i32 to index
        %swap3A_1022 = tpu.vector_load %arg8[%swap3A_1020, %swap3A_1021] {strides = array<i32>} : memref<64x768xf32, #tpu.memory_space<vmem>>, vector<1x16xf32>,
        %swap3A_1023 = vector.shape_cast %swap3A_1022 : vector<1x16xf32> to vector<16xf32>
        %swap3A_1024 = vector.shape_cast %add3A_1018 : vector<16xf32> to vector<1x16xf32>
        tpu.vector_store %arg8[%swap3A_1020, %swap3A_1021], %swap3A_1024 {strides = array<i32>} : memref<64x768xf32, #tpu.memory_space<vmem>>, vector<1x16xf32>,
        %mul3A_1025 = vector.broadcast %squeeze3A_310 : f32 to vector<16xf32>
        %mul3A_1026 = arith.mulf %mul3A_1025, %add3A_440 : vector<16xf32>
        %add3A_1027 = arith.addf %sub3A_431, %mul3A_1026 : vector<16xf32>
        %mul3A_1028 = vector.broadcast %squeeze3A_310 : f32 to vector<16xf32>
        %mul3A_1029 = arith.mulf %mul3A_1028, %add3A_1027 : vector<16xf32>
        %add3A_1030 = arith.addf %add3A_419, %mul3A_1029 : vector<16xf32>
        %mul3A_1031 = vector.broadcast %squeeze3A_310 : f32 to vector<16xf32>
        %mul3A_1032 = arith.mulf %mul3A_1031, %add3A_1030 : vector<16xf32>
        %add3A_1033 = arith.addf %get3A_390, %mul3A_1032 : vector<16xf32>
        %swap3A_1034 = arith.constant 39 : i32
        %swap3A_1035 = arith.index_cast %swap3A_1034 : i32 to index
        %swap3A_1036 = arith.index_cast %mul3A_385 : i32 to index
        %swap3A_1037 = tpu.vector_load %arg8[%swap3A_1035, %swap3A_1036] {strides = array<i32>} : memref<64x768xf32, #tpu.memory_space<vmem>>, vector<1x16xf32>,
        %swap3A_1038 = vector.shape_cast %swap3A_1037 : vector<1x16xf32> to vector<16xf32>
        %swap3A_1039 = vector.shape_cast %add3A_1033 : vector<16xf32> to vector<1x16xf32>
        tpu.vector_store %arg8[%swap3A_1035, %swap3A_1036], %swap3A_1039 {strides = array<i32>} : memref<64x768xf32, #tpu.memory_space<vmem>>, vector<1x16xf32>,
        %mul3A_1040 = vector.broadcast %squeeze3A_312 : f32 to vector<16xf32>
        %mul3A_1041 = arith.mulf %mul3A_1040, %add3A_440 : vector<16xf32>
        %add3A_1042 = arith.addf %sub3A_431, %mul3A_1041 : vector<16xf32>
        %mul3A_1043 = vector.broadcast %squeeze3A_312 : f32 to vector<16xf32>
        %mul3A_1044 = arith.mulf %mul3A_1043, %add3A_1042 : vector<16xf32>
        %add3A_1045 = arith.addf %add3A_419, %mul3A_1044 : vector<16xf32>
        %mul3A_1046 = vector.broadcast %squeeze3A_312 : f32 to vector<16xf32>
        %mul3A_1047 = arith.mulf %mul3A_1046, %add3A_1045 : vector<16xf32>
        %add3A_1048 = arith.addf %get3A_390, %mul3A_1047 : vector<16xf32>
        %swap3A_1049 = arith.constant 40 : i32
        %swap3A_1050 = arith.index_cast %swap3A_1049 : i32 to index
        %swap3A_1051 = arith.index_cast %mul3A_385 : i32 to index
        %swap3A_1052 = tpu.vector_load %arg8[%swap3A_1050, %swap3A_1051] {strides = array<i32>} : memref<64x768xf32, #tpu.memory_space<vmem>>, vector<1x16xf32>,
        %swap3A_1053 = vector.shape_cast %swap3A_1052 : vector<1x16xf32> to vector<16xf32>
        %swap3A_1054 = vector.shape_cast %add3A_1048 : vector<16xf32> to vector<1x16xf32>
        tpu.vector_store %arg8[%swap3A_1050, %swap3A_1051], %swap3A_1054 {strides = array<i32>} : memref<64x768xf32, #tpu.memory_space<vmem>>, vector<1x16xf32>,
        %mul3A_1055 = vector.broadcast %squeeze3A_314 : f32 to vector<16xf32>
        %mul3A_1056 = arith.mulf %mul3A_1055, %add3A_440 : vector<16xf32>
        %add3A_1057 = arith.addf %sub3A_431, %mul3A_1056 : vector<16xf32>
        %mul3A_1058 = vector.broadcast %squeeze3A_314 : f32 to vector<16xf32>
        %mul3A_1059 = arith.mulf %mul3A_1058, %add3A_1057 : vector<16xf32>
        %add3A_1060 = arith.addf %add3A_419, %mul3A_1059 : vector<16xf32>
        %mul3A_1061 = vector.broadcast %squeeze3A_314 : f32 to vector<16xf32>
        %mul3A_1062 = arith.mulf %mul3A_1061, %add3A_1060 : vector<16xf32>
        %add3A_1063 = arith.addf %get3A_390, %mul3A_1062 : vector<16xf32>
        %swap3A_1064 = arith.constant 41 : i32
        %swap3A_1065 = arith.index_cast %swap3A_1064 : i32 to index
        %swap3A_1066 = arith.index_cast %mul3A_385 : i32 to index
        %swap3A_1067 = tpu.vector_load %arg8[%swap3A_1065, %swap3A_1066] {strides = array<i32>} : memref<64x768xf32, #tpu.memory_space<vmem>>, vector<1x16xf32>,
        %swap3A_1068 = vector.shape_cast %swap3A_1067 : vector<1x16xf32> to vector<16xf32>
        %swap3A_1069 = vector.shape_cast %add3A_1063 : vector<16xf32> to vector<1x16xf32>
        tpu.vector_store %arg8[%swap3A_1065, %swap3A_1066], %swap3A_1069 {strides = array<i32>} : memref<64x768xf32, #tpu.memory_space<vmem>>, vector<1x16xf32>,
        %mul3A_1070 = vector.broadcast %squeeze3A_316 : f32 to vector<16xf32>
        %mul3A_1071 = arith.mulf %mul3A_1070, %add3A_440 : vector<16xf32>
        %add3A_1072 = arith.addf %sub3A_431, %mul3A_1071 : vector<16xf32>
        %mul3A_1073 = vector.broadcast %squeeze3A_316 : f32 to vector<16xf32>
        %mul3A_1074 = arith.mulf %mul3A_1073, %add3A_1072 : vector<16xf32>
        %add3A_1075 = arith.addf %add3A_419, %mul3A_1074 : vector<16xf32>
        %mul3A_1076 = vector.broadcast %squeeze3A_316 : f32 to vector<16xf32>
        %mul3A_1077 = arith.mulf %mul3A_1076, %add3A_1075 : vector<16xf32>
        %add3A_1078 = arith.addf %get3A_390, %mul3A_1077 : vector<16xf32>
        %swap3A_1079 = arith.constant 42 : i32
        %swap3A_1080 = arith.index_cast %swap3A_1079 : i32 to index
        %swap3A_1081 = arith.index_cast %mul3A_385 : i32 to index
        %swap3A_1082 = tpu.vector_load %arg8[%swap3A_1080, %swap3A_1081] {strides = array<i32>} : memref<64x768xf32, #tpu.memory_space<vmem>>, vector<1x16xf32>,
        %swap3A_1083 = vector.shape_cast %swap3A_1082 : vector<1x16xf32> to vector<16xf32>
        %swap3A_1084 = vector.shape_cast %add3A_1078 : vector<16xf32> to vector<1x16xf32>
        tpu.vector_store %arg8[%swap3A_1080, %swap3A_1081], %swap3A_1084 {strides = array<i32>} : memref<64x768xf32, #tpu.memory_space<vmem>>, vector<1x16xf32>,
        %mul3A_1085 = vector.broadcast %squeeze3A_318 : f32 to vector<16xf32>
        %mul3A_1086 = arith.mulf %mul3A_1085, %add3A_440 : vector<16xf32>
        %add3A_1087 = arith.addf %sub3A_431, %mul3A_1086 : vector<16xf32>
        %mul3A_1088 = vector.broadcast %squeeze3A_318 : f32 to vector<16xf32>
        %mul3A_1089 = arith.mulf %mul3A_1088, %add3A_1087 : vector<16xf32>
        %add3A_1090 = arith.addf %add3A_419, %mul3A_1089 : vector<16xf32>
        %mul3A_1091 = vector.broadcast %squeeze3A_318 : f32 to vector<16xf32>
        %mul3A_1092 = arith.mulf %mul3A_1091, %add3A_1090 : vector<16xf32>
        %add3A_1093 = arith.addf %get3A_390, %mul3A_1092 : vector<16xf32>
        %swap3A_1094 = arith.constant 43 : i32
        %swap3A_1095 = arith.index_cast %swap3A_1094 : i32 to index
        %swap3A_1096 = arith.index_cast %mul3A_385 : i32 to index
        %swap3A_1097 = tpu.vector_load %arg8[%swap3A_1095, %swap3A_1096] {strides = array<i32>} : memref<64x768xf32, #tpu.memory_space<vmem>>, vector<1x16xf32>,
        %swap3A_1098 = vector.shape_cast %swap3A_1097 : vector<1x16xf32> to vector<16xf32>
        %swap3A_1099 = vector.shape_cast %add3A_1093 : vector<16xf32> to vector<1x16xf32>
        tpu.vector_store %arg8[%swap3A_1095, %swap3A_1096], %swap3A_1099 {strides = array<i32>} : memref<64x768xf32, #tpu.memory_space<vmem>>, vector<1x16xf32>,
        %mul3A_1100 = vector.broadcast %squeeze3A_320 : f32 to vector<16xf32>
        %mul3A_1101 = arith.mulf %mul3A_1100, %add3A_440 : vector<16xf32>
        %add3A_1102 = arith.addf %sub3A_431, %mul3A_1101 : vector<16xf32>
        %mul3A_1103 = vector.broadcast %squeeze3A_320 : f32 to vector<16xf32>
        %mul3A_1104 = arith.mulf %mul3A_1103, %add3A_1102 : vector<16xf32>
        %add3A_1105 = arith.addf %add3A_419, %mul3A_1104 : vector<16xf32>
        %mul3A_1106 = vector.broadcast %squeeze3A_320 : f32 to vector<16xf32>
        %mul3A_1107 = arith.mulf %mul3A_1106, %add3A_1105 : vector<16xf32>
        %add3A_1108 = arith.addf %get3A_390, %mul3A_1107 : vector<16xf32>
        %swap3A_1109 = arith.constant 44 : i32
        %swap3A_1110 = arith.index_cast %swap3A_1109 : i32 to index
        %swap3A_1111 = arith.index_cast %mul3A_385 : i32 to index
        %swap3A_1112 = tpu.vector_load %arg8[%swap3A_1110, %swap3A_1111] {strides = array<i32>} : memref<64x768xf32, #tpu.memory_space<vmem>>, vector<1x16xf32>,
        %swap3A_1113 = vector.shape_cast %swap3A_1112 : vector<1x16xf32> to vector<16xf32>
        %swap3A_1114 = vector.shape_cast %add3A_1108 : vector<16xf32> to vector<1x16xf32>
        tpu.vector_store %arg8[%swap3A_1110, %swap3A_1111], %swap3A_1114 {strides = array<i32>} : memref<64x768xf32, #tpu.memory_space<vmem>>, vector<1x16xf32>,
        %mul3A_1115 = vector.broadcast %squeeze3A_322 : f32 to vector<16xf32>
        %mul3A_1116 = arith.mulf %mul3A_1115, %add3A_440 : vector<16xf32>
        %add3A_1117 = arith.addf %sub3A_431, %mul3A_1116 : vector<16xf32>
        %mul3A_1118 = vector.broadcast %squeeze3A_322 : f32 to vector<16xf32>
        %mul3A_1119 = arith.mulf %mul3A_1118, %add3A_1117 : vector<16xf32>
        %add3A_1120 = arith.addf %add3A_419, %mul3A_1119 : vector<16xf32>
        %mul3A_1121 = vector.broadcast %squeeze3A_322 : f32 to vector<16xf32>
        %mul3A_1122 = arith.mulf %mul3A_1121, %add3A_1120 : vector<16xf32>
        %add3A_1123 = arith.addf %get3A_390, %mul3A_1122 : vector<16xf32>
        %swap3A_1124 = arith.constant 45 : i32
        %swap3A_1125 = arith.index_cast %swap3A_1124 : i32 to index
        %swap3A_1126 = arith.index_cast %mul3A_385 : i32 to index
        %swap3A_1127 = tpu.vector_load %arg8[%swap3A_1125, %swap3A_1126] {strides = array<i32>} : memref<64x768xf32, #tpu.memory_space<vmem>>, vector<1x16xf32>,
        %swap3A_1128 = vector.shape_cast %swap3A_1127 : vector<1x16xf32> to vector<16xf32>
        %swap3A_1129 = vector.shape_cast %add3A_1123 : vector<16xf32> to vector<1x16xf32>
        tpu.vector_store %arg8[%swap3A_1125, %swap3A_1126], %swap3A_1129 {strides = array<i32>} : memref<64x768xf32, #tpu.memory_space<vmem>>, vector<1x16xf32>,
        %mul3A_1130 = vector.broadcast %squeeze3A_324 : f32 to vector<16xf32>
        %mul3A_1131 = arith.mulf %mul3A_1130, %add3A_440 : vector<16xf32>
        %add3A_1132 = arith.addf %sub3A_431, %mul3A_1131 : vector<16xf32>
        %mul3A_1133 = vector.broadcast %squeeze3A_324 : f32 to vector<16xf32>
        %mul3A_1134 = arith.mulf %mul3A_1133, %add3A_1132 : vector<16xf32>
        %add3A_1135 = arith.addf %add3A_419, %mul3A_1134 : vector<16xf32>
        %mul3A_1136 = vector.broadcast %squeeze3A_324 : f32 to vector<16xf32>
        %mul3A_1137 = arith.mulf %mul3A_1136, %add3A_1135 : vector<16xf32>
        %add3A_1138 = arith.addf %get3A_390, %mul3A_1137 : vector<16xf32>
        %swap3A_1139 = arith.constant 46 : i32
        %swap3A_1140 = arith.index_cast %swap3A_1139 : i32 to index
        %swap3A_1141 = arith.index_cast %mul3A_385 : i32 to index
        %swap3A_1142 = tpu.vector_load %arg8[%swap3A_1140, %swap3A_1141] {strides = array<i32>} : memref<64x768xf32, #tpu.memory_space<vmem>>, vector<1x16xf32>,
        %swap3A_1143 = vector.shape_cast %swap3A_1142 : vector<1x16xf32> to vector<16xf32>
        %swap3A_1144 = vector.shape_cast %add3A_1138 : vector<16xf32> to vector<1x16xf32>
        tpu.vector_store %arg8[%swap3A_1140, %swap3A_1141], %swap3A_1144 {strides = array<i32>} : memref<64x768xf32, #tpu.memory_space<vmem>>, vector<1x16xf32>,
        %mul3A_1145 = vector.broadcast %squeeze3A_326 : f32 to vector<16xf32>
        %mul3A_1146 = arith.mulf %mul3A_1145, %add3A_440 : vector<16xf32>
        %add3A_1147 = arith.addf %sub3A_431, %mul3A_1146 : vector<16xf32>
        %mul3A_1148 = vector.broadcast %squeeze3A_326 : f32 to vector<16xf32>
        %mul3A_1149 = arith.mulf %mul3A_1148, %add3A_1147 : vector<16xf32>
        %add3A_1150 = arith.addf %add3A_419, %mul3A_1149 : vector<16xf32>
        %mul3A_1151 = vector.broadcast %squeeze3A_326 : f32 to vector<16xf32>
        %mul3A_1152 = arith.mulf %mul3A_1151, %add3A_1150 : vector<16xf32>
        %add3A_1153 = arith.addf %get3A_390, %mul3A_1152 : vector<16xf32>
        %swap3A_1154 = arith.constant 47 : i32
        %swap3A_1155 = arith.index_cast %swap3A_1154 : i32 to index
        %swap3A_1156 = arith.index_cast %mul3A_385 : i32 to index
        %swap3A_1157 = tpu.vector_load %arg8[%swap3A_1155, %swap3A_1156] {strides = array<i32>} : memref<64x768xf32, #tpu.memory_space<vmem>>, vector<1x16xf32>,
        %swap3A_1158 = vector.shape_cast %swap3A_1157 : vector<1x16xf32> to vector<16xf32>
        %swap3A_1159 = vector.shape_cast %add3A_1153 : vector<16xf32> to vector<1x16xf32>
        tpu.vector_store %arg8[%swap3A_1155, %swap3A_1156], %swap3A_1159 {strides = array<i32>} : memref<64x768xf32, #tpu.memory_space<vmem>>, vector<1x16xf32>,
        %mul3A_1160 = vector.broadcast %squeeze3A_336 : f32 to vector<16xf32>
        %mul3A_1161 = arith.mulf %mul3A_1160, %add3A_440 : vector<16xf32>
        %add3A_1162 = arith.addf %sub3A_431, %mul3A_1161 : vector<16xf32>
        %mul3A_1163 = vector.broadcast %squeeze3A_336 : f32 to vector<16xf32>
        %mul3A_1164 = arith.mulf %mul3A_1163, %add3A_1162 : vector<16xf32>
        %add3A_1165 = arith.addf %add3A_419, %mul3A_1164 : vector<16xf32>
        %mul3A_1166 = vector.broadcast %squeeze3A_336 : f32 to vector<16xf32>
        %mul3A_1167 = arith.mulf %mul3A_1166, %add3A_1165 : vector<16xf32>
        %add3A_1168 = arith.addf %get3A_390, %mul3A_1167 : vector<16xf32>
        %swap3A_1169 = arith.constant 48 : i32
        %swap3A_1170 = arith.index_cast %swap3A_1169 : i32 to index
        %swap3A_1171 = arith.index_cast %mul3A_385 : i32 to index
        %swap3A_1172 = tpu.vector_load %arg8[%swap3A_1170, %swap3A_1171] {strides = array<i32>} : memref<64x768xf32, #tpu.memory_space<vmem>>, vector<1x16xf32>,
        %swap3A_1173 = vector.shape_cast %swap3A_1172 : vector<1x16xf32> to vector<16xf32>
        %swap3A_1174 = vector.shape_cast %add3A_1168 : vector<16xf32> to vector<1x16xf32>
        tpu.vector_store %arg8[%swap3A_1170, %swap3A_1171], %swap3A_1174 {strides = array<i32>} : memref<64x768xf32, #tpu.memory_space<vmem>>, vector<1x16xf32>,
        %mul3A_1175 = vector.broadcast %squeeze3A_338 : f32 to vector<16xf32>
        %mul3A_1176 = arith.mulf %mul3A_1175, %add3A_440 : vector<16xf32>
        %add3A_1177 = arith.addf %sub3A_431, %mul3A_1176 : vector<16xf32>
        %mul3A_1178 = vector.broadcast %squeeze3A_338 : f32 to vector<16xf32>
        %mul3A_1179 = arith.mulf %mul3A_1178, %add3A_1177 : vector<16xf32>
        %add3A_1180 = arith.addf %add3A_419, %mul3A_1179 : vector<16xf32>
        %mul3A_1181 = vector.broadcast %squeeze3A_338 : f32 to vector<16xf32>
        %mul3A_1182 = arith.mulf %mul3A_1181, %add3A_1180 : vector<16xf32>
        %add3A_1183 = arith.addf %get3A_390, %mul3A_1182 : vector<16xf32>
        %swap3A_1184 = arith.constant 49 : i32
        %swap3A_1185 = arith.index_cast %swap3A_1184 : i32 to index
        %swap3A_1186 = arith.index_cast %mul3A_385 : i32 to index
        %swap3A_1187 = tpu.vector_load %arg8[%swap3A_1185, %swap3A_1186] {strides = array<i32>} : memref<64x768xf32, #tpu.memory_space<vmem>>, vector<1x16xf32>,
        %swap3A_1188 = vector.shape_cast %swap3A_1187 : vector<1x16xf32> to vector<16xf32>
        %swap3A_1189 = vector.shape_cast %add3A_1183 : vector<16xf32> to vector<1x16xf32>
        tpu.vector_store %arg8[%swap3A_1185, %swap3A_1186], %swap3A_1189 {strides = array<i32>} : memref<64x768xf32, #tpu.memory_space<vmem>>, vector<1x16xf32>,
        %mul3A_1190 = vector.broadcast %squeeze3A_340 : f32 to vector<16xf32>
        %mul3A_1191 = arith.mulf %mul3A_1190, %add3A_440 : vector<16xf32>
        %add3A_1192 = arith.addf %sub3A_431, %mul3A_1191 : vector<16xf32>
        %mul3A_1193 = vector.broadcast %squeeze3A_340 : f32 to vector<16xf32>
        %mul3A_1194 = arith.mulf %mul3A_1193, %add3A_1192 : vector<16xf32>
        %add3A_1195 = arith.addf %add3A_419, %mul3A_1194 : vector<16xf32>
        %mul3A_1196 = vector.broadcast %squeeze3A_340 : f32 to vector<16xf32>
        %mul3A_1197 = arith.mulf %mul3A_1196, %add3A_1195 : vector<16xf32>
        %add3A_1198 = arith.addf %get3A_390, %mul3A_1197 : vector<16xf32>
        %swap3A_1199 = arith.constant 50 : i32
        %swap3A_1200 = arith.index_cast %swap3A_1199 : i32 to index
        %swap3A_1201 = arith.index_cast %mul3A_385 : i32 to index
        %swap3A_1202 = tpu.vector_load %arg8[%swap3A_1200, %swap3A_1201] {strides = array<i32>} : memref<64x768xf32, #tpu.memory_space<vmem>>, vector<1x16xf32>,
        %swap3A_1203 = vector.shape_cast %swap3A_1202 : vector<1x16xf32> to vector<16xf32>
        %swap3A_1204 = vector.shape_cast %add3A_1198 : vector<16xf32> to vector<1x16xf32>
        tpu.vector_store %arg8[%swap3A_1200, %swap3A_1201], %swap3A_1204 {strides = array<i32>} : memref<64x768xf32, #tpu.memory_space<vmem>>, vector<1x16xf32>,
        %mul3A_1205 = vector.broadcast %squeeze3A_342 : f32 to vector<16xf32>
        %mul3A_1206 = arith.mulf %mul3A_1205, %add3A_440 : vector<16xf32>
        %add3A_1207 = arith.addf %sub3A_431, %mul3A_1206 : vector<16xf32>
        %mul3A_1208 = vector.broadcast %squeeze3A_342 : f32 to vector<16xf32>
        %mul3A_1209 = arith.mulf %mul3A_1208, %add3A_1207 : vector<16xf32>
        %add3A_1210 = arith.addf %add3A_419, %mul3A_1209 : vector<16xf32>
        %mul3A_1211 = vector.broadcast %squeeze3A_342 : f32 to vector<16xf32>
        %mul3A_1212 = arith.mulf %mul3A_1211, %add3A_1210 : vector<16xf32>
        %add3A_1213 = arith.addf %get3A_390, %mul3A_1212 : vector<16xf32>
        %swap3A_1214 = arith.constant 51 : i32
        %swap3A_1215 = arith.index_cast %swap3A_1214 : i32 to index
        %swap3A_1216 = arith.index_cast %mul3A_385 : i32 to index
        %swap3A_1217 = tpu.vector_load %arg8[%swap3A_1215, %swap3A_1216] {strides = array<i32>} : memref<64x768xf32, #tpu.memory_space<vmem>>, vector<1x16xf32>,
        %swap3A_1218 = vector.shape_cast %swap3A_1217 : vector<1x16xf32> to vector<16xf32>
        %swap3A_1219 = vector.shape_cast %add3A_1213 : vector<16xf32> to vector<1x16xf32>
        tpu.vector_store %arg8[%swap3A_1215, %swap3A_1216], %swap3A_1219 {strides = array<i32>} : memref<64x768xf32, #tpu.memory_space<vmem>>, vector<1x16xf32>,
        %mul3A_1220 = vector.broadcast %squeeze3A_344 : f32 to vector<16xf32>
        %mul3A_1221 = arith.mulf %mul3A_1220, %add3A_440 : vector<16xf32>
        %add3A_1222 = arith.addf %sub3A_431, %mul3A_1221 : vector<16xf32>
        %mul3A_1223 = vector.broadcast %squeeze3A_344 : f32 to vector<16xf32>
        %mul3A_1224 = arith.mulf %mul3A_1223, %add3A_1222 : vector<16xf32>
        %add3A_1225 = arith.addf %add3A_419, %mul3A_1224 : vector<16xf32>
        %mul3A_1226 = vector.broadcast %squeeze3A_344 : f32 to vector<16xf32>
        %mul3A_1227 = arith.mulf %mul3A_1226, %add3A_1225 : vector<16xf32>
        %add3A_1228 = arith.addf %get3A_390, %mul3A_1227 : vector<16xf32>
        %swap3A_1229 = arith.constant 52 : i32
        %swap3A_1230 = arith.index_cast %swap3A_1229 : i32 to index
        %swap3A_1231 = arith.index_cast %mul3A_385 : i32 to index
        %swap3A_1232 = tpu.vector_load %arg8[%swap3A_1230, %swap3A_1231] {strides = array<i32>} : memref<64x768xf32, #tpu.memory_space<vmem>>, vector<1x16xf32>,
        %swap3A_1233 = vector.shape_cast %swap3A_1232 : vector<1x16xf32> to vector<16xf32>
        %swap3A_1234 = vector.shape_cast %add3A_1228 : vector<16xf32> to vector<1x16xf32>
        tpu.vector_store %arg8[%swap3A_1230, %swap3A_1231], %swap3A_1234 {strides = array<i32>} : memref<64x768xf32, #tpu.memory_space<vmem>>, vector<1x16xf32>,
        %mul3A_1235 = vector.broadcast %squeeze3A_346 : f32 to vector<16xf32>
        %mul3A_1236 = arith.mulf %mul3A_1235, %add3A_440 : vector<16xf32>
        %add3A_1237 = arith.addf %sub3A_431, %mul3A_1236 : vector<16xf32>
        %mul3A_1238 = vector.broadcast %squeeze3A_346 : f32 to vector<16xf32>
        %mul3A_1239 = arith.mulf %mul3A_1238, %add3A_1237 : vector<16xf32>
        %add3A_1240 = arith.addf %add3A_419, %mul3A_1239 : vector<16xf32>
        %mul3A_1241 = vector.broadcast %squeeze3A_346 : f32 to vector<16xf32>
        %mul3A_1242 = arith.mulf %mul3A_1241, %add3A_1240 : vector<16xf32>
        %add3A_1243 = arith.addf %get3A_390, %mul3A_1242 : vector<16xf32>
        %swap3A_1244 = arith.constant 53 : i32
        %swap3A_1245 = arith.index_cast %swap3A_1244 : i32 to index
        %swap3A_1246 = arith.index_cast %mul3A_385 : i32 to index
        %swap3A_1247 = tpu.vector_load %arg8[%swap3A_1245, %swap3A_1246] {strides = array<i32>} : memref<64x768xf32, #tpu.memory_space<vmem>>, vector<1x16xf32>,
        %swap3A_1248 = vector.shape_cast %swap3A_1247 : vector<1x16xf32> to vector<16xf32>
        %swap3A_1249 = vector.shape_cast %add3A_1243 : vector<16xf32> to vector<1x16xf32>
        tpu.vector_store %arg8[%swap3A_1245, %swap3A_1246], %swap3A_1249 {strides = array<i32>} : memref<64x768xf32, #tpu.memory_space<vmem>>, vector<1x16xf32>,
        %mul3A_1250 = vector.broadcast %squeeze3A_348 : f32 to vector<16xf32>
        %mul3A_1251 = arith.mulf %mul3A_1250, %add3A_440 : vector<16xf32>
        %add3A_1252 = arith.addf %sub3A_431, %mul3A_1251 : vector<16xf32>
        %mul3A_1253 = vector.broadcast %squeeze3A_348 : f32 to vector<16xf32>
        %mul3A_1254 = arith.mulf %mul3A_1253, %add3A_1252 : vector<16xf32>
        %add3A_1255 = arith.addf %add3A_419, %mul3A_1254 : vector<16xf32>
        %mul3A_1256 = vector.broadcast %squeeze3A_348 : f32 to vector<16xf32>
        %mul3A_1257 = arith.mulf %mul3A_1256, %add3A_1255 : vector<16xf32>
        %add3A_1258 = arith.addf %get3A_390, %mul3A_1257 : vector<16xf32>
        %swap3A_1259 = arith.constant 54 : i32
        %swap3A_1260 = arith.index_cast %swap3A_1259 : i32 to index
        %swap3A_1261 = arith.index_cast %mul3A_385 : i32 to index
        %swap3A_1262 = tpu.vector_load %arg8[%swap3A_1260, %swap3A_1261] {strides = array<i32>} : memref<64x768xf32, #tpu.memory_space<vmem>>, vector<1x16xf32>,
        %swap3A_1263 = vector.shape_cast %swap3A_1262 : vector<1x16xf32> to vector<16xf32>
        %swap3A_1264 = vector.shape_cast %add3A_1258 : vector<16xf32> to vector<1x16xf32>
        tpu.vector_store %arg8[%swap3A_1260, %swap3A_1261], %swap3A_1264 {strides = array<i32>} : memref<64x768xf32, #tpu.memory_space<vmem>>, vector<1x16xf32>,
        %mul3A_1265 = vector.broadcast %squeeze3A_350 : f32 to vector<16xf32>
        %mul3A_1266 = arith.mulf %mul3A_1265, %add3A_440 : vector<16xf32>
        %add3A_1267 = arith.addf %sub3A_431, %mul3A_1266 : vector<16xf32>
        %mul3A_1268 = vector.broadcast %squeeze3A_350 : f32 to vector<16xf32>
        %mul3A_1269 = arith.mulf %mul3A_1268, %add3A_1267 : vector<16xf32>
        %add3A_1270 = arith.addf %add3A_419, %mul3A_1269 : vector<16xf32>
        %mul3A_1271 = vector.broadcast %squeeze3A_350 : f32 to vector<16xf32>
        %mul3A_1272 = arith.mulf %mul3A_1271, %add3A_1270 : vector<16xf32>
        %add3A_1273 = arith.addf %get3A_390, %mul3A_1272 : vector<16xf32>
        %swap3A_1274 = arith.constant 55 : i32
        %swap3A_1275 = arith.index_cast %swap3A_1274 : i32 to index
        %swap3A_1276 = arith.index_cast %mul3A_385 : i32 to index
        %swap3A_1277 = tpu.vector_load %arg8[%swap3A_1275, %swap3A_1276] {strides = array<i32>} : memref<64x768xf32, #tpu.memory_space<vmem>>, vector<1x16xf32>,
        %swap3A_1278 = vector.shape_cast %swap3A_1277 : vector<1x16xf32> to vector<16xf32>
        %swap3A_1279 = vector.shape_cast %add3A_1273 : vector<16xf32> to vector<1x16xf32>
        tpu.vector_store %arg8[%swap3A_1275, %swap3A_1276], %swap3A_1279 {strides = array<i32>} : memref<64x768xf32, #tpu.memory_space<vmem>>, vector<1x16xf32>,
        %mul3A_1280 = vector.broadcast %squeeze3A_352 : f32 to vector<16xf32>
        %mul3A_1281 = arith.mulf %mul3A_1280, %add3A_440 : vector<16xf32>
        %add3A_1282 = arith.addf %sub3A_431, %mul3A_1281 : vector<16xf32>
        %mul3A_1283 = vector.broadcast %squeeze3A_352 : f32 to vector<16xf32>
        %mul3A_1284 = arith.mulf %mul3A_1283, %add3A_1282 : vector<16xf32>
        %add3A_1285 = arith.addf %add3A_419, %mul3A_1284 : vector<16xf32>
        %mul3A_1286 = vector.broadcast %squeeze3A_352 : f32 to vector<16xf32>
        %mul3A_1287 = arith.mulf %mul3A_1286, %add3A_1285 : vector<16xf32>
        %add3A_1288 = arith.addf %get3A_390, %mul3A_1287 : vector<16xf32>
        %swap3A_1289 = arith.constant 56 : i32
        %swap3A_1290 = arith.index_cast %swap3A_1289 : i32 to index
        %swap3A_1291 = arith.index_cast %mul3A_385 : i32 to index
        %swap3A_1292 = tpu.vector_load %arg8[%swap3A_1290, %swap3A_1291] {strides = array<i32>} : memref<64x768xf32, #tpu.memory_space<vmem>>, vector<1x16xf32>,
        %swap3A_1293 = vector.shape_cast %swap3A_1292 : vector<1x16xf32> to vector<16xf32>
        %swap3A_1294 = vector.shape_cast %add3A_1288 : vector<16xf32> to vector<1x16xf32>
        tpu.vector_store %arg8[%swap3A_1290, %swap3A_1291], %swap3A_1294 {strides = array<i32>} : memref<64x768xf32, #tpu.memory_space<vmem>>, vector<1x16xf32>,
        %mul3A_1295 = vector.broadcast %squeeze3A_354 : f32 to vector<16xf32>
        %mul3A_1296 = arith.mulf %mul3A_1295, %add3A_440 : vector<16xf32>
        %add3A_1297 = arith.addf %sub3A_431, %mul3A_1296 : vector<16xf32>
        %mul3A_1298 = vector.broadcast %squeeze3A_354 : f32 to vector<16xf32>
        %mul3A_1299 = arith.mulf %mul3A_1298, %add3A_1297 : vector<16xf32>
        %add3A_1300 = arith.addf %add3A_419, %mul3A_1299 : vector<16xf32>
        %mul3A_1301 = vector.broadcast %squeeze3A_354 : f32 to vector<16xf32>
        %mul3A_1302 = arith.mulf %mul3A_1301, %add3A_1300 : vector<16xf32>
        %add3A_1303 = arith.addf %get3A_390, %mul3A_1302 : vector<16xf32>
        %swap3A_1304 = arith.constant 57 : i32
        %swap3A_1305 = arith.index_cast %swap3A_1304 : i32 to index
        %swap3A_1306 = arith.index_cast %mul3A_385 : i32 to index
        %swap3A_1307 = tpu.vector_load %arg8[%swap3A_1305, %swap3A_1306] {strides = array<i32>} : memref<64x768xf32, #tpu.memory_space<vmem>>, vector<1x16xf32>,
        %swap3A_1308 = vector.shape_cast %swap3A_1307 : vector<1x16xf32> to vector<16xf32>
        %swap3A_1309 = vector.shape_cast %add3A_1303 : vector<16xf32> to vector<1x16xf32>
        tpu.vector_store %arg8[%swap3A_1305, %swap3A_1306], %swap3A_1309 {strides = array<i32>} : memref<64x768xf32, #tpu.memory_space<vmem>>, vector<1x16xf32>,
        %mul3A_1310 = vector.broadcast %squeeze3A_356 : f32 to vector<16xf32>
        %mul3A_1311 = arith.mulf %mul3A_1310, %add3A_440 : vector<16xf32>
        %add3A_1312 = arith.addf %sub3A_431, %mul3A_1311 : vector<16xf32>
        %mul3A_1313 = vector.broadcast %squeeze3A_356 : f32 to vector<16xf32>
        %mul3A_1314 = arith.mulf %mul3A_1313, %add3A_1312 : vector<16xf32>
        %add3A_1315 = arith.addf %add3A_419, %mul3A_1314 : vector<16xf32>
        %mul3A_1316 = vector.broadcast %squeeze3A_356 : f32 to vector<16xf32>
        %mul3A_1317 = arith.mulf %mul3A_1316, %add3A_1315 : vector<16xf32>
        %add3A_1318 = arith.addf %get3A_390, %mul3A_1317 : vector<16xf32>
        %swap3A_1319 = arith.constant 58 : i32
        %swap3A_1320 = arith.index_cast %swap3A_1319 : i32 to index
        %swap3A_1321 = arith.index_cast %mul3A_385 : i32 to index
        %swap3A_1322 = tpu.vector_load %arg8[%swap3A_1320, %swap3A_1321] {strides = array<i32>} : memref<64x768xf32, #tpu.memory_space<vmem>>, vector<1x16xf32>,
        %swap3A_1323 = vector.shape_cast %swap3A_1322 : vector<1x16xf32> to vector<16xf32>
        %swap3A_1324 = vector.shape_cast %add3A_1318 : vector<16xf32> to vector<1x16xf32>
        tpu.vector_store %arg8[%swap3A_1320, %swap3A_1321], %swap3A_1324 {strides = array<i32>} : memref<64x768xf32, #tpu.memory_space<vmem>>, vector<1x16xf32>,
        %mul3A_1325 = vector.broadcast %squeeze3A_358 : f32 to vector<16xf32>
        %mul3A_1326 = arith.mulf %mul3A_1325, %add3A_440 : vector<16xf32>
        %add3A_1327 = arith.addf %sub3A_431, %mul3A_1326 : vector<16xf32>
        %mul3A_1328 = vector.broadcast %squeeze3A_358 : f32 to vector<16xf32>
        %mul3A_1329 = arith.mulf %mul3A_1328, %add3A_1327 : vector<16xf32>
        %add3A_1330 = arith.addf %add3A_419, %mul3A_1329 : vector<16xf32>
        %mul3A_1331 = vector.broadcast %squeeze3A_358 : f32 to vector<16xf32>
        %mul3A_1332 = arith.mulf %mul3A_1331, %add3A_1330 : vector<16xf32>
        %add3A_1333 = arith.addf %get3A_390, %mul3A_1332 : vector<16xf32>
        %swap3A_1334 = arith.constant 59 : i32
        %swap3A_1335 = arith.index_cast %swap3A_1334 : i32 to index
        %swap3A_1336 = arith.index_cast %mul3A_385 : i32 to index
        %swap3A_1337 = tpu.vector_load %arg8[%swap3A_1335, %swap3A_1336] {strides = array<i32>} : memref<64x768xf32, #tpu.memory_space<vmem>>, vector<1x16xf32>,
        %swap3A_1338 = vector.shape_cast %swap3A_1337 : vector<1x16xf32> to vector<16xf32>
        %swap3A_1339 = vector.shape_cast %add3A_1333 : vector<16xf32> to vector<1x16xf32>
        tpu.vector_store %arg8[%swap3A_1335, %swap3A_1336], %swap3A_1339 {strides = array<i32>} : memref<64x768xf32, #tpu.memory_space<vmem>>, vector<1x16xf32>,
        %mul3A_1340 = vector.broadcast %squeeze3A_360 : f32 to vector<16xf32>
        %mul3A_1341 = arith.mulf %mul3A_1340, %add3A_440 : vector<16xf32>
        %add3A_1342 = arith.addf %sub3A_431, %mul3A_1341 : vector<16xf32>
        %mul3A_1343 = vector.broadcast %squeeze3A_360 : f32 to vector<16xf32>
        %mul3A_1344 = arith.mulf %mul3A_1343, %add3A_1342 : vector<16xf32>
        %add3A_1345 = arith.addf %add3A_419, %mul3A_1344 : vector<16xf32>
        %mul3A_1346 = vector.broadcast %squeeze3A_360 : f32 to vector<16xf32>
        %mul3A_1347 = arith.mulf %mul3A_1346, %add3A_1345 : vector<16xf32>
        %add3A_1348 = arith.addf %get3A_390, %mul3A_1347 : vector<16xf32>
        %swap3A_1349 = arith.constant 60 : i32
        %swap3A_1350 = arith.index_cast %swap3A_1349 : i32 to index
        %swap3A_1351 = arith.index_cast %mul3A_385 : i32 to index
        %swap3A_1352 = tpu.vector_load %arg8[%swap3A_1350, %swap3A_1351] {strides = array<i32>} : memref<64x768xf32, #tpu.memory_space<vmem>>, vector<1x16xf32>,
        %swap3A_1353 = vector.shape_cast %swap3A_1352 : vector<1x16xf32> to vector<16xf32>
        %swap3A_1354 = vector.shape_cast %add3A_1348 : vector<16xf32> to vector<1x16xf32>
        tpu.vector_store %arg8[%swap3A_1350, %swap3A_1351], %swap3A_1354 {strides = array<i32>} : memref<64x768xf32, #tpu.memory_space<vmem>>, vector<1x16xf32>,
        %mul3A_1355 = vector.broadcast %squeeze3A_362 : f32 to vector<16xf32>
        %mul3A_1356 = arith.mulf %mul3A_1355, %add3A_440 : vector<16xf32>
        %add3A_1357 = arith.addf %sub3A_431, %mul3A_1356 : vector<16xf32>
        %mul3A_1358 = vector.broadcast %squeeze3A_362 : f32 to vector<16xf32>
        %mul3A_1359 = arith.mulf %mul3A_1358, %add3A_1357 : vector<16xf32>
        %add3A_1360 = arith.addf %add3A_419, %mul3A_1359 : vector<16xf32>
        %mul3A_1361 = vector.broadcast %squeeze3A_362 : f32 to vector<16xf32>
        %mul3A_1362 = arith.mulf %mul3A_1361, %add3A_1360 : vector<16xf32>
        %add3A_1363 = arith.addf %get3A_390, %mul3A_1362 : vector<16xf32>
        %swap3A_1364 = arith.constant 61 : i32
        %swap3A_1365 = arith.index_cast %swap3A_1364 : i32 to index
        %swap3A_1366 = arith.index_cast %mul3A_385 : i32 to index
        %swap3A_1367 = tpu.vector_load %arg8[%swap3A_1365, %swap3A_1366] {strides = array<i32>} : memref<64x768xf32, #tpu.memory_space<vmem>>, vector<1x16xf32>,
        %swap3A_1368 = vector.shape_cast %swap3A_1367 : vector<1x16xf32> to vector<16xf32>
        %swap3A_1369 = vector.shape_cast %add3A_1363 : vector<16xf32> to vector<1x16xf32>
        tpu.vector_store %arg8[%swap3A_1365, %swap3A_1366], %swap3A_1369 {strides = array<i32>} : memref<64x768xf32, #tpu.memory_space<vmem>>, vector<1x16xf32>,
        %mul3A_1370 = vector.broadcast %squeeze3A_364 : f32 to vector<16xf32>
        %mul3A_1371 = arith.mulf %mul3A_1370, %add3A_440 : vector<16xf32>
        %add3A_1372 = arith.addf %sub3A_431, %mul3A_1371 : vector<16xf32>
        %mul3A_1373 = vector.broadcast %squeeze3A_364 : f32 to vector<16xf32>
        %mul3A_1374 = arith.mulf %mul3A_1373, %add3A_1372 : vector<16xf32>
        %add3A_1375 = arith.addf %add3A_419, %mul3A_1374 : vector<16xf32>
        %mul3A_1376 = vector.broadcast %squeeze3A_364 : f32 to vector<16xf32>
        %mul3A_1377 = arith.mulf %mul3A_1376, %add3A_1375 : vector<16xf32>
        %add3A_1378 = arith.addf %get3A_390, %mul3A_1377 : vector<16xf32>
        %swap3A_1379 = arith.constant 62 : i32
        %swap3A_1380 = arith.index_cast %swap3A_1379 : i32 to index
        %swap3A_1381 = arith.index_cast %mul3A_385 : i32 to index
        %swap3A_1382 = tpu.vector_load %arg8[%swap3A_1380, %swap3A_1381] {strides = array<i32>} : memref<64x768xf32, #tpu.memory_space<vmem>>, vector<1x16xf32>,
        %swap3A_1383 = vector.shape_cast %swap3A_1382 : vector<1x16xf32> to vector<16xf32>
        %swap3A_1384 = vector.shape_cast %add3A_1378 : vector<16xf32> to vector<1x16xf32>
        tpu.vector_store %arg8[%swap3A_1380, %swap3A_1381], %swap3A_1384 {strides = array<i32>} : memref<64x768xf32, #tpu.memory_space<vmem>>, vector<1x16xf32>,
        %mul3A_1385 = vector.broadcast %squeeze3A_366 : f32 to vector<16xf32>
        %mul3A_1386 = arith.mulf %mul3A_1385, %add3A_440 : vector<16xf32>
        %add3A_1387 = arith.addf %sub3A_431, %mul3A_1386 : vector<16xf32>
        %mul3A_1388 = vector.broadcast %squeeze3A_366 : f32 to vector<16xf32>
        %mul3A_1389 = arith.mulf %mul3A_1388, %add3A_1387 : vector<16xf32>
        %add3A_1390 = arith.addf %add3A_419, %mul3A_1389 : vector<16xf32>
        %mul3A_1391 = vector.broadcast %squeeze3A_366 : f32 to vector<16xf32>
        %mul3A_1392 = arith.mulf %mul3A_1391, %add3A_1390 : vector<16xf32>
        %add3A_1393 = arith.addf %get3A_390, %mul3A_1392 : vector<16xf32>
        %swap3A_1394 = arith.constant 63 : i32
        %swap3A_1395 = arith.index_cast %swap3A_1394 : i32 to index
        %swap3A_1396 = arith.index_cast %mul3A_385 : i32 to index
        %swap3A_1397 = tpu.vector_load %arg8[%swap3A_1395, %swap3A_1396] {strides = array<i32>} : memref<64x768xf32, #tpu.memory_space<vmem>>, vector<1x16xf32>,
        %swap3A_1398 = vector.shape_cast %swap3A_1397 : vector<1x16xf32> to vector<16xf32>
        %swap3A_1399 = vector.shape_cast %add3A_1393 : vector<16xf32> to vector<1x16xf32>
        tpu.vector_store %arg8[%swap3A_1395, %swap3A_1396], %swap3A_1399 {strides = array<i32>} : memref<64x768xf32, #tpu.memory_space<vmem>>, vector<1x16xf32>,
        %scan3A_1400 = arith.constant 0 : i32
        scf.yield %scan3A_1400 : i32
      }
      %scan3A_373 = arith.constant 48 : i32
      %mul3A_374 = arith.constant 64 : i32
      %mul3A_375 = arith.muli %add3A_201, %mul3A_374 : i32
      %add3A_376 = arith.addi %mul3A_2, %mul3A_375 : i32
      %dma_start3A_377 = arith.constant 0 : i32
      %dma_start3A_378 = tpu.memref_slice %arg4[%add3A_376, %dma_start3A_377] : memref<65536x768xf32, #tpu.memory_space<hbm>> -> memref<64x768xf32, #tpu.memory_space<hbm>>
      %dma_start3A_379 = arith.constant 0 : i32
      %dma_start3A_380 = tpu.memref_slice %arg4[%add3A_376, %dma_start3A_379] : memref<65536x768xf32, #tpu.memory_space<hbm>> -> memref<64x768xf32, #tpu.memory_space<hbm>>
      tpu.enqueue_dma source(%arg8 : memref<64x768xf32, #tpu.memory_space<vmem>>) target(%dma_start3A_380 : memref<64x768xf32, #tpu.memory_space<hbm>>) target_semaphore(%arg10 : memref<!tpu.dma_semaphore, #tpu.memory_space<semaphore_mem>>)
      %scan3A_381 = arith.constant 0 : i32
      scf.yield %scan3A_381 : i32
    }
    %scan3A_8 = arith.constant 16 : i32
    %add3A_9 = arith.constant 1920 : i32
    %add3A_10 = arith.addi %mul3A_2, %add3A_9 : i32
    %dma_wait3A = arith.constant 0 : i32
    %dma_wait3A_11 = tpu.memref_slice %arg4[%add3A_10, %dma_wait3A] : memref<65536x768xf32, #tpu.memory_space<hbm>> -> memref<64x768xf32, #tpu.memory_space<hbm>>
    %dma_wait3A_12 = arith.constant 0 : i32
    %dma_wait3A_13 = tpu.memref_slice %arg4[%add3A_10, %dma_wait3A_12] : memref<65536x768xf32, #tpu.memory_space<hbm>> -> memref<64x768xf32, #tpu.memory_space<hbm>>
    tpu.wait_dma2 semaphore(%arg9 : memref<!tpu.dma_semaphore, #tpu.memory_space<semaphore_mem>>) src(%arg7 : memref<64x768xf32, #tpu.memory_space<vmem>>) dst(%dma_wait3A_13 : memref<64x768xf32, #tpu.memory_space<hbm>>)
    %add3A_14 = arith.constant 1984 : i32
    %add3A_15 = arith.addi %mul3A_2, %add3A_14 : i32
    %dma_wait3A_16 = arith.constant 0 : i32
    %dma_wait3A_17 = tpu.memref_slice %arg4[%add3A_15, %dma_wait3A_16] : memref<65536x768xf32, #tpu.memory_space<hbm>> -> memref<64x768xf32, #tpu.memory_space<hbm>>
    %dma_wait3A_18 = arith.constant 0 : i32
    %dma_wait3A_19 = tpu.memref_slice %arg4[%add3A_15, %dma_wait3A_18] : memref<65536x768xf32, #tpu.memory_space<hbm>> -> memref<64x768xf32, #tpu.memory_space<hbm>>
    tpu.wait_dma2 semaphore(%arg10 : memref<!tpu.dma_semaphore, #tpu.memory_space<semaphore_mem>>) src(%arg8 : memref<64x768xf32, #tpu.memory_space<vmem>>) dst(%dma_wait3A_19 : memref<64x768xf32, #tpu.memory_space<hbm>>)
    return
  }
}

module attributes {stable_mosaic.version = 14 : i64} {
  func.func @_ln_table_body(%arg0: memref<4x768xf32, #tpu.memory_space<vmem>>, %arg1: memref<4x768xf32, #tpu.memory_space<vmem>>, %arg2: memref<4x768xf32, #tpu.memory_space<vmem>>, %arg3: memref<1x768xf32, #tpu.memory_space<vmem>>, %arg4: memref<1x768xf32, #tpu.memory_space<vmem>>, %arg5: memref<4x768xf32, #tpu.memory_space<vmem>>) attributes {dimension_semantics = [], scalar_prefetch = 0 : i64, scratch_operands = 0 : i64, tpu.core_type = #tpu.core_type<tc>} {
    %get3A = arith.constant 0 : index
    %get3A_0 = arith.constant 0 : index
    %get3A_1 = vector.load %arg0[%get3A, %get3A_0] : memref<4x768xf32, #tpu.memory_space<vmem>>, vector<4x768xf32>
    %get3A_2 = arith.constant 0 : index
    %get3A_3 = arith.constant 0 : index
    %get3A_4 = vector.load %arg1[%get3A_2, %get3A_3] : memref<4x768xf32, #tpu.memory_space<vmem>>, vector<4x768xf32>
    %add3A = arith.addf %get3A_1, %get3A_4 : vector<4x768xf32>
    %get3A_5 = arith.constant 0 : index
    %get3A_6 = arith.constant 0 : index
    %get3A_7 = vector.load %arg2[%get3A_5, %get3A_6] : memref<4x768xf32, #tpu.memory_space<vmem>>, vector<4x768xf32>
    %add3A_8 = arith.addf %add3A, %get3A_7 : vector<4x768xf32>
    %reduce_sum3A = arith.constant dense<0.000000e+00> : vector<4xf32>
    %reduce_sum3A_9 = vector.multi_reduction <add>, %add3A_8, %reduce_sum3A [1] : vector<4x768xf32> to vector<4xf32>
    %broadcast_in_dim3A = vector.shape_cast %reduce_sum3A_9 : vector<4xf32> to vector<4x1xf32>
    %div3A = arith.constant 7.680000e+02 : f32
    %div3A_10 = vector.broadcast %div3A : f32 to vector<4x1xf32>
    %div3A_11 = arith.divf %broadcast_in_dim3A, %div3A_10 : vector<4x1xf32>
    %sub3A = vector.broadcast %div3A_11 : vector<4x1xf32> to vector<4x768xf32>
    %sub3A_12 = arith.subf %add3A_8, %sub3A : vector<4x768xf32>
    %square3A = arith.mulf %sub3A_12, %sub3A_12 : vector<4x768xf32>
    %reduce_sum3A_13 = arith.constant dense<0.000000e+00> : vector<4xf32>
    %reduce_sum3A_14 = vector.multi_reduction <add>, %square3A, %reduce_sum3A_13 [1] : vector<4x768xf32> to vector<4xf32>
    %broadcast_in_dim3A_15 = vector.shape_cast %reduce_sum3A_14 : vector<4xf32> to vector<4x1xf32>
    %div3A_16 = arith.constant 7.680000e+02 : f32
    %div3A_17 = vector.broadcast %div3A_16 : f32 to vector<4x1xf32>
    %div3A_18 = arith.divf %broadcast_in_dim3A_15, %div3A_17 : vector<4x1xf32>
    %sub3A_19 = vector.broadcast %div3A_11 : vector<4x1xf32> to vector<4x768xf32>
    %sub3A_20 = arith.subf %add3A_8, %sub3A_19 : vector<4x768xf32>
    %add3A_21 = arith.constant 9.99999996E-13 : f32
    %add3A_22 = vector.broadcast %add3A_21 : f32 to vector<4x1xf32>
    %add3A_23 = arith.addf %div3A_18, %add3A_22 : vector<4x1xf32>
    %rsqrt3A = math.rsqrt %add3A_23 : vector<4x1xf32>
    %mul3A = vector.broadcast %rsqrt3A : vector<4x1xf32> to vector<4x768xf32>
    %mul3A_24 = arith.mulf %sub3A_20, %mul3A : vector<4x768xf32>
    %get3A_25 = arith.constant 0 : index
    %get3A_26 = arith.constant 0 : index
    %get3A_27 = vector.load %arg3[%get3A_25, %get3A_26] : memref<1x768xf32, #tpu.memory_space<vmem>>, vector<1x768xf32>
    %mul3A_28 = vector.broadcast %get3A_27 : vector<1x768xf32> to vector<4x768xf32>
    %mul3A_29 = arith.mulf %mul3A_24, %mul3A_28 : vector<4x768xf32>
    %get3A_30 = arith.constant 0 : index
    %get3A_31 = arith.constant 0 : index
    %get3A_32 = vector.load %arg4[%get3A_30, %get3A_31] : memref<1x768xf32, #tpu.memory_space<vmem>>, vector<1x768xf32>
    %add3A_33 = vector.broadcast %get3A_32 : vector<1x768xf32> to vector<4x768xf32>
    %add3A_34 = arith.addf %mul3A_29, %add3A_33 : vector<4x768xf32>
    %swap3A = arith.constant 0 : index
    %swap3A_35 = arith.constant 0 : index
    %swap3A_36 = vector.load %arg5[%swap3A, %swap3A_35] : memref<4x768xf32, #tpu.memory_space<vmem>>, vector<4x768xf32>
    tpu.vector_store %arg5[%swap3A, %swap3A_35], %add3A_34 {strides = array<i32>} : memref<4x768xf32, #tpu.memory_space<vmem>>, vector<4x768xf32>,
    return
  }
}

</mosaic_0001>

<sc_bundles>
// kernel: kernel.4.cloned.1.call-start
scs
__scs_entry_jumppad:
0x0: {  	(pc) =	sbr.rel $0x88, $3  }
0x1: {  	(tag) =	ssettag $0x0;
	lr =	simm.s32 $0x1  }
0x2: {  	[smem:$0x3F9B] =	sst lr;
	_ =	strace $0xD0000000  }
0x3: {  	_ = 	snop  }
0x4: {  	_ = 	snop  }
0x5: {  	_ = 	snop  }
0x6: {  	_ = 	snop  }
0x7: {  	_ = 	snop  }
__scs_overlays_trampoline_lowered:
0x8: {  	[smem:$0x3FAA] =	sst s0  }
0x9: {  	[smem:$0x3FAB] =	sst s1  }
0xa: {  	[smem:$0x3FAC] =	sst s2  }
0xb: {  	[smem:$0x3FAD] =	sst s3  }
0xc: {  	[smem:$0x3FAE] =	sst s4  }
0xd: {  	[smem:$0x3FAF] =	sst s5  }
0xe: {  	[smem:$0x3FB0] =	sst s6  }
0xf: {  	[smem:$0x3FB1] =	sst s7  }
0x10: {  	[smem:$0x3FB2] =	sst s8  }
0x11: {  	[smem:$0x3FB3] =	sst s9;
	s0 =	simm.s32 @!p0 $0x0  }
0x12: {  	s1 =	sld [smem:$0x3F99];
	s0 =	simm.s32 @p0 $0x1  }
0x13: {  	[smem:$0x3FB4] =	sst s0;
	s0 =	simm.s32 @!p1 $0x0  }
0x14: {  	s2 =	sld [smem:$0x3F98];
	s0 =	simm.s32 @p1 $0x1  }
0x15: {  	[smem:$0x3FB5] =	sst s0;
	s0 =	simm.s32 @!p2 $0x0  }
0x16: {  	s3 =	sld [smem:$0x3FDB];
	s0 =	simm.s32 @p2 $0x1  }
0x17: {  	s4 =	simm.s32 $0x1BF5;
	[smem:$0x3FB7] =	sst s0  }
0x18: {  	s0 =	sld [smem:$0x3F9A];
	_ =	swait.ge [sflag:s4], $0x0  }
0x19: {  	s7 =	sld [smem:$0x3F9B]  }
0x1a: {  	s8 =	sadd.s32 $0xFFFFE003, lr  }
0x1b: {  	s9 =	sadd.s32 $0xFFFFFEF7, lr;
	s5 =	simm.s32 $0xFFFFFFFF;
	p2 =	slt.u32 s8, $0xFFFFF086  }
0x1c: {  	p1 =	slt.u32 s9, $0xF7A;
	s5 =	simm.s32 @!p2 $0x0  }
0x1d: {  	s5 =	simm.s32 @p1 $0x1;
	p0 =	seq.s32 s7, s2  }
0x1e: {  	s7 =	smul.u32 @!p0 $0xF7A, s2;
	p2 =	seq.s32 @!p0 s5, $0x0  }
0x1f: {  	s9 =	smul.u32 $0xF7A, s1;
	s8 =	simm.s32 @!p0 $0x1BF5;
	p2 =	por !p2, p0  }
0x20: {  	[sflag:s8] =	ssyncset.s32 @!p0 $0xFFFFF086;
	s6 =	sadd.s32 @!p0 s3, s7;
	s7 =	simm.s32 @!p0 $0x108  }
0x21: {  	s3 =	sadd.s32 s3, s9;
	s6 =	sadd.s32 @!p0 $0x88, s6;
	s7 =	simm.s32 @p2 $0x1082  }
0x22: {  	[simem:s7], [sflag:s8] =	dma.local @!p0 [hbm:s6], $0xF7A  }
0x23: {  	s9 =	sor.u32 $0xD0000000, s2;
	s6 =	simm.s32 $0x108;
	_ =	swait.ge @!p0 [sflag:s8], $0x0  }
0x24: {  	s3 =	sadd.s32 $0x88, s3;
	s6 =	simm.s32 @!p1 $0x1082;
	[sflag:s4] =	ssyncset.s32 $0xFFFFF086  }
0x25: {  	[simem:s6], [sflag:s4] =	dma.local [hbm:s3], $0xF7A  }
0x26: {  	[smem:$0x3F9B] =	sst s1;
	(tag) =	ssettag s2;
	_ =	strace s9  }
0x27: {  	s1 =	sld [smem:$0x3FAB]  }
0x28: {  	s2 =	sld [smem:$0x3FAC]  }
0x29: {  	s4 =	sld [smem:$0x3FAE]  }
0x2a: {  	p0 =	seq.s32 s5, $0x0;
	s5 =	sld [smem:$0x3FAF]  }
0x2b: {  	s6 =	sld [smem:$0x3FB0]  }
0x2c: {  	s7 =	sld [smem:$0x3FB1]  }
0x2d: {  	s3 =	simm.s32 $0x108;
	s8 =	sld [smem:$0x3FB2]  }
0x2e: {  	s3 =	simm.s32 @!p0 $0x1082;
	s9 =	sld [smem:$0x3FB3]  }
0x2f: {  	lr =	sadd.s32 s0, s3;
	s0 =	sld [smem:$0x3FAA]  }
0x30: {  	s3 =	sld [smem:$0x3FAD]  }
0x31: {  	[smem:$0x3FB6] =	sst s10  }
0x32: {  	s10 =	sld [smem:$0x3FB4];
	_ =	sdelay $0x3  }
0x33: {  	p0 =	seq.s32 s10, $0x1;
	s10 =	sld [smem:$0x3FB6];
	_ =	sdelay $0x3  }
0x34: {  	[smem:$0x3FB6] =	sst s10  }
0x35: {  	s10 =	sld [smem:$0x3FB5];
	_ =	sdelay $0x3  }
0x36: {  	p1 =	seq.s32 s10, $0x1;
	s10 =	sld [smem:$0x3FB6];
	_ =	sdelay $0x3  }
0x37: {  	[smem:$0x3FB6] =	sst s10  }
0x38: {  	s10 =	sld [smem:$0x3FB7]  }
0x39: {  	_ = 	snop;
	(pc) =	sbr.ind lr, $3  }
0x3a: {  	_ = 	snop  }
0x3b: {  	_ = 	snop  }
0x3c: {  	p2 =	seq.s32 s10, $0x1;
	s10 =	sld [smem:$0x3FB6]  }
0x3d: {  	_ =	shalt  }
0x3e: {  	_ =	shalt  }
0x3f: {  	_ =	shalt  }
0x40: {  	_ =	shalt  }
0x41: {  	_ =	shalt  }
0x42: {  	_ =	shalt  }
0x43: {  	_ =	shalt  }
0x44: {  	_ =	shalt  }
0x45: {  	_ =	shalt  }
0x46: {  	_ =	shalt  }
0x47: {  	_ =	shalt  }
0x48: {  	_ =	shalt  }
0x49: {  	_ =	shalt  }
0x4a: {  	_ =	shalt  }
0x4b: {  	_ =	shalt  }
0x4c: {  	_ =	shalt  }
0x4d: {  	_ =	shalt  }
0x4e: {  	_ =	shalt  }
0x4f: {  	_ =	shalt  }
0x50: {  	_ =	shalt  }
0x51: {  	_ =	shalt  }
0x52: {  	_ =	shalt  }
0x53: {  	_ =	shalt  }
0x54: {  	_ =	shalt  }
0x55: {  	_ =	shalt  }
0x56: {  	_ =	shalt  }
0x57: {  	_ =	shalt  }
0x58: {  	_ =	shalt  }
0x59: {  	_ =	shalt  }
0x5a: {  	_ =	shalt  }
0x5b: {  	_ =	shalt  }
0x5c: {  	_ =	shalt  }
0x5d: {  	_ =	shalt  }
0x5e: {  	_ =	shalt  }
0x5f: {  	_ =	shalt  }
0x60: {  	_ =	shalt  }
0x61: {  	_ =	shalt  }
0x62: {  	_ =	shalt  }
0x63: {  	_ =	shalt  }
0x64: {  	_ =	shalt  }
0x65: {  	_ =	shalt  }
0x66: {  	_ =	shalt  }
0x67: {  	_ =	shalt  }
0x68: {  	_ =	shalt  }
0x69: {  	_ =	shalt  }
0x6a: {  	_ =	shalt  }
0x6b: {  	_ =	shalt  }
0x6c: {  	_ =	shalt  }
0x6d: {  	_ =	shalt  }
0x6e: {  	_ =	shalt  }
0x6f: {  	_ =	shalt  }
0x70: {  	_ =	shalt  }
0x71: {  	_ =	shalt  }
0x72: {  	_ =	shalt  }
0x73: {  	_ =	shalt  }
0x74: {  	_ =	shalt  }
0x75: {  	_ =	shalt  }
0x76: {  	_ =	shalt  }
0x77: {  	_ =	shalt  }
0x78: {  	_ =	shalt  }
0x79: {  	_ =	shalt  }
0x7a: {  	_ =	shalt  }
0x7b: {  	_ =	shalt  }
0x7c: {  	_ =	shalt  }
0x7d: {  	_ =	shalt  }
0x7e: {  	_ =	shalt  }
0x7f: {  	_ =	shalt  }
0x80: {  	_ =	shalt  }
0x81: {  	_ =	shalt  }
0x82: {  	_ =	shalt  }
0x83: {  	_ =	shalt  }
0x84: {  	_ =	shalt  }
0x85: {  	_ =	shalt  }
0x86: {  	_ =	shalt  }
0x87: {  	_ =	shalt  }
.Lfunc_end0:
.L_simem_size_0:
called_computation_lowered:
.L_overlay_start_0:
0x88: {  	s2 =	sld [smem:$0x3FD9]  }
0x89: {  	s3 =	sld [smem:$0x3FFE];
	_ =	sdelay $0x1  }
0x8a: {  	s1 =	srdreg.scid  }
0x8b: {  	s0 =	sand.u32 $0x1, s1  }
0x8c: {  	s17 =	sshll.u32 s0, $0xA;
	s2 =	sadd.s32 s3, s2  }
0x8d: {  	s2 =	sadd.s32 s2, s17  }
0x8e: {  	[smem:$0x3FC2] =	sst s2  }
0x8f: {  	_ = 	snop  }
0x90: {  	s2 =	sld [smem:$0x3FD0];
	(tm) =	ssettm $0x1  }
0x91: {  	s18 =	sld [smem:$0x3FFB];
	_ =	sdelay $0x3  }
0x92: {  	_ =	strace s18  }
0x93: {  	s3 =	sld [smem:$0x3FFC];
	_ =	sdelay $0x3  }
0x94: {  	_ =	strace s3  }
0x95: {  	s3 =	sld [smem:$0x3FFD];
	_ =	sdelay $0x3  }
0x96: {  	_ =	strace s3  }
0x97: {  	_ =	strace $0x8FFFFFFF  }
0x98: {  	s19 =	sld [smem:$0x3FDB];
	_ =	sdelay $0x1  }
0x99: {  	s4 =	simm.s32 $_scs_section_size  }
0x9a: {  	s5 =	simm.s32 $_size__tile_overlayer_lowered;
	s6 =	simm.s32 $_tile_overlayer_lowered  }
0x9b: {  	s22 =	simm.s32 $0x1BFF;
	s21 =	sshll.u32 s6, $0x1;
	s3 =	sadd.s32 s4, s19  }
0x9c: {  	s7 =	simm.s32 $0x0;
	s20 =	sshll.u32 s5, $0x1;
	s5 =	sadd.s32 s21, s3  }
0x9d: {  	[timem:s7], [sflag:s22] =	dma.local [hbm:s5], s20  }
0x9e: {  	_ =	swait.ge [sflag:s22], s20  }
0x9f: {  	s4 =	ssub.s32 $0x0, s20;
	[sflag:s22] =	ssyncset.done $0x0  }
0xa0: {  	[sflag:s22] =	ssyncadd.s32 s4;
	_ =	sdelay $0x1  }
0xa1: {  	s23 =	simm.s32 $0x1B8B  }
0xa2: {  	_ =	swait.ge [sflag:s23], $0x1  }
0xa3: {  	[sflag:s23] =	ssyncset.done $0x0  }
0xa4: {  	s25 =	simm.s32 $0x1B8E;
	s24 =	sld [smem:$0x3FFE];
	[sflag:s23] =	ssyncadd.s32 $0xFFFFFFFF  }
0xa5: {  	s26 =	simm.s32 $execute0_lowered;
	[smem:$0x3FD2] =	sst s25  }
0xa6: {  	s5 =	sshll.u32 s26, $0x1;
	_ =	strace $0x80000046;
	[dreg:$0x1] =	wrdreg $0xFFFFFFFF  }
0xa7: {  	s28 =	simm.s32 $_size_execute0_lowered;
	s3 =	sadd.s32 s3, s5;
	[dreg:$0x0] =	wrdreg $0x0  }
0xa8: {  	s5 =	sshll.u32 s28, $0x1;
	[dreg:$0x2] =	wrdreg s3  }
0xa9: {  	[dreg:$0x3] =	wrdreg s5  }
0xaa: {  	[dreg:$0x4] =	wrdreg $0xC0  }
0xab: {  	_ =	task [dreg:s7], $0x5FFFF  }
0xac: {  	[dreg:$0x1] =	wrdreg $0xFFFFFFFF  }
0xad: {  	[dreg:$0x0] =	wrdreg $0x60  }
0xae: {  	[dreg:$0x2] =	wrdreg s24  }
0xaf: {  	[dreg:$0x3] =	wrdreg s2  }
0xb0: {  	[dreg:$0x4] =	wrdreg $0x9  }
0xb1: {  	_ =	task.clear_ibuf [dreg:s7], $0x5FFFF;
	_ =	strace $0x90000046  }
0xb2: {  	s29 =	simm.s32 $0x9;
	_ =	strace $0x80000048  }
0xb3: {  	_ =	swait.ge [sflag:s29], $0x1  }
0xb4: {  	[sflag:s29] =	ssyncadd.s32 $0xFFFFFFFF  }
0xb5: {  	_ =	strace $0x90000048  }
0xb6: {  	_ =	sfence  }
0xb7: {  	s30 =	sld [smem:$0x0];
	_ =	sdelay $0x2  }
0xb8: {  	s31 =	sshll.u32 s1, $0xD;
	s1 =	sshrl.u32 s1, $0x2  }
0xb9: {  	s3 =	sand.u32 $0x4000, s31;
	s1 =	sadd.s32 s1, s30  }
0xba: {  	s0 =	sor.u32 s3, s0;
	s1 =	sshll.u32 s1, $0x11  }
0xbb: {  	s0 =	sor.u32 s1, s0  }
0xbc: {  	s0 =	sadd.s32 $0x8F2B, s0  }
0xbd: {  	[sflag:s0] =	ssyncadd.remote.s32 $0x1  }
0xbe: {  	_ =	sfence.sel $0xFFFF  }
0xbf: {  	[dreg:$0x0] =	wrdreg $0xFFFFFFFF;
	(pc) =	sbr.abs _section_cstart, $3  }
0xc0: {  	[dreg:$0x1] =	wrdreg $0xFFFFFFFF  }
0xc1: {  	_ =	task.clear_ibuf [dreg:s7], $0x2FFFF;
	_ =	strace $0x9FFFFFFF  }
0xc2: {  	(tm) =	ssettm $0x7FFFFFFF  }
0xc3: {  	_ =	shalt  }
tec
execute0_lowered:
.L_overlay_start_1:
0x0: {  	(tag) =	ssettag $0x1  }
0x1: {  	s8 =	rddreg [dreg:$0x0]  }
0x2: {  	s1 =	srdreg.scid;
	s0 =	stileid.u32  }
0x3: {  	s6 =	rddreg [dreg:$0x1];
	s2 =	simm.s32 $0x0;
	s11 =	simm.s32 $0x3  }
0x4: {  	s12 =	simm.s32 $0x800;
	s13 =	simm.s32 $0x1400;
	s14 =	simm.s32 $0xD400  }
0x5: {  	s15 =	simm.s32 $0x1;
	s16 =	simm.s32 $0x2;
	s17 =	simm.s32 $0x0  }
0x6: {  	s4 =	sand.u32 $0x1, s1;
	s3 =	sshll.u32 s0, $0x1;
	[smem:$0x7FF] =	sst s2  }
0x7: {  	s1 =	rddreg [dreg:$0x2];
	s5 =	sor.u32 s4, s3;
	_ =	strace $0x80000047  }
0x8: {  	s7 =	ssub.s32 $0x2, s4;
	s3 =	sshll.u32 s5, $0xB;
	s5 =	sshll.u32 s5, $0x7  }
0x9: {  	s4 =	sadd.s32 $0xC00, s8;
	s9 =	sshrl.u32 s7, $0x1;
	s5 =	sor.u32 s5, s3  }
0xa: {  	s7 =	ssub.s32 s7, s9;
	s9 =	simm.s32 $0x80;
	s10 =	sand.u32 $0xC380, s5  }
0xb: {  	s5 =	sadd.s32 $0xE00, s8;
	s7 =	smax.u32 s7, $0x1;
	s31 =	sshrl.u32 s10, $0x3  }
0xc: {  	s8 =	sadd.s32 $0x2600, s8;
	s10 =	simm.s32 $0x400;
	s6 =	sadd.s32 s6, s31  }
.LBB2_1:
0xd: {  	[tilespmem:s2], [sflag:$0x3] =	stream.strided.gather [hbm4b:s6+s9], $0x800, s10, s9, $0x38;
	[tilespmem:$0x19400] =	vst v63  }
0xe: {  	_ =	swait.ge [sflag:s11], $0x800  }
0xf: {  	[sflag:s11] =	ssyncset.done $0x0  }
0x10: {  	[sflag:s11] =	ssyncadd.s32 $0xFFFFF800  }
0x11: {  	[tilespmem:s12], [sflag:$0x3] =	stream.linear.gather [hbm4b:s4+s2], $0xC00, $0x38;
	[tilespmem:$0x19400] =	vst v63  }
0x12: {  	_ =	swait.ge [sflag:s11], $0xC00  }
0x13: {  	[sflag:s11] =	ssyncset.done $0x0  }
0x14: {  	s18 =	simm.s32 $0x0;
	[sflag:s11] =	ssyncadd.s32 $0xFFFFF400  }
.LBB2_2:
0x15: {  	p0 =	seq.s32 s18, $0x0  }
0x16: {  	s19 =	simm.s32 @!p0 $0x1  }
0x17: {  	_ =	swait.ge @!p0 [sflag:s19], $0xC000  }
0x18: {  	s20 =	sshll.u32 s18, $0x7;
	[sflag:s19] =	ssyncset.done @!p0 $0x0  }
0x19: {  	[sflag:s19] =	ssyncadd.s32 @!p0 $0xFFFF4000;
	s19 =	sand.u32 $0x3FFFFF80, s20  }
0x1a: {  	v0 =	vld [tilespmem:s19+$0x0]  }
0x1b: {  	s21 =	simm.s32 $0x0;
	s23 =	simm.s32 $0x0;
	v1 =	vld [tilespmem:s19+$0x10]  }
0x1c: {  	s22 =	sand.u32 $0x70, s21;
	s23 =	sand.u32 $0x3FFFFE00, s23;
	v2 =	vld [tilespmem:s19+$0x20]  }
0x1d: {  	s23 =	sor.u32 s22, s23;
	v3 =	vld [tilespmem:s19+$0x30]  }
0x1e: {  	v14 =	vld [tilespmem:s23+$0x980];
	_ =	sdelay $0x2  }
0x1f: {  	v0 =	vcvt.s32.f32 v0  }
0x20: {  	v1 =	vcvt.s32.f32 v1;
	v2 =	vcvt.s32.f32 v2  }
0x21: {  	v3 =	vcvt.s32.f32 v3;
	v8 =	vmul.f32 $5.000000000e-01, v14  }
0x22: {  	v15 =	vbroadcast v0, $0x0;
	v4 =	vbroadcast v0, $0x1  }
0x23: {  	v13 =	vbroadcast v0, $0x2;
	v18 =	vbroadcast v0, $0x3  }
0x24: {  	v16 =	vbroadcast v0, $0x4;
	v17 =	vbroadcast v0, $0x5  }
0x25: {  	v9 =	vbroadcast v0, $0x6;
	v10 =	vbroadcast v0, $0x7  }
0x26: {  	v37 =	vbroadcast v0, $0x8;
	v11 =	vbroadcast v0, $0x9  }
0x27: {  	v24 =	vbroadcast v0, $0xA;
	v12 =	vbroadcast v0, $0xB  }
0x28: {  	v38 =	vbroadcast v0, $0xC;
	v27 =	vbroadcast v0, $0xE  }
0x29: {  	v19 =	vbroadcast v0, $0xF;
	v44 =	vbroadcast v1, $0x0  }
0x2a: {  	v45 =	vbroadcast v1, $0x1;
	v46 =	vbroadcast v1, $0x2  }
0x2b: {  	v47 =	vbroadcast v1, $0x3;
	v48 =	vbroadcast v1, $0x4  }
0x2c: {  	v26 =	vbroadcast v1, $0x5;
	v50 =	vbroadcast v1, $0x6  }
0x2d: {  	v51 =	vbroadcast v1, $0x7;
	v25 =	vbroadcast v1, $0x8  }
0x2e: {  	v23 =	vbroadcast v1, $0xA;
	v42 =	vbroadcast v1, $0xB  }
0x2f: {  	v49 =	vbroadcast v1, $0xC;
	v21 =	vbroadcast v1, $0xD  }
0x30: {  	v20 =	vbroadcast v1, $0xE;
	v57 =	vbroadcast v1, $0xF  }
0x31: {  	[tilespmem:$0x1F920] =	vst v12;
	v12 =	vbroadcast v0, $0xD;
	v0 =	vbroadcast v1, $0x9  }
0x32: {  	v22 =	vbroadcast v2, $0x0;
	v30 =	vbroadcast v2, $0x1  }
0x33: {  	v34 =	vbroadcast v2, $0x2;
	[tilespmem:$0x1FCB0] =	vst v0;
	v0 =	vbroadcast v2, $0x4  }
0x34: {  	v32 =	vbroadcast v2, $0x3;
	v39 =	vbroadcast v2, $0x5  }
0x35: {  	v40 =	vbroadcast v2, $0x6;
	[tilespmem:$0x1F950] =	vst v0;
	v0 =	vbroadcast v2, $0x7  }
0x36: {  	v41 =	vbroadcast v2, $0x8;
	v56 =	vbroadcast v2, $0x9  }
0x37: {  	v62 =	vbroadcast v2, $0xA;
	[tilespmem:$0x1FEB0] =	vst v0;
	v0 =	vbroadcast v2, $0xB  }
0x38: {  	v29 =	vbroadcast v2, $0xD;
	v60 =	vbroadcast v2, $0xE  }
0x39: {  	v5 =	vld [tilespmem:s23+$0x880];
	v63 =	vbroadcast v2, $0xF;
	[tilespmem:$0x1FF40] =	vst v0;
	v0 =	vbroadcast v2, $0xC  }
0x3a: {  	v28 =	vbroadcast v3, $0x0;
	v43 =	vbroadcast v3, $0x1;
	v1 =	vld [tilespmem:s23+$0x900]  }
0x3b: {  	v59 =	vbroadcast v3, $0x2;
	v52 =	vbroadcast v3, $0x3;
	[tilespmem:$0x1FF70] =	vst v0;
	v0 =	vld [tilespmem:s23+$0x800]  }
0x3c: {  	v53 =	vbroadcast v3, $0x4;
	v58 =	vbroadcast v3, $0x5  }
0x3d: {  	v55 =	vbroadcast v3, $0x6;
	v54 =	vbroadcast v3, $0x7  }
0x3e: {  	v61 =	vbroadcast v3, $0x8;
	v7 =	vbroadcast v3, $0x9  }
0x3f: {  	v31 =	vbroadcast v3, $0xA;
	v36 =	vbroadcast v3, $0xD;
	[tilespmem:$0x1FD10] =	vst v4  }
0x40: {  	[tilespmem:$0x1F930] =	vst v9;
	v9 =	vsub.f32 v5, v1;
	v2 =	vmul.f32 $-2.500000000e+00, v5;
	v4 =	vsub.f32 v14, v0  }
0x41: {  	v33 =	vbroadcast v3, $0xE;
	v6 =	vmul.f32 $-1.500000000e+00, v1;
	v1 =	vadd.f32 v1, v1  }
0x42: {  	v9 =	vmul.f32 $5.000000000e-01, v9;
	v2 =	vadd.f32 v2, v0;
	v4 =	vmul.f32 $1.666666720e-01, v4  }
0x43: {  	[tilespmem:$0x1F940] =	vst v10;
	v5 =	vmul.f32 $3.000000000e+00, v5;
	v10 =	vmul.f32 $-1.833333370e+00, v0  }
0x44: {  	v35 =	vbroadcast v3, $0xF;
	v1 =	vadd.f32 v1, v2;
	v2 =	vadd.f32 v4, v9  }
0x45: {  	[tilespmem:$0x1FF80] =	vst v11;
	v11 =	vmul.f32 $3.333333430e-01, v14;
	v5 =	vadd.f32 v10, v5;
	v10 =	vbroadcast v3, $0xC  }
0x46: {  	v9 =	vbroadcast v3, $0xB;
	v14 =	vsub.f32 v1, v8;
	v3 =	vmul.f32 v2, v15;
	_ =	sdelay $0x1  }
0x47: {  	v3 =	vadd.f32 v3, v14  }
0x48: {  	[tilespmem:$0x1FF90] =	vst v15  }
0x49: {  	[tilespmem:$0x1FFA0] =	vst v3;
	v3 =	vmul.f32 v2, v12  }
0x4a: {  	[tilespmem:$0x1FFB0] =	vst v13  }
0x4b: {  	[tilespmem:$0x1FDD0] =	vst v18;
	v4 =	vadd.f32 v6, v5;
	v3 =	vadd.f32 v3, v14  }
0x4c: {  	[tilespmem:$0x1FD60] =	vst v16  }
0x4d: {  	[tilespmem:$0x1FAC0] =	vst v17;
	v1 =	vadd.f32 v11, v4;
	v3 =	vmul.f32 v3, v12  }
0x4e: {  	[tilespmem:$0x1FAA0] =	vst v37;
	v15 =	vmul.f32 v2, v13  }
0x4f: {  	[tilespmem:$0x1FA20] =	vst v38;
	v16 =	vmul.f32 v2, v16;
	v17 =	vmul.f32 v2, v17;
	v3 =	vadd.f32 v3, v1  }
0x50: {  	[tilespmem:$0x1FA40] =	vst v27;
	v11 =	vmul.f32 v2, v37;
	v4 =	vadd.f32 v15, v14;
	v15 =	vmul.f32 v2, v18  }
0x51: {  	[tilespmem:$0x1F910] =	vst v12;
	v8 =	vadd.f32 v16, v14;
	v16 =	vmul.f32 v2, v38;
	v3 =	vmul.f32 v3, v12  }
0x52: {  	v13 =	vadd.f32 v17, v14;
	v17 =	vmul.f32 v2, v45;
	v38 =	vmul.f32 v2, v48;
	[tilespmem:$0x1FFC0] =	vst v4  }
0x53: {  	v18 =	vmul.f32 v2, v44;
	v5 =	vadd.f32 v15, v14;
	[tilespmem:$0x1FA60] =	vst v3;
	v3 =	vmul.f32 v2, v47  }
0x54: {  	[tilespmem:$0x1FAD0] =	vst v13;
	v37 =	vadd.f32 v17, v14;
	v13 =	vadd.f32 v38, v14;
	v17 =	vmul.f32 v2, v25  }
0x55: {  	[tilespmem:$0x1FDE0] =	vst v5;
	v5 =	vadd.f32 v18, v14;
	v18 =	vmul.f32 v2, v27;
	v3 =	vadd.f32 v3, v14  }
0x56: {  	[tilespmem:$0x1F960] =	vst v13;
	v13 =	vadd.f32 v17, v14;
	v17 =	vld [tilespmem:$0x1F920]  }
0x57: {  	v12 =	vmul.f32 v2, v19;
	[tilespmem:$0x1F980] =	vst v3;
	v3 =	vadd.f32 v18, v14  }
0x58: {  	[tilespmem:$0x1FD70] =	vst v8;
	v4 =	vadd.f32 v11, v14  }
0x59: {  	v8 =	vmul.f32 v2, v24;
	[tilespmem:$0x1FA50] =	vst v3;
	v3 =	vadd.f32 v12, v14  }
0x5a: {  	[tilespmem:$0x1FAB0] =	vst v4;
	v4 =	vadd.f32 v16, v14  }
0x5b: {  	v27 =	vmul.f32 v2, v17;
	[tilespmem:$0x1FA80] =	vst v3;
	v3 =	vadd.f32 v8, v14  }
0x5c: {  	[tilespmem:$0x1FA30] =	vst v4  }
0x5d: {  	v4 =	vmul.f32 v37, v45;
	v37 =	vmul.f32 v2, v7;
	[tilespmem:$0x1FA90] =	vst v3;
	v3 =	vadd.f32 v27, v14;
	_ =	sdelay $0x1  }
0x5e: {  	[tilespmem:$0x1FAF0] =	vst v3;
	v3 =	vadd.f32 v37, v14;
	v37 =	vld [tilespmem:$0x1F940];
	_ =	sdelay $0x1  }
0x5f: {  	v8 =	vld [tilespmem:$0x1F930];
	_ =	sdelay $0x2  }
0x60: {  	[tilespmem:$0x1FCF0] =	vst v7;
	v7 =	vmul.f32 v2, v37  }
0x61: {  	v11 =	vmul.f32 v2, v50  }
0x62: {  	v27 =	vmul.f32 v2, v26;
	v6 =	vmul.f32 v2, v8;
	[tilespmem:$0x1FD00] =	vst v3;
	v3 =	vadd.f32 v7, v14  }
0x63: {  	[tilespmem:$0x1FA00] =	vst v5;
	v5 =	vadd.f32 v11, v14  }
0x64: {  	v11 =	vadd.f32 v6, v14;
	v6 =	vmul.f32 v2, v23;
	[tilespmem:$0x1FB10] =	vst v3;
	v3 =	vadd.f32 v27, v14;
	_ =	sdelay $0x1  }
0x65: {  	v7 =	vmul.f32 v2, v21;
	[tilespmem:$0x1FBE0] =	vst v3;
	v3 =	vadd.f32 v6, v14  }
0x66: {  	[tilespmem:$0x1FB20] =	vst v21  }
0x67: {  	v21 =	vmul.f32 v2, v20;
	[tilespmem:$0x1FC60] =	vst v3;
	v3 =	vadd.f32 v7, v14  }
0x68: {  	[tilespmem:$0x1FC20] =	vst v22  }
0x69: {  	v22 =	vmul.f32 v2, v22;
	[tilespmem:$0x1FB30] =	vst v3;
	v3 =	vadd.f32 v21, v14;
	_ =	sdelay $0x1  }
0x6a: {  	[tilespmem:$0x1FBB0] =	vst v3;
	v3 =	vadd.f32 v22, v14;
	_ =	sdelay $0x1  }
0x6b: {  	[tilespmem:$0x1FC30] =	vst v3;
	v3 =	vmul.f32 v2, v62;
	_ =	sdelay $0x1  }
0x6c: {  	v3 =	vadd.f32 v3, v14  }
0x6d: {  	v15 =	vmul.f32 v2, v51  }
0x6e: {  	v22 =	vmul.f32 v2, v30;
	[tilespmem:$0x1FB60] =	vst v3;
	v3 =	vmul.f32 v2, v49  }
0x6f: {  	v38 =	vadd.f32 v15, v14  }
0x70: {  	v15 =	vadd.f32 v22, v14;
	v22 =	vmul.f32 v2, v42;
	v3 =	vadd.f32 v3, v14;
	_ =	sdelay $0x1  }
0x71: {  	[tilespmem:$0x1FCA0] =	vst v3;
	v3 =	vadd.f32 v22, v14;
	_ =	sdelay $0x1  }
0x72: {  	[tilespmem:$0x1FC80] =	vst v3;
	v3 =	vld [tilespmem:$0x1FD10];
	_ =	sdelay $0x4  }
0x73: {  	v3 =	vmul.f32 v2, v3;
	_ =	sdelay $0x1  }
0x74: {  	v3 =	vadd.f32 v3, v14;
	_ =	sdelay $0x1  }
0x75: {  	[tilespmem:$0x1FD20] =	vst v3;
	v3 =	vmul.f32 v2, v63;
	_ =	sdelay $0x1  }
0x76: {  	[tilespmem:$0x1FC70] =	vst v42;
	v42 =	vmul.f32 v2, v28;
	v3 =	vadd.f32 v3, v14;
	_ =	sdelay $0x1  }
0x77: {  	[tilespmem:$0x1FD30] =	vst v3;
	v3 =	vadd.f32 v42, v14;
	_ =	sdelay $0x1  }
0x78: {  	[tilespmem:$0x1FD50] =	vst v3;
	v3 =	vmul.f32 v2, v53;
	_ =	sdelay $0x1  }
0x79: {  	v3 =	vadd.f32 v3, v14;
	_ =	sdelay $0x1  }
0x7a: {  	[tilespmem:$0x1FD90] =	vst v3;
	v3 =	vmul.f32 v2, v55  }
0x7b: {  	[tilespmem:$0x1FA70] =	vst v19;
	v7 =	vmul.f32 v2, v56  }
0x7c: {  	[tilespmem:$0x1FD40] =	vst v28;
	v28 =	vmul.f32 v2, v54;
	v3 =	vadd.f32 v3, v14  }
0x7d: {  	[tilespmem:$0x1FC00] =	vst v32;
	v21 =	vadd.f32 v7, v14  }
0x7e: {  	[tilespmem:$0x1FDC0] =	vst v3;
	v3 =	vadd.f32 v28, v14  }
0x7f: {  	[tilespmem:$0x1FB40] =	vst v21;
	v21 =	vmul.f32 v2, v32;
	v32 =	vld [tilespmem:$0x1FCB0]  }
0x80: {  	[tilespmem:$0x1FDF0] =	vst v3;
	v3 =	vld [tilespmem:$0x1FEB0]  }
0x81: {  	[tilespmem:$0x1FBD0] =	vst v26  }
0x82: {  	[tilespmem:$0x1F9A0] =	vst v4;
	v4 =	vadd.f32 v21, v14  }
0x83: {  	[tilespmem:$0x1FBF0] =	vst v34;
	v34 =	vmul.f32 v2, v34  }
0x84: {  	v18 =	vmul.f32 v2, v41;
	[tilespmem:$0x1FC10] =	vst v4;
	v4 =	vmul.f32 v2, v32  }
0x85: {  	[tilespmem:$0x1FC50] =	vst v23;
	v19 =	vadd.f32 v34, v14;
	v3 =	vmul.f32 v2, v3  }
0x86: {  	[tilespmem:$0x1FC90] =	vst v49;
	v34 =	vmul.f32 v2, v39;
	v12 =	vadd.f32 v18, v14;
	v4 =	vadd.f32 v4, v14  }
0x87: {  	[tilespmem:$0x1FE90] =	vst v60;
	v32 =	vmul.f32 v2, v60;
	v60 =	vadd.f32 v3, v14;
	v3 =	vmul.f32 v2, v61  }
0x88: {  	[tilespmem:$0x1FCC0] =	vst v4;
	v4 =	vadd.f32 v34, v14  }
0x89: {  	[tilespmem:$0x1FBA0] =	vst v20;
	v12 =	vmul.f32 v12, v41;
	v20 =	vmul.f32 v2, v43;
	v27 =	vld [tilespmem:$0x1F950];
	v3 =	vadd.f32 v3, v14  }
0x8a: {  	[tilespmem:$0x1FCE0] =	vst v4  }
0x8b: {  	v12 =	vadd.f32 v12, v1;
	v21 =	vmul.f32 v2, v52;
	v4 =	vadd.f32 v20, v14;
	[tilespmem:$0x1FF00] =	vst v3;
	v3 =	vld [tilespmem:$0x1FF40]  }
0x8c: {  	[tilespmem:$0x1FCD0] =	vst v39;
	v16 =	vmul.f32 v2, v46;
	v39 =	vmul.f32 v2, v29  }
0x8d: {  	v12 =	vmul.f32 v12, v41;
	v23 =	vmul.f32 v2, v57;
	v20 =	vld [tilespmem:$0x1FF80];
	[tilespmem:$0x1FE00] =	vst v4;
	v4 =	vadd.f32 v21, v14  }
0x8e: {  	[tilespmem:$0x1FEE0] =	vst v9;
	v6 =	vmul.f32 v2, v40;
	v18 =	vmul.f32 v2, v27;
	v21 =	vld [tilespmem:$0x1FF70]  }
0x8f: {  	[tilespmem:$0x1FDB0] =	vst v4;
	v4 =	vadd.f32 v32, v14;
	v42 =	vmul.f32 v2, v9;
	v9 =	vmul.f32 v2, v10  }
0x90: {  	[tilespmem:$0x1FE60] =	vst v29;
	v49 =	vadd.f32 v39, v14;
	v22 =	vmul.f32 v2, v58;
	v3 =	vmul.f32 v2, v3  }
0x91: {  	v39 =	vmul.f32 v2, v31;
	v34 =	vmul.f32 v2, v59;
	[tilespmem:$0x1FEA0] =	vst v4;
	v4 =	vadd.f32 v9, v14  }
0x92: {  	[tilespmem:$0x1F970] =	vst v5;
	v29 =	vadd.f32 v22, v14;
	v22 =	vmul.f32 v2, v33;
	v3 =	vadd.f32 v3, v14  }
0x93: {  	v5 =	vmul.f32 v2, v21;
	[tilespmem:$0x1FF20] =	vst v4;
	v4 =	vmul.f32 v2, v20  }
0x94: {  	v16 =	vadd.f32 v16, v14;
	[tilespmem:$0x1FF50] =	vst v3;
	v3 =	vmul.f32 v2, v36;
	v2 =	vmul.f32 v2, v35  }
0x95: {  	[tilespmem:$0x1FEC0] =	vst v59;
	v12 =	vadd.f32 v12, v0;
	v23 =	vadd.f32 v23, v14  }
0x96: {  	[tilespmem:$0x1FB80] =	vst v41;
	v59 =	vadd.f32 v34, v14;
	v34 =	vadd.f32 v2, v14;
	v2 =	vld [tilespmem:$0x1F970]  }
0x97: {  	[tilespmem:$0x1FE70] =	vst v49;
	v49 =	vadd.f32 v39, v14;
	v39 =	vadd.f32 v3, v14;
	v3 =	vmul.f32 v38, v51  }
0x98: {  	v26 =	vadd.f32 v6, v14;
	v18 =	vadd.f32 v18, v14;
	[tilespmem:$0x1FDA0] =	vst v29;
	v29 =	vld [tilespmem:$0x1F960]  }
0x99: {  	s31 =	simm.s32 $0x0;
	[tilespmem:$0x1FF10] =	vst v10;
	v10 =	vadd.f32 v42, v14;
	v3 =	vadd.f32 v3, v1  }
0x9a: {  	s23 =	sand.u32 $0x3FFFFC00, s31;
	v41 =	vmul.f32 v15, v30;
	[tilespmem:$0x1FED0] =	vst v49;
	v42 =	vadd.f32 v5, v14;
	v49 =	vadd.f32 v4, v14  }
0x9b: {  	s23 =	sor.u32 s22, s23;
	v28 =	vmovc v35;
	v35 =	vadd.f32 v22, v14;
	v14 =	vld [tilespmem:$0x1F980];
	v3 =	vmul.f32 v3, v51;
	v2 =	vmul.f32 v2, v50  }
0x9c: {  	[tilespmem:s23+$0x8C00] =	vst v12;
	v12 =	vadd.f32 v41, v1;
	v32 =	vmul.f32 v13, v25;
	v38 =	vmul.f32 v16, v46;
	v16 =	vld [tilespmem:$0x1F9A0]  }
0x9d: {  	[tilespmem:$0x1F9C0] =	vst v51;
	v4 =	vmul.f32 v29, v48;
	v51 =	vadd.f32 v3, v0;
	v3 =	vld [tilespmem:$0x1FA00];
	v2 =	vadd.f32 v2, v1  }
0x9e: {  	v5 =	vadd.f32 v32, v1  }
0x9f: {  	[tilespmem:$0x1FC40] =	vst v30;
	v12 =	vmul.f32 v12, v30;
	v30 =	vld [tilespmem:$0x1FC90];
	v4 =	vadd.f32 v4, v1;
	v2 =	vmul.f32 v2, v50  }
0xa0: {  	[tilespmem:$0x1F990] =	vst v48;
	v13 =	vld [tilespmem:$0x1FA90];
	v20 =	vmul.f32 v5, v25;
	v7 =	vmul.f32 v14, v47  }
0xa1: {  	[tilespmem:$0x1FEF0] =	vst v10;
	v10 =	vld [tilespmem:$0x1FA80];
	v4 =	vmul.f32 v4, v48;
	v48 =	vadd.f32 v2, v0;
	v2 =	vadd.f32 v38, v1  }
0xa2: {  	[tilespmem:$0x1F9D0] =	vst v25;
	v9 =	vadd.f32 v16, v1;
	v7 =	vadd.f32 v7, v1;
	v25 =	vmul.f32 v3, v44;
	v38 =	vld [tilespmem:$0x1FA20]  }
0xa3: {  	v29 =	vmul.f32 v2, v46;
	v2 =	vld [tilespmem:$0x1FA30]  }
0xa4: {  	v21 =	vmul.f32 v9, v45;
	v22 =	vmul.f32 v7, v47;
	v7 =	vadd.f32 v25, v1;
	v25 =	vld [tilespmem:$0x1FAC0]  }
0xa5: {  	[tilespmem:$0x1F9B0] =	vst v50;
	v14 =	vadd.f32 v4, v0;
	v4 =	vadd.f32 v29, v0;
	v29 =	vld [tilespmem:$0x1FAD0]  }
0xa6: {  	[tilespmem:$0x1F9E0] =	vst v45;
	v45 =	vadd.f32 v21, v0;
	v21 =	vld [tilespmem:$0x1FAB0]  }
0xa7: {  	[tilespmem:$0x1F9F0] =	vst v47;
	v3 =	vadd.f32 v22, v0;
	v22 =	vld [tilespmem:$0x1FAA0]  }
0xa8: {  	[tilespmem:$0x1FA10] =	vst v46;
	v47 =	vld [tilespmem:$0x1FA40];
	v32 =	vmul.f32 v2, v38  }
0xa9: {  	v11 =	vmul.f32 v11, v8;
	v16 =	vmul.f32 v13, v24;
	[tilespmem:s23+$0x4480] =	vst v45;
	v45 =	vld [tilespmem:$0x1FE70]  }
0xaa: {  	[tilespmem:$0x1FAE0] =	vst v44;
	v6 =	vadd.f32 v32, v1;
	v32 =	vmul.f32 v29, v25;
	v29 =	vld [tilespmem:$0x1FB10]  }
0xab: {  	[tilespmem:$0x1FB00] =	vst v24;
	v11 =	vadd.f32 v11, v1;
	v13 =	vadd.f32 v16, v1;
	v46 =	vld [tilespmem:$0x1FA70];
	v7 =	vmul.f32 v7, v44  }
0xac: {  	v44 =	vld [tilespmem:$0x1FAF0];
	v5 =	vmul.f32 v21, v22;
	v21 =	vmovc v8;
	v16 =	vadd.f32 v32, v1;
	v32 =	vmul.f32 v26, v40  }
0xad: {  	[tilespmem:$0x1FB50] =	vst v57;
	v11 =	vmul.f32 v11, v21;
	v2 =	vld [tilespmem:$0x1FA50]  }
0xae: {  	[tilespmem:$0x1FB70] =	vst v40;
	v16 =	vmul.f32 v16, v25;
	v25 =	vmul.f32 v23, v57;
	v21 =	vadd.f32 v32, v1;
	v32 =	vld [tilespmem:$0x1FB60]  }
0xaf: {  	[tilespmem:$0x1FB90] =	vst v56;
	v50 =	vadd.f32 v20, v0;
	v20 =	vmul.f32 v29, v37;
	v29 =	vld [tilespmem:$0x1FB40]  }
0xb0: {  	[tilespmem:$0x1FBC0] =	vst v62;
	v26 =	vld [tilespmem:$0x1FB20];
	v8 =	vadd.f32 v25, v1  }
0xb1: {  	[tilespmem:$0x1FD80] =	vst v63;
	v18 =	vmul.f32 v18, v27;
	v6 =	vmul.f32 v6, v38;
	v38 =	vld [tilespmem:$0x1FD20]  }
0xb2: {  	[tilespmem:$0x1FE10] =	vst v58;
	v13 =	vmul.f32 v13, v24;
	v8 =	vmul.f32 v8, v57;
	v57 =	vmov v27;
	v27 =	vld [tilespmem:$0x1FBB0]  }
0xb3: {  	[tilespmem:$0x1FE20] =	vst v53;
	v9 =	vmul.f32 v2, v47;
	v24 =	vmul.f32 v32, v62;
	v32 =	vld [tilespmem:$0x1FBA0]  }
0xb4: {  	[tilespmem:$0x1FE30] =	vst v55;
	v2 =	vld [tilespmem:$0x1FA60];
	v23 =	vmul.f32 v29, v56  }
0xb5: {  	[tilespmem:$0x1FE40] =	vst v52;
	v9 =	vadd.f32 v9, v1;
	v25 =	vld [tilespmem:$0x1FB30]  }
0xb6: {  	[tilespmem:$0x1FE50] =	vst v54;
	v21 =	vmul.f32 v21, v40;
	v40 =	vld [tilespmem:$0x1FBE0];
	v8 =	vadd.f32 v8, v0;
	v23 =	vadd.f32 v23, v1  }
0xb7: {  	[tilespmem:$0x1FE80] =	vst v43;
	v18 =	vadd.f32 v18, v1;
	v9 =	vmul.f32 v9, v47;
	v47 =	vld [tilespmem:$0x1FD50]  }
0xb8: {  	v5 =	vadd.f32 v5, v1;
	[tilespmem:s23+$0x5F80] =	vst v8;
	v23 =	vmul.f32 v23, v56;
	v8 =	vmul.f32 v27, v32;
	v27 =	vld [tilespmem:$0x1FBD0]  }
0xb9: {  	[tilespmem:$0x1FF30] =	vst v31;
	v12 =	vadd.f32 v12, v0;
	v18 =	vmul.f32 v18, v57;
	v57 =	vld [tilespmem:$0x1FBF0];
	v24 =	vadd.f32 v24, v1  }
0xba: {  	[tilespmem:$0x1FF60] =	vst v61;
	v7 =	vadd.f32 v7, v0;
	v5 =	vmul.f32 v5, v22;
	v29 =	vld [tilespmem:$0x1FC80];
	v23 =	vadd.f32 v23, v0  }
0xbb: {  	[tilespmem:s23+$0x7480] =	vst v12;
	v21 =	vadd.f32 v21, v0;
	v24 =	vmul.f32 v24, v62;
	v62 =	vld [tilespmem:$0x1FC00];
	v8 =	vadd.f32 v8, v1  }
0xbc: {  	v11 =	vadd.f32 v11, v0;
	v5 =	vadd.f32 v5, v0;
	v25 =	vmul.f32 v25, v26;
	[tilespmem:s23+$0x8C80] =	vst v23;
	v23 =	vld [tilespmem:$0x1FC10]  }
0xbd: {  	v6 =	vadd.f32 v6, v0;
	[tilespmem:s23+$0x7700] =	vst v21;
	v8 =	vmul.f32 v8, v32;
	v32 =	vld [tilespmem:$0x1FC20];
	v21 =	vmul.f32 v40, v27  }
0xbe: {  	[tilespmem:s23+$0x4780] =	vst v51;
	v16 =	vadd.f32 v16, v0;
	v41 =	vadd.f32 v25, v1;
	v19 =	vmul.f32 v19, v57;
	v40 =	vld [tilespmem:$0x1FC30]  }
0xbf: {  	[tilespmem:s23+$0x4500] =	vst v4;
	v44 =	vmul.f32 v44, v17;
	v2 =	vadd.f32 v2, v0;
	v25 =	vld [tilespmem:$0x1FC50];
	v21 =	vadd.f32 v21, v1  }
0xc0: {  	[tilespmem:s23+$0x1700] =	vst v11;
	v9 =	vadd.f32 v9, v0;
	v11 =	vmul.f32 v41, v26;
	v26 =	vld [tilespmem:$0x1FC60];
	v19 =	vadd.f32 v19, v1  }
0xc1: {  	[tilespmem:s23+$0x4400] =	vst v7;
	v18 =	vadd.f32 v18, v0;
	v56 =	vadd.f32 v24, v0;
	v21 =	vmul.f32 v21, v27;
	v27 =	vld [tilespmem:$0x1FC70]  }
0xc2: {  	[tilespmem:s23+$0x2E80] =	vst v2;
	v19 =	vmul.f32 v19, v57;
	v15 =	vmul.f32 v23, v62;
	v23 =	vadd.f32 v44, v1;
	v44 =	vld [tilespmem:$0x1FD40]  }
0xc3: {  	v2 =	vld [tilespmem:$0x1FD70];
	[tilespmem:s23+$0x7600] =	vst v18;
	v11 =	vadd.f32 v11, v0;
	v8 =	vadd.f32 v8, v0;
	v18 =	vmul.f32 v40, v32  }
0xc4: {  	[tilespmem:s23+$0x2C00] =	vst v5;
	v41 =	vld [tilespmem:$0x1FCC0];
	v24 =	vadd.f32 v19, v0;
	v15 =	vadd.f32 v15, v1  }
0xc5: {  	[tilespmem:s23+$0x2E00] =	vst v6;
	v12 =	vmul.f32 v26, v25;
	v40 =	vld [tilespmem:$0x1FCB0];
	v5 =	vmul.f32 v23, v17;
	v57 =	vadd.f32 v18, v1  }
0xc6: {  	[tilespmem:s23+$0x1680] =	vst v16;
	v17 =	vld [tilespmem:$0x1FD60];
	v15 =	vmul.f32 v15, v62;
	v62 =	vadd.f32 v20, v1;
	v18 =	vmul.f32 v29, v27  }
0xc7: {  	[tilespmem:s23+$0x5F00] =	vst v8;
	v8 =	vmul.f32 v57, v32;
	v32 =	vld [tilespmem:$0x1FCA0];
	v57 =	vadd.f32 v13, v0;
	v13 =	vmul.f32 v47, v44  }
0xc8: {  	[tilespmem:s23+$0x2F00] =	vst v9;
	v26 =	vld [tilespmem:$0x1FCD0];
	v12 =	vadd.f32 v12, v1;
	v16 =	vmul.f32 v62, v37;
	v18 =	vadd.f32 v18, v1  }
0xc9: {  	[tilespmem:s23+$0x8D00] =	vst v56;
	v23 =	vld [tilespmem:$0x1FDA0];
	v15 =	vadd.f32 v15, v0;
	v20 =	vadd.f32 v13, v1  }
0xca: {  	[tilespmem:s23+$0x5E80] =	vst v11;
	v37 =	vadd.f32 v16, v0;
	v16 =	vmul.f32 v41, v40;
	v22 =	vmul.f32 v18, v27;
	v27 =	vld [tilespmem:$0x1FCE0]  }
0xcb: {  	[tilespmem:s23+$0x7500] =	vst v24;
	v56 =	vadd.f32 v21, v0;
	v2 =	vmul.f32 v2, v17;
	v21 =	vmul.f32 v20, v44;
	v44 =	vld [tilespmem:$0x1FE60]  }
0xcc: {  	v10 =	vmul.f32 v10, v46;
	[tilespmem:s23+$0x7580] =	vst v15;
	v15 =	vmul.f32 v32, v30;
	v62 =	vadd.f32 v16, v1;
	v32 =	vld [tilespmem:$0x1FD00]  }
0xcd: {  	v12 =	vmul.f32 v12, v25;
	v2 =	vadd.f32 v2, v1;
	[tilespmem:s23+$0x1780] =	vst v37;
	v37 =	vld [tilespmem:$0x1FD10];
	v25 =	vadd.f32 v22, v0  }
0xce: {  	[tilespmem:s23+$0x4680] =	vst v56;
	v8 =	vadd.f32 v8, v0;
	v22 =	vld [tilespmem:$0x1FD90];
	v56 =	vadd.f32 v15, v1;
	v24 =	vmul.f32 v62, v40  }
0xcf: {  	v10 =	vadd.f32 v10, v1;
	v12 =	vadd.f32 v12, v0;
	v2 =	vmul.f32 v2, v17;
	[tilespmem:s23+$0x5D80] =	vst v25;
	v25 =	vld [tilespmem:$0x1FDC0]  }
0xd0: {  	[tilespmem:s23+$0x7400] =	vst v8;
	v8 =	vmul.f32 v56, v30;
	v15 =	vmul.f32 v27, v26;
	v11 =	vadd.f32 v24, v0;
	v30 =	vld [tilespmem:$0x1FCF0]  }
0xd1: {  	v5 =	vadd.f32 v5, v0;
	[tilespmem:s23+$0x5D00] =	vst v12;
	v9 =	vadd.f32 v21, v0;
	v56 =	vmul.f32 v10, v46;
	v24 =	vld [tilespmem:$0x1FDB0]  }
0xd2: {  	v2 =	vadd.f32 v2, v0;
	v29 =	vadd.f32 v15, v1;
	[tilespmem:s23+$0x5C80] =	vst v11;
	v11 =	vmul.f32 v38, v37  }
0xd3: {  	v41 =	vld [tilespmem:$0x1FD30];
	[tilespmem:s23+$0xA400] =	vst v9;
	v9 =	vmul.f32 v45, v44;
	v8 =	vadd.f32 v8, v0;
	v6 =	vadd.f32 v56, v0  }
0xd4: {  	[tilespmem:s23+$0x2D00] =	vst v57;
	v12 =	vmul.f32 v29, v26;
	v57 =	vadd.f32 v11, v1;
	v11 =	vmul.f32 v23, v58  }
0xd5: {  	v51 =	vld [tilespmem:$0x1FF80];
	v47 =	vadd.f32 v9, v1;
	[tilespmem:s23+$0x2F80] =	vst v6;
	v6 =	vmul.f32 v22, v53;
	v4 =	vmul.f32 v25, v55  }
0xd6: {  	[tilespmem:s23+$0x5E00] =	vst v8;
	v29 =	vld [tilespmem:$0x1FDF0];
	v8 =	vmul.f32 v32, v30;
	v7 =	vmul.f32 v24, v52;
	v11 =	vadd.f32 v11, v1  }
0xd7: {  	[tilespmem:s23+$0x4700] =	vst v48;
	v48 =	vld [tilespmem:$0x1FE90];
	v10 =	vmul.f32 v57, v37;
	v6 =	vadd.f32 v6, v1;
	v4 =	vadd.f32 v4, v1  }
0xd8: {  	[tilespmem:$0x1FFD0] =	vst v36;
	v27 =	vld [tilespmem:$0x1FDE0];
	v57 =	vmul.f32 v47, v44;
	v40 =	vadd.f32 v8, v1;
	v8 =	vmul.f32 v41, v63  }
0xd9: {  	[tilespmem:s23+$0x4580] =	vst v3;
	v26 =	vld [tilespmem:$0x1FDD0];
	v7 =	vadd.f32 v7, v1;
	v32 =	vmul.f32 v11, v58;
	v6 =	vmul.f32 v6, v53  }
0xda: {  	[tilespmem:s23+$0x2D80] =	vst v5;
	v22 =	vld [tilespmem:$0x1FED0];
	v3 =	vmul.f32 v4, v55;
	v8 =	vadd.f32 v8, v1;
	v5 =	vmul.f32 v40, v30  }
0xdb: {  	[tilespmem:$0x1FFE0] =	vst v33;
	v62 =	vadd.f32 v12, v0;
	v44 =	vld [tilespmem:$0x1FF70];
	v13 =	vmul.f32 v29, v54;
	v40 =	vmul.f32 v7, v52  }
0xdc: {  	[tilespmem:$0x1FFF0] =	vst v28;
	v55 =	vld [tilespmem:$0x1FEB0];
	v41 =	vadd.f32 v32, v0;
	v6 =	vadd.f32 v6, v0;
	v8 =	vmul.f32 v8, v63  }
0xdd: {  	[tilespmem:s23+$0x1600] =	vst v2;
	v2 =	vmul.f32 v34, v28;
	v30 =	vld [tilespmem:$0x1FE00];
	v3 =	vadd.f32 v3, v0;
	v37 =	vadd.f32 v13, v1  }
0xde: {  	[tilespmem:s23+$0x4600] =	vst v14;
	v12 =	vmul.f32 v27, v26;
	v52 =	vld [tilespmem:$0x1FEA0];
	v4 =	vadd.f32 v40, v0;
	v8 =	vadd.f32 v8, v0  }
0xdf: {  	[tilespmem:s23+$0x5C00] =	vst v50;
	v25 =	vld [tilespmem:$0x1FEE0];
	v63 =	vadd.f32 v10, v0;
	v10 =	vmul.f32 v22, v31;
	v5 =	vadd.f32 v5, v0  }
0xe0: {  	v27 =	vld [tilespmem:$0x1FF00];
	v45 =	vmul.f32 v42, v44;
	[tilespmem:s23+$0x8F80] =	vst v8;
	v8 =	vmul.f32 v37, v54;
	v54 =	vadd.f32 v12, v1  }
0xe1: {  	v56 =	vmul.f32 v60, v55;
	[tilespmem:s23+$0xA580] =	vst v4;
	v60 =	vld [tilespmem:$0x1FEC0];
	v4 =	vadd.f32 v57, v0;
	v10 =	vadd.f32 v10, v1  }
0xe2: {  	[tilespmem:s23+$0x7680] =	vst v62;
	v47 =	vadd.f32 v45, v1;
	v15 =	vmul.f32 v30, v43;
	v16 =	vmul.f32 v54, v26;
	v26 =	vld [tilespmem:$0x1FEF0]  }
0xe3: {  	v32 =	vld [tilespmem:$0x1FF10];
	[tilespmem:s23+$0xA680] =	vst v41;
	v9 =	vmul.f32 v52, v48;
	v52 =	vmul.f32 v49, v51;
	v18 =	vadd.f32 v56, v1  }
0xe4: {  	[tilespmem:s23+$0xA600] =	vst v6;
	v37 =	vld [tilespmem:$0x1FF20];
	v10 =	vmul.f32 v10, v31;
	v6 =	vmul.f32 v47, v44;
	v38 =	vadd.f32 v15, v1  }
0xe5: {  	v40 =	vld [tilespmem:$0x1FF40];
	[tilespmem:s23+$0xA700] =	vst v3;
	v58 =	vadd.f32 v9, v1;
	v46 =	vadd.f32 v8, v0;
	v21 =	vmul.f32 v18, v55  }
0xe6: {  	v41 =	vld [tilespmem:$0x1FF50];
	[tilespmem:s23+$0x1480] =	vst v63;
	v10 =	vadd.f32 v10, v0;
	v11 =	vmul.f32 v38, v43;
	v62 =	vmul.f32 v59, v60  }
0xe7: {  	[tilespmem:s23+$0xBC80] =	vst v5;
	v56 =	vadd.f32 v6, v0;
	v19 =	vmul.f32 v58, v48;
	v8 =	vmul.f32 v26, v25  }
0xe8: {  	[tilespmem:s23+$0x8E80] =	vst v4;
	v58 =	vmul.f32 v35, v33;
	v3 =	vadd.f32 v16, v0;
	v9 =	vadd.f32 v21, v0  }
0xe9: {  	v54 =	vld [tilespmem:$0x1FF90];
	[tilespmem:s23+$0xA780] =	vst v46;
	v53 =	vadd.f32 v11, v0;
	v30 =	vadd.f32 v8, v1;
	v8 =	vmul.f32 v37, v32  }
0xea: {  	v55 =	vld [tilespmem:$0x1FFA0];
	[tilespmem:s23+$0xBD00] =	vst v10;
	v20 =	vadd.f32 v62, v1;
	v23 =	vadd.f32 v19, v0;
	v11 =	vmul.f32 v27, v61  }
0xeb: {  	v59 =	vld [tilespmem:$0x1FFB0];
	[tilespmem:s23+$0x7780] =	vst v9;
	v9 =	vadd.f32 v58, v1;
	v38 =	vadd.f32 v8, v1;
	v8 =	vmul.f32 v41, v40  }
0xec: {  	[tilespmem:s23+$0xA480] =	vst v53;
	v24 =	vmul.f32 v20, v60;
	v11 =	vadd.f32 v11, v1;
	v53 =	vmul.f32 v39, v36;
	v60 =	vld [tilespmem:$0x1FFC0]  }
0xed: {  	[tilespmem:s23+$0x1580] =	vst v3;
	v63 =	vmul.f32 v9, v33;
	v3 =	vmul.f32 v30, v25;
	v8 =	vadd.f32 v8, v1  }
0xee: {  	[tilespmem:s23+$0x8E00] =	vst v56;
	v29 =	vadd.f32 v24, v0;
	v43 =	vmul.f32 v11, v61;
	v7 =	vmul.f32 v38, v32  }
0xef: {  	[tilespmem:s23+$0x8F00] =	vst v23;
	v57 =	vadd.f32 v53, v1;
	v3 =	vadd.f32 v3, v0;
	v50 =	vmul.f32 v8, v40  }
0xf0: {  	v4 =	vadd.f32 v63, v0;
	[tilespmem:s23+$0xA500] =	vst v29;
	v48 =	vadd.f32 v7, v0;
	v7 =	vmul.f32 v55, v54  }
0xf1: {  	v5 =	vmul.f32 v60, v59;
	[tilespmem:s23+$0xBD80] =	vst v3;
	v8 =	vadd.f32 v52, v1;
	v3 =	vadd.f32 v50, v0  }
0xf2: {  	v46 =	vadd.f32 v43, v0;
	v6 =	vmul.f32 v57, v36;
	[tilespmem:s23+$0xBF00] =	vst v4;
	v7 =	vadd.f32 v7, v1  }
0xf3: {  	v8 =	vmul.f32 v8, v51;
	[tilespmem:s23+$0x8D80] =	vst v3;
	v3 =	vadd.f32 v5, v1  }
0xf4: {  	[tilespmem:s23+$0xBC00] =	vst v46;
	v61 =	vmul.f32 v7, v54;
	v1 =	vadd.f32 v2, v1;
	v2 =	vadd.f32 v6, v0  }
0xf5: {  	[tilespmem:s23+$0xBE00] =	vst v48;
	v62 =	vadd.f32 v8, v0  }
0xf6: {  	v5 =	vadd.f32 v61, v0;
	[tilespmem:s23+$0xBE80] =	vst v2;
	v2 =	vmul.f32 v3, v59;
	v3 =	vmul.f32 v1, v28  }
0xf7: {  	[tilespmem:s23+$0x2C80] =	vst v62  }
0xf8: {  	s26 =	simm.s32 $0x1;
	[tilespmem:s23+$0x1400] =	vst v5;
	v1 =	vadd.f32 v2, v0;
	v0 =	vadd.f32 v3, v0  }
.LBB2_3:
0xf9: {  	s28 =	sshll.u32 s26, $0x6;
	s21 =	sadd.s32 $0x10, s21  }
0xfa: {  	[tilespmem:s23+$0x1500] =	vst v1;
	v46 =	vld [tilespmem:$0x1FF90];
	s24 =	sand.u32 $0x70, s21;
	s28 =	sand.u32 $0x3FFFFE00, s28  }
0xfb: {  	v28 =	vld [tilespmem:$0x1F910];
	[tilespmem:s23+$0xBF80] =	vst v0;
	s30 =	sor.u32 s24, s28  }
0xfc: {  	v1 =	vld [tilespmem:s30+$0x900]  }
0xfd: {  	v2 =	vld [tilespmem:s30+$0x980]  }
0xfe: {  	v3 =	vld [tilespmem:s30+$0x880]  }
0xff: {  	v0 =	vld [tilespmem:s30+$0x800]  }
0x100: {  	v47 =	vld [tilespmem:$0x1FFB0]  }
0x101: {  	v35 =	vld [tilespmem:$0x1F920]  }
0x102: {  	v49 =	vld [tilespmem:$0x1FD60];
	v5 =	vmul.f32 $3.333333430e-01, v2  }
0x103: {  	v32 =	vld [tilespmem:$0x1FAC0];
	v6 =	vmul.f32 $-2.500000000e+00, v3;
	v7 =	vmul.f32 $5.000000000e-01, v2;
	v8 =	vsub.f32 v3, v1  }
0x104: {  	v33 =	vld [tilespmem:$0x1F930];
	v3 =	vmul.f32 $3.000000000e+00, v3;
	v9 =	vmul.f32 $-1.833333370e+00, v0;
	v2 =	vsub.f32 v2, v0  }
0x105: {  	v30 =	vld [tilespmem:$0x1FAA0];
	v4 =	vmul.f32 $-1.500000000e+00, v1  }
0x106: {  	v48 =	vld [tilespmem:$0x1FDD0];
	v8 =	vmul.f32 $5.000000000e-01, v8;
	v3 =	vadd.f32 v9, v3;
	v2 =	vmul.f32 $1.666666720e-01, v2  }
0x107: {  	v31 =	vld [tilespmem:$0x1FB00]  }
0x108: {  	v50 =	vld [tilespmem:$0x1FF80];
	v4 =	vadd.f32 v4, v3;
	v3 =	vadd.f32 v2, v8  }
0x109: {  	v36 =	vld [tilespmem:$0x1FA20]  }
0x10a: {  	v37 =	vld [tilespmem:$0x1FA40];
	v1 =	vadd.f32 v1, v1;
	v42 =	vmul.f32 v3, v46;
	v43 =	vmul.f32 v3, v28  }
0x10b: {  	v38 =	vld [tilespmem:$0x1FA70];
	v6 =	vadd.f32 v6, v0;
	v45 =	vmul.f32 v3, v47;
	v19 =	vmul.f32 v3, v35  }
0x10c: {  	v39 =	vld [tilespmem:$0x1FAE0];
	v8 =	vmul.f32 v3, v49;
	v52 =	vmul.f32 v3, v32  }
0x10d: {  	v29 =	vld [tilespmem:$0x1F9E0];
	v1 =	vadd.f32 v1, v6;
	v22 =	vmul.f32 v3, v33;
	v53 =	vmul.f32 v3, v30  }
0x10e: {  	v40 =	vld [tilespmem:$0x1FA10];
	v10 =	vmul.f32 v3, v48;
	v17 =	vmul.f32 v3, v31  }
0x10f: {  	v44 =	vld [tilespmem:$0x1F9C0];
	v2 =	vsub.f32 v1, v7;
	v54 =	vmul.f32 v3, v50;
	v55 =	vmul.f32 v3, v36  }
0x110: {  	v41 =	vld [tilespmem:$0x1F9F0];
	v1 =	vadd.f32 v5, v4;
	v14 =	vmul.f32 v3, v37;
	v16 =	vmul.f32 v3, v38  }
0x111: {  	v9 =	vld [tilespmem:$0x1FB80];
	v11 =	vmul.f32 v3, v39;
	v4 =	vadd.f32 v42, v2;
	v51 =	vadd.f32 v45, v2  }
0x112: {  	v34 =	vld [tilespmem:$0x1F940];
	v12 =	vmul.f32 v3, v29;
	v24 =	vadd.f32 v8, v2;
	v13 =	vadd.f32 v52, v2  }
0x113: {  	v56 =	vmul.f32 v3, v40;
	v20 =	vadd.f32 v53, v2;
	v10 =	vadd.f32 v10, v2  }
0x114: {  	v26 =	vmul.f32 v3, v44;
	v7 =	vadd.f32 v43, v2;
	v18 =	vadd.f32 v55, v2  }
0x115: {  	v15 =	vmul.f32 v3, v41;
	v21 =	vadd.f32 v11, v2;
	v12 =	vadd.f32 v12, v2  }
0x116: {  	v23 =	vmul.f32 v3, v9;
	v26 =	vadd.f32 v26, v2;
	v8 =	vadd.f32 v56, v2  }
0x117: {  	v15 =	vadd.f32 v15, v2;
	[tilespmem:$0x1F8F0] =	vst v4;
	v4 =	vmul.f32 v3, v34;
	v7 =	vmul.f32 v7, v28  }
0x118: {  	v16 =	vadd.f32 v16, v2;
	v12 =	vmul.f32 v12, v29;
	v26 =	vmul.f32 v26, v44  }
0x119: {  	v42 =	vld [tilespmem:$0x1F990];
	v22 =	vadd.f32 v22, v2;
	v60 =	vmul.f32 v8, v40;
	v15 =	vmul.f32 v15, v41  }
0x11a: {  	[tilespmem:$0x1F8E0] =	vst v54;
	v43 =	vld [tilespmem:$0x1F9B0];
	v23 =	vadd.f32 v23, v2;
	v21 =	vmul.f32 v21, v39;
	v52 =	vmul.f32 v18, v36  }
0x11b: {  	v45 =	vld [tilespmem:$0x1F9D0];
	[tilespmem:$0x1F900] =	vst v51;
	v51 =	vadd.f32 v14, v2;
	v54 =	vmul.f32 v16, v38;
	v22 =	vmul.f32 v22, v33  }
0x11c: {  	v13 =	vmul.f32 v13, v32;
	v10 =	vmul.f32 v10, v48;
	v7 =	vadd.f32 v7, v1  }
0x11d: {  	v23 =	vmul.f32 v23, v9;
	v62 =	vadd.f32 v26, v1;
	v63 =	vadd.f32 v12, v1  }
0x11e: {  	v15 =	vadd.f32 v15, v1;
	v53 =	vmul.f32 v51, v37;
	v21 =	vadd.f32 v21, v1  }
0x11f: {  	v55 =	vadd.f32 v52, v1;
	v10 =	vadd.f32 v10, v1;
	v57 =	vmul.f32 v3, v42  }
0x120: {  	v25 =	vmul.f32 v3, v43;
	v27 =	vmul.f32 v3, v45;
	v23 =	vadd.f32 v23, v1  }
0x121: {  	v28 =	vmul.f32 v7, v28;
	v26 =	vmul.f32 v63, v29;
	v56 =	vadd.f32 v53, v1  }
0x122: {  	v21 =	vmul.f32 v21, v39;
	v39 =	vadd.f32 v22, v1;
	v11 =	vadd.f32 v57, v2  }
0x123: {  	v10 =	vmul.f32 v10, v48;
	v25 =	vadd.f32 v25, v2;
	v59 =	vadd.f32 v27, v2  }
0x124: {  	v57 =	vmul.f32 v20, v30;
	v23 =	vmul.f32 v23, v9;
	v18 =	vadd.f32 v28, v0  }
0x125: {  	v28 =	vadd.f32 v54, v1;
	v10 =	vadd.f32 v10, v0;
	v58 =	vmul.f32 v11, v42  }
0x126: {  	v25 =	vmul.f32 v25, v43;
	v11 =	vmul.f32 v59, v45;
	v59 =	vadd.f32 v19, v2  }
0x127: {  	v51 =	vld [tilespmem:$0x1FBD0];
	v63 =	vmul.f32 v24, v49;
	v6 =	vadd.f32 v57, v1;
	v23 =	vadd.f32 v23, v0  }
0x128: {  	v28 =	vmul.f32 v28, v38;
	v7 =	vadd.f32 v58, v1;
	v61 =	vadd.f32 v25, v1  }
0x129: {  	v11 =	vadd.f32 v11, v1;
	v25 =	vmul.f32 v62, v44;
	v44 =	vmul.f32 v15, v41  }
0x12a: {  	v52 =	vld [tilespmem:$0x1FCB0];
	v15 =	vadd.f32 v26, v0;
	v58 =	vadd.f32 v17, v2;
	v26 =	vmul.f32 v56, v37  }
0x12b: {  	v53 =	vld [tilespmem:$0x1FC50];
	v17 =	vadd.f32 v21, v0;
	v29 =	vmul.f32 v59, v35;
	v30 =	vmul.f32 v6, v30  }
0x12c: {  	v54 =	vld [tilespmem:$0x1FC70];
	v37 =	vadd.f32 v63, v1;
	v41 =	vmul.f32 v3, v51;
	v7 =	vmul.f32 v7, v42  }
0x12d: {  	v56 =	vld [tilespmem:$0x1FB20];
	v8 =	vmul.f32 v61, v43;
	v43 =	vadd.f32 v60, v1;
	v14 =	vadd.f32 v44, v0  }
0x12e: {  	v59 =	vld [tilespmem:$0x1FC20];
	v20 =	vmul.f32 v58, v31;
	v19 =	vadd.f32 v26, v0;
	v12 =	vadd.f32 v7, v0  }
0x12f: {  	v42 =	vmul.f32 v11, v45;
	v11 =	vadd.f32 v8, v0;
	v8 =	vadd.f32 v25, v0  }
0x130: {  	v25 =	vmul.f32 v43, v40;
	v62 =	vadd.f32 v20, v1;
	v20 =	vadd.f32 v28, v0  }
0x131: {  	v57 =	vld [tilespmem:$0x1FBA0];
	v7 =	vadd.f32 v29, v1;
	v29 =	vmul.f32 v39, v33;
	v28 =	vmul.f32 v3, v52  }
0x132: {  	v63 =	vld [tilespmem:$0x1F950];
	v45 =	vadd.f32 v42, v0;
	v43 =	vmul.f32 v3, v53;
	v33 =	vmul.f32 v3, v54  }
0x133: {  	v60 =	vld [tilespmem:$0x1FCF0];
	v42 =	vadd.f32 v13, v1;
	v44 =	vmul.f32 v3, v56;
	v5 =	vmul.f32 v3, v59  }
0x134: {  	v58 =	vld [tilespmem:$0x1FB50];
	v16 =	vadd.f32 v25, v0;
	v25 =	vmul.f32 v55, v36;
	v26 =	vmul.f32 v62, v31  }
0x135: {  	v36 =	vadd.f32 v4, v2;
	v27 =	vmul.f32 v7, v35;
	v31 =	vmul.f32 v42, v32  }
0x136: {  	[tilespmem:$0x1F8C0] =	vst v45;
	v29 =	vadd.f32 v29, v0;
	v32 =	vadd.f32 v43, v2;
	v45 =	vmul.f32 v3, v57  }
0x137: {  	v42 =	vmul.f32 v3, v63;
	v28 =	vadd.f32 v28, v2;
	v35 =	vadd.f32 v44, v2  }
0x138: {  	v61 =	vmul.f32 v3, v60;
	v21 =	vadd.f32 v25, v0;
	v24 =	vadd.f32 v26, v0  }
0x139: {  	v4 =	vmul.f32 v3, v58;
	v26 =	vadd.f32 v30, v0;
	v22 =	vadd.f32 v27, v0  }
0x13a: {  	v62 =	vld [tilespmem:$0x1FC00];
	v38 =	vmul.f32 v36, v34;
	v30 =	vadd.f32 v41, v2;
	v31 =	vadd.f32 v31, v0  }
0x13b: {  	v36 =	vadd.f32 v45, v2;
	v42 =	vadd.f32 v42, v2;
	v32 =	vmul.f32 v32, v53  }
0x13c: {  	v55 =	vld [tilespmem:$0x1FC90];
	v28 =	vmul.f32 v28, v52;
	v25 =	vadd.f32 v61, v2;
	v35 =	vmul.f32 v35, v56  }
0x13d: {  	[tilespmem:$0x1F8D0] =	vst v37;
	v37 =	vadd.f32 v4, v2;
	v40 =	vadd.f32 v38, v1;
	v36 =	vmul.f32 v36, v57  }
0x13e: {  	v61 =	vld [tilespmem:$0x1FBF0];
	v38 =	vadd.f32 v5, v2;
	v30 =	vmul.f32 v30, v51;
	v42 =	vmul.f32 v42, v63  }
0x13f: {  	v4 =	vld [tilespmem:$0x1FB70];
	v32 =	vadd.f32 v32, v1;
	v25 =	vmul.f32 v25, v60;
	v41 =	vmul.f32 v3, v62  }
0x140: {  	v35 =	vadd.f32 v35, v1;
	v37 =	vmul.f32 v37, v58;
	v27 =	vmul.f32 v40, v34  }
0x141: {  	v5 =	vld [tilespmem:$0x1FB90];
	v34 =	vmul.f32 v3, v55;
	v38 =	vmul.f32 v38, v59;
	v36 =	vadd.f32 v36, v1  }
0x142: {  	v7 =	vld [tilespmem:$0x1FD40];
	v42 =	vadd.f32 v42, v1;
	v30 =	vadd.f32 v30, v1;
	v32 =	vmul.f32 v32, v53  }
0x143: {  	v25 =	vadd.f32 v25, v1;
	v37 =	vadd.f32 v37, v1;
	v40 =	vmul.f32 v3, v61  }
0x144: {  	v41 =	vadd.f32 v41, v2;
	v6 =	vmul.f32 v3, v4;
	v42 =	vmul.f32 v42, v63  }
0x145: {  	v27 =	vadd.f32 v27, v0;
	v36 =	vmul.f32 v36, v57;
	v13 =	vmul.f32 v25, v60;
	v60 =	vld [tilespmem:$0x1FC40]  }
0x146: {  	v34 =	vadd.f32 v34, v2;
	v44 =	vmul.f32 v3, v5;
	v43 =	vadd.f32 v6, v2;
	v6 =	vld [tilespmem:$0x1FBC0]  }
0x147: {  	v38 =	vadd.f32 v38, v1;
	v25 =	vmul.f32 v3, v7;
	v37 =	vmul.f32 v37, v58  }
0x148: {  	v40 =	vadd.f32 v40, v2;
	v34 =	vmul.f32 v34, v55;
	v44 =	vadd.f32 v44, v2  }
0x149: {  	v37 =	vadd.f32 v37, v0;
	v25 =	vadd.f32 v25, v2;
	v43 =	vmul.f32 v43, v4  }
0x14a: {  	s25 =	smov.u32 s26;
	v13 =	vadd.f32 v13, v0;
	v44 =	vmul.f32 v44, v5;
	v39 =	vmul.f32 v3, v60  }
0x14b: {  	s31 =	sshll.u32 s25, $0x7;
	v34 =	vadd.f32 v34, v1;
	v43 =	vadd.f32 v43, v1;
	v45 =	vmul.f32 v3, v6  }
0x14c: {  	s23 =	sand.u32 $0x3FFFFC00, s31;
	v41 =	vmul.f32 v41, v62;
	v44 =	vadd.f32 v44, v1;
	v9 =	vadd.f32 v39, v2  }
0x14d: {  	s23 =	sor.u32 s24, s23;
	v43 =	vmul.f32 v43, v4;
	v4 =	vmul.f32 v40, v61;
	v45 =	vadd.f32 v45, v2  }
0x14e: {  	[tilespmem:s23+$0x5F80] =	vst v37;
	v44 =	vmul.f32 v44, v5;
	v5 =	vadd.f32 v42, v0;
	v37 =	vmul.f32 v9, v60  }
0x14f: {  	v43 =	vadd.f32 v43, v0;
	v42 =	vadd.f32 v4, v1;
	v45 =	vmul.f32 v45, v6  }
0x150: {  	[tilespmem:s23+$0x2E80] =	vst v18;
	v9 =	vmul.f32 v38, v59;
	v58 =	vadd.f32 v44, v0;
	v37 =	vadd.f32 v37, v1  }
0x151: {  	[tilespmem:s23+$0x8C00] =	vst v23;
	v40 =	vld [tilespmem:$0x1FCD0];
	v57 =	vmul.f32 v42, v61;
	v61 =	vmul.f32 v35, v56;
	v45 =	vadd.f32 v45, v1  }
0x152: {  	[tilespmem:s23+$0x7700] =	vst v43;
	v43 =	vadd.f32 v36, v0;
	v42 =	vmul.f32 v34, v55;
	v36 =	vld [tilespmem:$0x1FE20];
	v44 =	vmul.f32 v37, v60  }
0x153: {  	[tilespmem:s23+$0x7600] =	vst v5;
	v60 =	vadd.f32 v33, v2;
	v33 =	vadd.f32 v61, v0;
	v45 =	vmul.f32 v45, v6  }
0x154: {  	v5 =	vld [tilespmem:$0x1FE80];
	[tilespmem:s23+$0x5F00] =	vst v43;
	v43 =	vadd.f32 v28, v1;
	v53 =	vadd.f32 v42, v0;
	v6 =	vmul.f32 v30, v51  }
0x155: {  	[tilespmem:s23+$0x8C80] =	vst v58;
	v51 =	vadd.f32 v9, v0;
	v63 =	vadd.f32 v45, v0  }
0x156: {  	[tilespmem:s23+$0x5E00] =	vst v53;
	v45 =	vadd.f32 v41, v1;
	v23 =	vadd.f32 v6, v0;
	v41 =	vmul.f32 v3, v40;
	v6 =	vld [tilespmem:$0x1FE60]  }
0x157: {  	v42 =	vld [tilespmem:$0x1FE10];
	v30 =	vadd.f32 v57, v0;
	v58 =	vadd.f32 v44, v0;
	v37 =	vmul.f32 v3, v36;
	[tilespmem:s23+$0x8D00] =	vst v63  }
0x158: {  	v59 =	vmul.f32 v45, v62;
	[tilespmem:s23+$0x4680] =	vst v23;
	v23 =	vmul.f32 v60, v54;
	v63 =	vld [tilespmem:$0x1FD10];
	v44 =	vadd.f32 v41, v2  }
0x159: {  	v61 =	vmul.f32 v3, v5;
	v53 =	vld [tilespmem:$0x1FE50];
	[tilespmem:s23+$0x7400] =	vst v51;
	v51 =	vadd.f32 v32, v0;
	v41 =	vadd.f32 v37, v2  }
0x15a: {  	[tilespmem:s23+$0x1680] =	vst v31;
	v62 =	vadd.f32 v59, v0;
	v23 =	vadd.f32 v23, v1;
	v55 =	vmul.f32 v44, v40;
	v59 =	vld [tilespmem:$0x1FD80]  }
0x15b: {  	[tilespmem:s23+$0x2D80] =	vst v22;
	v22 =	vadd.f32 v61, v2;
	v18 =	vmul.f32 v41, v36;
	v57 =	vmul.f32 v3, v6  }
0x15c: {  	[tilespmem:s23+$0x7480] =	vst v58;
	v23 =	vmul.f32 v23, v54;
	v54 =	vmul.f32 v43, v52;
	v58 =	vadd.f32 v55, v1  }
0x15d: {  	[tilespmem:s23+$0x2C00] =	vst v26;
	v18 =	vadd.f32 v18, v1;
	v9 =	vmul.f32 v3, v63;
	v26 =	vadd.f32 v57, v2  }
0x15e: {  	[tilespmem:s23+$0x2D00] =	vst v24;
	v44 =	vld [tilespmem:$0x1FE30];
	v43 =	vmul.f32 v3, v42;
	v23 =	vadd.f32 v23, v0;
	v24 =	vadd.f32 v54, v0  }
0x15f: {  	[tilespmem:s23+$0x7500] =	vst v30;
	v54 =	vmul.f32 v3, v53;
	v30 =	vadd.f32 v9, v2;
	v9 =	vld [tilespmem:$0x1FE90];
	v60 =	vmul.f32 v3, v59  }
0x160: {  	[tilespmem:s23+$0x5D80] =	vst v23;
	v23 =	vmul.f32 v58, v40;
	v40 =	vmul.f32 v25, v7;
	v25 =	vadd.f32 v43, v2  }
0x161: {  	v31 =	vld [tilespmem:$0x1FE40];
	[tilespmem:s23+$0x7580] =	vst v62;
	v18 =	vmul.f32 v18, v36;
	v45 =	vmul.f32 v30, v63;
	v62 =	vadd.f32 v60, v2  }
0x162: {  	[tilespmem:s23+$0x5C80] =	vst v24;
	v24 =	vadd.f32 v54, v2;
	v52 =	vadd.f32 v40, v1;
	v60 =	vmul.f32 v25, v42  }
0x163: {  	v56 =	vadd.f32 v45, v1;
	v39 =	vmul.f32 v62, v59;
	v45 =	vmul.f32 v3, v44  }
0x164: {  	[tilespmem:s23+$0x1700] =	vst v29;
	v41 =	vld [tilespmem:$0x1FEB0];
	v37 =	vadd.f32 v18, v0;
	v29 =	vmul.f32 v3, v9;
	v57 =	vmul.f32 v52, v7  }
0x165: {  	v38 =	vadd.f32 v23, v0;
	v7 =	vmul.f32 v24, v53;
	v24 =	vmul.f32 v22, v5  }
0x166: {  	[tilespmem:s23+$0x4480] =	vst v15;
	v4 =	vadd.f32 v60, v1;
	v28 =	vmul.f32 v56, v63;
	v63 =	vmul.f32 v3, v31  }
0x167: {  	[tilespmem:s23+$0x5D00] =	vst v51;
	v51 =	vadd.f32 v39, v1;
	v58 =	vadd.f32 v45, v2;
	v39 =	vmul.f32 v26, v6  }
0x168: {  	[tilespmem:s23+$0x1780] =	vst v27;
	v62 =	vadd.f32 v57, v0;
	v15 =	vmul.f32 v4, v42;
	v27 =	vadd.f32 v7, v1  }
0x169: {  	[tilespmem:s23+$0x1580] =	vst v10;
	v52 =	vld [tilespmem:$0x1FF70];
	v30 =	vadd.f32 v24, v1;
	v42 =	vmul.f32 v3, v41;
	v43 =	vadd.f32 v29, v2  }
0x16a: {  	[tilespmem:s23+$0x4400] =	vst v17;
	v32 =	vld [tilespmem:$0x1FF10];
	v55 =	vadd.f32 v63, v2;
	v56 =	vmul.f32 v51, v59;
	v63 =	vmul.f32 v58, v44  }
0x16b: {  	[tilespmem:s23+$0x2F00] =	vst v19;
	v18 =	vadd.f32 v39, v1;
	v58 =	vld [tilespmem:$0x1FF60];
	v15 =	vadd.f32 v15, v0;
	v35 =	vmul.f32 v27, v53  }
0x16c: {  	[tilespmem:s23+$0x4580] =	vst v14;
	v36 =	vmul.f32 v30, v5;
	v5 =	vld [tilespmem:$0x1FF40];
	v51 =	vadd.f32 v42, v2;
	v19 =	vmul.f32 v43, v9  }
0x16d: {  	[tilespmem:s23+$0x2E00] =	vst v21;
	v59 =	vmul.f32 v55, v31;
	v61 =	vadd.f32 v56, v0;
	v21 =	vadd.f32 v63, v1;
	v55 =	vld [tilespmem:$0x1FEC0]  }
0x16e: {  	[tilespmem:s23+$0x4700] =	vst v11;
	v24 =	vld [tilespmem:$0x1FEE0];
	v53 =	vmul.f32 v3, v52;
	v40 =	vadd.f32 v35, v0;
	v11 =	vadd.f32 v36, v0  }
0x16f: {  	[tilespmem:s23+$0x2F80] =	vst v20;
	v54 =	vmul.f32 v18, v6;
	v57 =	vadd.f32 v19, v1;
	v25 =	vadd.f32 v59, v1  }
0x170: {  	[tilespmem:s23+$0x5E80] =	vst v33;
	v63 =	vld [tilespmem:$0x1FF30];
	v33 =	vmul.f32 v21, v44;
	v44 =	vadd.f32 v28, v0;
	v59 =	vmul.f32 v3, v58  }
0x171: {  	[tilespmem:s23+$0xA400] =	vst v62;
	v36 =	vadd.f32 v53, v2;
	v62 =	vmul.f32 v57, v9;
	v34 =	vmul.f32 v25, v31  }
0x172: {  	v53 =	vld [tilespmem:$0x1FFE0];
	[tilespmem:s23+$0xA480] =	vst v11;
	v11 =	vadd.f32 v54, v0;
	v45 =	vmul.f32 v3, v5;
	v56 =	vmul.f32 v3, v55  }
0x173: {  	[tilespmem:s23+$0x7680] =	vst v38;
	v38 =	vadd.f32 v33, v0;
	v25 =	vmul.f32 v3, v24;
	v33 =	vmul.f32 v3, v32  }
0x174: {  	[tilespmem:s23+$0x4600] =	vst v12;
	v39 =	vmul.f32 v36, v52;
	v28 =	vadd.f32 v62, v0;
	v60 =	vadd.f32 v56, v2  }
0x175: {  	[tilespmem:s23+$0x4780] =	vst v8;
	v22 =	vmul.f32 v3, v63;
	v12 =	vadd.f32 v34, v0;
	v31 =	vadd.f32 v25, v2  }
0x176: {  	[tilespmem:s23+$0x1480] =	vst v44;
	v44 =	vld [tilespmem:$0x1FFD0];
	v34 =	vadd.f32 v59, v2;
	v14 =	vadd.f32 v33, v2;
	v23 =	vmul.f32 v60, v55  }
0x177: {  	[tilespmem:s23+$0x8E80] =	vst v11;
	v35 =	vadd.f32 v45, v2;
	v42 =	vadd.f32 v39, v1;
	v54 =	vmul.f32 v3, v53  }
0x178: {  	[tilespmem:s23+$0xA580] =	vst v12;
	v12 =	vmul.f32 v51, v41;
	v11 =	vmul.f32 v31, v24;
	v30 =	vadd.f32 v23, v1  }
0x179: {  	[tilespmem:s23+$0xA780] =	vst v40;
	v40 =	vld [tilespmem:$0x1F8D0];
	v29 =	vadd.f32 v22, v2;
	v8 =	vmul.f32 v34, v58;
	v14 =	vmul.f32 v14, v32  }
0x17a: {  	[tilespmem:s23+$0x8F80] =	vst v61;
	v51 =	vmul.f32 v42, v52;
	v61 =	vadd.f32 v12, v1;
	v10 =	vmul.f32 v30, v55;
	v55 =	vld [tilespmem:$0x1FFF0]  }
0x17b: {  	v48 =	vld [tilespmem:$0x1F8E0];
	[tilespmem:s23+$0x4500] =	vst v16;
	v45 =	vmul.f32 v3, v44;
	v57 =	vadd.f32 v54, v2;
	v11 =	vadd.f32 v11, v1  }
0x17c: {  	v26 =	vld [tilespmem:$0x1F8C0];
	[tilespmem:s23+$0xA700] =	vst v38;
	v8 =	vadd.f32 v8, v1;
	v38 =	vadd.f32 v14, v1;
	v27 =	vmul.f32 v61, v41  }
0x17d: {  	[tilespmem:s23+$0xA600] =	vst v37;
	v12 =	vmul.f32 v29, v63;
	v52 =	vadd.f32 v45, v2;
	v37 =	vmul.f32 v11, v24  }
0x17e: {  	[tilespmem:s23+$0xBC80] =	vst v13;
	v8 =	vmul.f32 v8, v58;
	v11 =	vmul.f32 v38, v32;
	v58 =	vld [tilespmem:$0x1F8F0];
	v7 =	vadd.f32 v27, v0  }
0x17f: {  	[tilespmem:s23+$0xA680] =	vst v15;
	v12 =	vadd.f32 v12, v1;
	v41 =	vmul.f32 v40, v49;
	v3 =	vmul.f32 v3, v55  }
0x180: {  	v49 =	vadd.f32 v48, v2;
	v8 =	vadd.f32 v8, v0;
	[tilespmem:s23+$0x7780] =	vst v7;
	v7 =	vmul.f32 v35, v5  }
0x181: {  	[tilespmem:s23+$0x5C00] =	vst v26;
	v56 =	vmul.f32 v52, v44;
	v43 =	vadd.f32 v11, v0;
	v2 =	vadd.f32 v3, v2;
	v3 =	vld [tilespmem:$0x1F900]  }
0x182: {  	[tilespmem:s23+$0x8F00] =	vst v28;
	v12 =	vmul.f32 v12, v63;
	v9 =	vadd.f32 v41, v0;
	v7 =	vadd.f32 v7, v1  }
0x183: {  	v6 =	vmul.f32 v49, v50;
	v10 =	vadd.f32 v10, v0;
	[tilespmem:s23+$0xBC00] =	vst v8;
	v59 =	vmul.f32 v58, v46  }
0x184: {  	v60 =	vadd.f32 v56, v1;
	v12 =	vadd.f32 v12, v0;
	[tilespmem:s23+$0xBE00] =	vst v43;
	v7 =	vmul.f32 v7, v5  }
0x185: {  	v61 =	vmul.f32 v57, v53;
	[tilespmem:s23+$0x1600] =	vst v9;
	v6 =	vadd.f32 v6, v1;
	v5 =	vadd.f32 v59, v1  }
0x186: {  	v8 =	vadd.f32 v51, v0;
	[tilespmem:s23+$0xA500] =	vst v10;
	v7 =	vadd.f32 v7, v0;
	v3 =	vmul.f32 v3, v47  }
0x187: {  	v10 =	vadd.f32 v37, v0;
	[tilespmem:s23+$0xBD00] =	vst v12;
	v6 =	vmul.f32 v6, v50;
	v5 =	vmul.f32 v5, v46  }
0x188: {  	v2 =	vmul.f32 v2, v55;
	[tilespmem:s23+$0x8D80] =	vst v7;
	v7 =	vadd.f32 v61, v1;
	v3 =	vadd.f32 v3, v1  }
0x189: {  	p1 =	sne.s32 s26, $0x2F;
	v4 =	vmul.f32 v60, v44;
	[tilespmem:s23+$0x8E00] =	vst v8;
	v6 =	vadd.f32 v6, v0;
	v5 =	vadd.f32 v5, v0  }
.Ltmp0:
0x18a: {  	[tilespmem:s23+$0xBD80] =	vst v10;
	v62 =	vmul.f32 v7, v53;
	v1 =	vadd.f32 v2, v1;
	v2 =	vmul.f32 v3, v47;
	(pc) =	sbr.rel @p1 .LBB2_3-.Ltmp0, $4  }
0x18b: {  	[tilespmem:s23+$0x2C80] =	vst v6;
	v3 =	vadd.f32 v4, v0  }
0x18c: {  	[tilespmem:s23+$0x1400] =	vst v5;
	v63 =	vmul.f32 v1, v55;
	v1 =	vadd.f32 v2, v0;
	v2 =	vadd.f32 v62, v0  }
0x18d: {  	s22 =	sadd.s32 $0x1, s26;
	[tilespmem:s23+$0xBE80] =	vst v3  }
0x18e: {  	s26 =	smov.u32 s22;
	v0 =	vadd.f32 v63, v0;
	[tilespmem:s23+$0xBF00] =	vst v2  }
0x18f: {  	s20 =	sor.u32 s3, s20  }
0x190: {  	s20 =	sshrl.u32 s20, $0x3  }
0x191: {  	s20 =	smul.u32 $0x300, s20  }
0x192: {  	[tilespmem:s23+$0x1500] =	vst v1  }
0x193: {  	[tilespmem:s23+$0xBF80] =	vst v0;
	s21 =	sadd.s32 s5, s20  }
0x194: {  	[hbm4b:s21+s2] =	stream.linear.scatter [tilespmem:s13], [sflag:$0x1], $0xC000, $0x38;
	[tilespmem:$0x19400] =	vst v63  }
0x195: {  	s21 =	simm.s32 @!p0 $0x2  }
0x196: {  	_ =	swait.ge @!p0 [sflag:s21], $0xC000  }
0x197: {  	[sflag:s21] =	ssyncset.done @!p0 $0x0  }
0x198: {  	[sflag:s21] =	ssyncadd.s32 @!p0 $0xFFFF4000  }
0x199: {  	v0 =	vld [tilespmem:s19+$0x40]  }
0x19a: {  	v1 =	vld [tilespmem:s19+$0x50]  }
0x19b: {  	v2 =	vld [tilespmem:s19+$0x60]  }
0x19c: {  	v3 =	vld [tilespmem:s19+$0x70];
	_ =	sdelay $0x2  }
0x19d: {  	v0 =	vcvt.s32.f32 v0  }
0x19e: {  	v1 =	vcvt.s32.f32 v1;
	v2 =	vcvt.s32.f32 v2  }
0x19f: {  	v3 =	vcvt.s32.f32 v3;
	v15 =	vbroadcast v0, $0x0  }
0x1a0: {  	v4 =	vbroadcast v0, $0x1;
	v13 =	vbroadcast v0, $0x2  }
0x1a1: {  	v18 =	vbroadcast v0, $0x3;
	v16 =	vbroadcast v0, $0x4  }
0x1a2: {  	v17 =	vbroadcast v0, $0x5;
	v9 =	vbroadcast v0, $0x6  }
0x1a3: {  	v10 =	vbroadcast v0, $0x7;
	v37 =	vbroadcast v0, $0x8  }
0x1a4: {  	v11 =	vbroadcast v0, $0x9;
	v24 =	vbroadcast v0, $0xA  }
0x1a5: {  	v12 =	vbroadcast v0, $0xB;
	v38 =	vbroadcast v0, $0xC  }
0x1a6: {  	v27 =	vbroadcast v0, $0xE;
	v19 =	vbroadcast v0, $0xF  }
0x1a7: {  	v44 =	vbroadcast v1, $0x0;
	v45 =	vbroadcast v1, $0x1  }
0x1a8: {  	v46 =	vbroadcast v1, $0x2;
	v47 =	vbroadcast v1, $0x3  }
0x1a9: {  	v48 =	vbroadcast v1, $0x4;
	v26 =	vbroadcast v1, $0x5  }
0x1aa: {  	v50 =	vbroadcast v1, $0x6;
	v51 =	vbroadcast v1, $0x7  }
0x1ab: {  	v25 =	vbroadcast v1, $0x8;
	v23 =	vbroadcast v1, $0xA  }
0x1ac: {  	v42 =	vbroadcast v1, $0xB;
	v49 =	vbroadcast v1, $0xC  }
0x1ad: {  	v21 =	vbroadcast v1, $0xD;
	v20 =	vbroadcast v1, $0xE  }
0x1ae: {  	v57 =	vbroadcast v1, $0xF;
	v22 =	vbroadcast v2, $0x0  }
0x1af: {  	[tilespmem:$0x1F1E0] =	vst v12;
	v12 =	vbroadcast v0, $0xD;
	v0 =	vbroadcast v1, $0x9  }
0x1b0: {  	v30 =	vbroadcast v2, $0x1;
	v34 =	vbroadcast v2, $0x2  }
0x1b1: {  	v32 =	vbroadcast v2, $0x3;
	[tilespmem:$0x1F570] =	vst v0;
	v0 =	vbroadcast v2, $0x4  }
0x1b2: {  	v39 =	vbroadcast v2, $0x5;
	v40 =	vbroadcast v2, $0x6  }
0x1b3: {  	s22 =	simm.s32 $0x0;
	s19 =	simm.s32 $0x0;
	v41 =	vbroadcast v2, $0x8;
	[tilespmem:$0x1F210] =	vst v0;
	v0 =	vbroadcast v2, $0x7  }
0x1b4: {  	s22 =	sand.u32 $0x3FFFFE00, s22;
	s30 =	sand.u32 $0x70, s19;
	v56 =	vbroadcast v2, $0x9;
	v62 =	vbroadcast v2, $0xA  }
0x1b5: {  	s22 =	sor.u32 s30, s22;
	v29 =	vbroadcast v2, $0xD;
	[tilespmem:$0x1F770] =	vst v0;
	v0 =	vbroadcast v2, $0xB  }
0x1b6: {  	v14 =	vld [tilespmem:s22+$0x980];
	v60 =	vbroadcast v2, $0xE;
	v63 =	vbroadcast v2, $0xF  }
0x1b7: {  	v5 =	vld [tilespmem:s22+$0x880];
	v28 =	vbroadcast v3, $0x0;
	[tilespmem:$0x1F800] =	vst v0;
	v0 =	vbroadcast v2, $0xC  }
0x1b8: {  	v43 =	vbroadcast v3, $0x1;
	v59 =	vbroadcast v3, $0x2;
	v1 =	vld [tilespmem:s22+$0x900]  }
0x1b9: {  	v52 =	vbroadcast v3, $0x3;
	v53 =	vbroadcast v3, $0x4;
	[tilespmem:$0x1F830] =	vst v0;
	v0 =	vld [tilespmem:s22+$0x800]  }
0x1ba: {  	v58 =	vbroadcast v3, $0x5;
	v55 =	vbroadcast v3, $0x6  }
0x1bb: {  	v54 =	vbroadcast v3, $0x7;
	v61 =	vbroadcast v3, $0x8  }
0x1bc: {  	v7 =	vbroadcast v3, $0x9;
	v31 =	vbroadcast v3, $0xA  }
0x1bd: {  	v36 =	vbroadcast v3, $0xD;
	v33 =	vbroadcast v3, $0xE;
	[tilespmem:$0x1F5D0] =	vst v4  }
0x1be: {  	[tilespmem:$0x1F1F0] =	vst v9;
	v9 =	vsub.f32 v5, v1;
	v2 =	vmul.f32 $-2.500000000e+00, v5;
	v4 =	vsub.f32 v14, v0  }
0x1bf: {  	v35 =	vbroadcast v3, $0xF;
	v6 =	vmul.f32 $-1.500000000e+00, v1;
	v1 =	vadd.f32 v1, v1  }
0x1c0: {  	v9 =	vmul.f32 $5.000000000e-01, v9;
	v2 =	vadd.f32 v2, v0;
	v4 =	vmul.f32 $1.666666720e-01, v4  }
0x1c1: {  	[tilespmem:$0x1F200] =	vst v10;
	v5 =	vmul.f32 $3.000000000e+00, v5;
	v10 =	vmul.f32 $-1.833333370e+00, v0  }
0x1c2: {  	v8 =	vmul.f32 $5.000000000e-01, v14;
	v1 =	vadd.f32 v1, v2;
	v2 =	vadd.f32 v4, v9  }
0x1c3: {  	[tilespmem:$0x1F840] =	vst v11;
	v11 =	vmul.f32 $3.333333430e-01, v14;
	v5 =	vadd.f32 v10, v5;
	v10 =	vbroadcast v3, $0xC  }
0x1c4: {  	v9 =	vbroadcast v3, $0xB;
	v14 =	vsub.f32 v1, v8;
	v3 =	vmul.f32 v2, v15;
	_ =	sdelay $0x1  }
0x1c5: {  	v3 =	vadd.f32 v3, v14  }
0x1c6: {  	[tilespmem:$0x1F850] =	vst v15  }
0x1c7: {  	[tilespmem:$0x1F860] =	vst v3;
	v3 =	vmul.f32 v2, v12  }
0x1c8: {  	[tilespmem:$0x1F870] =	vst v13  }
0x1c9: {  	[tilespmem:$0x1F690] =	vst v18;
	v4 =	vadd.f32 v6, v5;
	v3 =	vadd.f32 v3, v14  }
0x1ca: {  	[tilespmem:$0x1F620] =	vst v16  }
0x1cb: {  	[tilespmem:$0x1F380] =	vst v17;
	v1 =	vadd.f32 v11, v4;
	v3 =	vmul.f32 v3, v12  }
0x1cc: {  	[tilespmem:$0x1F360] =	vst v37;
	v15 =	vmul.f32 v2, v13  }
0x1cd: {  	[tilespmem:$0x1F2E0] =	vst v38;
	v16 =	vmul.f32 v2, v16;
	v17 =	vmul.f32 v2, v17;
	v3 =	vadd.f32 v3, v1  }
0x1ce: {  	[tilespmem:$0x1F300] =	vst v27;
	v11 =	vmul.f32 v2, v37;
	v4 =	vadd.f32 v15, v14;
	v15 =	vmul.f32 v2, v18  }
0x1cf: {  	[tilespmem:$0x1F1D0] =	vst v12;
	v8 =	vadd.f32 v16, v14;
	v16 =	vmul.f32 v2, v38;
	v3 =	vmul.f32 v3, v12  }
0x1d0: {  	v13 =	vadd.f32 v17, v14;
	v17 =	vmul.f32 v2, v45;
	v38 =	vmul.f32 v2, v48;
	[tilespmem:$0x1F880] =	vst v4  }
0x1d1: {  	v18 =	vmul.f32 v2, v44;
	v5 =	vadd.f32 v15, v14;
	[tilespmem:$0x1F320] =	vst v3;
	v3 =	vmul.f32 v2, v47  }
0x1d2: {  	[tilespmem:$0x1F390] =	vst v13;
	v37 =	vadd.f32 v17, v14;
	v13 =	vadd.f32 v38, v14;
	v17 =	vmul.f32 v2, v25  }
0x1d3: {  	[tilespmem:$0x1F6A0] =	vst v5;
	v5 =	vadd.f32 v18, v14;
	v18 =	vmul.f32 v2, v27;
	v3 =	vadd.f32 v3, v14  }
0x1d4: {  	[tilespmem:$0x1F220] =	vst v13;
	v13 =	vadd.f32 v17, v14;
	v17 =	vld [tilespmem:$0x1F1E0]  }
0x1d5: {  	v12 =	vmul.f32 v2, v19;
	[tilespmem:$0x1F240] =	vst v3;
	v3 =	vadd.f32 v18, v14  }
0x1d6: {  	[tilespmem:$0x1F630] =	vst v8;
	v4 =	vadd.f32 v11, v14  }
0x1d7: {  	v8 =	vmul.f32 v2, v24;
	[tilespmem:$0x1F310] =	vst v3;
	v3 =	vadd.f32 v12, v14  }
0x1d8: {  	[tilespmem:$0x1F370] =	vst v4;
	v4 =	vadd.f32 v16, v14  }
0x1d9: {  	v27 =	vmul.f32 v2, v17;
	[tilespmem:$0x1F340] =	vst v3;
	v3 =	vadd.f32 v8, v14  }
0x1da: {  	[tilespmem:$0x1F2F0] =	vst v4  }
0x1db: {  	v4 =	vmul.f32 v37, v45;
	v37 =	vmul.f32 v2, v7;
	[tilespmem:$0x1F350] =	vst v3;
	v3 =	vadd.f32 v27, v14;
	_ =	sdelay $0x1  }
0x1dc: {  	[tilespmem:$0x1F3B0] =	vst v3;
	v3 =	vadd.f32 v37, v14;
	v37 =	vld [tilespmem:$0x1F200];
	_ =	sdelay $0x1  }
0x1dd: {  	v8 =	vld [tilespmem:$0x1F1F0];
	_ =	sdelay $0x2  }
0x1de: {  	[tilespmem:$0x1F5B0] =	vst v7;
	v7 =	vmul.f32 v2, v37  }
0x1df: {  	v11 =	vmul.f32 v2, v50  }
0x1e0: {  	v27 =	vmul.f32 v2, v26;
	v6 =	vmul.f32 v2, v8;
	[tilespmem:$0x1F5C0] =	vst v3;
	v3 =	vadd.f32 v7, v14  }
0x1e1: {  	[tilespmem:$0x1F2C0] =	vst v5;
	v5 =	vadd.f32 v11, v14  }
0x1e2: {  	v11 =	vadd.f32 v6, v14;
	v6 =	vmul.f32 v2, v23;
	[tilespmem:$0x1F3D0] =	vst v3;
	v3 =	vadd.f32 v27, v14;
	_ =	sdelay $0x1  }
0x1e3: {  	v7 =	vmul.f32 v2, v21;
	[tilespmem:$0x1F4A0] =	vst v3;
	v3 =	vadd.f32 v6, v14  }
0x1e4: {  	[tilespmem:$0x1F3E0] =	vst v21  }
0x1e5: {  	v21 =	vmul.f32 v2, v20;
	[tilespmem:$0x1F520] =	vst v3;
	v3 =	vadd.f32 v7, v14  }
0x1e6: {  	[tilespmem:$0x1F4E0] =	vst v22  }
0x1e7: {  	v22 =	vmul.f32 v2, v22;
	[tilespmem:$0x1F3F0] =	vst v3;
	v3 =	vadd.f32 v21, v14;
	_ =	sdelay $0x1  }
0x1e8: {  	[tilespmem:$0x1F470] =	vst v3;
	v3 =	vadd.f32 v22, v14;
	_ =	sdelay $0x1  }
0x1e9: {  	[tilespmem:$0x1F4F0] =	vst v3;
	v3 =	vmul.f32 v2, v62;
	_ =	sdelay $0x1  }
0x1ea: {  	v3 =	vadd.f32 v3, v14  }
0x1eb: {  	v15 =	vmul.f32 v2, v51  }
0x1ec: {  	v22 =	vmul.f32 v2, v30;
	[tilespmem:$0x1F420] =	vst v3;
	v3 =	vmul.f32 v2, v49  }
0x1ed: {  	v38 =	vadd.f32 v15, v14  }
0x1ee: {  	v15 =	vadd.f32 v22, v14;
	v22 =	vmul.f32 v2, v42;
	v3 =	vadd.f32 v3, v14;
	_ =	sdelay $0x1  }
0x1ef: {  	[tilespmem:$0x1F560] =	vst v3;
	v3 =	vadd.f32 v22, v14;
	_ =	sdelay $0x1  }
0x1f0: {  	[tilespmem:$0x1F540] =	vst v3;
	v3 =	vld [tilespmem:$0x1F5D0];
	_ =	sdelay $0x4  }
0x1f1: {  	v3 =	vmul.f32 v2, v3;
	_ =	sdelay $0x1  }
0x1f2: {  	v3 =	vadd.f32 v3, v14;
	_ =	sdelay $0x1  }
0x1f3: {  	[tilespmem:$0x1F5E0] =	vst v3;
	v3 =	vmul.f32 v2, v63;
	_ =	sdelay $0x1  }
0x1f4: {  	[tilespmem:$0x1F530] =	vst v42;
	v42 =	vmul.f32 v2, v28;
	v3 =	vadd.f32 v3, v14;
	_ =	sdelay $0x1  }
0x1f5: {  	[tilespmem:$0x1F5F0] =	vst v3;
	v3 =	vadd.f32 v42, v14;
	_ =	sdelay $0x1  }
0x1f6: {  	[tilespmem:$0x1F610] =	vst v3;
	v3 =	vmul.f32 v2, v53;
	_ =	sdelay $0x1  }
0x1f7: {  	v3 =	vadd.f32 v3, v14;
	_ =	sdelay $0x1  }
0x1f8: {  	[tilespmem:$0x1F650] =	vst v3;
	v3 =	vmul.f32 v2, v55  }
0x1f9: {  	[tilespmem:$0x1F330] =	vst v19;
	v7 =	vmul.f32 v2, v56  }
0x1fa: {  	[tilespmem:$0x1F600] =	vst v28;
	v28 =	vmul.f32 v2, v54;
	v3 =	vadd.f32 v3, v14  }
0x1fb: {  	[tilespmem:$0x1F4C0] =	vst v32;
	v21 =	vadd.f32 v7, v14  }
0x1fc: {  	[tilespmem:$0x1F680] =	vst v3;
	v3 =	vadd.f32 v28, v14  }
0x1fd: {  	[tilespmem:$0x1F400] =	vst v21;
	v21 =	vmul.f32 v2, v32;
	v32 =	vld [tilespmem:$0x1F570]  }
0x1fe: {  	[tilespmem:$0x1F6B0] =	vst v3;
	v3 =	vld [tilespmem:$0x1F770]  }
0x1ff: {  	[tilespmem:$0x1F490] =	vst v26  }
0x200: {  	[tilespmem:$0x1F260] =	vst v4;
	v4 =	vadd.f32 v21, v14  }
0x201: {  	[tilespmem:$0x1F4B0] =	vst v34;
	v34 =	vmul.f32 v2, v34  }
0x202: {  	v18 =	vmul.f32 v2, v41;
	[tilespmem:$0x1F4D0] =	vst v4;
	v4 =	vmul.f32 v2, v32  }
0x203: {  	[tilespmem:$0x1F510] =	vst v23;
	v19 =	vadd.f32 v34, v14;
	v3 =	vmul.f32 v2, v3  }
0x204: {  	[tilespmem:$0x1F550] =	vst v49;
	v34 =	vmul.f32 v2, v39;
	v12 =	vadd.f32 v18, v14;
	v4 =	vadd.f32 v4, v14  }
0x205: {  	[tilespmem:$0x1F750] =	vst v60;
	v32 =	vmul.f32 v2, v60;
	v60 =	vadd.f32 v3, v14;
	v3 =	vmul.f32 v2, v61  }
0x206: {  	[tilespmem:$0x1F580] =	vst v4;
	v4 =	vadd.f32 v34, v14  }
0x207: {  	[tilespmem:$0x1F460] =	vst v20;
	v12 =	vmul.f32 v12, v41;
	v20 =	vmul.f32 v2, v43;
	v27 =	vld [tilespmem:$0x1F210];
	v3 =	vadd.f32 v3, v14  }
0x208: {  	[tilespmem:$0x1F5A0] =	vst v4  }
0x209: {  	v12 =	vadd.f32 v12, v1;
	v21 =	vmul.f32 v2, v52;
	v4 =	vadd.f32 v20, v14;
	[tilespmem:$0x1F7C0] =	vst v3;
	v3 =	vld [tilespmem:$0x1F800]  }
0x20a: {  	[tilespmem:$0x1F590] =	vst v39;
	v16 =	vmul.f32 v2, v46;
	v39 =	vmul.f32 v2, v29  }
0x20b: {  	v12 =	vmul.f32 v12, v41;
	v23 =	vmul.f32 v2, v57;
	v20 =	vld [tilespmem:$0x1F840];
	[tilespmem:$0x1F6C0] =	vst v4;
	v4 =	vadd.f32 v21, v14  }
0x20c: {  	[tilespmem:$0x1F7A0] =	vst v9;
	v6 =	vmul.f32 v2, v40;
	v18 =	vmul.f32 v2, v27;
	v21 =	vld [tilespmem:$0x1F830]  }
0x20d: {  	[tilespmem:$0x1F670] =	vst v4;
	v4 =	vadd.f32 v32, v14;
	v42 =	vmul.f32 v2, v9;
	v9 =	vmul.f32 v2, v10  }
0x20e: {  	[tilespmem:$0x1F720] =	vst v29;
	v49 =	vadd.f32 v39, v14;
	v22 =	vmul.f32 v2, v58;
	v3 =	vmul.f32 v2, v3  }
0x20f: {  	v39 =	vmul.f32 v2, v31;
	v34 =	vmul.f32 v2, v59;
	[tilespmem:$0x1F760] =	vst v4;
	v4 =	vadd.f32 v9, v14  }
0x210: {  	[tilespmem:$0x1F230] =	vst v5;
	v29 =	vadd.f32 v22, v14;
	v22 =	vmul.f32 v2, v33;
	v3 =	vadd.f32 v3, v14  }
0x211: {  	v5 =	vmul.f32 v2, v21;
	[tilespmem:$0x1F7E0] =	vst v4;
	v4 =	vmul.f32 v2, v20  }
0x212: {  	v16 =	vadd.f32 v16, v14;
	[tilespmem:$0x1F810] =	vst v3;
	v3 =	vmul.f32 v2, v36;
	v2 =	vmul.f32 v2, v35  }
0x213: {  	[tilespmem:$0x1F780] =	vst v59;
	v12 =	vadd.f32 v12, v0;
	v23 =	vadd.f32 v23, v14  }
0x214: {  	[tilespmem:$0x1F440] =	vst v41;
	v59 =	vadd.f32 v34, v14;
	v34 =	vadd.f32 v2, v14;
	v2 =	vld [tilespmem:$0x1F230]  }
0x215: {  	[tilespmem:$0x1F730] =	vst v49;
	v49 =	vadd.f32 v39, v14;
	v39 =	vadd.f32 v3, v14;
	v3 =	vmul.f32 v38, v51  }
0x216: {  	v26 =	vadd.f32 v6, v14;
	v18 =	vadd.f32 v18, v14;
	[tilespmem:$0x1F660] =	vst v29;
	v29 =	vld [tilespmem:$0x1F220]  }
0x217: {  	s31 =	simm.s32 $0x0;
	[tilespmem:$0x1F7D0] =	vst v10;
	v10 =	vadd.f32 v42, v14;
	v3 =	vadd.f32 v3, v1  }
0x218: {  	s22 =	sand.u32 $0x3FFFFC00, s31;
	v41 =	vmul.f32 v15, v30;
	[tilespmem:$0x1F790] =	vst v49;
	v42 =	vadd.f32 v5, v14;
	v49 =	vadd.f32 v4, v14  }
0x219: {  	s22 =	sor.u32 s30, s22;
	v28 =	vmovc v35;
	v35 =	vadd.f32 v22, v14;
	v14 =	vld [tilespmem:$0x1F240];
	v3 =	vmul.f32 v3, v51;
	v2 =	vmul.f32 v2, v50  }
0x21a: {  	[tilespmem:s22+$0x14C00] =	vst v12;
	v12 =	vadd.f32 v41, v1;
	v32 =	vmul.f32 v13, v25;
	v38 =	vmul.f32 v16, v46;
	v16 =	vld [tilespmem:$0x1F260]  }
0x21b: {  	[tilespmem:$0x1F280] =	vst v51;
	v4 =	vmul.f32 v29, v48;
	v51 =	vadd.f32 v3, v0;
	v3 =	vld [tilespmem:$0x1F2C0];
	v2 =	vadd.f32 v2, v1  }
0x21c: {  	v5 =	vadd.f32 v32, v1  }
0x21d: {  	[tilespmem:$0x1F500] =	vst v30;
	v12 =	vmul.f32 v12, v30;
	v30 =	vld [tilespmem:$0x1F550];
	v4 =	vadd.f32 v4, v1;
	v2 =	vmul.f32 v2, v50  }
0x21e: {  	[tilespmem:$0x1F250] =	vst v48;
	v13 =	vld [tilespmem:$0x1F350];
	v20 =	vmul.f32 v5, v25;
	v7 =	vmul.f32 v14, v47  }
0x21f: {  	[tilespmem:$0x1F7B0] =	vst v10;
	v10 =	vld [tilespmem:$0x1F340];
	v4 =	vmul.f32 v4, v48;
	v48 =	vadd.f32 v2, v0;
	v2 =	vadd.f32 v38, v1  }
0x220: {  	[tilespmem:$0x1F290] =	vst v25;
	v9 =	vadd.f32 v16, v1;
	v7 =	vadd.f32 v7, v1;
	v25 =	vmul.f32 v3, v44;
	v38 =	vld [tilespmem:$0x1F2E0]  }
0x221: {  	v29 =	vmul.f32 v2, v46;
	v2 =	vld [tilespmem:$0x1F2F0]  }
0x222: {  	v21 =	vmul.f32 v9, v45;
	v22 =	vmul.f32 v7, v47;
	v7 =	vadd.f32 v25, v1;
	v25 =	vld [tilespmem:$0x1F380]  }
0x223: {  	[tilespmem:$0x1F270] =	vst v50;
	v14 =	vadd.f32 v4, v0;
	v4 =	vadd.f32 v29, v0;
	v29 =	vld [tilespmem:$0x1F390]  }
0x224: {  	[tilespmem:$0x1F2A0] =	vst v45;
	v45 =	vadd.f32 v21, v0;
	v21 =	vld [tilespmem:$0x1F370]  }
0x225: {  	[tilespmem:$0x1F2B0] =	vst v47;
	v3 =	vadd.f32 v22, v0;
	v22 =	vld [tilespmem:$0x1F360]  }
0x226: {  	[tilespmem:$0x1F2D0] =	vst v46;
	v47 =	vld [tilespmem:$0x1F300];
	v32 =	vmul.f32 v2, v38  }
0x227: {  	v11 =	vmul.f32 v11, v8;
	v16 =	vmul.f32 v13, v24;
	[tilespmem:s22+$0x10480] =	vst v45;
	v45 =	vld [tilespmem:$0x1F730]  }
0x228: {  	[tilespmem:$0x1F3A0] =	vst v44;
	v6 =	vadd.f32 v32, v1;
	v32 =	vmul.f32 v29, v25;
	v29 =	vld [tilespmem:$0x1F3D0]  }
0x229: {  	[tilespmem:$0x1F3C0] =	vst v24;
	v11 =	vadd.f32 v11, v1;
	v13 =	vadd.f32 v16, v1;
	v46 =	vld [tilespmem:$0x1F330];
	v7 =	vmul.f32 v7, v44  }
0x22a: {  	v44 =	vld [tilespmem:$0x1F3B0];
	v5 =	vmul.f32 v21, v22;
	v21 =	vmovc v8;
	v16 =	vadd.f32 v32, v1;
	v32 =	vmul.f32 v26, v40  }
0x22b: {  	[tilespmem:$0x1F410] =	vst v57;
	v11 =	vmul.f32 v11, v21;
	v2 =	vld [tilespmem:$0x1F310]  }
0x22c: {  	[tilespmem:$0x1F430] =	vst v40;
	v16 =	vmul.f32 v16, v25;
	v25 =	vmul.f32 v23, v57;
	v21 =	vadd.f32 v32, v1;
	v32 =	vld [tilespmem:$0x1F420]  }
0x22d: {  	[tilespmem:$0x1F450] =	vst v56;
	v50 =	vadd.f32 v20, v0;
	v20 =	vmul.f32 v29, v37;
	v29 =	vld [tilespmem:$0x1F400]  }
0x22e: {  	[tilespmem:$0x1F480] =	vst v62;
	v26 =	vld [tilespmem:$0x1F3E0];
	v8 =	vadd.f32 v25, v1  }
0x22f: {  	[tilespmem:$0x1F640] =	vst v63;
	v18 =	vmul.f32 v18, v27;
	v6 =	vmul.f32 v6, v38;
	v38 =	vld [tilespmem:$0x1F5E0]  }
0x230: {  	[tilespmem:$0x1F6D0] =	vst v58;
	v13 =	vmul.f32 v13, v24;
	v8 =	vmul.f32 v8, v57;
	v57 =	vmov v27;
	v27 =	vld [tilespmem:$0x1F470]  }
0x231: {  	[tilespmem:$0x1F6E0] =	vst v53;
	v9 =	vmul.f32 v2, v47;
	v24 =	vmul.f32 v32, v62;
	v32 =	vld [tilespmem:$0x1F460]  }
0x232: {  	[tilespmem:$0x1F6F0] =	vst v55;
	v2 =	vld [tilespmem:$0x1F320];
	v23 =	vmul.f32 v29, v56  }
0x233: {  	[tilespmem:$0x1F700] =	vst v52;
	v9 =	vadd.f32 v9, v1;
	v25 =	vld [tilespmem:$0x1F3F0]  }
0x234: {  	[tilespmem:$0x1F710] =	vst v54;
	v21 =	vmul.f32 v21, v40;
	v40 =	vld [tilespmem:$0x1F4A0];
	v8 =	vadd.f32 v8, v0;
	v23 =	vadd.f32 v23, v1  }
0x235: {  	[tilespmem:$0x1F740] =	vst v43;
	v18 =	vadd.f32 v18, v1;
	v9 =	vmul.f32 v9, v47;
	v47 =	vld [tilespmem:$0x1F610]  }
0x236: {  	v5 =	vadd.f32 v5, v1;
	[tilespmem:s22+$0x11F80] =	vst v8;
	v23 =	vmul.f32 v23, v56;
	v8 =	vmul.f32 v27, v32;
	v27 =	vld [tilespmem:$0x1F490]  }
0x237: {  	[tilespmem:$0x1F7F0] =	vst v31;
	v12 =	vadd.f32 v12, v0;
	v18 =	vmul.f32 v18, v57;
	v57 =	vld [tilespmem:$0x1F4B0];
	v24 =	vadd.f32 v24, v1  }
0x238: {  	[tilespmem:$0x1F820] =	vst v61;
	v7 =	vadd.f32 v7, v0;
	v5 =	vmul.f32 v5, v22;
	v29 =	vld [tilespmem:$0x1F540];
	v23 =	vadd.f32 v23, v0  }
0x239: {  	[tilespmem:s22+$0x13480] =	vst v12;
	v21 =	vadd.f32 v21, v0;
	v24 =	vmul.f32 v24, v62;
	v62 =	vld [tilespmem:$0x1F4C0];
	v8 =	vadd.f32 v8, v1  }
0x23a: {  	v11 =	vadd.f32 v11, v0;
	v5 =	vadd.f32 v5, v0;
	v25 =	vmul.f32 v25, v26;
	[tilespmem:s22+$0x14C80] =	vst v23;
	v23 =	vld [tilespmem:$0x1F4D0]  }
0x23b: {  	v6 =	vadd.f32 v6, v0;
	[tilespmem:s22+$0x13700] =	vst v21;
	v8 =	vmul.f32 v8, v32;
	v32 =	vld [tilespmem:$0x1F4E0];
	v21 =	vmul.f32 v40, v27  }
0x23c: {  	[tilespmem:s22+$0x10780] =	vst v51;
	v16 =	vadd.f32 v16, v0;
	v41 =	vadd.f32 v25, v1;
	v19 =	vmul.f32 v19, v57;
	v40 =	vld [tilespmem:$0x1F4F0]  }
0x23d: {  	[tilespmem:s22+$0x10500] =	vst v4;
	v44 =	vmul.f32 v44, v17;
	v2 =	vadd.f32 v2, v0;
	v25 =	vld [tilespmem:$0x1F510];
	v21 =	vadd.f32 v21, v1  }
0x23e: {  	[tilespmem:s22+$0xD700] =	vst v11;
	v9 =	vadd.f32 v9, v0;
	v11 =	vmul.f32 v41, v26;
	v26 =	vld [tilespmem:$0x1F520];
	v19 =	vadd.f32 v19, v1  }
0x23f: {  	[tilespmem:s22+$0x10400] =	vst v7;
	v18 =	vadd.f32 v18, v0;
	v56 =	vadd.f32 v24, v0;
	v21 =	vmul.f32 v21, v27;
	v27 =	vld [tilespmem:$0x1F530]  }
0x240: {  	[tilespmem:s22+$0xEE80] =	vst v2;
	v19 =	vmul.f32 v19, v57;
	v15 =	vmul.f32 v23, v62;
	v23 =	vadd.f32 v44, v1;
	v44 =	vld [tilespmem:$0x1F600]  }
0x241: {  	v2 =	vld [tilespmem:$0x1F630];
	[tilespmem:s22+$0x13600] =	vst v18;
	v11 =	vadd.f32 v11, v0;
	v8 =	vadd.f32 v8, v0;
	v18 =	vmul.f32 v40, v32  }
0x242: {  	[tilespmem:s22+$0xEC00] =	vst v5;
	v41 =	vld [tilespmem:$0x1F580];
	v24 =	vadd.f32 v19, v0;
	v15 =	vadd.f32 v15, v1  }
0x243: {  	[tilespmem:s22+$0xEE00] =	vst v6;
	v12 =	vmul.f32 v26, v25;
	v40 =	vld [tilespmem:$0x1F570];
	v5 =	vmul.f32 v23, v17;
	v57 =	vadd.f32 v18, v1  }
0x244: {  	[tilespmem:s22+$0xD680] =	vst v16;
	v17 =	vld [tilespmem:$0x1F620];
	v15 =	vmul.f32 v15, v62;
	v62 =	vadd.f32 v20, v1;
	v18 =	vmul.f32 v29, v27  }
0x245: {  	[tilespmem:s22+$0x11F00] =	vst v8;
	v8 =	vmul.f32 v57, v32;
	v32 =	vld [tilespmem:$0x1F560];
	v57 =	vadd.f32 v13, v0;
	v13 =	vmul.f32 v47, v44  }
0x246: {  	[tilespmem:s22+$0xEF00] =	vst v9;
	v26 =	vld [tilespmem:$0x1F590];
	v12 =	vadd.f32 v12, v1;
	v16 =	vmul.f32 v62, v37;
	v18 =	vadd.f32 v18, v1  }
0x247: {  	[tilespmem:s22+$0x14D00] =	vst v56;
	v23 =	vld [tilespmem:$0x1F660];
	v15 =	vadd.f32 v15, v0;
	v20 =	vadd.f32 v13, v1  }
0x248: {  	[tilespmem:s22+$0x11E80] =	vst v11;
	v37 =	vadd.f32 v16, v0;
	v16 =	vmul.f32 v41, v40;
	v22 =	vmul.f32 v18, v27;
	v27 =	vld [tilespmem:$0x1F5A0]  }
0x249: {  	[tilespmem:s22+$0x13500] =	vst v24;
	v56 =	vadd.f32 v21, v0;
	v2 =	vmul.f32 v2, v17;
	v21 =	vmul.f32 v20, v44;
	v44 =	vld [tilespmem:$0x1F720]  }
0x24a: {  	v10 =	vmul.f32 v10, v46;
	[tilespmem:s22+$0x13580] =	vst v15;
	v15 =	vmul.f32 v32, v30;
	v62 =	vadd.f32 v16, v1;
	v32 =	vld [tilespmem:$0x1F5C0]  }
0x24b: {  	v12 =	vmul.f32 v12, v25;
	v2 =	vadd.f32 v2, v1;
	[tilespmem:s22+$0xD780] =	vst v37;
	v37 =	vld [tilespmem:$0x1F5D0];
	v25 =	vadd.f32 v22, v0  }
0x24c: {  	[tilespmem:s22+$0x10680] =	vst v56;
	v8 =	vadd.f32 v8, v0;
	v22 =	vld [tilespmem:$0x1F650];
	v56 =	vadd.f32 v15, v1;
	v24 =	vmul.f32 v62, v40  }
0x24d: {  	v10 =	vadd.f32 v10, v1;
	v12 =	vadd.f32 v12, v0;
	v2 =	vmul.f32 v2, v17;
	[tilespmem:s22+$0x11D80] =	vst v25;
	v25 =	vld [tilespmem:$0x1F680]  }
0x24e: {  	[tilespmem:s22+$0x13400] =	vst v8;
	v8 =	vmul.f32 v56, v30;
	v15 =	vmul.f32 v27, v26;
	v11 =	vadd.f32 v24, v0;
	v30 =	vld [tilespmem:$0x1F5B0]  }
0x24f: {  	v5 =	vadd.f32 v5, v0;
	[tilespmem:s22+$0x11D00] =	vst v12;
	v9 =	vadd.f32 v21, v0;
	v56 =	vmul.f32 v10, v46;
	v24 =	vld [tilespmem:$0x1F670]  }
0x250: {  	v2 =	vadd.f32 v2, v0;
	v29 =	vadd.f32 v15, v1;
	[tilespmem:s22+$0x11C80] =	vst v11;
	v11 =	vmul.f32 v38, v37  }
0x251: {  	v41 =	vld [tilespmem:$0x1F5F0];
	[tilespmem:s22+$0x16400] =	vst v9;
	v9 =	vmul.f32 v45, v44;
	v8 =	vadd.f32 v8, v0;
	v6 =	vadd.f32 v56, v0  }
0x252: {  	[tilespmem:s22+$0xED00] =	vst v57;
	v12 =	vmul.f32 v29, v26;
	v57 =	vadd.f32 v11, v1;
	v11 =	vmul.f32 v23, v58  }
0x253: {  	v51 =	vld [tilespmem:$0x1F840];
	v47 =	vadd.f32 v9, v1;
	[tilespmem:s22+$0xEF80] =	vst v6;
	v6 =	vmul.f32 v22, v53;
	v4 =	vmul.f32 v25, v55  }
0x254: {  	[tilespmem:s22+$0x11E00] =	vst v8;
	v29 =	vld [tilespmem:$0x1F6B0];
	v8 =	vmul.f32 v32, v30;
	v7 =	vmul.f32 v24, v52;
	v11 =	vadd.f32 v11, v1  }
0x255: {  	[tilespmem:s22+$0x10700] =	vst v48;
	v48 =	vld [tilespmem:$0x1F750];
	v10 =	vmul.f32 v57, v37;
	v6 =	vadd.f32 v6, v1;
	v4 =	vadd.f32 v4, v1  }
0x256: {  	[tilespmem:$0x1F890] =	vst v36;
	v27 =	vld [tilespmem:$0x1F6A0];
	v57 =	vmul.f32 v47, v44;
	v40 =	vadd.f32 v8, v1;
	v8 =	vmul.f32 v41, v63  }
0x257: {  	[tilespmem:s22+$0x10580] =	vst v3;
	v26 =	vld [tilespmem:$0x1F690];
	v7 =	vadd.f32 v7, v1;
	v32 =	vmul.f32 v11, v58;
	v6 =	vmul.f32 v6, v53  }
0x258: {  	[tilespmem:s22+$0xED80] =	vst v5;
	v22 =	vld [tilespmem:$0x1F790];
	v3 =	vmul.f32 v4, v55;
	v8 =	vadd.f32 v8, v1;
	v5 =	vmul.f32 v40, v30  }
0x259: {  	[tilespmem:$0x1F8A0] =	vst v33;
	v62 =	vadd.f32 v12, v0;
	v44 =	vld [tilespmem:$0x1F830];
	v13 =	vmul.f32 v29, v54;
	v40 =	vmul.f32 v7, v52  }
0x25a: {  	[tilespmem:$0x1F8B0] =	vst v28;
	v55 =	vld [tilespmem:$0x1F770];
	v41 =	vadd.f32 v32, v0;
	v6 =	vadd.f32 v6, v0;
	v8 =	vmul.f32 v8, v63  }
0x25b: {  	[tilespmem:s22+$0xD600] =	vst v2;
	v2 =	vmul.f32 v34, v28;
	v30 =	vld [tilespmem:$0x1F6C0];
	v3 =	vadd.f32 v3, v0;
	v37 =	vadd.f32 v13, v1  }
0x25c: {  	[tilespmem:s22+$0x10600] =	vst v14;
	v12 =	vmul.f32 v27, v26;
	v52 =	vld [tilespmem:$0x1F760];
	v4 =	vadd.f32 v40, v0;
	v8 =	vadd.f32 v8, v0  }
0x25d: {  	[tilespmem:s22+$0x11C00] =	vst v50;
	v25 =	vld [tilespmem:$0x1F7A0];
	v63 =	vadd.f32 v10, v0;
	v10 =	vmul.f32 v22, v31;
	v5 =	vadd.f32 v5, v0  }
0x25e: {  	v27 =	vld [tilespmem:$0x1F7C0];
	v45 =	vmul.f32 v42, v44;
	[tilespmem:s22+$0x14F80] =	vst v8;
	v8 =	vmul.f32 v37, v54;
	v54 =	vadd.f32 v12, v1  }
0x25f: {  	v56 =	vmul.f32 v60, v55;
	[tilespmem:s22+$0x16580] =	vst v4;
	v60 =	vld [tilespmem:$0x1F780];
	v4 =	vadd.f32 v57, v0;
	v10 =	vadd.f32 v10, v1  }
0x260: {  	[tilespmem:s22+$0x13680] =	vst v62;
	v47 =	vadd.f32 v45, v1;
	v15 =	vmul.f32 v30, v43;
	v16 =	vmul.f32 v54, v26;
	v26 =	vld [tilespmem:$0x1F7B0]  }
0x261: {  	v32 =	vld [tilespmem:$0x1F7D0];
	[tilespmem:s22+$0x16680] =	vst v41;
	v9 =	vmul.f32 v52, v48;
	v52 =	vmul.f32 v49, v51;
	v18 =	vadd.f32 v56, v1  }
0x262: {  	[tilespmem:s22+$0x16600] =	vst v6;
	v37 =	vld [tilespmem:$0x1F7E0];
	v10 =	vmul.f32 v10, v31;
	v6 =	vmul.f32 v47, v44;
	v38 =	vadd.f32 v15, v1  }
0x263: {  	v40 =	vld [tilespmem:$0x1F800];
	[tilespmem:s22+$0x16700] =	vst v3;
	v58 =	vadd.f32 v9, v1;
	v46 =	vadd.f32 v8, v0;
	v21 =	vmul.f32 v18, v55  }
0x264: {  	v41 =	vld [tilespmem:$0x1F810];
	[tilespmem:s22+$0xD480] =	vst v63;
	v10 =	vadd.f32 v10, v0;
	v11 =	vmul.f32 v38, v43;
	v62 =	vmul.f32 v59, v60  }
0x265: {  	[tilespmem:s22+$0x17C80] =	vst v5;
	v56 =	vadd.f32 v6, v0;
	v19 =	vmul.f32 v58, v48;
	v8 =	vmul.f32 v26, v25  }
0x266: {  	[tilespmem:s22+$0x14E80] =	vst v4;
	v58 =	vmul.f32 v35, v33;
	v3 =	vadd.f32 v16, v0;
	v9 =	vadd.f32 v21, v0  }
0x267: {  	v54 =	vld [tilespmem:$0x1F850];
	[tilespmem:s22+$0x16780] =	vst v46;
	v53 =	vadd.f32 v11, v0;
	v30 =	vadd.f32 v8, v1;
	v8 =	vmul.f32 v37, v32  }
0x268: {  	v55 =	vld [tilespmem:$0x1F860];
	[tilespmem:s22+$0x17D00] =	vst v10;
	v20 =	vadd.f32 v62, v1;
	v23 =	vadd.f32 v19, v0;
	v11 =	vmul.f32 v27, v61  }
0x269: {  	v59 =	vld [tilespmem:$0x1F870];
	[tilespmem:s22+$0x13780] =	vst v9;
	v9 =	vadd.f32 v58, v1;
	v38 =	vadd.f32 v8, v1;
	v8 =	vmul.f32 v41, v40  }
0x26a: {  	[tilespmem:s22+$0x16480] =	vst v53;
	v24 =	vmul.f32 v20, v60;
	v11 =	vadd.f32 v11, v1;
	v53 =	vmul.f32 v39, v36;
	v60 =	vld [tilespmem:$0x1F880]  }
0x26b: {  	[tilespmem:s22+$0xD580] =	vst v3;
	v63 =	vmul.f32 v9, v33;
	v3 =	vmul.f32 v30, v25;
	v8 =	vadd.f32 v8, v1  }
0x26c: {  	[tilespmem:s22+$0x14E00] =	vst v56;
	v29 =	vadd.f32 v24, v0;
	v43 =	vmul.f32 v11, v61;
	v7 =	vmul.f32 v38, v32  }
0x26d: {  	[tilespmem:s22+$0x14F00] =	vst v23;
	v57 =	vadd.f32 v53, v1;
	v3 =	vadd.f32 v3, v0;
	v50 =	vmul.f32 v8, v40  }
0x26e: {  	v4 =	vadd.f32 v63, v0;
	[tilespmem:s22+$0x16500] =	vst v29;
	v48 =	vadd.f32 v7, v0;
	v7 =	vmul.f32 v55, v54  }
0x26f: {  	v5 =	vmul.f32 v60, v59;
	[tilespmem:s22+$0x17D80] =	vst v3;
	v8 =	vadd.f32 v52, v1;
	v3 =	vadd.f32 v50, v0  }
0x270: {  	v46 =	vadd.f32 v43, v0;
	v6 =	vmul.f32 v57, v36;
	[tilespmem:s22+$0x17F00] =	vst v4;
	v7 =	vadd.f32 v7, v1  }
0x271: {  	v8 =	vmul.f32 v8, v51;
	[tilespmem:s22+$0x14D80] =	vst v3;
	v3 =	vadd.f32 v5, v1  }
0x272: {  	[tilespmem:s22+$0x17C00] =	vst v46;
	v61 =	vmul.f32 v7, v54;
	v1 =	vadd.f32 v2, v1;
	v2 =	vadd.f32 v6, v0  }
0x273: {  	[tilespmem:s22+$0x17E00] =	vst v48;
	v62 =	vadd.f32 v8, v0  }
0x274: {  	v5 =	vadd.f32 v61, v0;
	[tilespmem:s22+$0x17E80] =	vst v2;
	v2 =	vmul.f32 v3, v59;
	v3 =	vmul.f32 v1, v28  }
0x275: {  	[tilespmem:s22+$0xEC80] =	vst v62  }
0x276: {  	s25 =	simm.s32 $0x1;
	[tilespmem:s22+$0xD400] =	vst v5;
	v1 =	vadd.f32 v2, v0;
	v0 =	vadd.f32 v3, v0  }
.LBB2_5:
0x277: {  	s26 =	sshll.u32 s25, $0x6;
	s19 =	sadd.s32 $0x10, s19  }
0x278: {  	[tilespmem:s22+$0xD500] =	vst v1;
	v46 =	vld [tilespmem:$0x1F850];
	s23 =	sand.u32 $0x70, s19;
	s26 =	sand.u32 $0x3FFFFE00, s26  }
0x279: {  	v28 =	vld [tilespmem:$0x1F1D0];
	[tilespmem:s22+$0x17F80] =	vst v0;
	s30 =	sor.u32 s23, s26  }
0x27a: {  	v1 =	vld [tilespmem:s30+$0x900]  }
0x27b: {  	v2 =	vld [tilespmem:s30+$0x980]  }
0x27c: {  	v3 =	vld [tilespmem:s30+$0x880]  }
0x27d: {  	v0 =	vld [tilespmem:s30+$0x800]  }
0x27e: {  	v47 =	vld [tilespmem:$0x1F870]  }
0x27f: {  	v35 =	vld [tilespmem:$0x1F1E0]  }
0x280: {  	v49 =	vld [tilespmem:$0x1F620];
	v5 =	vmul.f32 $3.333333430e-01, v2  }
0x281: {  	v32 =	vld [tilespmem:$0x1F380];
	v6 =	vmul.f32 $-2.500000000e+00, v3;
	v7 =	vmul.f32 $5.000000000e-01, v2;
	v8 =	vsub.f32 v3, v1  }
0x282: {  	v33 =	vld [tilespmem:$0x1F1F0];
	v3 =	vmul.f32 $3.000000000e+00, v3;
	v9 =	vmul.f32 $-1.833333370e+00, v0;
	v2 =	vsub.f32 v2, v0  }
0x283: {  	v30 =	vld [tilespmem:$0x1F360];
	v4 =	vmul.f32 $-1.500000000e+00, v1  }
0x284: {  	v48 =	vld [tilespmem:$0x1F690];
	v8 =	vmul.f32 $5.000000000e-01, v8;
	v3 =	vadd.f32 v9, v3;
	v2 =	vmul.f32 $1.666666720e-01, v2  }
0x285: {  	v31 =	vld [tilespmem:$0x1F3C0]  }
0x286: {  	v50 =	vld [tilespmem:$0x1F840];
	v4 =	vadd.f32 v4, v3;
	v3 =	vadd.f32 v2, v8  }
0x287: {  	v36 =	vld [tilespmem:$0x1F2E0]  }
0x288: {  	v37 =	vld [tilespmem:$0x1F300];
	v1 =	vadd.f32 v1, v1;
	v42 =	vmul.f32 v3, v46;
	v43 =	vmul.f32 v3, v28  }
0x289: {  	v38 =	vld [tilespmem:$0x1F330];
	v6 =	vadd.f32 v6, v0;
	v45 =	vmul.f32 v3, v47;
	v19 =	vmul.f32 v3, v35  }
0x28a: {  	v39 =	vld [tilespmem:$0x1F3A0];
	v8 =	vmul.f32 v3, v49;
	v52 =	vmul.f32 v3, v32  }
0x28b: {  	v29 =	vld [tilespmem:$0x1F2A0];
	v1 =	vadd.f32 v1, v6;
	v22 =	vmul.f32 v3, v33;
	v53 =	vmul.f32 v3, v30  }
0x28c: {  	v40 =	vld [tilespmem:$0x1F2D0];
	v10 =	vmul.f32 v3, v48;
	v17 =	vmul.f32 v3, v31  }
0x28d: {  	v44 =	vld [tilespmem:$0x1F280];
	v2 =	vsub.f32 v1, v7;
	v54 =	vmul.f32 v3, v50;
	v55 =	vmul.f32 v3, v36  }
0x28e: {  	v41 =	vld [tilespmem:$0x1F2B0];
	v1 =	vadd.f32 v5, v4;
	v14 =	vmul.f32 v3, v37;
	v16 =	vmul.f32 v3, v38  }
0x28f: {  	v9 =	vld [tilespmem:$0x1F440];
	v11 =	vmul.f32 v3, v39;
	v4 =	vadd.f32 v42, v2;
	v51 =	vadd.f32 v45, v2  }
0x290: {  	v34 =	vld [tilespmem:$0x1F200];
	v12 =	vmul.f32 v3, v29;
	v24 =	vadd.f32 v8, v2;
	v13 =	vadd.f32 v52, v2  }
0x291: {  	v56 =	vmul.f32 v3, v40;
	v20 =	vadd.f32 v53, v2;
	v10 =	vadd.f32 v10, v2  }
0x292: {  	v26 =	vmul.f32 v3, v44;
	v7 =	vadd.f32 v43, v2;
	v18 =	vadd.f32 v55, v2  }
0x293: {  	v15 =	vmul.f32 v3, v41;
	v21 =	vadd.f32 v11, v2;
	v12 =	vadd.f32 v12, v2  }
0x294: {  	v23 =	vmul.f32 v3, v9;
	v26 =	vadd.f32 v26, v2;
	v8 =	vadd.f32 v56, v2  }
0x295: {  	v15 =	vadd.f32 v15, v2;
	[tilespmem:$0x1F1B0] =	vst v4;
	v4 =	vmul.f32 v3, v34;
	v7 =	vmul.f32 v7, v28  }
0x296: {  	v16 =	vadd.f32 v16, v2;
	v12 =	vmul.f32 v12, v29;
	v26 =	vmul.f32 v26, v44  }
0x297: {  	v42 =	vld [tilespmem:$0x1F250];
	v22 =	vadd.f32 v22, v2;
	v60 =	vmul.f32 v8, v40;
	v15 =	vmul.f32 v15, v41  }
0x298: {  	[tilespmem:$0x1F1A0] =	vst v54;
	v43 =	vld [tilespmem:$0x1F270];
	v23 =	vadd.f32 v23, v2;
	v21 =	vmul.f32 v21, v39;
	v52 =	vmul.f32 v18, v36  }
0x299: {  	v45 =	vld [tilespmem:$0x1F290];
	[tilespmem:$0x1F1C0] =	vst v51;
	v51 =	vadd.f32 v14, v2;
	v54 =	vmul.f32 v16, v38;
	v22 =	vmul.f32 v22, v33  }
0x29a: {  	v13 =	vmul.f32 v13, v32;
	v10 =	vmul.f32 v10, v48;
	v7 =	vadd.f32 v7, v1  }
0x29b: {  	v23 =	vmul.f32 v23, v9;
	v62 =	vadd.f32 v26, v1;
	v63 =	vadd.f32 v12, v1  }
0x29c: {  	v15 =	vadd.f32 v15, v1;
	v53 =	vmul.f32 v51, v37;
	v21 =	vadd.f32 v21, v1  }
0x29d: {  	v55 =	vadd.f32 v52, v1;
	v10 =	vadd.f32 v10, v1;
	v57 =	vmul.f32 v3, v42  }
0x29e: {  	v25 =	vmul.f32 v3, v43;
	v27 =	vmul.f32 v3, v45;
	v23 =	vadd.f32 v23, v1  }
0x29f: {  	v28 =	vmul.f32 v7, v28;
	v26 =	vmul.f32 v63, v29;
	v56 =	vadd.f32 v53, v1  }
0x2a0: {  	v21 =	vmul.f32 v21, v39;
	v39 =	vadd.f32 v22, v1;
	v11 =	vadd.f32 v57, v2  }
0x2a1: {  	v10 =	vmul.f32 v10, v48;
	v25 =	vadd.f32 v25, v2;
	v59 =	vadd.f32 v27, v2  }
0x2a2: {  	v57 =	vmul.f32 v20, v30;
	v23 =	vmul.f32 v23, v9;
	v18 =	vadd.f32 v28, v0  }
0x2a3: {  	v28 =	vadd.f32 v54, v1;
	v10 =	vadd.f32 v10, v0;
	v58 =	vmul.f32 v11, v42  }
0x2a4: {  	v25 =	vmul.f32 v25, v43;
	v11 =	vmul.f32 v59, v45;
	v59 =	vadd.f32 v19, v2  }
0x2a5: {  	v51 =	vld [tilespmem:$0x1F490];
	v63 =	vmul.f32 v24, v49;
	v6 =	vadd.f32 v57, v1;
	v23 =	vadd.f32 v23, v0  }
0x2a6: {  	v28 =	vmul.f32 v28, v38;
	v7 =	vadd.f32 v58, v1;
	v61 =	vadd.f32 v25, v1  }
0x2a7: {  	v11 =	vadd.f32 v11, v1;
	v25 =	vmul.f32 v62, v44;
	v44 =	vmul.f32 v15, v41  }
0x2a8: {  	v52 =	vld [tilespmem:$0x1F570];
	v15 =	vadd.f32 v26, v0;
	v58 =	vadd.f32 v17, v2;
	v26 =	vmul.f32 v56, v37  }
0x2a9: {  	v53 =	vld [tilespmem:$0x1F510];
	v17 =	vadd.f32 v21, v0;
	v29 =	vmul.f32 v59, v35;
	v30 =	vmul.f32 v6, v30  }
0x2aa: {  	v54 =	vld [tilespmem:$0x1F530];
	v37 =	vadd.f32 v63, v1;
	v41 =	vmul.f32 v3, v51;
	v7 =	vmul.f32 v7, v42  }
0x2ab: {  	v56 =	vld [tilespmem:$0x1F3E0];
	v8 =	vmul.f32 v61, v43;
	v43 =	vadd.f32 v60, v1;
	v14 =	vadd.f32 v44, v0  }
0x2ac: {  	v59 =	vld [tilespmem:$0x1F4E0];
	v20 =	vmul.f32 v58, v31;
	v19 =	vadd.f32 v26, v0;
	v12 =	vadd.f32 v7, v0  }
0x2ad: {  	v42 =	vmul.f32 v11, v45;
	v11 =	vadd.f32 v8, v0;
	v8 =	vadd.f32 v25, v0  }
0x2ae: {  	v25 =	vmul.f32 v43, v40;
	v62 =	vadd.f32 v20, v1;
	v20 =	vadd.f32 v28, v0  }
0x2af: {  	v57 =	vld [tilespmem:$0x1F460];
	v7 =	vadd.f32 v29, v1;
	v29 =	vmul.f32 v39, v33;
	v28 =	vmul.f32 v3, v52  }
0x2b0: {  	v63 =	vld [tilespmem:$0x1F210];
	v45 =	vadd.f32 v42, v0;
	v43 =	vmul.f32 v3, v53;
	v33 =	vmul.f32 v3, v54  }
0x2b1: {  	v60 =	vld [tilespmem:$0x1F5B0];
	v42 =	vadd.f32 v13, v1;
	v44 =	vmul.f32 v3, v56;
	v5 =	vmul.f32 v3, v59  }
0x2b2: {  	v58 =	vld [tilespmem:$0x1F410];
	v16 =	vadd.f32 v25, v0;
	v25 =	vmul.f32 v55, v36;
	v26 =	vmul.f32 v62, v31  }
0x2b3: {  	v36 =	vadd.f32 v4, v2;
	v27 =	vmul.f32 v7, v35;
	v31 =	vmul.f32 v42, v32  }
0x2b4: {  	[tilespmem:$0x1F180] =	vst v45;
	v29 =	vadd.f32 v29, v0;
	v32 =	vadd.f32 v43, v2;
	v45 =	vmul.f32 v3, v57  }
0x2b5: {  	v42 =	vmul.f32 v3, v63;
	v28 =	vadd.f32 v28, v2;
	v35 =	vadd.f32 v44, v2  }
0x2b6: {  	v61 =	vmul.f32 v3, v60;
	v21 =	vadd.f32 v25, v0;
	v24 =	vadd.f32 v26, v0  }
0x2b7: {  	v4 =	vmul.f32 v3, v58;
	v26 =	vadd.f32 v30, v0;
	v22 =	vadd.f32 v27, v0  }
0x2b8: {  	v62 =	vld [tilespmem:$0x1F4C0];
	v38 =	vmul.f32 v36, v34;
	v30 =	vadd.f32 v41, v2;
	v31 =	vadd.f32 v31, v0  }
0x2b9: {  	v36 =	vadd.f32 v45, v2;
	v42 =	vadd.f32 v42, v2;
	v32 =	vmul.f32 v32, v53  }
0x2ba: {  	v55 =	vld [tilespmem:$0x1F550];
	v28 =	vmul.f32 v28, v52;
	v25 =	vadd.f32 v61, v2;
	v35 =	vmul.f32 v35, v56  }
0x2bb: {  	[tilespmem:$0x1F190] =	vst v37;
	v37 =	vadd.f32 v4, v2;
	v40 =	vadd.f32 v38, v1;
	v36 =	vmul.f32 v36, v57  }
0x2bc: {  	v61 =	vld [tilespmem:$0x1F4B0];
	v38 =	vadd.f32 v5, v2;
	v30 =	vmul.f32 v30, v51;
	v42 =	vmul.f32 v42, v63  }
0x2bd: {  	v4 =	vld [tilespmem:$0x1F430];
	v32 =	vadd.f32 v32, v1;
	v25 =	vmul.f32 v25, v60;
	v41 =	vmul.f32 v3, v62  }
0x2be: {  	v35 =	vadd.f32 v35, v1;
	v37 =	vmul.f32 v37, v58;
	v27 =	vmul.f32 v40, v34  }
0x2bf: {  	v5 =	vld [tilespmem:$0x1F450];
	v34 =	vmul.f32 v3, v55;
	v38 =	vmul.f32 v38, v59;
	v36 =	vadd.f32 v36, v1  }
0x2c0: {  	v7 =	vld [tilespmem:$0x1F600];
	v42 =	vadd.f32 v42, v1;
	v30 =	vadd.f32 v30, v1;
	v32 =	vmul.f32 v32, v53  }
0x2c1: {  	v25 =	vadd.f32 v25, v1;
	v37 =	vadd.f32 v37, v1;
	v40 =	vmul.f32 v3, v61  }
0x2c2: {  	v41 =	vadd.f32 v41, v2;
	v6 =	vmul.f32 v3, v4;
	v42 =	vmul.f32 v42, v63  }
0x2c3: {  	v27 =	vadd.f32 v27, v0;
	v36 =	vmul.f32 v36, v57;
	v13 =	vmul.f32 v25, v60;
	v60 =	vld [tilespmem:$0x1F500]  }
0x2c4: {  	v34 =	vadd.f32 v34, v2;
	v44 =	vmul.f32 v3, v5;
	v43 =	vadd.f32 v6, v2;
	v6 =	vld [tilespmem:$0x1F480]  }
0x2c5: {  	v38 =	vadd.f32 v38, v1;
	v25 =	vmul.f32 v3, v7;
	v37 =	vmul.f32 v37, v58  }
0x2c6: {  	v40 =	vadd.f32 v40, v2;
	v34 =	vmul.f32 v34, v55;
	v44 =	vadd.f32 v44, v2  }
0x2c7: {  	v37 =	vadd.f32 v37, v0;
	v25 =	vadd.f32 v25, v2;
	v43 =	vmul.f32 v43, v4  }
0x2c8: {  	s24 =	smov.u32 s25;
	v13 =	vadd.f32 v13, v0;
	v44 =	vmul.f32 v44, v5;
	v39 =	vmul.f32 v3, v60  }
0x2c9: {  	s31 =	sshll.u32 s24, $0x7;
	v34 =	vadd.f32 v34, v1;
	v43 =	vadd.f32 v43, v1;
	v45 =	vmul.f32 v3, v6  }
0x2ca: {  	s22 =	sand.u32 $0x3FFFFC00, s31;
	v41 =	vmul.f32 v41, v62;
	v44 =	vadd.f32 v44, v1;
	v9 =	vadd.f32 v39, v2  }
0x2cb: {  	s22 =	sor.u32 s23, s22;
	v43 =	vmul.f32 v43, v4;
	v4 =	vmul.f32 v40, v61;
	v45 =	vadd.f32 v45, v2  }
0x2cc: {  	[tilespmem:s22+$0x11F80] =	vst v37;
	v44 =	vmul.f32 v44, v5;
	v5 =	vadd.f32 v42, v0;
	v37 =	vmul.f32 v9, v60  }
0x2cd: {  	v43 =	vadd.f32 v43, v0;
	v42 =	vadd.f32 v4, v1;
	v45 =	vmul.f32 v45, v6  }
0x2ce: {  	[tilespmem:s22+$0xEE80] =	vst v18;
	v9 =	vmul.f32 v38, v59;
	v58 =	vadd.f32 v44, v0;
	v37 =	vadd.f32 v37, v1  }
0x2cf: {  	[tilespmem:s22+$0x14C00] =	vst v23;
	v40 =	vld [tilespmem:$0x1F590];
	v57 =	vmul.f32 v42, v61;
	v61 =	vmul.f32 v35, v56;
	v45 =	vadd.f32 v45, v1  }
0x2d0: {  	[tilespmem:s22+$0x13700] =	vst v43;
	v43 =	vadd.f32 v36, v0;
	v42 =	vmul.f32 v34, v55;
	v36 =	vld [tilespmem:$0x1F6E0];
	v44 =	vmul.f32 v37, v60  }
0x2d1: {  	[tilespmem:s22+$0x13600] =	vst v5;
	v60 =	vadd.f32 v33, v2;
	v33 =	vadd.f32 v61, v0;
	v45 =	vmul.f32 v45, v6  }
0x2d2: {  	v5 =	vld [tilespmem:$0x1F740];
	[tilespmem:s22+$0x11F00] =	vst v43;
	v43 =	vadd.f32 v28, v1;
	v53 =	vadd.f32 v42, v0;
	v6 =	vmul.f32 v30, v51  }
0x2d3: {  	[tilespmem:s22+$0x14C80] =	vst v58;
	v51 =	vadd.f32 v9, v0;
	v63 =	vadd.f32 v45, v0  }
0x2d4: {  	[tilespmem:s22+$0x11E00] =	vst v53;
	v45 =	vadd.f32 v41, v1;
	v23 =	vadd.f32 v6, v0;
	v41 =	vmul.f32 v3, v40;
	v6 =	vld [tilespmem:$0x1F720]  }
0x2d5: {  	v42 =	vld [tilespmem:$0x1F6D0];
	v30 =	vadd.f32 v57, v0;
	v58 =	vadd.f32 v44, v0;
	v37 =	vmul.f32 v3, v36;
	[tilespmem:s22+$0x14D00] =	vst v63  }
0x2d6: {  	v59 =	vmul.f32 v45, v62;
	[tilespmem:s22+$0x10680] =	vst v23;
	v23 =	vmul.f32 v60, v54;
	v63 =	vld [tilespmem:$0x1F5D0];
	v44 =	vadd.f32 v41, v2  }
0x2d7: {  	v61 =	vmul.f32 v3, v5;
	v53 =	vld [tilespmem:$0x1F710];
	[tilespmem:s22+$0x13400] =	vst v51;
	v51 =	vadd.f32 v32, v0;
	v41 =	vadd.f32 v37, v2  }
0x2d8: {  	[tilespmem:s22+$0xD680] =	vst v31;
	v62 =	vadd.f32 v59, v0;
	v23 =	vadd.f32 v23, v1;
	v55 =	vmul.f32 v44, v40;
	v59 =	vld [tilespmem:$0x1F640]  }
0x2d9: {  	[tilespmem:s22+$0xED80] =	vst v22;
	v22 =	vadd.f32 v61, v2;
	v18 =	vmul.f32 v41, v36;
	v57 =	vmul.f32 v3, v6  }
0x2da: {  	[tilespmem:s22+$0x13480] =	vst v58;
	v23 =	vmul.f32 v23, v54;
	v54 =	vmul.f32 v43, v52;
	v58 =	vadd.f32 v55, v1  }
0x2db: {  	[tilespmem:s22+$0xEC00] =	vst v26;
	v18 =	vadd.f32 v18, v1;
	v9 =	vmul.f32 v3, v63;
	v26 =	vadd.f32 v57, v2  }
0x2dc: {  	[tilespmem:s22+$0xED00] =	vst v24;
	v44 =	vld [tilespmem:$0x1F6F0];
	v43 =	vmul.f32 v3, v42;
	v23 =	vadd.f32 v23, v0;
	v24 =	vadd.f32 v54, v0  }
0x2dd: {  	[tilespmem:s22+$0x13500] =	vst v30;
	v54 =	vmul.f32 v3, v53;
	v30 =	vadd.f32 v9, v2;
	v9 =	vld [tilespmem:$0x1F750];
	v60 =	vmul.f32 v3, v59  }
0x2de: {  	[tilespmem:s22+$0x11D80] =	vst v23;
	v23 =	vmul.f32 v58, v40;
	v40 =	vmul.f32 v25, v7;
	v25 =	vadd.f32 v43, v2  }
0x2df: {  	v31 =	vld [tilespmem:$0x1F700];
	[tilespmem:s22+$0x13580] =	vst v62;
	v18 =	vmul.f32 v18, v36;
	v45 =	vmul.f32 v30, v63;
	v62 =	vadd.f32 v60, v2  }
0x2e0: {  	[tilespmem:s22+$0x11C80] =	vst v24;
	v24 =	vadd.f32 v54, v2;
	v52 =	vadd.f32 v40, v1;
	v60 =	vmul.f32 v25, v42  }
0x2e1: {  	v56 =	vadd.f32 v45, v1;
	v39 =	vmul.f32 v62, v59;
	v45 =	vmul.f32 v3, v44  }
0x2e2: {  	[tilespmem:s22+$0xD700] =	vst v29;
	v41 =	vld [tilespmem:$0x1F770];
	v37 =	vadd.f32 v18, v0;
	v29 =	vmul.f32 v3, v9;
	v57 =	vmul.f32 v52, v7  }
0x2e3: {  	v38 =	vadd.f32 v23, v0;
	v7 =	vmul.f32 v24, v53;
	v24 =	vmul.f32 v22, v5  }
0x2e4: {  	[tilespmem:s22+$0x10480] =	vst v15;
	v4 =	vadd.f32 v60, v1;
	v28 =	vmul.f32 v56, v63;
	v63 =	vmul.f32 v3, v31  }
0x2e5: {  	[tilespmem:s22+$0x11D00] =	vst v51;
	v51 =	vadd.f32 v39, v1;
	v58 =	vadd.f32 v45, v2;
	v39 =	vmul.f32 v26, v6  }
0x2e6: {  	[tilespmem:s22+$0xD780] =	vst v27;
	v62 =	vadd.f32 v57, v0;
	v15 =	vmul.f32 v4, v42;
	v27 =	vadd.f32 v7, v1  }
0x2e7: {  	[tilespmem:s22+$0xD580] =	vst v10;
	v52 =	vld [tilespmem:$0x1F830];
	v30 =	vadd.f32 v24, v1;
	v42 =	vmul.f32 v3, v41;
	v43 =	vadd.f32 v29, v2  }
0x2e8: {  	[tilespmem:s22+$0x10400] =	vst v17;
	v32 =	vld [tilespmem:$0x1F7D0];
	v55 =	vadd.f32 v63, v2;
	v56 =	vmul.f32 v51, v59;
	v63 =	vmul.f32 v58, v44  }
0x2e9: {  	[tilespmem:s22+$0xEF00] =	vst v19;
	v18 =	vadd.f32 v39, v1;
	v58 =	vld [tilespmem:$0x1F820];
	v15 =	vadd.f32 v15, v0;
	v35 =	vmul.f32 v27, v53  }
0x2ea: {  	[tilespmem:s22+$0x10580] =	vst v14;
	v36 =	vmul.f32 v30, v5;
	v5 =	vld [tilespmem:$0x1F800];
	v51 =	vadd.f32 v42, v2;
	v19 =	vmul.f32 v43, v9  }
0x2eb: {  	[tilespmem:s22+$0xEE00] =	vst v21;
	v59 =	vmul.f32 v55, v31;
	v61 =	vadd.f32 v56, v0;
	v21 =	vadd.f32 v63, v1;
	v55 =	vld [tilespmem:$0x1F780]  }
0x2ec: {  	[tilespmem:s22+$0x10700] =	vst v11;
	v24 =	vld [tilespmem:$0x1F7A0];
	v53 =	vmul.f32 v3, v52;
	v40 =	vadd.f32 v35, v0;
	v11 =	vadd.f32 v36, v0  }
0x2ed: {  	[tilespmem:s22+$0xEF80] =	vst v20;
	v54 =	vmul.f32 v18, v6;
	v57 =	vadd.f32 v19, v1;
	v25 =	vadd.f32 v59, v1  }
0x2ee: {  	[tilespmem:s22+$0x11E80] =	vst v33;
	v63 =	vld [tilespmem:$0x1F7F0];
	v33 =	vmul.f32 v21, v44;
	v44 =	vadd.f32 v28, v0;
	v59 =	vmul.f32 v3, v58  }
0x2ef: {  	[tilespmem:s22+$0x16400] =	vst v62;
	v36 =	vadd.f32 v53, v2;
	v62 =	vmul.f32 v57, v9;
	v34 =	vmul.f32 v25, v31  }
0x2f0: {  	v53 =	vld [tilespmem:$0x1F8A0];
	[tilespmem:s22+$0x16480] =	vst v11;
	v11 =	vadd.f32 v54, v0;
	v45 =	vmul.f32 v3, v5;
	v56 =	vmul.f32 v3, v55  }
0x2f1: {  	[tilespmem:s22+$0x13680] =	vst v38;
	v38 =	vadd.f32 v33, v0;
	v25 =	vmul.f32 v3, v24;
	v33 =	vmul.f32 v3, v32  }
0x2f2: {  	[tilespmem:s22+$0x10600] =	vst v12;
	v39 =	vmul.f32 v36, v52;
	v28 =	vadd.f32 v62, v0;
	v60 =	vadd.f32 v56, v2  }
0x2f3: {  	[tilespmem:s22+$0x10780] =	vst v8;
	v22 =	vmul.f32 v3, v63;
	v12 =	vadd.f32 v34, v0;
	v31 =	vadd.f32 v25, v2  }
0x2f4: {  	[tilespmem:s22+$0xD480] =	vst v44;
	v44 =	vld [tilespmem:$0x1F890];
	v34 =	vadd.f32 v59, v2;
	v14 =	vadd.f32 v33, v2;
	v23 =	vmul.f32 v60, v55  }
0x2f5: {  	[tilespmem:s22+$0x14E80] =	vst v11;
	v35 =	vadd.f32 v45, v2;
	v42 =	vadd.f32 v39, v1;
	v54 =	vmul.f32 v3, v53  }
0x2f6: {  	[tilespmem:s22+$0x16580] =	vst v12;
	v12 =	vmul.f32 v51, v41;
	v11 =	vmul.f32 v31, v24;
	v30 =	vadd.f32 v23, v1  }
0x2f7: {  	[tilespmem:s22+$0x16780] =	vst v40;
	v40 =	vld [tilespmem:$0x1F190];
	v29 =	vadd.f32 v22, v2;
	v8 =	vmul.f32 v34, v58;
	v14 =	vmul.f32 v14, v32  }
0x2f8: {  	[tilespmem:s22+$0x14F80] =	vst v61;
	v51 =	vmul.f32 v42, v52;
	v61 =	vadd.f32 v12, v1;
	v10 =	vmul.f32 v30, v55;
	v55 =	vld [tilespmem:$0x1F8B0]  }
0x2f9: {  	v48 =	vld [tilespmem:$0x1F1A0];
	[tilespmem:s22+$0x10500] =	vst v16;
	v45 =	vmul.f32 v3, v44;
	v57 =	vadd.f32 v54, v2;
	v11 =	vadd.f32 v11, v1  }
0x2fa: {  	v26 =	vld [tilespmem:$0x1F180];
	[tilespmem:s22+$0x16700] =	vst v38;
	v8 =	vadd.f32 v8, v1;
	v38 =	vadd.f32 v14, v1;
	v27 =	vmul.f32 v61, v41  }
0x2fb: {  	[tilespmem:s22+$0x16600] =	vst v37;
	v12 =	vmul.f32 v29, v63;
	v52 =	vadd.f32 v45, v2;
	v37 =	vmul.f32 v11, v24  }
0x2fc: {  	[tilespmem:s22+$0x17C80] =	vst v13;
	v8 =	vmul.f32 v8, v58;
	v11 =	vmul.f32 v38, v32;
	v58 =	vld [tilespmem:$0x1F1B0];
	v7 =	vadd.f32 v27, v0  }
0x2fd: {  	[tilespmem:s22+$0x16680] =	vst v15;
	v12 =	vadd.f32 v12, v1;
	v41 =	vmul.f32 v40, v49;
	v3 =	vmul.f32 v3, v55  }
0x2fe: {  	v49 =	vadd.f32 v48, v2;
	v8 =	vadd.f32 v8, v0;
	[tilespmem:s22+$0x13780] =	vst v7;
	v7 =	vmul.f32 v35, v5  }
0x2ff: {  	[tilespmem:s22+$0x11C00] =	vst v26;
	v56 =	vmul.f32 v52, v44;
	v43 =	vadd.f32 v11, v0;
	v2 =	vadd.f32 v3, v2;
	v3 =	vld [tilespmem:$0x1F1C0]  }
0x300: {  	[tilespmem:s22+$0x14F00] =	vst v28;
	v12 =	vmul.f32 v12, v63;
	v9 =	vadd.f32 v41, v0;
	v7 =	vadd.f32 v7, v1  }
0x301: {  	v6 =	vmul.f32 v49, v50;
	v10 =	vadd.f32 v10, v0;
	[tilespmem:s22+$0x17C00] =	vst v8;
	v59 =	vmul.f32 v58, v46  }
0x302: {  	v60 =	vadd.f32 v56, v1;
	v12 =	vadd.f32 v12, v0;
	[tilespmem:s22+$0x17E00] =	vst v43;
	v7 =	vmul.f32 v7, v5  }
0x303: {  	v61 =	vmul.f32 v57, v53;
	[tilespmem:s22+$0xD600] =	vst v9;
	v6 =	vadd.f32 v6, v1;
	v5 =	vadd.f32 v59, v1  }
0x304: {  	v8 =	vadd.f32 v51, v0;
	[tilespmem:s22+$0x16500] =	vst v10;
	v7 =	vadd.f32 v7, v0;
	v3 =	vmul.f32 v3, v47  }
0x305: {  	v10 =	vadd.f32 v37, v0;
	[tilespmem:s22+$0x17D00] =	vst v12;
	v6 =	vmul.f32 v6, v50;
	v5 =	vmul.f32 v5, v46  }
0x306: {  	v2 =	vmul.f32 v2, v55;
	[tilespmem:s22+$0x14D80] =	vst v7;
	v7 =	vadd.f32 v61, v1;
	v3 =	vadd.f32 v3, v1  }
0x307: {  	p0 =	sne.s32 s25, $0x2F;
	v4 =	vmul.f32 v60, v44;
	[tilespmem:s22+$0x14E00] =	vst v8;
	v6 =	vadd.f32 v6, v0;
	v5 =	vadd.f32 v5, v0  }
.Ltmp1:
0x308: {  	[tilespmem:s22+$0x17D80] =	vst v10;
	v62 =	vmul.f32 v7, v53;
	v1 =	vadd.f32 v2, v1;
	v2 =	vmul.f32 v3, v47;
	(pc) =	sbr.rel @p0 .LBB2_5-.Ltmp1, $4  }
0x309: {  	[tilespmem:s22+$0xEC80] =	vst v6;
	v3 =	vadd.f32 v4, v0  }
0x30a: {  	[tilespmem:s22+$0xD400] =	vst v5;
	v63 =	vmul.f32 v1, v55;
	v1 =	vadd.f32 v2, v0;
	v2 =	vadd.f32 v62, v0  }
0x30b: {  	s21 =	sadd.s32 $0x1, s25;
	[tilespmem:s22+$0x17E80] =	vst v3  }
0x30c: {  	s25 =	smov.u32 s21;
	v0 =	vadd.f32 v63, v0;
	[tilespmem:s22+$0x17F00] =	vst v2  }
0x30d: {  	s18 =	sadd.s32 $0x1, s18  }
0x30e: {  	p0 =	sne.s32 s18, $0x10  }
.Ltmp2:
0x30f: {  	_ = 	snop;
	(pc) =	sbr.rel @p0 .LBB2_2-.Ltmp2, $4  }
0x310: {  	_ = 	snop  }
0x311: {  	[tilespmem:s22+$0xD500] =	vst v1  }
0x312: {  	s19 =	sadd.s32 s8, s20;
	[tilespmem:s22+$0x17F80] =	vst v0  }
0x313: {  	[hbm4b:s19+s2] =	stream.linear.scatter [tilespmem:s14], [sflag:$0x2], $0xC000, $0x38;
	[tilespmem:$0x19400] =	vst v63  }
0x314: {  	s17 =	sadd.s32 $0x1, s17  }
0x315: {  	_ =	swait.ge [sflag:s15], $0xC000;
	p0 =	sne.s32 s17, s7  }
.Ltmp3:
0x316: {  	[sflag:s15] =	ssyncset.done $0x0;
	(pc) =	sbr.rel @p0 .LBB2_1-.Ltmp3, $4  }
0x317: {  	[sflag:s15] =	ssyncadd.s32 $0xFFFF4000  }
0x318: {  	_ =	swait.ge [sflag:s16], $0xC000  }
0x319: {  	[sflag:s16] =	ssyncset.done $0x0  }
0x31a: {  	[sflag:s16] =	ssyncadd.s32 $0xFFFF4000  }
0x31b: {  	_ =	sfence.sel $0x180000  }
0x31c: {  	[bflag:$0x0] =	sbarrier.arrive $0xFFFF  }
0x31d: {  	p0 =	sne.s32 s0, $0x0;
	_ =	strace $0x90000047  }
0x31e: {  	s0 =	sadd.s32 @!p0 $0x100000, s1;
	[bflag:$0x2] =	sbarrier.arrive $0xFFFF  }
0x31f: {  	[sflag:s0] =	ssyncadd.tile.s32 @!p0 $0x1;
	_ =	shalt  }
.Lfunc_end2:
_tile_overlayer_lowered:
.L_overlay_start_2:
0x320: {  	(tag) =	ssettag $0x2  }
0x321: {  	s0 =	rddreg [dreg:$0x0];
	s2 =	stileid.u32  }
0x322: {  	s1 =	rddreg [dreg:$0x1];
	p0 =	sne.s32 s2, $0x0  }
0x323: {  	s3 =	rddreg [dreg:$0x2];
	[bflag:$0x3] =	sbarrier.arrive $0xFFFF;
	s2 =	simm.s32 @!p0 $0x1C03  }
0x324: {  	[timem:s3], [sflag:s2] =	dma.local @!p0 [hbm:s0], s1  }
0x325: {  	s0 =	simm.s32 @!p0 $0x3  }
0x326: {  	_ =	swait.ge @!p0 [sflag:s0], s1  }
0x327: {  	s1 =	ssub.s32 @!p0 $0x0, s1;
	[sflag:s0] =	ssyncset.done @!p0 $0x0  }
0x328: {  	[sflag:s0] =	ssyncadd.s32 @!p0 s1  }
0x329: {  	[bflag:$0x3] =	sbarrier.arrive $0xFFFF  }
0x32a: {  	_ =	shalt  }

</sc_bundles>
